<compile_context>
chip_gen: v7x
topology: tpu7x:2x2x1
jax: 0.10.2.dev20260603
libtpu: 0.0.44.dev20260713+nightly
codegen_flags: <defaults>
</compile_context>

<pallas_src>
import functools

import jax
import jax.numpy as jnp
from jax import lax
from jax.experimental import pallas as pl
from jax.experimental.pallas import tpu as pltpu
from jax.experimental.pallas import tpu_sc as plsc

N = 4096
E = 65536
H = 256
EMB = 8

NC = 2
NS = 16
NW = NC * NS
PW = E // NW
CH = 128
NCHUNK = PW // CH
RPT = N // NS

_f32 = jnp.float32
_i32 = jnp.int32


def _dot(a, b, **kw):
    kw.setdefault("precision", lax.Precision.HIGHEST)
    return jnp.dot(a, b, **kw)


def _dot3(m, w, b):
    bf = jnp.bfloat16
    mh = m.astype(bf)
    ml = (m - mh.astype(_f32)).astype(bf)
    wh = w.astype(bf)
    wl = (w - wh.astype(_f32)).astype(bf)
    p = lax.Precision.DEFAULT
    return (jnp.dot(mh, wh, preferred_element_type=_f32, precision=p)
            + jnp.dot(mh, wl, preferred_element_type=_f32, precision=p)
            + jnp.dot(ml, wh, preferred_element_type=_f32, precision=p)
            + b)



def _mesh():
    return plsc.VectorSubcoreMesh(core_axis_name="c", subcore_axis_name="s")



def _sc_gather_scalar(nodes1d, edges):

    @functools.partial(
        pl.kernel, mesh=_mesh(),
        out_type=(jax.ShapeDtypeStruct((E,), _f32),
                  jax.ShapeDtypeStruct((E,), _f32),
                  jax.ShapeDtypeStruct((E // CH, CH), _i32),
                  jax.ShapeDtypeStruct((E // CH, CH), _i32)),
        scratch_types=[
            pltpu.VMEM((NCHUNK, CH), _i32), pltpu.VMEM((NCHUNK, CH), _i32),
            pltpu.VMEM((PW,), _f32), pltpu.VMEM((PW,), _f32),
            pltpu.SemaphoreType.DMA, pltpu.SemaphoreType.DMA,
            pltpu.SemaphoreType.DMA,
        ],
    )
    def k(nodes_hbm, edges_hbm, gr_hbm, gc_hbm, r2_hbm, c2_hbm,
          ri, ci, gr, gc, sa, sb, sst):
        wid = lax.axis_index("s") * NC + lax.axis_index("c")
        base = wid * PW

        def stage(kk, carry):
            o = base + kk * CH
            pltpu.async_copy(edges_hbm.at[pl.ds(0, 1), pl.ds(o, CH)],
                             ri.at[pl.ds(kk, 1)], sst)
            pltpu.async_copy(edges_hbm.at[pl.ds(1, 1), pl.ds(o, CH)],
                             ci.at[pl.ds(kk, 1)], sst)
            return carry

        lax.fori_loop(0, NCHUNK, stage, 0)

        def stage_drain(kk, carry):
            o = base + kk * CH
            pltpu.make_async_copy(edges_hbm.at[pl.ds(0, 1), pl.ds(o, CH)],
                                  ri.at[pl.ds(kk, 1)], sst).wait()
            pltpu.make_async_copy(edges_hbm.at[pl.ds(1, 1), pl.ds(o, CH)],
                                  ci.at[pl.ds(kk, 1)], sst).wait()
            return carry

        lax.fori_loop(0, NCHUNK, stage_drain, 0)
        pltpu.sync_copy(ri, r2_hbm.at[pl.ds(wid * NCHUNK, NCHUNK)])
        pltpu.sync_copy(ci, c2_hbm.at[pl.ds(wid * NCHUNK, NCHUNK)])

        def fire(kk, carry):
            o = kk * CH
            pltpu.async_copy(nodes_hbm.at[ri.at[kk]], gr.at[pl.ds(o, CH)], sa)
            pltpu.async_copy(nodes_hbm.at[ci.at[kk]], gc.at[pl.ds(o, CH)], sb)
            return carry

        lax.fori_loop(0, NCHUNK, fire, 0)

        def drain(kk, carry):
            o = kk * CH
            pltpu.make_async_copy(nodes_hbm.at[ri.at[kk]],
                                  gr.at[pl.ds(o, CH)], sa).wait()
            pltpu.make_async_copy(nodes_hbm.at[ci.at[kk]],
                                  gc.at[pl.ds(o, CH)], sb).wait()
            return carry

        lax.fori_loop(0, NCHUNK, drain, 0)
        pltpu.sync_copy(gr, gr_hbm.at[pl.ds(base, PW)])
        pltpu.sync_copy(gc, gc_hbm.at[pl.ds(base, PW)])

    return k(nodes1d, edges)


CHP = 64
NCHP = PW // CHP


def _sc_gather_pairs(A, B, rows2, cols2):

    @functools.partial(
        pl.kernel, mesh=_mesh(),
        out_type=jax.ShapeDtypeStruct((E, H), _f32),
        scratch_types=[
            pltpu.VMEM((NCHP // 2, CH), _i32), pltpu.VMEM((NCHP // 2, CH), _i32),
            pltpu.VMEM((CHP, H), _f32), pltpu.VMEM((CHP, H), _f32),
            pltpu.VMEM((CHP, H), _f32), pltpu.VMEM((CHP, H), _f32),
            pltpu.VMEM((CHP, H), _f32), pltpu.VMEM((CHP, H), _f32),
            pltpu.SemaphoreType.DMA, pltpu.SemaphoreType.DMA,
            pltpu.SemaphoreType.DMA, pltpu.SemaphoreType.DMA,
            pltpu.SemaphoreType.DMA, pltpu.SemaphoreType.DMA,
            pltpu.SemaphoreType.DMA,
        ],
    )
    def k(a_hbm, b_hbm, r2_hbm, c2_hbm, g_hbm,
          ri, ci, av0, av1, bv0, bv1, ov0, ov1,
          sga0, sga1, sgb0, sgb1, sw0, sw1, sst):
        av = (av0, av1)
        bv = (bv0, bv1)
        ov = (ov0, ov1)
        sga = (sga0, sga1)
        sgb = (sgb0, sgb1)
        sw = (sw0, sw1)
        wid = lax.axis_index("s") * NC + lax.axis_index("c")
        base = wid * PW

        def idx(ref, j):
            return ref.at[j // 2, pl.ds((j % 2) * CHP, CHP)]

        pltpu.sync_copy(r2_hbm.at[pl.ds(wid * (NCHP // 2), NCHP // 2)], ri)
        pltpu.sync_copy(c2_hbm.at[pl.ds(wid * (NCHP // 2), NCHP // 2)], ci)
        for b in range(2):
            pltpu.async_copy(a_hbm.at[idx(ri, b)], av[b], sga[b])
            pltpu.async_copy(b_hbm.at[idx(ci, b)], bv[b], sgb[b])

        def k2body(k2, carry):
            for b in range(2):
                j = k2 * 2 + b
                pltpu.make_async_copy(a_hbm.at[idx(ri, j)], av[b],
                                      sga[b]).wait()
                pltpu.make_async_copy(b_hbm.at[idx(ci, j)], bv[b],
                                      sgb[b]).wait()

                @pl.when(j >= 2)
                def _():
                    pltpu.make_async_copy(
                        ov[b], g_hbm.at[pl.ds(base + (j - 2) * CHP, CHP)],
                        sw[b]).wait()

                def addrow(e, c2):
                    for t in range(H // 16):
                        sl = pl.ds(t * 16, 16)
                        ov[b][e, sl] = av[b][e, sl] + bv[b][e, sl]
                    return c2

                lax.fori_loop(0, CHP, addrow, 0)

                @pl.when(j + 2 < NCHP)
                def _():
                    pltpu.async_copy(a_hbm.at[idx(ri, j + 2)], av[b], sga[b])
                    pltpu.async_copy(b_hbm.at[idx(ci, j + 2)], bv[b], sgb[b])

                pltpu.async_copy(ov[b], g_hbm.at[pl.ds(base + j * CHP, CHP)],
                                 sw[b])
            return carry

        lax.fori_loop(0, NCHP // 2, k2body, 0)
        for b in range(2):
            j = NCHP - 2 + b
            pltpu.make_async_copy(
                ov[b], g_hbm.at[pl.ds(base + j * CHP, CHP)], sw[b]).wait()

    return k(A, B, rows2, cols2)


HH = H // NC
PS = E // NS
NCHUNK2 = PS // CH


def _sc_scatter_add(m2, rows2):

    @functools.partial(
        pl.kernel, mesh=_mesh(),
        out_type=jax.ShapeDtypeStruct((N, H), _f32),
        scratch_types=[
            pltpu.VMEM((NCHUNK2, CH), _i32),
            pltpu.VMEM((CH, HH), _f32),
            pltpu.VMEM((CH, HH), _f32),
            pltpu.VMEM((CH, HH), _f32),
            pltpu.VMEM((CH, HH), _f32),
            pltpu.VMEM((CH, HH), _f32),
            pltpu.VMEM_SHARED((N, HH), _f32),
            pltpu.SemaphoreType.DMA, pltpu.SemaphoreType.DMA,
            pltpu.SemaphoreType.DMA, pltpu.SemaphoreType.DMA,
            pltpu.SemaphoreType.DMA, pltpu.SemaphoreType.DMA,
            pltpu.SemaphoreType.DMA, pltpu.SemaphoreType.DMA,
        ],
    )
    def k(m_hbm, r2_hbm, agg_hbm, riv, mv0, mv1, mv2, mv3, zv, acc,
          sr0, sr1, sr2, sr3, ss0, ss1, ss2, ss3):
        mv = (mv0, mv1, mv2, mv3)
        sr = (sr0, sr1, sr2, sr3)
        ss = (ss0, ss1, ss2, ss3)
        cid = lax.axis_index("c")
        sid = lax.axis_index("s")
        base = sid * PS
        fcol = cid * HH

        pltpu.sync_copy(r2_hbm.at[pl.ds(sid * NCHUNK2, NCHUNK2)], riv)

        def zbody(e, carry):
            for t in range(HH // 16):
                zv[e, pl.ds(t * 16, 16)] = jnp.zeros((16,), _f32)
            return carry

        lax.fori_loop(0, CH, zbody, 0)
        pltpu.sync_copy(zv, acc.at[pl.ds(sid * RPT, CH)])
        pltpu.sync_copy(zv, acc.at[pl.ds(sid * RPT + CH, CH)])
        plsc.subcore_barrier()

        for b in range(4):
            pltpu.async_copy(
                m_hbm.at[pl.ds(base + b * CH, CH), pl.ds(fcol, HH)],
                mv[b], sr[b])

        def k4body(k4, carry):
            for b in range(4):
                j = k4 * 4 + b
                pltpu.make_async_copy(
                    m_hbm.at[pl.ds(base + j * CH, CH), pl.ds(fcol, HH)],
                    mv[b], sr[b]).wait()
                pltpu.async_copy(mv[b], acc.at[riv.at[j]], ss[b], add=True)

                @pl.when(j + 4 < NCHUNK2)
                def _():
                    pltpu.make_async_copy(mv[b], acc.at[riv.at[j]],
                                          ss[b]).wait()
                    pltpu.async_copy(
                        m_hbm.at[pl.ds(base + (j + 4) * CH, CH),
                                 pl.ds(fcol, HH)],
                        mv[b], sr[b])
            return carry

        lax.fori_loop(0, NCHUNK2 // 4, k4body, 0)
        for b in range(4):
            pltpu.make_async_copy(
                mv[b], acc.at[riv.at[NCHUNK2 - 4 + b]], ss[b]).wait()
        plsc.subcore_barrier()
        pltpu.sync_copy(acc.at[pl.ds(sid * RPT, RPT)],
                        agg_hbm.at[pl.ds(sid * RPT, RPT), pl.ds(fcol, HH)])

    return k(m2, rows2)



_BE = 2048


def _tc_edge0(gr, gc, ea, w_r, w_c, w_e, b1, w2, b2):

    def body(gr_ref, gc_ref, ea_ref, wr, wc, we, b1r, w2r, b2r, out):
        grc = gr_ref[...].reshape(_BE, 1)
        gcc = gc_ref[...].reshape(_BE, 1)
        z = (grc * wr[...] + gcc * wc[...]
             + ea_ref[...] * we[...] + b1r[...])
        m = jnp.maximum(z, 0.0)
        mm = jnp.dot(m, w2r[...], preferred_element_type=_f32) + b2r[...]
        out[...] = jnp.maximum(mm, 0.0)

    vec = pl.BlockSpec((_BE,), lambda i: (i,))
    col = pl.BlockSpec((_BE, 1), lambda i: (i, 0))
    whole = lambda shape: pl.BlockSpec(shape, lambda i: (0,) * len(shape))
    return pl.pallas_call(
        body,
        grid=(E // _BE,),
        in_specs=[vec, vec, col, whole((1, H)), whole((1, H)), whole((1, H)),
                  whole((1, H)), whole((H, H)), whole((1, H))],
        out_specs=pl.BlockSpec((_BE, H), lambda i: (i, 0)),
        out_shape=jax.ShapeDtypeStruct((E, H), _f32),
    )(gr, gc, ea, w_r, w_c, w_e, b1, w2, b2)


def _tc_edge1(G, ea, w_e, w2, b2):

    def body(g_ref, ea_ref, we, w2r, b2r, out):
        z = g_ref[...] + ea_ref[...] * we[...]
        m = jnp.maximum(z, 0.0)
        mm = jnp.dot(m, w2r[...], preferred_element_type=_f32) + b2r[...]
        out[...] = jnp.maximum(mm, 0.0)

    whole = lambda shape: pl.BlockSpec(shape, lambda i: (0,) * len(shape))
    return pl.pallas_call(
        body,
        grid=(E // _BE,),
        in_specs=[pl.BlockSpec((_BE, H), lambda i: (i, 0)),
                  pl.BlockSpec((_BE, 1), lambda i: (i, 0)),
                  whole((1, H)), whole((H, H)), whole((1, H))],
        out_specs=pl.BlockSpec((_BE, H), lambda i: (i, 0)),
        out_shape=jax.ShapeDtypeStruct((E, H), _f32),
    )(G, ea, w_e, w2, b2)


_BN = 512


def _tc_node0(agg, nodes, w_h, w_a, b1, w2, b2, wA, bA, wB):

    def body(aggr, nd, whr, war, b1r, w2r, b2r, wAr, bAr, wBr, h1o, ao, bo):
        t = (nd[...] * whr[...]
             + jnp.dot(aggr[...], war[...], preferred_element_type=_f32)
             + b1r[...])
        u = jnp.maximum(t, 0.0)
        h = (jnp.dot(u, w2r[...], preferred_element_type=_f32) + b2r[...]
             + nd[...])
        h1o[...] = h
        ao[...] = jnp.dot(h, wAr[...], preferred_element_type=_f32) + bAr[...]
        bo[...] = jnp.dot(h, wBr[...], preferred_element_type=_f32)

    whole = lambda shape: pl.BlockSpec(shape, lambda i: (0,) * len(shape))
    blk = pl.BlockSpec((_BN, H), lambda i: (i, 0))
    return pl.pallas_call(
        body,
        grid=(N // _BN,),
        in_specs=[blk,
                  pl.BlockSpec((_BN, 1), lambda i: (i, 0)),
                  whole((1, H)), whole((H, H)), whole((1, H)),
                  whole((H, H)), whole((1, H)),
                  whole((H, H)), whole((1, H)), whole((H, H))],
        out_specs=(blk, blk, blk),
        out_shape=(jax.ShapeDtypeStruct((N, H), _f32),
                   jax.ShapeDtypeStruct((N, H), _f32),
                   jax.ShapeDtypeStruct((N, H), _f32)),
    )(agg, nodes, w_h, w_a, b1, w2, b2, wA, bA, wB)


def _tc_node1(agg, h1, w_h, w_a, b1, w2, b2, ew, eb):

    def body(aggr, h1r, whr, war, b1r, w2r, b2r, ewr, ebr, xo):
        t = (_dot(h1r[...], whr[...], preferred_element_type=_f32)
             + _dot(aggr[...], war[...], preferred_element_type=_f32) + b1r[...])
        u = jnp.maximum(t, 0.0)
        h = (_dot(u, w2r[...], preferred_element_type=_f32) + b2r[...]
             + h1r[...])
        xo[...] = _dot(h, ewr[...], preferred_element_type=_f32) + ebr[...]

    whole = lambda shape: pl.BlockSpec(shape, lambda i: (0,) * len(shape))
    blk = pl.BlockSpec((_BN, H), lambda i: (i, 0))
    return pl.pallas_call(
        body,
        grid=(N // _BN,),
        in_specs=[blk, blk,
                  whole((H, H)), whole((H, H)), whole((1, H)),
                  whole((H, H)), whole((1, H)),
                  whole((H, EMB)), whole((1, EMB))],
        out_specs=pl.BlockSpec((_BN, EMB), lambda i: (i, 0)),
        out_shape=jax.ShapeDtypeStruct((N, EMB), _f32),
    )(agg, h1, w_h, w_a, b1, w2, b2, ew, eb)


_BR = 256


def _tc_decode(x, xT):

    def body(x_ref, xt_ref, out):
        xb = x_ref[...]
        xt = xt_ref[...]
        rb = jnp.sum(xb * xb, axis=1, keepdims=True)
        ra = jnp.sum(xt * xt, axis=0, keepdims=True)
        s = _dot(xb, xt, preferred_element_type=_f32)
        t = 10.0 * (rb + ra - 2.0 * s) - 1.0
        sig = 1.0 / (1.0 + jnp.exp(-t))
        i = pl.program_id(0)
        rowid = lax.broadcasted_iota(_i32, (_BR, N), 0) + i * _BR
        colid = lax.broadcasted_iota(_i32, (_BR, N), 1)
        out[...] = jnp.where(rowid == colid, 0.0, sig)

    return pl.pallas_call(
        body,
        grid=(N // _BR,),
        in_specs=[pl.BlockSpec((_BR, EMB), lambda i: (i, 0)),
                  pl.BlockSpec((EMB, N), lambda i: (0, 0))],
        out_specs=pl.BlockSpec((_BR, N), lambda i: (i, 0)),
        out_shape=jax.ShapeDtypeStruct((N, N), _f32),
    )(x, xT)



def kernel(nodes, edges, edge_attr,
           g0_ew1, g0_eb1, g0_ew2, g0_eb2, g0_nw1, g0_nb1, g0_nw2, g0_nb2,
           g1_ew1, g1_eb1, g1_ew2, g1_eb2, g1_nw1, g1_nb1, g1_nw2, g1_nb2,
           emb_w, emb_b):
    gr, gc, rows2, cols2 = _sc_gather_scalar(nodes.reshape(N), edges)
    m2 = _tc_edge0(gr, gc, edge_attr,
                   g0_ew1[0:1], g0_ew1[1:2], g0_ew1[2:3],
                   g0_eb1.reshape(1, H), g0_ew2, g0_eb2.reshape(1, H))
    agg0 = _sc_scatter_add(m2, rows2)
    h1, A1, B1 = _tc_node0(agg0, nodes,
                           g0_nw1[0:1], g0_nw1[1:], g0_nb1.reshape(1, H),
                           g0_nw2, g0_nb2.reshape(1, H),
                           g1_ew1[0:H], g1_eb1.reshape(1, H), g1_ew1[H:2 * H])

    G = _sc_gather_pairs(A1, B1, rows2, cols2)
    m2b = _tc_edge1(G, edge_attr, g1_ew1[2 * H:2 * H + 1],
                    g1_ew2, g1_eb2.reshape(1, H))
    agg1 = _sc_scatter_add(m2b, rows2)
    x = _tc_node1(agg1, h1,
                  g1_nw1[0:H], g1_nw1[H:], g1_nb1.reshape(1, H),
                  g1_nw2, g1_nb2.reshape(1, H),
                  emb_w, emb_b.reshape(1, EMB))

    adj = _tc_decode(x, x.T)
    return adj, x

# --- scband reference (transcript-rebuilt; emitter-appended) ---
"""Pipeline reference for scband-basic-ae-12592844112151 (READ-ONLY COPY).

The authoritative reference and input builder live on the scoring server;
editing this copy changes nothing except your own understanding.
"""

import jax, jax.numpy as jnp
import numpy as np

N = 4096
E = 65536
HID = 256
EMB = 8


def _lin(key, fin, fout):
    k1, k2 = jax.random.split(key)
    lim = 1.0 / np.sqrt(fin)
    W = jax.random.uniform(k1, (fin, fout), minval=-lim, maxval=lim, dtype=jnp.float32)
    b = jax.random.uniform(k2, (fout,), minval=-lim, maxval=lim, dtype=jnp.float32)
    return W, b


def setup_inputs(seed=0):
    key = jax.random.key(seed)
    ks = jax.random.split(key, 12)
    nodes = jax.random.normal(ks[0], (N, 1), dtype=jnp.float32)
    edges = jax.random.randint(ks[1], (2, E), 0, N, dtype=jnp.int32)
    edge_attr = jax.random.normal(ks[2], (E, 1), dtype=jnp.float32)
    g0_ew1, g0_eb1 = _lin(ks[3], 3, HID)
    g0_ew2, g0_eb2 = _lin(ks[4], HID, HID)
    g0_nw1, g0_nb1 = _lin(ks[5], HID + 1, HID)
    g0_nw2, g0_nb2 = _lin(ks[6], HID, HID)
    g1_ew1, g1_eb1 = _lin(ks[7], 2 * HID + 1, HID)
    g1_ew2, g1_eb2 = _lin(ks[8], HID, HID)
    g1_nw1, g1_nb1 = _lin(ks[9], 2 * HID, HID)
    g1_nw2, g1_nb2 = _lin(ks[10], HID, HID)
    emb_w, emb_b = _lin(ks[11], HID, EMB)
    return dict(nodes=nodes, edges=edges, edge_attr=edge_attr,
                g0_ew1=g0_ew1, g0_eb1=g0_eb1, g0_ew2=g0_ew2, g0_eb2=g0_eb2,
                g0_nw1=g0_nw1, g0_nb1=g0_nb1, g0_nw2=g0_nw2, g0_nb2=g0_nb2,
                g1_ew1=g1_ew1, g1_eb1=g1_eb1, g1_ew2=g1_ew2, g1_eb2=g1_eb2,
                g1_nw1=g1_nw1, g1_nb1=g1_nb1, g1_nw2=g1_nw2, g1_nb2=g1_nb2,
                emb_w=emb_w, emb_b=emb_b)


def _gcl(h, edges, edge_attr, ew1, eb1, ew2, eb2, nw1, nb1, nw2, nb2):
    row = edges[0]
    col = edges[1]
    # edge model: gather endpoints, MLP over concatenated features
    e_in = jnp.concatenate([h[row], h[col], edge_attr], axis=1)
    m = jax.nn.relu(e_in @ ew1 + eb1)
    m = jax.nn.relu(m @ ew2 + eb2)
    # node model: unsorted segment sum (scatter-add) over destination rows
    agg = jax.ops.segment_sum(m, row, num_segments=h.shape[0])
    n_in = jnp.concatenate([h, agg], axis=1)
    out = jax.nn.relu(n_in @ nw1 + nb1)
    out = out @ nw2 + nb2
    out = out + h  # recurrent residual (broadcasts when h has 1 feature)
    return out


def reference(nodes, edges, edge_attr,
              g0_ew1, g0_eb1, g0_ew2, g0_eb2, g0_nw1, g0_nb1, g0_nw2, g0_nb2,
              g1_ew1, g1_eb1, g1_ew2, g1_eb2, g1_nw1, g1_nb1, g1_nw2, g1_nb2,
              emb_w, emb_b):
    h = _gcl(nodes, edges, edge_attr, g0_ew1, g0_eb1, g0_ew2, g0_eb2, g0_nw1, g0_nb1, g0_nw2, g0_nb2)
    h = _gcl(h, edges, edge_attr, g1_ew1, g1_eb1, g1_ew2, g1_eb2, g1_nw1, g1_nb1, g1_nw2, g1_nb2)
    x = h @ emb_w + emb_b
    n = x.shape[0]
    x_a = x[None, :, :]
    x_b = x[:, None, :]
    X = (x_a - x_b) ** 2
    Xf = X.reshape(n * n, -1)
    s = jax.nn.sigmoid(10.0 * jnp.sum(Xf, axis=1) + (-1.0))
    adj_pred = s.reshape(n, n)
    adj_pred = adj_pred * (1.0 - jnp.eye(n, dtype=adj_pred.dtype))
    return adj_pred, x

if __name__ == "__main__":
    import jax
    _d = setup_inputs()
    print(jax.jit(kernel)(*tuple(_d.values())))

</pallas_src>

<mosaic_0001>
#map = affine_map<(d0, d1) -> (0, 0)>
module attributes {stable_mosaic.version = 14 : i64} {
  func.func @k(%arg0: i32, %arg1: i32, %arg2: memref<65536x256xf32, #tpu.memory_space<hbm>>, %arg3: memref<512x128xi32, #tpu.memory_space<hbm>>, %arg4: memref<4096x256xf32, #tpu.memory_space<hbm>>, %arg5: memref<32x128xi32, #tpu.memory_space<vmem>>, %arg6: memref<128x128xf32, #tpu.memory_space<vmem>>, %arg7: memref<128x128xf32, #tpu.memory_space<vmem>>, %arg8: memref<128x128xf32, #tpu.memory_space<vmem>>, %arg9: memref<128x128xf32, #tpu.memory_space<vmem>>, %arg10: memref<128x128xf32, #tpu.memory_space<vmem>>, %arg11: memref<4096x128xf32, #tpu.memory_space<vmem_shared>>, %arg12: memref<!tpu.dma_semaphore, #tpu.memory_space<semaphore_mem>>, %arg13: memref<!tpu.dma_semaphore, #tpu.memory_space<semaphore_mem>>, %arg14: memref<!tpu.dma_semaphore, #tpu.memory_space<semaphore_mem>>, %arg15: memref<!tpu.dma_semaphore, #tpu.memory_space<semaphore_mem>>, %arg16: memref<!tpu.dma_semaphore, #tpu.memory_space<semaphore_mem>>, %arg17: memref<!tpu.dma_semaphore, #tpu.memory_space<semaphore_mem>>, %arg18: memref<!tpu.dma_semaphore, #tpu.memory_space<semaphore_mem>>, %arg19: memref<!tpu.dma_semaphore, #tpu.memory_space<semaphore_mem>>) attributes {dimension_semantics = [#tpu.dimension_semantics<core_parallel>, #tpu.dimension_semantics<subcore_parallel>], iteration_bounds = array<i64: 2, 16>, scalar_prefetch = 0 : i64, scratch_operands = 15 : i64, tpu.core_type = #tpu.core_type<sc_vector_subcore>, window_params = [{transform_indices = #map}, {transform_indices = #map}, {transform_indices = #map}]} {
    %mul3A = arith.constant 4096 : i32
    %mul3A_0 = arith.muli %arg1, %mul3A : i32
    %mul3A_1 = arith.constant 128 : i32
    %mul3A_2 = arith.muli %arg0, %mul3A_1 : i32
    %mul3A_3 = arith.constant 32 : i32
    %mul3A_4 = arith.muli %arg1, %mul3A_3 : i32
    "tpu.region"() ({
      %run_scoped3A = tpu.sem_alloc : memref<!tpu.dma_semaphore, #tpu.memory_space<semaphore_mem>>
      %dma_start3A_68 = arith.constant 0 : i32
      %dma_start3A_69 = tpu.memref_slice %arg3[%mul3A_4, %dma_start3A_68] : memref<512x128xi32, #tpu.memory_space<hbm>> -> memref<32x128xi32, #tpu.memory_space<hbm>>
      %dma_start3A_70 = arith.constant 0 : i32
      %dma_start3A_71 = tpu.memref_slice %arg3[%mul3A_4, %dma_start3A_70] : memref<512x128xi32, #tpu.memory_space<hbm>> -> memref<32x128xi32, #tpu.memory_space<hbm>>
      tpu.enqueue_dma source(%dma_start3A_71 : memref<32x128xi32, #tpu.memory_space<hbm>>) target(%arg5 : memref<32x128xi32, #tpu.memory_space<vmem>>) target_semaphore(%run_scoped3A : memref<!tpu.dma_semaphore, #tpu.memory_space<semaphore_mem>>)
      %dma_wait3A_72 = arith.constant 0 : i32
      %dma_wait3A_73 = tpu.memref_slice %arg3[%mul3A_4, %dma_wait3A_72] : memref<512x128xi32, #tpu.memory_space<hbm>> -> memref<32x128xi32, #tpu.memory_space<hbm>>
      %dma_wait3A_74 = arith.constant 0 : i32
      %dma_wait3A_75 = tpu.memref_slice %arg3[%mul3A_4, %dma_wait3A_74] : memref<512x128xi32, #tpu.memory_space<hbm>> -> memref<32x128xi32, #tpu.memory_space<hbm>>
      tpu.wait_dma2 semaphore(%run_scoped3A : memref<!tpu.dma_semaphore, #tpu.memory_space<semaphore_mem>>) src(%dma_wait3A_75 : memref<32x128xi32, #tpu.memory_space<hbm>>) dst(%arg5 : memref<32x128xi32, #tpu.memory_space<vmem>>)
      tpu.yield
    }) : () -> ()
    %scan3A = arith.constant 0 : i32
    %scan3A_5 = arith.constant 0 : i32
    %scan3A_6 = arith.constant 128 : i32
    %scan3A_7 = arith.addi %scan3A_5, %scan3A_6 : i32
    %scan3A_8 = arith.constant 1 : i32
    scf.for %scan3A_68 = %scan3A_5 to %scan3A_7 step %scan3A_8  : i32 {
      %broadcast_in_dim3A = arith.constant 0.000000e+00 : f32
      %broadcast_in_dim3A_69 = vector.broadcast %broadcast_in_dim3A : f32 to vector<16xf32>
      %swap3A = arith.index_cast %scan3A_68 : i32 to index
      %swap3A_70 = arith.constant 0 : index
      %swap3A_71 = tpu.vector_load %arg10[%swap3A, %swap3A_70] {strides = array<i32>} : memref<128x128xf32, #tpu.memory_space<vmem>>, vector<1x16xf32>,
      %swap3A_72 = vector.shape_cast %swap3A_71 : vector<1x16xf32> to vector<16xf32>
      %swap3A_73 = vector.shape_cast %broadcast_in_dim3A_69 : vector<16xf32> to vector<1x16xf32>
      tpu.vector_store %arg10[%swap3A, %swap3A_70], %swap3A_73 {strides = array<i32>} : memref<128x128xf32, #tpu.memory_space<vmem>>, vector<1x16xf32>,
      %broadcast_in_dim3A_74 = arith.constant 0.000000e+00 : f32
      %broadcast_in_dim3A_75 = vector.broadcast %broadcast_in_dim3A_74 : f32 to vector<16xf32>
      %swap3A_76 = arith.index_cast %scan3A_68 : i32 to index
      %swap3A_77 = arith.constant 16 : index
      %swap3A_78 = tpu.vector_load %arg10[%swap3A_76, %swap3A_77] {strides = array<i32>} : memref<128x128xf32, #tpu.memory_space<vmem>>, vector<1x16xf32>,
      %swap3A_79 = vector.shape_cast %swap3A_78 : vector<1x16xf32> to vector<16xf32>
      %swap3A_80 = vector.shape_cast %broadcast_in_dim3A_75 : vector<16xf32> to vector<1x16xf32>
      tpu.vector_store %arg10[%swap3A_76, %swap3A_77], %swap3A_80 {strides = array<i32>} : memref<128x128xf32, #tpu.memory_space<vmem>>, vector<1x16xf32>,
      %broadcast_in_dim3A_81 = arith.constant 0.000000e+00 : f32
      %broadcast_in_dim3A_82 = vector.broadcast %broadcast_in_dim3A_81 : f32 to vector<16xf32>
      %swap3A_83 = arith.index_cast %scan3A_68 : i32 to index
      %swap3A_84 = arith.constant 32 : index
      %swap3A_85 = tpu.vector_load %arg10[%swap3A_83, %swap3A_84] {strides = array<i32>} : memref<128x128xf32, #tpu.memory_space<vmem>>, vector<1x16xf32>,
      %swap3A_86 = vector.shape_cast %swap3A_85 : vector<1x16xf32> to vector<16xf32>
      %swap3A_87 = vector.shape_cast %broadcast_in_dim3A_82 : vector<16xf32> to vector<1x16xf32>
      tpu.vector_store %arg10[%swap3A_83, %swap3A_84], %swap3A_87 {strides = array<i32>} : memref<128x128xf32, #tpu.memory_space<vmem>>, vector<1x16xf32>,
      %broadcast_in_dim3A_88 = arith.constant 0.000000e+00 : f32
      %broadcast_in_dim3A_89 = vector.broadcast %broadcast_in_dim3A_88 : f32 to vector<16xf32>
      %swap3A_90 = arith.index_cast %scan3A_68 : i32 to index
      %swap3A_91 = arith.constant 48 : index
      %swap3A_92 = tpu.vector_load %arg10[%swap3A_90, %swap3A_91] {strides = array<i32>} : memref<128x128xf32, #tpu.memory_space<vmem>>, vector<1x16xf32>,
      %swap3A_93 = vector.shape_cast %swap3A_92 : vector<1x16xf32> to vector<16xf32>
      %swap3A_94 = vector.shape_cast %broadcast_in_dim3A_89 : vector<16xf32> to vector<1x16xf32>
      tpu.vector_store %arg10[%swap3A_90, %swap3A_91], %swap3A_94 {strides = array<i32>} : memref<128x128xf32, #tpu.memory_space<vmem>>, vector<1x16xf32>,
      %broadcast_in_dim3A_95 = arith.constant 0.000000e+00 : f32
      %broadcast_in_dim3A_96 = vector.broadcast %broadcast_in_dim3A_95 : f32 to vector<16xf32>
      %swap3A_97 = arith.index_cast %scan3A_68 : i32 to index
      %swap3A_98 = arith.constant 64 : index
      %swap3A_99 = tpu.vector_load %arg10[%swap3A_97, %swap3A_98] {strides = array<i32>} : memref<128x128xf32, #tpu.memory_space<vmem>>, vector<1x16xf32>,
      %swap3A_100 = vector.shape_cast %swap3A_99 : vector<1x16xf32> to vector<16xf32>
      %swap3A_101 = vector.shape_cast %broadcast_in_dim3A_96 : vector<16xf32> to vector<1x16xf32>
      tpu.vector_store %arg10[%swap3A_97, %swap3A_98], %swap3A_101 {strides = array<i32>} : memref<128x128xf32, #tpu.memory_space<vmem>>, vector<1x16xf32>,
      %broadcast_in_dim3A_102 = arith.constant 0.000000e+00 : f32
      %broadcast_in_dim3A_103 = vector.broadcast %broadcast_in_dim3A_102 : f32 to vector<16xf32>
      %swap3A_104 = arith.index_cast %scan3A_68 : i32 to index
      %swap3A_105 = arith.constant 80 : index
      %swap3A_106 = tpu.vector_load %arg10[%swap3A_104, %swap3A_105] {strides = array<i32>} : memref<128x128xf32, #tpu.memory_space<vmem>>, vector<1x16xf32>,
      %swap3A_107 = vector.shape_cast %swap3A_106 : vector<1x16xf32> to vector<16xf32>
      %swap3A_108 = vector.shape_cast %broadcast_in_dim3A_103 : vector<16xf32> to vector<1x16xf32>
      tpu.vector_store %arg10[%swap3A_104, %swap3A_105], %swap3A_108 {strides = array<i32>} : memref<128x128xf32, #tpu.memory_space<vmem>>, vector<1x16xf32>,
      %broadcast_in_dim3A_109 = arith.constant 0.000000e+00 : f32
      %broadcast_in_dim3A_110 = vector.broadcast %broadcast_in_dim3A_109 : f32 to vector<16xf32>
      %swap3A_111 = arith.index_cast %scan3A_68 : i32 to index
      %swap3A_112 = arith.constant 96 : index
      %swap3A_113 = tpu.vector_load %arg10[%swap3A_111, %swap3A_112] {strides = array<i32>} : memref<128x128xf32, #tpu.memory_space<vmem>>, vector<1x16xf32>,
      %swap3A_114 = vector.shape_cast %swap3A_113 : vector<1x16xf32> to vector<16xf32>
      %swap3A_115 = vector.shape_cast %broadcast_in_dim3A_110 : vector<16xf32> to vector<1x16xf32>
      tpu.vector_store %arg10[%swap3A_111, %swap3A_112], %swap3A_115 {strides = array<i32>} : memref<128x128xf32, #tpu.memory_space<vmem>>, vector<1x16xf32>,
      %broadcast_in_dim3A_116 = arith.constant 0.000000e+00 : f32
      %broadcast_in_dim3A_117 = vector.broadcast %broadcast_in_dim3A_116 : f32 to vector<16xf32>
      %swap3A_118 = arith.index_cast %scan3A_68 : i32 to index
      %swap3A_119 = arith.constant 112 : index
      %swap3A_120 = tpu.vector_load %arg10[%swap3A_118, %swap3A_119] {strides = array<i32>} : memref<128x128xf32, #tpu.memory_space<vmem>>, vector<1x16xf32>,
      %swap3A_121 = vector.shape_cast %swap3A_120 : vector<1x16xf32> to vector<16xf32>
      %swap3A_122 = vector.shape_cast %broadcast_in_dim3A_117 : vector<16xf32> to vector<1x16xf32>
      tpu.vector_store %arg10[%swap3A_118, %swap3A_119], %swap3A_122 {strides = array<i32>} : memref<128x128xf32, #tpu.memory_space<vmem>>, vector<1x16xf32>,
    }
    %scan3A_9 = arith.constant 128 : i32
    %mul3A_10 = arith.constant 256 : i32
    %mul3A_11 = arith.muli %arg1, %mul3A_10 : i32
    "tpu.region"() ({
      %run_scoped3A = tpu.sem_alloc : memref<!tpu.dma_semaphore, #tpu.memory_space<semaphore_mem>>
      %dma_start3A_68 = arith.constant 0 : i32
      %dma_start3A_69 = tpu.memref_slice %arg11[%mul3A_11, %dma_start3A_68] : memref<4096x128xf32, #tpu.memory_space<vmem_shared>> -> memref<128x128xf32, #tpu.memory_space<vmem_shared>>
      %dma_start3A_70 = arith.constant 0 : i32
      %dma_start3A_71 = tpu.memref_slice %arg11[%mul3A_11, %dma_start3A_70] : memref<4096x128xf32, #tpu.memory_space<vmem_shared>> -> memref<128x128xf32, #tpu.memory_space<vmem_shared>>
      tpu.enqueue_dma source(%arg10 : memref<128x128xf32, #tpu.memory_space<vmem>>) target(%dma_start3A_71 : memref<128x128xf32, #tpu.memory_space<vmem_shared>>) target_semaphore(%run_scoped3A : memref<!tpu.dma_semaphore, #tpu.memory_space<semaphore_mem>>)
      %dma_wait3A_72 = arith.constant 0 : i32
      %dma_wait3A_73 = tpu.memref_slice %arg11[%mul3A_11, %dma_wait3A_72] : memref<4096x128xf32, #tpu.memory_space<vmem_shared>> -> memref<128x128xf32, #tpu.memory_space<vmem_shared>>
      %dma_wait3A_74 = arith.constant 0 : i32
      %dma_wait3A_75 = tpu.memref_slice %arg11[%mul3A_11, %dma_wait3A_74] : memref<4096x128xf32, #tpu.memory_space<vmem_shared>> -> memref<128x128xf32, #tpu.memory_space<vmem_shared>>
      tpu.wait_dma2 semaphore(%run_scoped3A : memref<!tpu.dma_semaphore, #tpu.memory_space<semaphore_mem>>) src(%arg10 : memref<128x128xf32, #tpu.memory_space<vmem>>) dst(%dma_wait3A_75 : memref<128x128xf32, #tpu.memory_space<vmem_shared>>)
      tpu.yield
    }) : () -> ()
    %mul3A_12 = arith.constant 256 : i32
    %mul3A_13 = arith.muli %arg1, %mul3A_12 : i32
    %add3A = arith.constant 128 : i32
    %add3A_14 = arith.addi %mul3A_13, %add3A : i32
    "tpu.region"() ({
      %run_scoped3A = tpu.sem_alloc : memref<!tpu.dma_semaphore, #tpu.memory_space<semaphore_mem>>
      %dma_start3A_68 = arith.constant 0 : i32
      %dma_start3A_69 = tpu.memref_slice %arg11[%add3A_14, %dma_start3A_68] : memref<4096x128xf32, #tpu.memory_space<vmem_shared>> -> memref<128x128xf32, #tpu.memory_space<vmem_shared>>
      %dma_start3A_70 = arith.constant 0 : i32
      %dma_start3A_71 = tpu.memref_slice %arg11[%add3A_14, %dma_start3A_70] : memref<4096x128xf32, #tpu.memory_space<vmem_shared>> -> memref<128x128xf32, #tpu.memory_space<vmem_shared>>
      tpu.enqueue_dma source(%arg10 : memref<128x128xf32, #tpu.memory_space<vmem>>) target(%dma_start3A_71 : memref<128x128xf32, #tpu.memory_space<vmem_shared>>) target_semaphore(%run_scoped3A : memref<!tpu.dma_semaphore, #tpu.memory_space<semaphore_mem>>)
      %dma_wait3A_72 = arith.constant 0 : i32
      %dma_wait3A_73 = tpu.memref_slice %arg11[%add3A_14, %dma_wait3A_72] : memref<4096x128xf32, #tpu.memory_space<vmem_shared>> -> memref<128x128xf32, #tpu.memory_space<vmem_shared>>
      %dma_wait3A_74 = arith.constant 0 : i32
      %dma_wait3A_75 = tpu.memref_slice %arg11[%add3A_14, %dma_wait3A_74] : memref<4096x128xf32, #tpu.memory_space<vmem_shared>> -> memref<128x128xf32, #tpu.memory_space<vmem_shared>>
      tpu.wait_dma2 semaphore(%run_scoped3A : memref<!tpu.dma_semaphore, #tpu.memory_space<semaphore_mem>>) src(%arg10 : memref<128x128xf32, #tpu.memory_space<vmem>>) dst(%dma_wait3A_75 : memref<128x128xf32, #tpu.memory_space<vmem_shared>>)
      tpu.yield
    }) : () -> ()
    %barrier3A = arith.constant 0 : index
    tpu.barrier barrier_id(%barrier3A)
    %add3A_15 = arith.constant 0 : i32
    %add3A_16 = arith.addi %mul3A_0, %add3A_15 : i32
    %dma_start3A = tpu.memref_slice %arg2[%add3A_16, %mul3A_2] : memref<65536x256xf32, #tpu.memory_space<hbm>> -> memref<128x128xf32, #tpu.memory_space<hbm>>
    %dma_start3A_17 = tpu.memref_slice %arg2[%add3A_16, %mul3A_2] : memref<65536x256xf32, #tpu.memory_space<hbm>> -> memref<128x128xf32, #tpu.memory_space<hbm>>
    tpu.enqueue_dma source(%dma_start3A_17 : memref<128x128xf32, #tpu.memory_space<hbm>>) target(%arg6 : memref<128x128xf32, #tpu.memory_space<vmem>>) target_semaphore(%arg12 : memref<!tpu.dma_semaphore, #tpu.memory_space<semaphore_mem>>)
    %add3A_18 = arith.constant 128 : i32
    %add3A_19 = arith.addi %mul3A_0, %add3A_18 : i32
    %dma_start3A_20 = tpu.memref_slice %arg2[%add3A_19, %mul3A_2] : memref<65536x256xf32, #tpu.memory_space<hbm>> -> memref<128x128xf32, #tpu.memory_space<hbm>>
    %dma_start3A_21 = tpu.memref_slice %arg2[%add3A_19, %mul3A_2] : memref<65536x256xf32, #tpu.memory_space<hbm>> -> memref<128x128xf32, #tpu.memory_space<hbm>>
    tpu.enqueue_dma source(%dma_start3A_21 : memref<128x128xf32, #tpu.memory_space<hbm>>) target(%arg7 : memref<128x128xf32, #tpu.memory_space<vmem>>) target_semaphore(%arg13 : memref<!tpu.dma_semaphore, #tpu.memory_space<semaphore_mem>>)
    %add3A_22 = arith.constant 256 : i32
    %add3A_23 = arith.addi %mul3A_0, %add3A_22 : i32
    %dma_start3A_24 = tpu.memref_slice %arg2[%add3A_23, %mul3A_2] : memref<65536x256xf32, #tpu.memory_space<hbm>> -> memref<128x128xf32, #tpu.memory_space<hbm>>
    %dma_start3A_25 = tpu.memref_slice %arg2[%add3A_23, %mul3A_2] : memref<65536x256xf32, #tpu.memory_space<hbm>> -> memref<128x128xf32, #tpu.memory_space<hbm>>
    tpu.enqueue_dma source(%dma_start3A_25 : memref<128x128xf32, #tpu.memory_space<hbm>>) target(%arg8 : memref<128x128xf32, #tpu.memory_space<vmem>>) target_semaphore(%arg14 : memref<!tpu.dma_semaphore, #tpu.memory_space<semaphore_mem>>)
    %add3A_26 = arith.constant 384 : i32
    %add3A_27 = arith.addi %mul3A_0, %add3A_26 : i32
    %dma_start3A_28 = tpu.memref_slice %arg2[%add3A_27, %mul3A_2] : memref<65536x256xf32, #tpu.memory_space<hbm>> -> memref<128x128xf32, #tpu.memory_space<hbm>>
    %dma_start3A_29 = tpu.memref_slice %arg2[%add3A_27, %mul3A_2] : memref<65536x256xf32, #tpu.memory_space<hbm>> -> memref<128x128xf32, #tpu.memory_space<hbm>>
    tpu.enqueue_dma source(%dma_start3A_29 : memref<128x128xf32, #tpu.memory_space<hbm>>) target(%arg9 : memref<128x128xf32, #tpu.memory_space<vmem>>) target_semaphore(%arg15 : memref<!tpu.dma_semaphore, #tpu.memory_space<semaphore_mem>>)
    %scan3A_30 = arith.constant 0 : i32
    %scan3A_31 = arith.constant 0 : i32
    %scan3A_32 = arith.constant 8 : i32
    %scan3A_33 = arith.addi %scan3A_31, %scan3A_32 : i32
    %scan3A_34 = arith.constant 1 : i32
    scf.for %scan3A_68 = %scan3A_31 to %scan3A_33 step %scan3A_34  : i32 {
      %mul3A_69 = arith.constant 4 : i32
      %mul3A_70 = arith.muli %scan3A_68, %mul3A_69 : i32
      %add3A_71 = arith.constant 0 : i32
      %add3A_72 = arith.addi %mul3A_70, %add3A_71 : i32
      %mul3A_73 = arith.constant 128 : i32
      %mul3A_74 = arith.muli %add3A_72, %mul3A_73 : i32
      %add3A_75 = arith.addi %mul3A_0, %mul3A_74 : i32
      %dma_wait3A_76 = tpu.memref_slice %arg2[%add3A_75, %mul3A_2] : memref<65536x256xf32, #tpu.memory_space<hbm>> -> memref<128x128xf32, #tpu.memory_space<hbm>>
      %dma_wait3A_77 = tpu.memref_slice %arg2[%add3A_75, %mul3A_2] : memref<65536x256xf32, #tpu.memory_space<hbm>> -> memref<128x128xf32, #tpu.memory_space<hbm>>
      tpu.wait_dma2 semaphore(%arg12 : memref<!tpu.dma_semaphore, #tpu.memory_space<semaphore_mem>>) src(%dma_wait3A_77 : memref<128x128xf32, #tpu.memory_space<hbm>>) dst(%arg6 : memref<128x128xf32, #tpu.memory_space<vmem>>)
      %dma_start3A_78 = arith.constant 0 : i32
      %dma_start3A_79 = tpu.memref_slice %arg5[%add3A_72, %dma_start3A_78] : memref<32x128xi32, #tpu.memory_space<vmem>> -> memref<1x128xi32, #tpu.memory_space<vmem>>
      %dma_start3A_80 = tpu.memref_squeeze %dma_start3A_79 : memref<1x128xi32, #tpu.memory_space<vmem>> -> memref<128xi32, #tpu.memory_space<vmem>>
      %dma_start3A_81 = arith.constant 0 : i32
      %dma_start3A_82 = arith.constant 0 : i32
      %dma_start3A_83 = tpu.memref_slice %arg11[%dma_start3A_81, %dma_start3A_82] : memref<4096x128xf32, #tpu.memory_space<vmem_shared>> -> memref<4096x128xf32, #tpu.memory_space<vmem_shared>>
      tpu.enqueue_indirect_dma source(%arg6 : memref<128x128xf32, #tpu.memory_space<vmem>>) target(%dma_start3A_83 : memref<4096x128xf32, #tpu.memory_space<vmem_shared>>) offsets(%dma_start3A_80 : memref<128xi32, #tpu.memory_space<vmem>>) semaphore(%arg16 : memref<!tpu.dma_semaphore, #tpu.memory_space<semaphore_mem>>) {add = true}
      %add3A_84 = arith.constant 4 : i32
      %add3A_85 = arith.addi %add3A_72, %add3A_84 : i32
      %lt3A = arith.constant 32 : i32
      %lt3A_86 = arith.cmpi slt, %add3A_85, %lt3A : i32
      %convert_element_type3A = arith.extui %lt3A_86 : i1 to i32
      %cond3A = arith.constant 0 : i32
      %cond3A_87 = arith.cmpi ne, %convert_element_type3A, %cond3A : i32
      scf.if %cond3A_87 {
        %dma_wait3A_154 = arith.constant 0 : i32
        %dma_wait3A_155 = tpu.memref_slice %arg5[%add3A_72, %dma_wait3A_154] : memref<32x128xi32, #tpu.memory_space<vmem>> -> memref<1x128xi32, #tpu.memory_space<vmem>>
        %dma_wait3A_156 = tpu.memref_squeeze %dma_wait3A_155 : memref<1x128xi32, #tpu.memory_space<vmem>> -> memref<128xi32, #tpu.memory_space<vmem>>
        %dma_wait3A_157 = arith.constant 0 : i32
        %dma_wait3A_158 = arith.constant 0 : i32
        %dma_wait3A_159 = tpu.memref_slice %arg11[%dma_wait3A_157, %dma_wait3A_158] : memref<4096x128xf32, #tpu.memory_space<vmem_shared>> -> memref<4096x128xf32, #tpu.memory_space<vmem_shared>>
        tpu.wait_indirect_dma semaphore(%arg16 : memref<!tpu.dma_semaphore, #tpu.memory_space<semaphore_mem>>) src(%arg6 : memref<128x128xf32, #tpu.memory_space<vmem>>) dst(%dma_wait3A_159 : memref<4096x128xf32, #tpu.memory_space<vmem_shared>>)
        %add3A_160 = arith.constant 4 : i32
        %add3A_161 = arith.addi %add3A_72, %add3A_160 : i32
        %mul3A_162 = arith.constant 128 : i32
        %mul3A_163 = arith.muli %add3A_161, %mul3A_162 : i32
        %add3A_164 = arith.addi %mul3A_0, %mul3A_163 : i32
        %dma_start3A_165 = tpu.memref_slice %arg2[%add3A_164, %mul3A_2] : memref<65536x256xf32, #tpu.memory_space<hbm>> -> memref<128x128xf32, #tpu.memory_space<hbm>>
        %dma_start3A_166 = tpu.memref_slice %arg2[%add3A_164, %mul3A_2] : memref<65536x256xf32, #tpu.memory_space<hbm>> -> memref<128x128xf32, #tpu.memory_space<hbm>>
        tpu.enqueue_dma source(%dma_start3A_166 : memref<128x128xf32, #tpu.memory_space<hbm>>) target(%arg6 : memref<128x128xf32, #tpu.memory_space<vmem>>) target_semaphore(%arg12 : memref<!tpu.dma_semaphore, #tpu.memory_space<semaphore_mem>>)
      } else {
      }
      %mul3A_88 = arith.constant 4 : i32
      %mul3A_89 = arith.muli %scan3A_68, %mul3A_88 : i32
      %add3A_90 = arith.constant 1 : i32
      %add3A_91 = arith.addi %mul3A_89, %add3A_90 : i32
      %mul3A_92 = arith.constant 128 : i32
      %mul3A_93 = arith.muli %add3A_91, %mul3A_92 : i32
      %add3A_94 = arith.addi %mul3A_0, %mul3A_93 : i32
      %dma_wait3A_95 = tpu.memref_slice %arg2[%add3A_94, %mul3A_2] : memref<65536x256xf32, #tpu.memory_space<hbm>> -> memref<128x128xf32, #tpu.memory_space<hbm>>
      %dma_wait3A_96 = tpu.memref_slice %arg2[%add3A_94, %mul3A_2] : memref<65536x256xf32, #tpu.memory_space<hbm>> -> memref<128x128xf32, #tpu.memory_space<hbm>>
      tpu.wait_dma2 semaphore(%arg13 : memref<!tpu.dma_semaphore, #tpu.memory_space<semaphore_mem>>) src(%dma_wait3A_96 : memref<128x128xf32, #tpu.memory_space<hbm>>) dst(%arg7 : memref<128x128xf32, #tpu.memory_space<vmem>>)
      %dma_start3A_97 = arith.constant 0 : i32
      %dma_start3A_98 = tpu.memref_slice %arg5[%add3A_91, %dma_start3A_97] : memref<32x128xi32, #tpu.memory_space<vmem>> -> memref<1x128xi32, #tpu.memory_space<vmem>>
      %dma_start3A_99 = tpu.memref_squeeze %dma_start3A_98 : memref<1x128xi32, #tpu.memory_space<vmem>> -> memref<128xi32, #tpu.memory_space<vmem>>
      %dma_start3A_100 = arith.constant 0 : i32
      %dma_start3A_101 = arith.constant 0 : i32
      %dma_start3A_102 = tpu.memref_slice %arg11[%dma_start3A_100, %dma_start3A_101] : memref<4096x128xf32, #tpu.memory_space<vmem_shared>> -> memref<4096x128xf32, #tpu.memory_space<vmem_shared>>
      tpu.enqueue_indirect_dma source(%arg7 : memref<128x128xf32, #tpu.memory_space<vmem>>) target(%dma_start3A_102 : memref<4096x128xf32, #tpu.memory_space<vmem_shared>>) offsets(%dma_start3A_99 : memref<128xi32, #tpu.memory_space<vmem>>) semaphore(%arg17 : memref<!tpu.dma_semaphore, #tpu.memory_space<semaphore_mem>>) {add = true}
      %add3A_103 = arith.constant 4 : i32
      %add3A_104 = arith.addi %add3A_91, %add3A_103 : i32
      %lt3A_105 = arith.constant 32 : i32
      %lt3A_106 = arith.cmpi slt, %add3A_104, %lt3A_105 : i32
      %convert_element_type3A_107 = arith.extui %lt3A_106 : i1 to i32
      %cond3A_108 = arith.constant 0 : i32
      %cond3A_109 = arith.cmpi ne, %convert_element_type3A_107, %cond3A_108 : i32
      scf.if %cond3A_109 {
        %dma_wait3A_154 = arith.constant 0 : i32
        %dma_wait3A_155 = tpu.memref_slice %arg5[%add3A_91, %dma_wait3A_154] : memref<32x128xi32, #tpu.memory_space<vmem>> -> memref<1x128xi32, #tpu.memory_space<vmem>>
        %dma_wait3A_156 = tpu.memref_squeeze %dma_wait3A_155 : memref<1x128xi32, #tpu.memory_space<vmem>> -> memref<128xi32, #tpu.memory_space<vmem>>
        %dma_wait3A_157 = arith.constant 0 : i32
        %dma_wait3A_158 = arith.constant 0 : i32
        %dma_wait3A_159 = tpu.memref_slice %arg11[%dma_wait3A_157, %dma_wait3A_158] : memref<4096x128xf32, #tpu.memory_space<vmem_shared>> -> memref<4096x128xf32, #tpu.memory_space<vmem_shared>>
        tpu.wait_indirect_dma semaphore(%arg17 : memref<!tpu.dma_semaphore, #tpu.memory_space<semaphore_mem>>) src(%arg7 : memref<128x128xf32, #tpu.memory_space<vmem>>) dst(%dma_wait3A_159 : memref<4096x128xf32, #tpu.memory_space<vmem_shared>>)
        %add3A_160 = arith.constant 4 : i32
        %add3A_161 = arith.addi %add3A_91, %add3A_160 : i32
        %mul3A_162 = arith.constant 128 : i32
        %mul3A_163 = arith.muli %add3A_161, %mul3A_162 : i32
        %add3A_164 = arith.addi %mul3A_0, %mul3A_163 : i32
        %dma_start3A_165 = tpu.memref_slice %arg2[%add3A_164, %mul3A_2] : memref<65536x256xf32, #tpu.memory_space<hbm>> -> memref<128x128xf32, #tpu.memory_space<hbm>>
        %dma_start3A_166 = tpu.memref_slice %arg2[%add3A_164, %mul3A_2] : memref<65536x256xf32, #tpu.memory_space<hbm>> -> memref<128x128xf32, #tpu.memory_space<hbm>>
        tpu.enqueue_dma source(%dma_start3A_166 : memref<128x128xf32, #tpu.memory_space<hbm>>) target(%arg7 : memref<128x128xf32, #tpu.memory_space<vmem>>) target_semaphore(%arg13 : memref<!tpu.dma_semaphore, #tpu.memory_space<semaphore_mem>>)
      } else {
      }
      %mul3A_110 = arith.constant 4 : i32
      %mul3A_111 = arith.muli %scan3A_68, %mul3A_110 : i32
      %add3A_112 = arith.constant 2 : i32
      %add3A_113 = arith.addi %mul3A_111, %add3A_112 : i32
      %mul3A_114 = arith.constant 128 : i32
      %mul3A_115 = arith.muli %add3A_113, %mul3A_114 : i32
      %add3A_116 = arith.addi %mul3A_0, %mul3A_115 : i32
      %dma_wait3A_117 = tpu.memref_slice %arg2[%add3A_116, %mul3A_2] : memref<65536x256xf32, #tpu.memory_space<hbm>> -> memref<128x128xf32, #tpu.memory_space<hbm>>
      %dma_wait3A_118 = tpu.memref_slice %arg2[%add3A_116, %mul3A_2] : memref<65536x256xf32, #tpu.memory_space<hbm>> -> memref<128x128xf32, #tpu.memory_space<hbm>>
      tpu.wait_dma2 semaphore(%arg14 : memref<!tpu.dma_semaphore, #tpu.memory_space<semaphore_mem>>) src(%dma_wait3A_118 : memref<128x128xf32, #tpu.memory_space<hbm>>) dst(%arg8 : memref<128x128xf32, #tpu.memory_space<vmem>>)
      %dma_start3A_119 = arith.constant 0 : i32
      %dma_start3A_120 = tpu.memref_slice %arg5[%add3A_113, %dma_start3A_119] : memref<32x128xi32, #tpu.memory_space<vmem>> -> memref<1x128xi32, #tpu.memory_space<vmem>>
      %dma_start3A_121 = tpu.memref_squeeze %dma_start3A_120 : memref<1x128xi32, #tpu.memory_space<vmem>> -> memref<128xi32, #tpu.memory_space<vmem>>
      %dma_start3A_122 = arith.constant 0 : i32
      %dma_start3A_123 = arith.constant 0 : i32
      %dma_start3A_124 = tpu.memref_slice %arg11[%dma_start3A_122, %dma_start3A_123] : memref<4096x128xf32, #tpu.memory_space<vmem_shared>> -> memref<4096x128xf32, #tpu.memory_space<vmem_shared>>
      tpu.enqueue_indirect_dma source(%arg8 : memref<128x128xf32, #tpu.memory_space<vmem>>) target(%dma_start3A_124 : memref<4096x128xf32, #tpu.memory_space<vmem_shared>>) offsets(%dma_start3A_121 : memref<128xi32, #tpu.memory_space<vmem>>) semaphore(%arg18 : memref<!tpu.dma_semaphore, #tpu.memory_space<semaphore_mem>>) {add = true}
      %add3A_125 = arith.constant 4 : i32
      %add3A_126 = arith.addi %add3A_113, %add3A_125 : i32
      %lt3A_127 = arith.constant 32 : i32
      %lt3A_128 = arith.cmpi slt, %add3A_126, %lt3A_127 : i32
      %convert_element_type3A_129 = arith.extui %lt3A_128 : i1 to i32
      %cond3A_130 = arith.constant 0 : i32
      %cond3A_131 = arith.cmpi ne, %convert_element_type3A_129, %cond3A_130 : i32
      scf.if %cond3A_131 {
        %dma_wait3A_154 = arith.constant 0 : i32
        %dma_wait3A_155 = tpu.memref_slice %arg5[%add3A_113, %dma_wait3A_154] : memref<32x128xi32, #tpu.memory_space<vmem>> -> memref<1x128xi32, #tpu.memory_space<vmem>>
        %dma_wait3A_156 = tpu.memref_squeeze %dma_wait3A_155 : memref<1x128xi32, #tpu.memory_space<vmem>> -> memref<128xi32, #tpu.memory_space<vmem>>
        %dma_wait3A_157 = arith.constant 0 : i32
        %dma_wait3A_158 = arith.constant 0 : i32
        %dma_wait3A_159 = tpu.memref_slice %arg11[%dma_wait3A_157, %dma_wait3A_158] : memref<4096x128xf32, #tpu.memory_space<vmem_shared>> -> memref<4096x128xf32, #tpu.memory_space<vmem_shared>>
        tpu.wait_indirect_dma semaphore(%arg18 : memref<!tpu.dma_semaphore, #tpu.memory_space<semaphore_mem>>) src(%arg8 : memref<128x128xf32, #tpu.memory_space<vmem>>) dst(%dma_wait3A_159 : memref<4096x128xf32, #tpu.memory_space<vmem_shared>>)
        %add3A_160 = arith.constant 4 : i32
        %add3A_161 = arith.addi %add3A_113, %add3A_160 : i32
        %mul3A_162 = arith.constant 128 : i32
        %mul3A_163 = arith.muli %add3A_161, %mul3A_162 : i32
        %add3A_164 = arith.addi %mul3A_0, %mul3A_163 : i32
        %dma_start3A_165 = tpu.memref_slice %arg2[%add3A_164, %mul3A_2] : memref<65536x256xf32, #tpu.memory_space<hbm>> -> memref<128x128xf32, #tpu.memory_space<hbm>>
        %dma_start3A_166 = tpu.memref_slice %arg2[%add3A_164, %mul3A_2] : memref<65536x256xf32, #tpu.memory_space<hbm>> -> memref<128x128xf32, #tpu.memory_space<hbm>>
        tpu.enqueue_dma source(%dma_start3A_166 : memref<128x128xf32, #tpu.memory_space<hbm>>) target(%arg8 : memref<128x128xf32, #tpu.memory_space<vmem>>) target_semaphore(%arg14 : memref<!tpu.dma_semaphore, #tpu.memory_space<semaphore_mem>>)
      } else {
      }
      %mul3A_132 = arith.constant 4 : i32
      %mul3A_133 = arith.muli %scan3A_68, %mul3A_132 : i32
      %add3A_134 = arith.constant 3 : i32
      %add3A_135 = arith.addi %mul3A_133, %add3A_134 : i32
      %mul3A_136 = arith.constant 128 : i32
      %mul3A_137 = arith.muli %add3A_135, %mul3A_136 : i32
      %add3A_138 = arith.addi %mul3A_0, %mul3A_137 : i32
      %dma_wait3A_139 = tpu.memref_slice %arg2[%add3A_138, %mul3A_2] : memref<65536x256xf32, #tpu.memory_space<hbm>> -> memref<128x128xf32, #tpu.memory_space<hbm>>
      %dma_wait3A_140 = tpu.memref_slice %arg2[%add3A_138, %mul3A_2] : memref<65536x256xf32, #tpu.memory_space<hbm>> -> memref<128x128xf32, #tpu.memory_space<hbm>>
      tpu.wait_dma2 semaphore(%arg15 : memref<!tpu.dma_semaphore, #tpu.memory_space<semaphore_mem>>) src(%dma_wait3A_140 : memref<128x128xf32, #tpu.memory_space<hbm>>) dst(%arg9 : memref<128x128xf32, #tpu.memory_space<vmem>>)
      %dma_start3A_141 = arith.constant 0 : i32
      %dma_start3A_142 = tpu.memref_slice %arg5[%add3A_135, %dma_start3A_141] : memref<32x128xi32, #tpu.memory_space<vmem>> -> memref<1x128xi32, #tpu.memory_space<vmem>>
      %dma_start3A_143 = tpu.memref_squeeze %dma_start3A_142 : memref<1x128xi32, #tpu.memory_space<vmem>> -> memref<128xi32, #tpu.memory_space<vmem>>
      %dma_start3A_144 = arith.constant 0 : i32
      %dma_start3A_145 = arith.constant 0 : i32
      %dma_start3A_146 = tpu.memref_slice %arg11[%dma_start3A_144, %dma_start3A_145] : memref<4096x128xf32, #tpu.memory_space<vmem_shared>> -> memref<4096x128xf32, #tpu.memory_space<vmem_shared>>
      tpu.enqueue_indirect_dma source(%arg9 : memref<128x128xf32, #tpu.memory_space<vmem>>) target(%dma_start3A_146 : memref<4096x128xf32, #tpu.memory_space<vmem_shared>>) offsets(%dma_start3A_143 : memref<128xi32, #tpu.memory_space<vmem>>) semaphore(%arg19 : memref<!tpu.dma_semaphore, #tpu.memory_space<semaphore_mem>>) {add = true}
      %add3A_147 = arith.constant 4 : i32
      %add3A_148 = arith.addi %add3A_135, %add3A_147 : i32
      %lt3A_149 = arith.constant 32 : i32
      %lt3A_150 = arith.cmpi slt, %add3A_148, %lt3A_149 : i32
      %convert_element_type3A_151 = arith.extui %lt3A_150 : i1 to i32
      %cond3A_152 = arith.constant 0 : i32
      %cond3A_153 = arith.cmpi ne, %convert_element_type3A_151, %cond3A_152 : i32
      scf.if %cond3A_153 {
        %dma_wait3A_154 = arith.constant 0 : i32
        %dma_wait3A_155 = tpu.memref_slice %arg5[%add3A_135, %dma_wait3A_154] : memref<32x128xi32, #tpu.memory_space<vmem>> -> memref<1x128xi32, #tpu.memory_space<vmem>>
        %dma_wait3A_156 = tpu.memref_squeeze %dma_wait3A_155 : memref<1x128xi32, #tpu.memory_space<vmem>> -> memref<128xi32, #tpu.memory_space<vmem>>
        %dma_wait3A_157 = arith.constant 0 : i32
        %dma_wait3A_158 = arith.constant 0 : i32
        %dma_wait3A_159 = tpu.memref_slice %arg11[%dma_wait3A_157, %dma_wait3A_158] : memref<4096x128xf32, #tpu.memory_space<vmem_shared>> -> memref<4096x128xf32, #tpu.memory_space<vmem_shared>>
        tpu.wait_indirect_dma semaphore(%arg19 : memref<!tpu.dma_semaphore, #tpu.memory_space<semaphore_mem>>) src(%arg9 : memref<128x128xf32, #tpu.memory_space<vmem>>) dst(%dma_wait3A_159 : memref<4096x128xf32, #tpu.memory_space<vmem_shared>>)
        %add3A_160 = arith.constant 4 : i32
        %add3A_161 = arith.addi %add3A_135, %add3A_160 : i32
        %mul3A_162 = arith.constant 128 : i32
        %mul3A_163 = arith.muli %add3A_161, %mul3A_162 : i32
        %add3A_164 = arith.addi %mul3A_0, %mul3A_163 : i32
        %dma_start3A_165 = tpu.memref_slice %arg2[%add3A_164, %mul3A_2] : memref<65536x256xf32, #tpu.memory_space<hbm>> -> memref<128x128xf32, #tpu.memory_space<hbm>>
        %dma_start3A_166 = tpu.memref_slice %arg2[%add3A_164, %mul3A_2] : memref<65536x256xf32, #tpu.memory_space<hbm>> -> memref<128x128xf32, #tpu.memory_space<hbm>>
        tpu.enqueue_dma source(%dma_start3A_166 : memref<128x128xf32, #tpu.memory_space<hbm>>) target(%arg9 : memref<128x128xf32, #tpu.memory_space<vmem>>) target_semaphore(%arg15 : memref<!tpu.dma_semaphore, #tpu.memory_space<semaphore_mem>>)
      } else {
      }
    }
    %scan3A_35 = arith.constant 8 : i32
    %dma_wait3A = arith.constant 28 : i32
    %dma_wait3A_36 = arith.constant 0 : i32
    %dma_wait3A_37 = tpu.memref_slice %arg5[%dma_wait3A, %dma_wait3A_36] : memref<32x128xi32, #tpu.memory_space<vmem>> -> memref<1x128xi32, #tpu.memory_space<vmem>>
    %dma_wait3A_38 = tpu.memref_squeeze %dma_wait3A_37 : memref<1x128xi32, #tpu.memory_space<vmem>> -> memref<128xi32, #tpu.memory_space<vmem>>
    %dma_wait3A_39 = arith.constant 0 : i32
    %dma_wait3A_40 = arith.constant 0 : i32
    %dma_wait3A_41 = tpu.memref_slice %arg11[%dma_wait3A_39, %dma_wait3A_40] : memref<4096x128xf32, #tpu.memory_space<vmem_shared>> -> memref<4096x128xf32, #tpu.memory_space<vmem_shared>>
    tpu.wait_indirect_dma semaphore(%arg16 : memref<!tpu.dma_semaphore, #tpu.memory_space<semaphore_mem>>) src(%arg6 : memref<128x128xf32, #tpu.memory_space<vmem>>) dst(%dma_wait3A_41 : memref<4096x128xf32, #tpu.memory_space<vmem_shared>>)
    %dma_wait3A_42 = arith.constant 29 : i32
    %dma_wait3A_43 = arith.constant 0 : i32
    %dma_wait3A_44 = tpu.memref_slice %arg5[%dma_wait3A_42, %dma_wait3A_43] : memref<32x128xi32, #tpu.memory_space<vmem>> -> memref<1x128xi32, #tpu.memory_space<vmem>>
    %dma_wait3A_45 = tpu.memref_squeeze %dma_wait3A_44 : memref<1x128xi32, #tpu.memory_space<vmem>> -> memref<128xi32, #tpu.memory_space<vmem>>
    %dma_wait3A_46 = arith.constant 0 : i32
    %dma_wait3A_47 = arith.constant 0 : i32
    %dma_wait3A_48 = tpu.memref_slice %arg11[%dma_wait3A_46, %dma_wait3A_47] : memref<4096x128xf32, #tpu.memory_space<vmem_shared>> -> memref<4096x128xf32, #tpu.memory_space<vmem_shared>>
    tpu.wait_indirect_dma semaphore(%arg17 : memref<!tpu.dma_semaphore, #tpu.memory_space<semaphore_mem>>) src(%arg7 : memref<128x128xf32, #tpu.memory_space<vmem>>) dst(%dma_wait3A_48 : memref<4096x128xf32, #tpu.memory_space<vmem_shared>>)
    %dma_wait3A_49 = arith.constant 30 : i32
    %dma_wait3A_50 = arith.constant 0 : i32
    %dma_wait3A_51 = tpu.memref_slice %arg5[%dma_wait3A_49, %dma_wait3A_50] : memref<32x128xi32, #tpu.memory_space<vmem>> -> memref<1x128xi32, #tpu.memory_space<vmem>>
    %dma_wait3A_52 = tpu.memref_squeeze %dma_wait3A_51 : memref<1x128xi32, #tpu.memory_space<vmem>> -> memref<128xi32, #tpu.memory_space<vmem>>
    %dma_wait3A_53 = arith.constant 0 : i32
    %dma_wait3A_54 = arith.constant 0 : i32
    %dma_wait3A_55 = tpu.memref_slice %arg11[%dma_wait3A_53, %dma_wait3A_54] : memref<4096x128xf32, #tpu.memory_space<vmem_shared>> -> memref<4096x128xf32, #tpu.memory_space<vmem_shared>>
    tpu.wait_indirect_dma semaphore(%arg18 : memref<!tpu.dma_semaphore, #tpu.memory_space<semaphore_mem>>) src(%arg8 : memref<128x128xf32, #tpu.memory_space<vmem>>) dst(%dma_wait3A_55 : memref<4096x128xf32, #tpu.memory_space<vmem_shared>>)
    %dma_wait3A_56 = arith.constant 31 : i32
    %dma_wait3A_57 = arith.constant 0 : i32
    %dma_wait3A_58 = tpu.memref_slice %arg5[%dma_wait3A_56, %dma_wait3A_57] : memref<32x128xi32, #tpu.memory_space<vmem>> -> memref<1x128xi32, #tpu.memory_space<vmem>>
    %dma_wait3A_59 = tpu.memref_squeeze %dma_wait3A_58 : memref<1x128xi32, #tpu.memory_space<vmem>> -> memref<128xi32, #tpu.memory_space<vmem>>
    %dma_wait3A_60 = arith.constant 0 : i32
    %dma_wait3A_61 = arith.constant 0 : i32
    %dma_wait3A_62 = tpu.memref_slice %arg11[%dma_wait3A_60, %dma_wait3A_61] : memref<4096x128xf32, #tpu.memory_space<vmem_shared>> -> memref<4096x128xf32, #tpu.memory_space<vmem_shared>>
    tpu.wait_indirect_dma semaphore(%arg19 : memref<!tpu.dma_semaphore, #tpu.memory_space<semaphore_mem>>) src(%arg9 : memref<128x128xf32, #tpu.memory_space<vmem>>) dst(%dma_wait3A_62 : memref<4096x128xf32, #tpu.memory_space<vmem_shared>>)
    %barrier3A_63 = arith.constant 0 : index
    tpu.barrier barrier_id(%barrier3A_63)
    %mul3A_64 = arith.constant 256 : i32
    %mul3A_65 = arith.muli %arg1, %mul3A_64 : i32
    %mul3A_66 = arith.constant 256 : i32
    %mul3A_67 = arith.muli %arg1, %mul3A_66 : i32
    "tpu.region"() ({
      %run_scoped3A = tpu.sem_alloc : memref<!tpu.dma_semaphore, #tpu.memory_space<semaphore_mem>>
      %dma_start3A_68 = tpu.memref_slice %arg4[%mul3A_67, %mul3A_2] : memref<4096x256xf32, #tpu.memory_space<hbm>> -> memref<256x128xf32, #tpu.memory_space<hbm>>
      %dma_start3A_69 = arith.constant 0 : i32
      %dma_start3A_70 = tpu.memref_slice %arg11[%mul3A_65, %dma_start3A_69] : memref<4096x128xf32, #tpu.memory_space<vmem_shared>> -> memref<256x128xf32, #tpu.memory_space<vmem_shared>>
      tpu.enqueue_dma source(%dma_start3A_70 : memref<256x128xf32, #tpu.memory_space<vmem_shared>>) target(%dma_start3A_68 : memref<256x128xf32, #tpu.memory_space<hbm>>) target_semaphore(%run_scoped3A : memref<!tpu.dma_semaphore, #tpu.memory_space<semaphore_mem>>)
      %dma_wait3A_71 = tpu.memref_slice %arg4[%mul3A_67, %mul3A_2] : memref<4096x256xf32, #tpu.memory_space<hbm>> -> memref<256x128xf32, #tpu.memory_space<hbm>>
      %dma_wait3A_72 = arith.constant 0 : i32
      %dma_wait3A_73 = tpu.memref_slice %arg11[%mul3A_65, %dma_wait3A_72] : memref<4096x128xf32, #tpu.memory_space<vmem_shared>> -> memref<256x128xf32, #tpu.memory_space<vmem_shared>>
      tpu.wait_dma2 semaphore(%run_scoped3A : memref<!tpu.dma_semaphore, #tpu.memory_space<semaphore_mem>>) src(%dma_wait3A_73 : memref<256x128xf32, #tpu.memory_space<vmem_shared>>) dst(%dma_wait3A_71 : memref<256x128xf32, #tpu.memory_space<hbm>>)
      tpu.yield
    }) : () -> ()
    return
  }
}

#map = affine_map<(d0, d1) -> (0)>
#map1 = affine_map<(d0, d1) -> (0, 0)>
module attributes {stable_mosaic.version = 14 : i64} {
  func.func @k(%arg0: i32, %arg1: i32, %arg2: memref<4096xf32, #tpu.memory_space<hbm>>, %arg3: memref<2x65536xi32, #tpu.memory_space<hbm>>, %arg4: memref<65536xf32, #tpu.memory_space<hbm>>, %arg5: memref<65536xf32, #tpu.memory_space<hbm>>, %arg6: memref<512x128xi32, #tpu.memory_space<hbm>>, %arg7: memref<512x128xi32, #tpu.memory_space<hbm>>, %arg8: memref<16x128xi32, #tpu.memory_space<vmem>>, %arg9: memref<16x128xi32, #tpu.memory_space<vmem>>, %arg10: memref<2048xf32, #tpu.memory_space<vmem>>, %arg11: memref<2048xf32, #tpu.memory_space<vmem>>, %arg12: memref<!tpu.dma_semaphore, #tpu.memory_space<semaphore_mem>>, %arg13: memref<!tpu.dma_semaphore, #tpu.memory_space<semaphore_mem>>, %arg14: memref<!tpu.dma_semaphore, #tpu.memory_space<semaphore_mem>>) attributes {dimension_semantics = [#tpu.dimension_semantics<core_parallel>, #tpu.dimension_semantics<subcore_parallel>], iteration_bounds = array<i64: 2, 16>, scalar_prefetch = 0 : i64, scratch_operands = 7 : i64, tpu.core_type = #tpu.core_type<sc_vector_subcore>, window_params = [{transform_indices = #map}, {transform_indices = #map1}, {transform_indices = #map}, {transform_indices = #map}, {transform_indices = #map1}, {transform_indices = #map1}]} {
    %mul3A = arith.constant 2 : i32
    %mul3A_0 = arith.muli %arg1, %mul3A : i32
    %add3A = arith.addi %mul3A_0, %arg0 : i32
    %mul3A_1 = arith.constant 2048 : i32
    %mul3A_2 = arith.muli %add3A, %mul3A_1 : i32
    %scan3A = arith.constant 0 : i32
    %scan3A_3 = arith.constant 0 : i32
    %scan3A_4 = arith.constant 16 : i32
    %scan3A_5 = arith.addi %scan3A_3, %scan3A_4 : i32
    %scan3A_6 = arith.constant 1 : i32
    scf.for %scan3A_30 = %scan3A_3 to %scan3A_5 step %scan3A_6  : i32 {
      %mul3A_31 = arith.constant 128 : i32
      %mul3A_32 = arith.muli %scan3A_30, %mul3A_31 : i32
      %add3A_33 = arith.addi %mul3A_2, %mul3A_32 : i32
      %dma_start3A = arith.constant 0 : i32
      %dma_start3A_34 = tpu.memref_slice %arg8[%scan3A_30, %dma_start3A] : memref<16x128xi32, #tpu.memory_space<vmem>> -> memref<1x128xi32, #tpu.memory_space<vmem>>
      %dma_start3A_35 = arith.constant 0 : i32
      %dma_start3A_36 = tpu.memref_slice %arg3[%dma_start3A_35, %add3A_33] : memref<2x65536xi32, #tpu.memory_space<hbm>> -> memref<1x128xi32, #tpu.memory_space<hbm>>
      %dma_start3A_37 = arith.constant 0 : i32
      %dma_start3A_38 = tpu.memref_slice %arg8[%scan3A_30, %dma_start3A_37] : memref<16x128xi32, #tpu.memory_space<vmem>> -> memref<1x128xi32, #tpu.memory_space<vmem>>
      %dma_start3A_39 = arith.constant 0 : i32
      %dma_start3A_40 = tpu.memref_slice %arg3[%dma_start3A_39, %add3A_33] : memref<2x65536xi32, #tpu.memory_space<hbm>> -> memref<1x128xi32, #tpu.memory_space<hbm>>
      tpu.enqueue_dma source(%dma_start3A_40 : memref<1x128xi32, #tpu.memory_space<hbm>>) target(%dma_start3A_38 : memref<1x128xi32, #tpu.memory_space<vmem>>) target_semaphore(%arg14 : memref<!tpu.dma_semaphore, #tpu.memory_space<semaphore_mem>>)
      %dma_start3A_41 = arith.constant 0 : i32
      %dma_start3A_42 = tpu.memref_slice %arg9[%scan3A_30, %dma_start3A_41] : memref<16x128xi32, #tpu.memory_space<vmem>> -> memref<1x128xi32, #tpu.memory_space<vmem>>
      %dma_start3A_43 = arith.constant 1 : i32
      %dma_start3A_44 = tpu.memref_slice %arg3[%dma_start3A_43, %add3A_33] : memref<2x65536xi32, #tpu.memory_space<hbm>> -> memref<1x128xi32, #tpu.memory_space<hbm>>
      %dma_start3A_45 = arith.constant 0 : i32
      %dma_start3A_46 = tpu.memref_slice %arg9[%scan3A_30, %dma_start3A_45] : memref<16x128xi32, #tpu.memory_space<vmem>> -> memref<1x128xi32, #tpu.memory_space<vmem>>
      %dma_start3A_47 = arith.constant 1 : i32
      %dma_start3A_48 = tpu.memref_slice %arg3[%dma_start3A_47, %add3A_33] : memref<2x65536xi32, #tpu.memory_space<hbm>> -> memref<1x128xi32, #tpu.memory_space<hbm>>
      tpu.enqueue_dma source(%dma_start3A_48 : memref<1x128xi32, #tpu.memory_space<hbm>>) target(%dma_start3A_46 : memref<1x128xi32, #tpu.memory_space<vmem>>) target_semaphore(%arg14 : memref<!tpu.dma_semaphore, #tpu.memory_space<semaphore_mem>>)
    }
    %scan3A_7 = arith.constant 16 : i32
    %scan3A_8 = arith.constant 0 : i32
    %scan3A_9 = arith.constant 0 : i32
    %scan3A_10 = arith.constant 16 : i32
    %scan3A_11 = arith.addi %scan3A_9, %scan3A_10 : i32
    %scan3A_12 = arith.constant 1 : i32
    scf.for %scan3A_30 = %scan3A_9 to %scan3A_11 step %scan3A_12  : i32 {
      %mul3A_31 = arith.constant 128 : i32
      %mul3A_32 = arith.muli %scan3A_30, %mul3A_31 : i32
      %add3A_33 = arith.addi %mul3A_2, %mul3A_32 : i32
      %dma_wait3A = arith.constant 0 : i32
      %dma_wait3A_34 = tpu.memref_slice %arg8[%scan3A_30, %dma_wait3A] : memref<16x128xi32, #tpu.memory_space<vmem>> -> memref<1x128xi32, #tpu.memory_space<vmem>>
      %dma_wait3A_35 = arith.constant 0 : i32
      %dma_wait3A_36 = tpu.memref_slice %arg3[%dma_wait3A_35, %add3A_33] : memref<2x65536xi32, #tpu.memory_space<hbm>> -> memref<1x128xi32, #tpu.memory_space<hbm>>
      %dma_wait3A_37 = arith.constant 0 : i32
      %dma_wait3A_38 = tpu.memref_slice %arg8[%scan3A_30, %dma_wait3A_37] : memref<16x128xi32, #tpu.memory_space<vmem>> -> memref<1x128xi32, #tpu.memory_space<vmem>>
      %dma_wait3A_39 = arith.constant 0 : i32
      %dma_wait3A_40 = tpu.memref_slice %arg3[%dma_wait3A_39, %add3A_33] : memref<2x65536xi32, #tpu.memory_space<hbm>> -> memref<1x128xi32, #tpu.memory_space<hbm>>
      tpu.wait_dma2 semaphore(%arg14 : memref<!tpu.dma_semaphore, #tpu.memory_space<semaphore_mem>>) src(%dma_wait3A_40 : memref<1x128xi32, #tpu.memory_space<hbm>>) dst(%dma_wait3A_38 : memref<1x128xi32, #tpu.memory_space<vmem>>)
      %dma_wait3A_41 = arith.constant 0 : i32
      %dma_wait3A_42 = tpu.memref_slice %arg9[%scan3A_30, %dma_wait3A_41] : memref<16x128xi32, #tpu.memory_space<vmem>> -> memref<1x128xi32, #tpu.memory_space<vmem>>
      %dma_wait3A_43 = arith.constant 1 : i32
      %dma_wait3A_44 = tpu.memref_slice %arg3[%dma_wait3A_43, %add3A_33] : memref<2x65536xi32, #tpu.memory_space<hbm>> -> memref<1x128xi32, #tpu.memory_space<hbm>>
      %dma_wait3A_45 = arith.constant 0 : i32
      %dma_wait3A_46 = tpu.memref_slice %arg9[%scan3A_30, %dma_wait3A_45] : memref<16x128xi32, #tpu.memory_space<vmem>> -> memref<1x128xi32, #tpu.memory_space<vmem>>
      %dma_wait3A_47 = arith.constant 1 : i32
      %dma_wait3A_48 = tpu.memref_slice %arg3[%dma_wait3A_47, %add3A_33] : memref<2x65536xi32, #tpu.memory_space<hbm>> -> memref<1x128xi32, #tpu.memory_space<hbm>>
      tpu.wait_dma2 semaphore(%arg14 : memref<!tpu.dma_semaphore, #tpu.memory_space<semaphore_mem>>) src(%dma_wait3A_48 : memref<1x128xi32, #tpu.memory_space<hbm>>) dst(%dma_wait3A_46 : memref<1x128xi32, #tpu.memory_space<vmem>>)
    }
    %scan3A_13 = arith.constant 16 : i32
    %mul3A_14 = arith.constant 16 : i32
    %mul3A_15 = arith.muli %add3A, %mul3A_14 : i32
    "tpu.region"() ({
      %run_scoped3A = tpu.sem_alloc : memref<!tpu.dma_semaphore, #tpu.memory_space<semaphore_mem>>
      %dma_start3A = arith.constant 0 : i32
      %dma_start3A_30 = tpu.memref_slice %arg6[%mul3A_15, %dma_start3A] : memref<512x128xi32, #tpu.memory_space<hbm>> -> memref<16x128xi32, #tpu.memory_space<hbm>>
      %dma_start3A_31 = arith.constant 0 : i32
      %dma_start3A_32 = tpu.memref_slice %arg6[%mul3A_15, %dma_start3A_31] : memref<512x128xi32, #tpu.memory_space<hbm>> -> memref<16x128xi32, #tpu.memory_space<hbm>>
      tpu.enqueue_dma source(%arg8 : memref<16x128xi32, #tpu.memory_space<vmem>>) target(%dma_start3A_32 : memref<16x128xi32, #tpu.memory_space<hbm>>) target_semaphore(%run_scoped3A : memref<!tpu.dma_semaphore, #tpu.memory_space<semaphore_mem>>)
      %dma_wait3A = arith.constant 0 : i32
      %dma_wait3A_33 = tpu.memref_slice %arg6[%mul3A_15, %dma_wait3A] : memref<512x128xi32, #tpu.memory_space<hbm>> -> memref<16x128xi32, #tpu.memory_space<hbm>>
      %dma_wait3A_34 = arith.constant 0 : i32
      %dma_wait3A_35 = tpu.memref_slice %arg6[%mul3A_15, %dma_wait3A_34] : memref<512x128xi32, #tpu.memory_space<hbm>> -> memref<16x128xi32, #tpu.memory_space<hbm>>
      tpu.wait_dma2 semaphore(%run_scoped3A : memref<!tpu.dma_semaphore, #tpu.memory_space<semaphore_mem>>) src(%arg8 : memref<16x128xi32, #tpu.memory_space<vmem>>) dst(%dma_wait3A_35 : memref<16x128xi32, #tpu.memory_space<hbm>>)
      tpu.yield
    }) : () -> ()
    %mul3A_16 = arith.constant 16 : i32
    %mul3A_17 = arith.muli %add3A, %mul3A_16 : i32
    "tpu.region"() ({
      %run_scoped3A = tpu.sem_alloc : memref<!tpu.dma_semaphore, #tpu.memory_space<semaphore_mem>>
      %dma_start3A = arith.constant 0 : i32
      %dma_start3A_30 = tpu.memref_slice %arg7[%mul3A_17, %dma_start3A] : memref<512x128xi32, #tpu.memory_space<hbm>> -> memref<16x128xi32, #tpu.memory_space<hbm>>
      %dma_start3A_31 = arith.constant 0 : i32
      %dma_start3A_32 = tpu.memref_slice %arg7[%mul3A_17, %dma_start3A_31] : memref<512x128xi32, #tpu.memory_space<hbm>> -> memref<16x128xi32, #tpu.memory_space<hbm>>
      tpu.enqueue_dma source(%arg9 : memref<16x128xi32, #tpu.memory_space<vmem>>) target(%dma_start3A_32 : memref<16x128xi32, #tpu.memory_space<hbm>>) target_semaphore(%run_scoped3A : memref<!tpu.dma_semaphore, #tpu.memory_space<semaphore_mem>>)
      %dma_wait3A = arith.constant 0 : i32
      %dma_wait3A_33 = tpu.memref_slice %arg7[%mul3A_17, %dma_wait3A] : memref<512x128xi32, #tpu.memory_space<hbm>> -> memref<16x128xi32, #tpu.memory_space<hbm>>
      %dma_wait3A_34 = arith.constant 0 : i32
      %dma_wait3A_35 = tpu.memref_slice %arg7[%mul3A_17, %dma_wait3A_34] : memref<512x128xi32, #tpu.memory_space<hbm>> -> memref<16x128xi32, #tpu.memory_space<hbm>>
      tpu.wait_dma2 semaphore(%run_scoped3A : memref<!tpu.dma_semaphore, #tpu.memory_space<semaphore_mem>>) src(%arg9 : memref<16x128xi32, #tpu.memory_space<vmem>>) dst(%dma_wait3A_35 : memref<16x128xi32, #tpu.memory_space<hbm>>)
      tpu.yield
    }) : () -> ()
    %scan3A_18 = arith.constant 0 : i32
    %scan3A_19 = arith.constant 0 : i32
    %scan3A_20 = arith.constant 16 : i32
    %scan3A_21 = arith.addi %scan3A_19, %scan3A_20 : i32
    %scan3A_22 = arith.constant 1 : i32
    scf.for %scan3A_30 = %scan3A_19 to %scan3A_21 step %scan3A_22  : i32 {
      %mul3A_31 = arith.constant 128 : i32
      %mul3A_32 = arith.muli %scan3A_30, %mul3A_31 : i32
      %dma_start3A = tpu.memref_slice %arg10[%mul3A_32] : memref<2048xf32, #tpu.memory_space<vmem>> -> memref<128xf32, #tpu.memory_space<vmem>>
      %dma_start3A_33 = arith.constant 0 : i32
      %dma_start3A_34 = tpu.memref_slice %arg8[%scan3A_30, %dma_start3A_33] : memref<16x128xi32, #tpu.memory_space<vmem>> -> memref<1x128xi32, #tpu.memory_space<vmem>>
      %dma_start3A_35 = tpu.memref_squeeze %dma_start3A_34 : memref<1x128xi32, #tpu.memory_space<vmem>> -> memref<128xi32, #tpu.memory_space<vmem>>
      %dma_start3A_36 = arith.constant 0 : i32
      %dma_start3A_37 = tpu.memref_slice %arg2[%dma_start3A_36] : memref<4096xf32, #tpu.memory_space<hbm>> -> memref<4096xf32, #tpu.memory_space<hbm>>
      tpu.enqueue_indirect_dma source(%dma_start3A_37 : memref<4096xf32, #tpu.memory_space<hbm>>) target(%dma_start3A : memref<128xf32, #tpu.memory_space<vmem>>) offsets(%dma_start3A_35 : memref<128xi32, #tpu.memory_space<vmem>>) semaphore(%arg12 : memref<!tpu.dma_semaphore, #tpu.memory_space<semaphore_mem>>)
      %dma_start3A_38 = tpu.memref_slice %arg11[%mul3A_32] : memref<2048xf32, #tpu.memory_space<vmem>> -> memref<128xf32, #tpu.memory_space<vmem>>
      %dma_start3A_39 = arith.constant 0 : i32
      %dma_start3A_40 = tpu.memref_slice %arg9[%scan3A_30, %dma_start3A_39] : memref<16x128xi32, #tpu.memory_space<vmem>> -> memref<1x128xi32, #tpu.memory_space<vmem>>
      %dma_start3A_41 = tpu.memref_squeeze %dma_start3A_40 : memref<1x128xi32, #tpu.memory_space<vmem>> -> memref<128xi32, #tpu.memory_space<vmem>>
      %dma_start3A_42 = arith.constant 0 : i32
      %dma_start3A_43 = tpu.memref_slice %arg2[%dma_start3A_42] : memref<4096xf32, #tpu.memory_space<hbm>> -> memref<4096xf32, #tpu.memory_space<hbm>>
      tpu.enqueue_indirect_dma source(%dma_start3A_43 : memref<4096xf32, #tpu.memory_space<hbm>>) target(%dma_start3A_38 : memref<128xf32, #tpu.memory_space<vmem>>) offsets(%dma_start3A_41 : memref<128xi32, #tpu.memory_space<vmem>>) semaphore(%arg13 : memref<!tpu.dma_semaphore, #tpu.memory_space<semaphore_mem>>)
    }
    %scan3A_23 = arith.constant 16 : i32
    %scan3A_24 = arith.constant 0 : i32
    %scan3A_25 = arith.constant 0 : i32
    %scan3A_26 = arith.constant 16 : i32
    %scan3A_27 = arith.addi %scan3A_25, %scan3A_26 : i32
    %scan3A_28 = arith.constant 1 : i32
    scf.for %scan3A_30 = %scan3A_25 to %scan3A_27 step %scan3A_28  : i32 {
      %mul3A_31 = arith.constant 128 : i32
      %mul3A_32 = arith.muli %scan3A_30, %mul3A_31 : i32
      %dma_wait3A = tpu.memref_slice %arg10[%mul3A_32] : memref<2048xf32, #tpu.memory_space<vmem>> -> memref<128xf32, #tpu.memory_space<vmem>>
      %dma_wait3A_33 = arith.constant 0 : i32
      %dma_wait3A_34 = tpu.memref_slice %arg8[%scan3A_30, %dma_wait3A_33] : memref<16x128xi32, #tpu.memory_space<vmem>> -> memref<1x128xi32, #tpu.memory_space<vmem>>
      %dma_wait3A_35 = tpu.memref_squeeze %dma_wait3A_34 : memref<1x128xi32, #tpu.memory_space<vmem>> -> memref<128xi32, #tpu.memory_space<vmem>>
      %dma_wait3A_36 = arith.constant 0 : i32
      %dma_wait3A_37 = tpu.memref_slice %arg2[%dma_wait3A_36] : memref<4096xf32, #tpu.memory_space<hbm>> -> memref<4096xf32, #tpu.memory_space<hbm>>
      tpu.wait_indirect_dma semaphore(%arg12 : memref<!tpu.dma_semaphore, #tpu.memory_space<semaphore_mem>>) src(%dma_wait3A_37 : memref<4096xf32, #tpu.memory_space<hbm>>) dst(%dma_wait3A : memref<128xf32, #tpu.memory_space<vmem>>)
      %dma_wait3A_38 = tpu.memref_slice %arg11[%mul3A_32] : memref<2048xf32, #tpu.memory_space<vmem>> -> memref<128xf32, #tpu.memory_space<vmem>>
      %dma_wait3A_39 = arith.constant 0 : i32
      %dma_wait3A_40 = tpu.memref_slice %arg9[%scan3A_30, %dma_wait3A_39] : memref<16x128xi32, #tpu.memory_space<vmem>> -> memref<1x128xi32, #tpu.memory_space<vmem>>
      %dma_wait3A_41 = tpu.memref_squeeze %dma_wait3A_40 : memref<1x128xi32, #tpu.memory_space<vmem>> -> memref<128xi32, #tpu.memory_space<vmem>>
      %dma_wait3A_42 = arith.constant 0 : i32
      %dma_wait3A_43 = tpu.memref_slice %arg2[%dma_wait3A_42] : memref<4096xf32, #tpu.memory_space<hbm>> -> memref<4096xf32, #tpu.memory_space<hbm>>
      tpu.wait_indirect_dma semaphore(%arg13 : memref<!tpu.dma_semaphore, #tpu.memory_space<semaphore_mem>>) src(%dma_wait3A_43 : memref<4096xf32, #tpu.memory_space<hbm>>) dst(%dma_wait3A_38 : memref<128xf32, #tpu.memory_space<vmem>>)
    }
    %scan3A_29 = arith.constant 16 : i32
    "tpu.region"() ({
      %run_scoped3A = tpu.sem_alloc : memref<!tpu.dma_semaphore, #tpu.memory_space<semaphore_mem>>
      %dma_start3A = tpu.memref_slice %arg4[%mul3A_2] : memref<65536xf32, #tpu.memory_space<hbm>> -> memref<2048xf32, #tpu.memory_space<hbm>>
      %dma_start3A_30 = tpu.memref_slice %arg4[%mul3A_2] : memref<65536xf32, #tpu.memory_space<hbm>> -> memref<2048xf32, #tpu.memory_space<hbm>>
      tpu.enqueue_dma source(%arg10 : memref<2048xf32, #tpu.memory_space<vmem>>) target(%dma_start3A_30 : memref<2048xf32, #tpu.memory_space<hbm>>) target_semaphore(%run_scoped3A : memref<!tpu.dma_semaphore, #tpu.memory_space<semaphore_mem>>)
      %dma_wait3A = tpu.memref_slice %arg4[%mul3A_2] : memref<65536xf32, #tpu.memory_space<hbm>> -> memref<2048xf32, #tpu.memory_space<hbm>>
      %dma_wait3A_31 = tpu.memref_slice %arg4[%mul3A_2] : memref<65536xf32, #tpu.memory_space<hbm>> -> memref<2048xf32, #tpu.memory_space<hbm>>
      tpu.wait_dma2 semaphore(%run_scoped3A : memref<!tpu.dma_semaphore, #tpu.memory_space<semaphore_mem>>) src(%arg10 : memref<2048xf32, #tpu.memory_space<vmem>>) dst(%dma_wait3A_31 : memref<2048xf32, #tpu.memory_space<hbm>>)
      tpu.yield
    }) : () -> ()
    "tpu.region"() ({
      %run_scoped3A = tpu.sem_alloc : memref<!tpu.dma_semaphore, #tpu.memory_space<semaphore_mem>>
      %dma_start3A = tpu.memref_slice %arg5[%mul3A_2] : memref<65536xf32, #tpu.memory_space<hbm>> -> memref<2048xf32, #tpu.memory_space<hbm>>
      %dma_start3A_30 = tpu.memref_slice %arg5[%mul3A_2] : memref<65536xf32, #tpu.memory_space<hbm>> -> memref<2048xf32, #tpu.memory_space<hbm>>
      tpu.enqueue_dma source(%arg11 : memref<2048xf32, #tpu.memory_space<vmem>>) target(%dma_start3A_30 : memref<2048xf32, #tpu.memory_space<hbm>>) target_semaphore(%run_scoped3A : memref<!tpu.dma_semaphore, #tpu.memory_space<semaphore_mem>>)
      %dma_wait3A = tpu.memref_slice %arg5[%mul3A_2] : memref<65536xf32, #tpu.memory_space<hbm>> -> memref<2048xf32, #tpu.memory_space<hbm>>
      %dma_wait3A_31 = tpu.memref_slice %arg5[%mul3A_2] : memref<65536xf32, #tpu.memory_space<hbm>> -> memref<2048xf32, #tpu.memory_space<hbm>>
      tpu.wait_dma2 semaphore(%run_scoped3A : memref<!tpu.dma_semaphore, #tpu.memory_space<semaphore_mem>>) src(%arg11 : memref<2048xf32, #tpu.memory_space<vmem>>) dst(%dma_wait3A_31 : memref<2048xf32, #tpu.memory_space<hbm>>)
      tpu.yield
    }) : () -> ()
    return
  }
}

#map = affine_map<(d0, d1) -> (0, 0)>
module attributes {stable_mosaic.version = 14 : i64} {
  func.func @k(%arg0: i32, %arg1: i32, %arg2: memref<65536x256xf32, #tpu.memory_space<hbm>>, %arg3: memref<512x128xi32, #tpu.memory_space<hbm>>, %arg4: memref<4096x256xf32, #tpu.memory_space<hbm>>, %arg5: memref<32x128xi32, #tpu.memory_space<vmem>>, %arg6: memref<128x128xf32, #tpu.memory_space<vmem>>, %arg7: memref<128x128xf32, #tpu.memory_space<vmem>>, %arg8: memref<128x128xf32, #tpu.memory_space<vmem>>, %arg9: memref<128x128xf32, #tpu.memory_space<vmem>>, %arg10: memref<128x128xf32, #tpu.memory_space<vmem>>, %arg11: memref<4096x128xf32, #tpu.memory_space<vmem_shared>>, %arg12: memref<!tpu.dma_semaphore, #tpu.memory_space<semaphore_mem>>, %arg13: memref<!tpu.dma_semaphore, #tpu.memory_space<semaphore_mem>>, %arg14: memref<!tpu.dma_semaphore, #tpu.memory_space<semaphore_mem>>, %arg15: memref<!tpu.dma_semaphore, #tpu.memory_space<semaphore_mem>>, %arg16: memref<!tpu.dma_semaphore, #tpu.memory_space<semaphore_mem>>, %arg17: memref<!tpu.dma_semaphore, #tpu.memory_space<semaphore_mem>>, %arg18: memref<!tpu.dma_semaphore, #tpu.memory_space<semaphore_mem>>, %arg19: memref<!tpu.dma_semaphore, #tpu.memory_space<semaphore_mem>>) attributes {dimension_semantics = [#tpu.dimension_semantics<core_parallel>, #tpu.dimension_semantics<subcore_parallel>], iteration_bounds = array<i64: 2, 16>, scalar_prefetch = 0 : i64, scratch_operands = 15 : i64, tpu.core_type = #tpu.core_type<sc_vector_subcore>, window_params = [{transform_indices = #map}, {transform_indices = #map}, {transform_indices = #map}]} {
    %mul3A = arith.constant 4096 : i32
    %mul3A_0 = arith.muli %arg1, %mul3A : i32
    %mul3A_1 = arith.constant 128 : i32
    %mul3A_2 = arith.muli %arg0, %mul3A_1 : i32
    %mul3A_3 = arith.constant 32 : i32
    %mul3A_4 = arith.muli %arg1, %mul3A_3 : i32
    "tpu.region"() ({
      %run_scoped3A = tpu.sem_alloc : memref<!tpu.dma_semaphore, #tpu.memory_space<semaphore_mem>>
      %dma_start3A_68 = arith.constant 0 : i32
      %dma_start3A_69 = tpu.memref_slice %arg3[%mul3A_4, %dma_start3A_68] : memref<512x128xi32, #tpu.memory_space<hbm>> -> memref<32x128xi32, #tpu.memory_space<hbm>>
      %dma_start3A_70 = arith.constant 0 : i32
      %dma_start3A_71 = tpu.memref_slice %arg3[%mul3A_4, %dma_start3A_70] : memref<512x128xi32, #tpu.memory_space<hbm>> -> memref<32x128xi32, #tpu.memory_space<hbm>>
      tpu.enqueue_dma source(%dma_start3A_71 : memref<32x128xi32, #tpu.memory_space<hbm>>) target(%arg5 : memref<32x128xi32, #tpu.memory_space<vmem>>) target_semaphore(%run_scoped3A : memref<!tpu.dma_semaphore, #tpu.memory_space<semaphore_mem>>)
      %dma_wait3A_72 = arith.constant 0 : i32
      %dma_wait3A_73 = tpu.memref_slice %arg3[%mul3A_4, %dma_wait3A_72] : memref<512x128xi32, #tpu.memory_space<hbm>> -> memref<32x128xi32, #tpu.memory_space<hbm>>
      %dma_wait3A_74 = arith.constant 0 : i32
      %dma_wait3A_75 = tpu.memref_slice %arg3[%mul3A_4, %dma_wait3A_74] : memref<512x128xi32, #tpu.memory_space<hbm>> -> memref<32x128xi32, #tpu.memory_space<hbm>>
      tpu.wait_dma2 semaphore(%run_scoped3A : memref<!tpu.dma_semaphore, #tpu.memory_space<semaphore_mem>>) src(%dma_wait3A_75 : memref<32x128xi32, #tpu.memory_space<hbm>>) dst(%arg5 : memref<32x128xi32, #tpu.memory_space<vmem>>)
      tpu.yield
    }) : () -> ()
    %scan3A = arith.constant 0 : i32
    %scan3A_5 = arith.constant 0 : i32
    %scan3A_6 = arith.constant 128 : i32
    %scan3A_7 = arith.addi %scan3A_5, %scan3A_6 : i32
    %scan3A_8 = arith.constant 1 : i32
    scf.for %scan3A_68 = %scan3A_5 to %scan3A_7 step %scan3A_8  : i32 {
      %broadcast_in_dim3A = arith.constant 0.000000e+00 : f32
      %broadcast_in_dim3A_69 = vector.broadcast %broadcast_in_dim3A : f32 to vector<16xf32>
      %swap3A = arith.index_cast %scan3A_68 : i32 to index
      %swap3A_70 = arith.constant 0 : index
      %swap3A_71 = tpu.vector_load %arg10[%swap3A, %swap3A_70] {strides = array<i32>} : memref<128x128xf32, #tpu.memory_space<vmem>>, vector<1x16xf32>,
      %swap3A_72 = vector.shape_cast %swap3A_71 : vector<1x16xf32> to vector<16xf32>
      %swap3A_73 = vector.shape_cast %broadcast_in_dim3A_69 : vector<16xf32> to vector<1x16xf32>
      tpu.vector_store %arg10[%swap3A, %swap3A_70], %swap3A_73 {strides = array<i32>} : memref<128x128xf32, #tpu.memory_space<vmem>>, vector<1x16xf32>,
      %broadcast_in_dim3A_74 = arith.constant 0.000000e+00 : f32
      %broadcast_in_dim3A_75 = vector.broadcast %broadcast_in_dim3A_74 : f32 to vector<16xf32>
      %swap3A_76 = arith.index_cast %scan3A_68 : i32 to index
      %swap3A_77 = arith.constant 16 : index
      %swap3A_78 = tpu.vector_load %arg10[%swap3A_76, %swap3A_77] {strides = array<i32>} : memref<128x128xf32, #tpu.memory_space<vmem>>, vector<1x16xf32>,
      %swap3A_79 = vector.shape_cast %swap3A_78 : vector<1x16xf32> to vector<16xf32>
      %swap3A_80 = vector.shape_cast %broadcast_in_dim3A_75 : vector<16xf32> to vector<1x16xf32>
      tpu.vector_store %arg10[%swap3A_76, %swap3A_77], %swap3A_80 {strides = array<i32>} : memref<128x128xf32, #tpu.memory_space<vmem>>, vector<1x16xf32>,
      %broadcast_in_dim3A_81 = arith.constant 0.000000e+00 : f32
      %broadcast_in_dim3A_82 = vector.broadcast %broadcast_in_dim3A_81 : f32 to vector<16xf32>
      %swap3A_83 = arith.index_cast %scan3A_68 : i32 to index
      %swap3A_84 = arith.constant 32 : index
      %swap3A_85 = tpu.vector_load %arg10[%swap3A_83, %swap3A_84] {strides = array<i32>} : memref<128x128xf32, #tpu.memory_space<vmem>>, vector<1x16xf32>,
      %swap3A_86 = vector.shape_cast %swap3A_85 : vector<1x16xf32> to vector<16xf32>
      %swap3A_87 = vector.shape_cast %broadcast_in_dim3A_82 : vector<16xf32> to vector<1x16xf32>
      tpu.vector_store %arg10[%swap3A_83, %swap3A_84], %swap3A_87 {strides = array<i32>} : memref<128x128xf32, #tpu.memory_space<vmem>>, vector<1x16xf32>,
      %broadcast_in_dim3A_88 = arith.constant 0.000000e+00 : f32
      %broadcast_in_dim3A_89 = vector.broadcast %broadcast_in_dim3A_88 : f32 to vector<16xf32>
      %swap3A_90 = arith.index_cast %scan3A_68 : i32 to index
      %swap3A_91 = arith.constant 48 : index
      %swap3A_92 = tpu.vector_load %arg10[%swap3A_90, %swap3A_91] {strides = array<i32>} : memref<128x128xf32, #tpu.memory_space<vmem>>, vector<1x16xf32>,
      %swap3A_93 = vector.shape_cast %swap3A_92 : vector<1x16xf32> to vector<16xf32>
      %swap3A_94 = vector.shape_cast %broadcast_in_dim3A_89 : vector<16xf32> to vector<1x16xf32>
      tpu.vector_store %arg10[%swap3A_90, %swap3A_91], %swap3A_94 {strides = array<i32>} : memref<128x128xf32, #tpu.memory_space<vmem>>, vector<1x16xf32>,
      %broadcast_in_dim3A_95 = arith.constant 0.000000e+00 : f32
      %broadcast_in_dim3A_96 = vector.broadcast %broadcast_in_dim3A_95 : f32 to vector<16xf32>
      %swap3A_97 = arith.index_cast %scan3A_68 : i32 to index
      %swap3A_98 = arith.constant 64 : index
      %swap3A_99 = tpu.vector_load %arg10[%swap3A_97, %swap3A_98] {strides = array<i32>} : memref<128x128xf32, #tpu.memory_space<vmem>>, vector<1x16xf32>,
      %swap3A_100 = vector.shape_cast %swap3A_99 : vector<1x16xf32> to vector<16xf32>
      %swap3A_101 = vector.shape_cast %broadcast_in_dim3A_96 : vector<16xf32> to vector<1x16xf32>
      tpu.vector_store %arg10[%swap3A_97, %swap3A_98], %swap3A_101 {strides = array<i32>} : memref<128x128xf32, #tpu.memory_space<vmem>>, vector<1x16xf32>,
      %broadcast_in_dim3A_102 = arith.constant 0.000000e+00 : f32
      %broadcast_in_dim3A_103 = vector.broadcast %broadcast_in_dim3A_102 : f32 to vector<16xf32>
      %swap3A_104 = arith.index_cast %scan3A_68 : i32 to index
      %swap3A_105 = arith.constant 80 : index
      %swap3A_106 = tpu.vector_load %arg10[%swap3A_104, %swap3A_105] {strides = array<i32>} : memref<128x128xf32, #tpu.memory_space<vmem>>, vector<1x16xf32>,
      %swap3A_107 = vector.shape_cast %swap3A_106 : vector<1x16xf32> to vector<16xf32>
      %swap3A_108 = vector.shape_cast %broadcast_in_dim3A_103 : vector<16xf32> to vector<1x16xf32>
      tpu.vector_store %arg10[%swap3A_104, %swap3A_105], %swap3A_108 {strides = array<i32>} : memref<128x128xf32, #tpu.memory_space<vmem>>, vector<1x16xf32>,
      %broadcast_in_dim3A_109 = arith.constant 0.000000e+00 : f32
      %broadcast_in_dim3A_110 = vector.broadcast %broadcast_in_dim3A_109 : f32 to vector<16xf32>
      %swap3A_111 = arith.index_cast %scan3A_68 : i32 to index
      %swap3A_112 = arith.constant 96 : index
      %swap3A_113 = tpu.vector_load %arg10[%swap3A_111, %swap3A_112] {strides = array<i32>} : memref<128x128xf32, #tpu.memory_space<vmem>>, vector<1x16xf32>,
      %swap3A_114 = vector.shape_cast %swap3A_113 : vector<1x16xf32> to vector<16xf32>
      %swap3A_115 = vector.shape_cast %broadcast_in_dim3A_110 : vector<16xf32> to vector<1x16xf32>
      tpu.vector_store %arg10[%swap3A_111, %swap3A_112], %swap3A_115 {strides = array<i32>} : memref<128x128xf32, #tpu.memory_space<vmem>>, vector<1x16xf32>,
      %broadcast_in_dim3A_116 = arith.constant 0.000000e+00 : f32
      %broadcast_in_dim3A_117 = vector.broadcast %broadcast_in_dim3A_116 : f32 to vector<16xf32>
      %swap3A_118 = arith.index_cast %scan3A_68 : i32 to index
      %swap3A_119 = arith.constant 112 : index
      %swap3A_120 = tpu.vector_load %arg10[%swap3A_118, %swap3A_119] {strides = array<i32>} : memref<128x128xf32, #tpu.memory_space<vmem>>, vector<1x16xf32>,
      %swap3A_121 = vector.shape_cast %swap3A_120 : vector<1x16xf32> to vector<16xf32>
      %swap3A_122 = vector.shape_cast %broadcast_in_dim3A_117 : vector<16xf32> to vector<1x16xf32>
      tpu.vector_store %arg10[%swap3A_118, %swap3A_119], %swap3A_122 {strides = array<i32>} : memref<128x128xf32, #tpu.memory_space<vmem>>, vector<1x16xf32>,
    }
    %scan3A_9 = arith.constant 128 : i32
    %mul3A_10 = arith.constant 256 : i32
    %mul3A_11 = arith.muli %arg1, %mul3A_10 : i32
    "tpu.region"() ({
      %run_scoped3A = tpu.sem_alloc : memref<!tpu.dma_semaphore, #tpu.memory_space<semaphore_mem>>
      %dma_start3A_68 = arith.constant 0 : i32
      %dma_start3A_69 = tpu.memref_slice %arg11[%mul3A_11, %dma_start3A_68] : memref<4096x128xf32, #tpu.memory_space<vmem_shared>> -> memref<128x128xf32, #tpu.memory_space<vmem_shared>>
      %dma_start3A_70 = arith.constant 0 : i32
      %dma_start3A_71 = tpu.memref_slice %arg11[%mul3A_11, %dma_start3A_70] : memref<4096x128xf32, #tpu.memory_space<vmem_shared>> -> memref<128x128xf32, #tpu.memory_space<vmem_shared>>
      tpu.enqueue_dma source(%arg10 : memref<128x128xf32, #tpu.memory_space<vmem>>) target(%dma_start3A_71 : memref<128x128xf32, #tpu.memory_space<vmem_shared>>) target_semaphore(%run_scoped3A : memref<!tpu.dma_semaphore, #tpu.memory_space<semaphore_mem>>)
      %dma_wait3A_72 = arith.constant 0 : i32
      %dma_wait3A_73 = tpu.memref_slice %arg11[%mul3A_11, %dma_wait3A_72] : memref<4096x128xf32, #tpu.memory_space<vmem_shared>> -> memref<128x128xf32, #tpu.memory_space<vmem_shared>>
      %dma_wait3A_74 = arith.constant 0 : i32
      %dma_wait3A_75 = tpu.memref_slice %arg11[%mul3A_11, %dma_wait3A_74] : memref<4096x128xf32, #tpu.memory_space<vmem_shared>> -> memref<128x128xf32, #tpu.memory_space<vmem_shared>>
      tpu.wait_dma2 semaphore(%run_scoped3A : memref<!tpu.dma_semaphore, #tpu.memory_space<semaphore_mem>>) src(%arg10 : memref<128x128xf32, #tpu.memory_space<vmem>>) dst(%dma_wait3A_75 : memref<128x128xf32, #tpu.memory_space<vmem_shared>>)
      tpu.yield
    }) : () -> ()
    %mul3A_12 = arith.constant 256 : i32
    %mul3A_13 = arith.muli %arg1, %mul3A_12 : i32
    %add3A = arith.constant 128 : i32
    %add3A_14 = arith.addi %mul3A_13, %add3A : i32
    "tpu.region"() ({
      %run_scoped3A = tpu.sem_alloc : memref<!tpu.dma_semaphore, #tpu.memory_space<semaphore_mem>>
      %dma_start3A_68 = arith.constant 0 : i32
      %dma_start3A_69 = tpu.memref_slice %arg11[%add3A_14, %dma_start3A_68] : memref<4096x128xf32, #tpu.memory_space<vmem_shared>> -> memref<128x128xf32, #tpu.memory_space<vmem_shared>>
      %dma_start3A_70 = arith.constant 0 : i32
      %dma_start3A_71 = tpu.memref_slice %arg11[%add3A_14, %dma_start3A_70] : memref<4096x128xf32, #tpu.memory_space<vmem_shared>> -> memref<128x128xf32, #tpu.memory_space<vmem_shared>>
      tpu.enqueue_dma source(%arg10 : memref<128x128xf32, #tpu.memory_space<vmem>>) target(%dma_start3A_71 : memref<128x128xf32, #tpu.memory_space<vmem_shared>>) target_semaphore(%run_scoped3A : memref<!tpu.dma_semaphore, #tpu.memory_space<semaphore_mem>>)
      %dma_wait3A_72 = arith.constant 0 : i32
      %dma_wait3A_73 = tpu.memref_slice %arg11[%add3A_14, %dma_wait3A_72] : memref<4096x128xf32, #tpu.memory_space<vmem_shared>> -> memref<128x128xf32, #tpu.memory_space<vmem_shared>>
      %dma_wait3A_74 = arith.constant 0 : i32
      %dma_wait3A_75 = tpu.memref_slice %arg11[%add3A_14, %dma_wait3A_74] : memref<4096x128xf32, #tpu.memory_space<vmem_shared>> -> memref<128x128xf32, #tpu.memory_space<vmem_shared>>
      tpu.wait_dma2 semaphore(%run_scoped3A : memref<!tpu.dma_semaphore, #tpu.memory_space<semaphore_mem>>) src(%arg10 : memref<128x128xf32, #tpu.memory_space<vmem>>) dst(%dma_wait3A_75 : memref<128x128xf32, #tpu.memory_space<vmem_shared>>)
      tpu.yield
    }) : () -> ()
    %barrier3A = arith.constant 0 : index
    tpu.barrier barrier_id(%barrier3A)
    %add3A_15 = arith.constant 0 : i32
    %add3A_16 = arith.addi %mul3A_0, %add3A_15 : i32
    %dma_start3A = tpu.memref_slice %arg2[%add3A_16, %mul3A_2] : memref<65536x256xf32, #tpu.memory_space<hbm>> -> memref<128x128xf32, #tpu.memory_space<hbm>>
    %dma_start3A_17 = tpu.memref_slice %arg2[%add3A_16, %mul3A_2] : memref<65536x256xf32, #tpu.memory_space<hbm>> -> memref<128x128xf32, #tpu.memory_space<hbm>>
    tpu.enqueue_dma source(%dma_start3A_17 : memref<128x128xf32, #tpu.memory_space<hbm>>) target(%arg6 : memref<128x128xf32, #tpu.memory_space<vmem>>) target_semaphore(%arg12 : memref<!tpu.dma_semaphore, #tpu.memory_space<semaphore_mem>>)
    %add3A_18 = arith.constant 128 : i32
    %add3A_19 = arith.addi %mul3A_0, %add3A_18 : i32
    %dma_start3A_20 = tpu.memref_slice %arg2[%add3A_19, %mul3A_2] : memref<65536x256xf32, #tpu.memory_space<hbm>> -> memref<128x128xf32, #tpu.memory_space<hbm>>
    %dma_start3A_21 = tpu.memref_slice %arg2[%add3A_19, %mul3A_2] : memref<65536x256xf32, #tpu.memory_space<hbm>> -> memref<128x128xf32, #tpu.memory_space<hbm>>
    tpu.enqueue_dma source(%dma_start3A_21 : memref<128x128xf32, #tpu.memory_space<hbm>>) target(%arg7 : memref<128x128xf32, #tpu.memory_space<vmem>>) target_semaphore(%arg13 : memref<!tpu.dma_semaphore, #tpu.memory_space<semaphore_mem>>)
    %add3A_22 = arith.constant 256 : i32
    %add3A_23 = arith.addi %mul3A_0, %add3A_22 : i32
    %dma_start3A_24 = tpu.memref_slice %arg2[%add3A_23, %mul3A_2] : memref<65536x256xf32, #tpu.memory_space<hbm>> -> memref<128x128xf32, #tpu.memory_space<hbm>>
    %dma_start3A_25 = tpu.memref_slice %arg2[%add3A_23, %mul3A_2] : memref<65536x256xf32, #tpu.memory_space<hbm>> -> memref<128x128xf32, #tpu.memory_space<hbm>>
    tpu.enqueue_dma source(%dma_start3A_25 : memref<128x128xf32, #tpu.memory_space<hbm>>) target(%arg8 : memref<128x128xf32, #tpu.memory_space<vmem>>) target_semaphore(%arg14 : memref<!tpu.dma_semaphore, #tpu.memory_space<semaphore_mem>>)
    %add3A_26 = arith.constant 384 : i32
    %add3A_27 = arith.addi %mul3A_0, %add3A_26 : i32
    %dma_start3A_28 = tpu.memref_slice %arg2[%add3A_27, %mul3A_2] : memref<65536x256xf32, #tpu.memory_space<hbm>> -> memref<128x128xf32, #tpu.memory_space<hbm>>
    %dma_start3A_29 = tpu.memref_slice %arg2[%add3A_27, %mul3A_2] : memref<65536x256xf32, #tpu.memory_space<hbm>> -> memref<128x128xf32, #tpu.memory_space<hbm>>
    tpu.enqueue_dma source(%dma_start3A_29 : memref<128x128xf32, #tpu.memory_space<hbm>>) target(%arg9 : memref<128x128xf32, #tpu.memory_space<vmem>>) target_semaphore(%arg15 : memref<!tpu.dma_semaphore, #tpu.memory_space<semaphore_mem>>)
    %scan3A_30 = arith.constant 0 : i32
    %scan3A_31 = arith.constant 0 : i32
    %scan3A_32 = arith.constant 8 : i32
    %scan3A_33 = arith.addi %scan3A_31, %scan3A_32 : i32
    %scan3A_34 = arith.constant 1 : i32
    scf.for %scan3A_68 = %scan3A_31 to %scan3A_33 step %scan3A_34  : i32 {
      %mul3A_69 = arith.constant 4 : i32
      %mul3A_70 = arith.muli %scan3A_68, %mul3A_69 : i32
      %add3A_71 = arith.constant 0 : i32
      %add3A_72 = arith.addi %mul3A_70, %add3A_71 : i32
      %mul3A_73 = arith.constant 128 : i32
      %mul3A_74 = arith.muli %add3A_72, %mul3A_73 : i32
      %add3A_75 = arith.addi %mul3A_0, %mul3A_74 : i32
      %dma_wait3A_76 = tpu.memref_slice %arg2[%add3A_75, %mul3A_2] : memref<65536x256xf32, #tpu.memory_space<hbm>> -> memref<128x128xf32, #tpu.memory_space<hbm>>
      %dma_wait3A_77 = tpu.memref_slice %arg2[%add3A_75, %mul3A_2] : memref<65536x256xf32, #tpu.memory_space<hbm>> -> memref<128x128xf32, #tpu.memory_space<hbm>>
      tpu.wait_dma2 semaphore(%arg12 : memref<!tpu.dma_semaphore, #tpu.memory_space<semaphore_mem>>) src(%dma_wait3A_77 : memref<128x128xf32, #tpu.memory_space<hbm>>) dst(%arg6 : memref<128x128xf32, #tpu.memory_space<vmem>>)
      %dma_start3A_78 = arith.constant 0 : i32
      %dma_start3A_79 = tpu.memref_slice %arg5[%add3A_72, %dma_start3A_78] : memref<32x128xi32, #tpu.memory_space<vmem>> -> memref<1x128xi32, #tpu.memory_space<vmem>>
      %dma_start3A_80 = tpu.memref_squeeze %dma_start3A_79 : memref<1x128xi32, #tpu.memory_space<vmem>> -> memref<128xi32, #tpu.memory_space<vmem>>
      %dma_start3A_81 = arith.constant 0 : i32
      %dma_start3A_82 = arith.constant 0 : i32
      %dma_start3A_83 = tpu.memref_slice %arg11[%dma_start3A_81, %dma_start3A_82] : memref<4096x128xf32, #tpu.memory_space<vmem_shared>> -> memref<4096x128xf32, #tpu.memory_space<vmem_shared>>
      tpu.enqueue_indirect_dma source(%arg6 : memref<128x128xf32, #tpu.memory_space<vmem>>) target(%dma_start3A_83 : memref<4096x128xf32, #tpu.memory_space<vmem_shared>>) offsets(%dma_start3A_80 : memref<128xi32, #tpu.memory_space<vmem>>) semaphore(%arg16 : memref<!tpu.dma_semaphore, #tpu.memory_space<semaphore_mem>>) {add = true}
      %add3A_84 = arith.constant 4 : i32
      %add3A_85 = arith.addi %add3A_72, %add3A_84 : i32
      %lt3A = arith.constant 32 : i32
      %lt3A_86 = arith.cmpi slt, %add3A_85, %lt3A : i32
      %convert_element_type3A = arith.extui %lt3A_86 : i1 to i32
      %cond3A = arith.constant 0 : i32
      %cond3A_87 = arith.cmpi ne, %convert_element_type3A, %cond3A : i32
      scf.if %cond3A_87 {
        %dma_wait3A_154 = arith.constant 0 : i32
        %dma_wait3A_155 = tpu.memref_slice %arg5[%add3A_72, %dma_wait3A_154] : memref<32x128xi32, #tpu.memory_space<vmem>> -> memref<1x128xi32, #tpu.memory_space<vmem>>
        %dma_wait3A_156 = tpu.memref_squeeze %dma_wait3A_155 : memref<1x128xi32, #tpu.memory_space<vmem>> -> memref<128xi32, #tpu.memory_space<vmem>>
        %dma_wait3A_157 = arith.constant 0 : i32
        %dma_wait3A_158 = arith.constant 0 : i32
        %dma_wait3A_159 = tpu.memref_slice %arg11[%dma_wait3A_157, %dma_wait3A_158] : memref<4096x128xf32, #tpu.memory_space<vmem_shared>> -> memref<4096x128xf32, #tpu.memory_space<vmem_shared>>
        tpu.wait_indirect_dma semaphore(%arg16 : memref<!tpu.dma_semaphore, #tpu.memory_space<semaphore_mem>>) src(%arg6 : memref<128x128xf32, #tpu.memory_space<vmem>>) dst(%dma_wait3A_159 : memref<4096x128xf32, #tpu.memory_space<vmem_shared>>)
        %add3A_160 = arith.constant 4 : i32
        %add3A_161 = arith.addi %add3A_72, %add3A_160 : i32
        %mul3A_162 = arith.constant 128 : i32
        %mul3A_163 = arith.muli %add3A_161, %mul3A_162 : i32
        %add3A_164 = arith.addi %mul3A_0, %mul3A_163 : i32
        %dma_start3A_165 = tpu.memref_slice %arg2[%add3A_164, %mul3A_2] : memref<65536x256xf32, #tpu.memory_space<hbm>> -> memref<128x128xf32, #tpu.memory_space<hbm>>
        %dma_start3A_166 = tpu.memref_slice %arg2[%add3A_164, %mul3A_2] : memref<65536x256xf32, #tpu.memory_space<hbm>> -> memref<128x128xf32, #tpu.memory_space<hbm>>
        tpu.enqueue_dma source(%dma_start3A_166 : memref<128x128xf32, #tpu.memory_space<hbm>>) target(%arg6 : memref<128x128xf32, #tpu.memory_space<vmem>>) target_semaphore(%arg12 : memref<!tpu.dma_semaphore, #tpu.memory_space<semaphore_mem>>)
      } else {
      }
      %mul3A_88 = arith.constant 4 : i32
      %mul3A_89 = arith.muli %scan3A_68, %mul3A_88 : i32
      %add3A_90 = arith.constant 1 : i32
      %add3A_91 = arith.addi %mul3A_89, %add3A_90 : i32
      %mul3A_92 = arith.constant 128 : i32
      %mul3A_93 = arith.muli %add3A_91, %mul3A_92 : i32
      %add3A_94 = arith.addi %mul3A_0, %mul3A_93 : i32
      %dma_wait3A_95 = tpu.memref_slice %arg2[%add3A_94, %mul3A_2] : memref<65536x256xf32, #tpu.memory_space<hbm>> -> memref<128x128xf32, #tpu.memory_space<hbm>>
      %dma_wait3A_96 = tpu.memref_slice %arg2[%add3A_94, %mul3A_2] : memref<65536x256xf32, #tpu.memory_space<hbm>> -> memref<128x128xf32, #tpu.memory_space<hbm>>
      tpu.wait_dma2 semaphore(%arg13 : memref<!tpu.dma_semaphore, #tpu.memory_space<semaphore_mem>>) src(%dma_wait3A_96 : memref<128x128xf32, #tpu.memory_space<hbm>>) dst(%arg7 : memref<128x128xf32, #tpu.memory_space<vmem>>)
      %dma_start3A_97 = arith.constant 0 : i32
      %dma_start3A_98 = tpu.memref_slice %arg5[%add3A_91, %dma_start3A_97] : memref<32x128xi32, #tpu.memory_space<vmem>> -> memref<1x128xi32, #tpu.memory_space<vmem>>
      %dma_start3A_99 = tpu.memref_squeeze %dma_start3A_98 : memref<1x128xi32, #tpu.memory_space<vmem>> -> memref<128xi32, #tpu.memory_space<vmem>>
      %dma_start3A_100 = arith.constant 0 : i32
      %dma_start3A_101 = arith.constant 0 : i32
      %dma_start3A_102 = tpu.memref_slice %arg11[%dma_start3A_100, %dma_start3A_101] : memref<4096x128xf32, #tpu.memory_space<vmem_shared>> -> memref<4096x128xf32, #tpu.memory_space<vmem_shared>>
      tpu.enqueue_indirect_dma source(%arg7 : memref<128x128xf32, #tpu.memory_space<vmem>>) target(%dma_start3A_102 : memref<4096x128xf32, #tpu.memory_space<vmem_shared>>) offsets(%dma_start3A_99 : memref<128xi32, #tpu.memory_space<vmem>>) semaphore(%arg17 : memref<!tpu.dma_semaphore, #tpu.memory_space<semaphore_mem>>) {add = true}
      %add3A_103 = arith.constant 4 : i32
      %add3A_104 = arith.addi %add3A_91, %add3A_103 : i32
      %lt3A_105 = arith.constant 32 : i32
      %lt3A_106 = arith.cmpi slt, %add3A_104, %lt3A_105 : i32
      %convert_element_type3A_107 = arith.extui %lt3A_106 : i1 to i32
      %cond3A_108 = arith.constant 0 : i32
      %cond3A_109 = arith.cmpi ne, %convert_element_type3A_107, %cond3A_108 : i32
      scf.if %cond3A_109 {
        %dma_wait3A_154 = arith.constant 0 : i32
        %dma_wait3A_155 = tpu.memref_slice %arg5[%add3A_91, %dma_wait3A_154] : memref<32x128xi32, #tpu.memory_space<vmem>> -> memref<1x128xi32, #tpu.memory_space<vmem>>
        %dma_wait3A_156 = tpu.memref_squeeze %dma_wait3A_155 : memref<1x128xi32, #tpu.memory_space<vmem>> -> memref<128xi32, #tpu.memory_space<vmem>>
        %dma_wait3A_157 = arith.constant 0 : i32
        %dma_wait3A_158 = arith.constant 0 : i32
        %dma_wait3A_159 = tpu.memref_slice %arg11[%dma_wait3A_157, %dma_wait3A_158] : memref<4096x128xf32, #tpu.memory_space<vmem_shared>> -> memref<4096x128xf32, #tpu.memory_space<vmem_shared>>
        tpu.wait_indirect_dma semaphore(%arg17 : memref<!tpu.dma_semaphore, #tpu.memory_space<semaphore_mem>>) src(%arg7 : memref<128x128xf32, #tpu.memory_space<vmem>>) dst(%dma_wait3A_159 : memref<4096x128xf32, #tpu.memory_space<vmem_shared>>)
        %add3A_160 = arith.constant 4 : i32
        %add3A_161 = arith.addi %add3A_91, %add3A_160 : i32
        %mul3A_162 = arith.constant 128 : i32
        %mul3A_163 = arith.muli %add3A_161, %mul3A_162 : i32
        %add3A_164 = arith.addi %mul3A_0, %mul3A_163 : i32
        %dma_start3A_165 = tpu.memref_slice %arg2[%add3A_164, %mul3A_2] : memref<65536x256xf32, #tpu.memory_space<hbm>> -> memref<128x128xf32, #tpu.memory_space<hbm>>
        %dma_start3A_166 = tpu.memref_slice %arg2[%add3A_164, %mul3A_2] : memref<65536x256xf32, #tpu.memory_space<hbm>> -> memref<128x128xf32, #tpu.memory_space<hbm>>
        tpu.enqueue_dma source(%dma_start3A_166 : memref<128x128xf32, #tpu.memory_space<hbm>>) target(%arg7 : memref<128x128xf32, #tpu.memory_space<vmem>>) target_semaphore(%arg13 : memref<!tpu.dma_semaphore, #tpu.memory_space<semaphore_mem>>)
      } else {
      }
      %mul3A_110 = arith.constant 4 : i32
      %mul3A_111 = arith.muli %scan3A_68, %mul3A_110 : i32
      %add3A_112 = arith.constant 2 : i32
      %add3A_113 = arith.addi %mul3A_111, %add3A_112 : i32
      %mul3A_114 = arith.constant 128 : i32
      %mul3A_115 = arith.muli %add3A_113, %mul3A_114 : i32
      %add3A_116 = arith.addi %mul3A_0, %mul3A_115 : i32
      %dma_wait3A_117 = tpu.memref_slice %arg2[%add3A_116, %mul3A_2] : memref<65536x256xf32, #tpu.memory_space<hbm>> -> memref<128x128xf32, #tpu.memory_space<hbm>>
      %dma_wait3A_118 = tpu.memref_slice %arg2[%add3A_116, %mul3A_2] : memref<65536x256xf32, #tpu.memory_space<hbm>> -> memref<128x128xf32, #tpu.memory_space<hbm>>
      tpu.wait_dma2 semaphore(%arg14 : memref<!tpu.dma_semaphore, #tpu.memory_space<semaphore_mem>>) src(%dma_wait3A_118 : memref<128x128xf32, #tpu.memory_space<hbm>>) dst(%arg8 : memref<128x128xf32, #tpu.memory_space<vmem>>)
      %dma_start3A_119 = arith.constant 0 : i32
      %dma_start3A_120 = tpu.memref_slice %arg5[%add3A_113, %dma_start3A_119] : memref<32x128xi32, #tpu.memory_space<vmem>> -> memref<1x128xi32, #tpu.memory_space<vmem>>
      %dma_start3A_121 = tpu.memref_squeeze %dma_start3A_120 : memref<1x128xi32, #tpu.memory_space<vmem>> -> memref<128xi32, #tpu.memory_space<vmem>>
      %dma_start3A_122 = arith.constant 0 : i32
      %dma_start3A_123 = arith.constant 0 : i32
      %dma_start3A_124 = tpu.memref_slice %arg11[%dma_start3A_122, %dma_start3A_123] : memref<4096x128xf32, #tpu.memory_space<vmem_shared>> -> memref<4096x128xf32, #tpu.memory_space<vmem_shared>>
      tpu.enqueue_indirect_dma source(%arg8 : memref<128x128xf32, #tpu.memory_space<vmem>>) target(%dma_start3A_124 : memref<4096x128xf32, #tpu.memory_space<vmem_shared>>) offsets(%dma_start3A_121 : memref<128xi32, #tpu.memory_space<vmem>>) semaphore(%arg18 : memref<!tpu.dma_semaphore, #tpu.memory_space<semaphore_mem>>) {add = true}
      %add3A_125 = arith.constant 4 : i32
      %add3A_126 = arith.addi %add3A_113, %add3A_125 : i32
      %lt3A_127 = arith.constant 32 : i32
      %lt3A_128 = arith.cmpi slt, %add3A_126, %lt3A_127 : i32
      %convert_element_type3A_129 = arith.extui %lt3A_128 : i1 to i32
      %cond3A_130 = arith.constant 0 : i32
      %cond3A_131 = arith.cmpi ne, %convert_element_type3A_129, %cond3A_130 : i32
      scf.if %cond3A_131 {
        %dma_wait3A_154 = arith.constant 0 : i32
        %dma_wait3A_155 = tpu.memref_slice %arg5[%add3A_113, %dma_wait3A_154] : memref<32x128xi32, #tpu.memory_space<vmem>> -> memref<1x128xi32, #tpu.memory_space<vmem>>
        %dma_wait3A_156 = tpu.memref_squeeze %dma_wait3A_155 : memref<1x128xi32, #tpu.memory_space<vmem>> -> memref<128xi32, #tpu.memory_space<vmem>>
        %dma_wait3A_157 = arith.constant 0 : i32
        %dma_wait3A_158 = arith.constant 0 : i32
        %dma_wait3A_159 = tpu.memref_slice %arg11[%dma_wait3A_157, %dma_wait3A_158] : memref<4096x128xf32, #tpu.memory_space<vmem_shared>> -> memref<4096x128xf32, #tpu.memory_space<vmem_shared>>
        tpu.wait_indirect_dma semaphore(%arg18 : memref<!tpu.dma_semaphore, #tpu.memory_space<semaphore_mem>>) src(%arg8 : memref<128x128xf32, #tpu.memory_space<vmem>>) dst(%dma_wait3A_159 : memref<4096x128xf32, #tpu.memory_space<vmem_shared>>)
        %add3A_160 = arith.constant 4 : i32
        %add3A_161 = arith.addi %add3A_113, %add3A_160 : i32
        %mul3A_162 = arith.constant 128 : i32
        %mul3A_163 = arith.muli %add3A_161, %mul3A_162 : i32
        %add3A_164 = arith.addi %mul3A_0, %mul3A_163 : i32
        %dma_start3A_165 = tpu.memref_slice %arg2[%add3A_164, %mul3A_2] : memref<65536x256xf32, #tpu.memory_space<hbm>> -> memref<128x128xf32, #tpu.memory_space<hbm>>
        %dma_start3A_166 = tpu.memref_slice %arg2[%add3A_164, %mul3A_2] : memref<65536x256xf32, #tpu.memory_space<hbm>> -> memref<128x128xf32, #tpu.memory_space<hbm>>
        tpu.enqueue_dma source(%dma_start3A_166 : memref<128x128xf32, #tpu.memory_space<hbm>>) target(%arg8 : memref<128x128xf32, #tpu.memory_space<vmem>>) target_semaphore(%arg14 : memref<!tpu.dma_semaphore, #tpu.memory_space<semaphore_mem>>)
      } else {
      }
      %mul3A_132 = arith.constant 4 : i32
      %mul3A_133 = arith.muli %scan3A_68, %mul3A_132 : i32
      %add3A_134 = arith.constant 3 : i32
      %add3A_135 = arith.addi %mul3A_133, %add3A_134 : i32
      %mul3A_136 = arith.constant 128 : i32
      %mul3A_137 = arith.muli %add3A_135, %mul3A_136 : i32
      %add3A_138 = arith.addi %mul3A_0, %mul3A_137 : i32
      %dma_wait3A_139 = tpu.memref_slice %arg2[%add3A_138, %mul3A_2] : memref<65536x256xf32, #tpu.memory_space<hbm>> -> memref<128x128xf32, #tpu.memory_space<hbm>>
      %dma_wait3A_140 = tpu.memref_slice %arg2[%add3A_138, %mul3A_2] : memref<65536x256xf32, #tpu.memory_space<hbm>> -> memref<128x128xf32, #tpu.memory_space<hbm>>
      tpu.wait_dma2 semaphore(%arg15 : memref<!tpu.dma_semaphore, #tpu.memory_space<semaphore_mem>>) src(%dma_wait3A_140 : memref<128x128xf32, #tpu.memory_space<hbm>>) dst(%arg9 : memref<128x128xf32, #tpu.memory_space<vmem>>)
      %dma_start3A_141 = arith.constant 0 : i32
      %dma_start3A_142 = tpu.memref_slice %arg5[%add3A_135, %dma_start3A_141] : memref<32x128xi32, #tpu.memory_space<vmem>> -> memref<1x128xi32, #tpu.memory_space<vmem>>
      %dma_start3A_143 = tpu.memref_squeeze %dma_start3A_142 : memref<1x128xi32, #tpu.memory_space<vmem>> -> memref<128xi32, #tpu.memory_space<vmem>>
      %dma_start3A_144 = arith.constant 0 : i32
      %dma_start3A_145 = arith.constant 0 : i32
      %dma_start3A_146 = tpu.memref_slice %arg11[%dma_start3A_144, %dma_start3A_145] : memref<4096x128xf32, #tpu.memory_space<vmem_shared>> -> memref<4096x128xf32, #tpu.memory_space<vmem_shared>>
      tpu.enqueue_indirect_dma source(%arg9 : memref<128x128xf32, #tpu.memory_space<vmem>>) target(%dma_start3A_146 : memref<4096x128xf32, #tpu.memory_space<vmem_shared>>) offsets(%dma_start3A_143 : memref<128xi32, #tpu.memory_space<vmem>>) semaphore(%arg19 : memref<!tpu.dma_semaphore, #tpu.memory_space<semaphore_mem>>) {add = true}
      %add3A_147 = arith.constant 4 : i32
      %add3A_148 = arith.addi %add3A_135, %add3A_147 : i32
      %lt3A_149 = arith.constant 32 : i32
      %lt3A_150 = arith.cmpi slt, %add3A_148, %lt3A_149 : i32
      %convert_element_type3A_151 = arith.extui %lt3A_150 : i1 to i32
      %cond3A_152 = arith.constant 0 : i32
      %cond3A_153 = arith.cmpi ne, %convert_element_type3A_151, %cond3A_152 : i32
      scf.if %cond3A_153 {
        %dma_wait3A_154 = arith.constant 0 : i32
        %dma_wait3A_155 = tpu.memref_slice %arg5[%add3A_135, %dma_wait3A_154] : memref<32x128xi32, #tpu.memory_space<vmem>> -> memref<1x128xi32, #tpu.memory_space<vmem>>
        %dma_wait3A_156 = tpu.memref_squeeze %dma_wait3A_155 : memref<1x128xi32, #tpu.memory_space<vmem>> -> memref<128xi32, #tpu.memory_space<vmem>>
        %dma_wait3A_157 = arith.constant 0 : i32
        %dma_wait3A_158 = arith.constant 0 : i32
        %dma_wait3A_159 = tpu.memref_slice %arg11[%dma_wait3A_157, %dma_wait3A_158] : memref<4096x128xf32, #tpu.memory_space<vmem_shared>> -> memref<4096x128xf32, #tpu.memory_space<vmem_shared>>
        tpu.wait_indirect_dma semaphore(%arg19 : memref<!tpu.dma_semaphore, #tpu.memory_space<semaphore_mem>>) src(%arg9 : memref<128x128xf32, #tpu.memory_space<vmem>>) dst(%dma_wait3A_159 : memref<4096x128xf32, #tpu.memory_space<vmem_shared>>)
        %add3A_160 = arith.constant 4 : i32
        %add3A_161 = arith.addi %add3A_135, %add3A_160 : i32
        %mul3A_162 = arith.constant 128 : i32
        %mul3A_163 = arith.muli %add3A_161, %mul3A_162 : i32
        %add3A_164 = arith.addi %mul3A_0, %mul3A_163 : i32
        %dma_start3A_165 = tpu.memref_slice %arg2[%add3A_164, %mul3A_2] : memref<65536x256xf32, #tpu.memory_space<hbm>> -> memref<128x128xf32, #tpu.memory_space<hbm>>
        %dma_start3A_166 = tpu.memref_slice %arg2[%add3A_164, %mul3A_2] : memref<65536x256xf32, #tpu.memory_space<hbm>> -> memref<128x128xf32, #tpu.memory_space<hbm>>
        tpu.enqueue_dma source(%dma_start3A_166 : memref<128x128xf32, #tpu.memory_space<hbm>>) target(%arg9 : memref<128x128xf32, #tpu.memory_space<vmem>>) target_semaphore(%arg15 : memref<!tpu.dma_semaphore, #tpu.memory_space<semaphore_mem>>)
      } else {
      }
    }
    %scan3A_35 = arith.constant 8 : i32
    %dma_wait3A = arith.constant 28 : i32
    %dma_wait3A_36 = arith.constant 0 : i32
    %dma_wait3A_37 = tpu.memref_slice %arg5[%dma_wait3A, %dma_wait3A_36] : memref<32x128xi32, #tpu.memory_space<vmem>> -> memref<1x128xi32, #tpu.memory_space<vmem>>
    %dma_wait3A_38 = tpu.memref_squeeze %dma_wait3A_37 : memref<1x128xi32, #tpu.memory_space<vmem>> -> memref<128xi32, #tpu.memory_space<vmem>>
    %dma_wait3A_39 = arith.constant 0 : i32
    %dma_wait3A_40 = arith.constant 0 : i32
    %dma_wait3A_41 = tpu.memref_slice %arg11[%dma_wait3A_39, %dma_wait3A_40] : memref<4096x128xf32, #tpu.memory_space<vmem_shared>> -> memref<4096x128xf32, #tpu.memory_space<vmem_shared>>
    tpu.wait_indirect_dma semaphore(%arg16 : memref<!tpu.dma_semaphore, #tpu.memory_space<semaphore_mem>>) src(%arg6 : memref<128x128xf32, #tpu.memory_space<vmem>>) dst(%dma_wait3A_41 : memref<4096x128xf32, #tpu.memory_space<vmem_shared>>)
    %dma_wait3A_42 = arith.constant 29 : i32
    %dma_wait3A_43 = arith.constant 0 : i32
    %dma_wait3A_44 = tpu.memref_slice %arg5[%dma_wait3A_42, %dma_wait3A_43] : memref<32x128xi32, #tpu.memory_space<vmem>> -> memref<1x128xi32, #tpu.memory_space<vmem>>
    %dma_wait3A_45 = tpu.memref_squeeze %dma_wait3A_44 : memref<1x128xi32, #tpu.memory_space<vmem>> -> memref<128xi32, #tpu.memory_space<vmem>>
    %dma_wait3A_46 = arith.constant 0 : i32
    %dma_wait3A_47 = arith.constant 0 : i32
    %dma_wait3A_48 = tpu.memref_slice %arg11[%dma_wait3A_46, %dma_wait3A_47] : memref<4096x128xf32, #tpu.memory_space<vmem_shared>> -> memref<4096x128xf32, #tpu.memory_space<vmem_shared>>
    tpu.wait_indirect_dma semaphore(%arg17 : memref<!tpu.dma_semaphore, #tpu.memory_space<semaphore_mem>>) src(%arg7 : memref<128x128xf32, #tpu.memory_space<vmem>>) dst(%dma_wait3A_48 : memref<4096x128xf32, #tpu.memory_space<vmem_shared>>)
    %dma_wait3A_49 = arith.constant 30 : i32
    %dma_wait3A_50 = arith.constant 0 : i32
    %dma_wait3A_51 = tpu.memref_slice %arg5[%dma_wait3A_49, %dma_wait3A_50] : memref<32x128xi32, #tpu.memory_space<vmem>> -> memref<1x128xi32, #tpu.memory_space<vmem>>
    %dma_wait3A_52 = tpu.memref_squeeze %dma_wait3A_51 : memref<1x128xi32, #tpu.memory_space<vmem>> -> memref<128xi32, #tpu.memory_space<vmem>>
    %dma_wait3A_53 = arith.constant 0 : i32
    %dma_wait3A_54 = arith.constant 0 : i32
    %dma_wait3A_55 = tpu.memref_slice %arg11[%dma_wait3A_53, %dma_wait3A_54] : memref<4096x128xf32, #tpu.memory_space<vmem_shared>> -> memref<4096x128xf32, #tpu.memory_space<vmem_shared>>
    tpu.wait_indirect_dma semaphore(%arg18 : memref<!tpu.dma_semaphore, #tpu.memory_space<semaphore_mem>>) src(%arg8 : memref<128x128xf32, #tpu.memory_space<vmem>>) dst(%dma_wait3A_55 : memref<4096x128xf32, #tpu.memory_space<vmem_shared>>)
    %dma_wait3A_56 = arith.constant 31 : i32
    %dma_wait3A_57 = arith.constant 0 : i32
    %dma_wait3A_58 = tpu.memref_slice %arg5[%dma_wait3A_56, %dma_wait3A_57] : memref<32x128xi32, #tpu.memory_space<vmem>> -> memref<1x128xi32, #tpu.memory_space<vmem>>
    %dma_wait3A_59 = tpu.memref_squeeze %dma_wait3A_58 : memref<1x128xi32, #tpu.memory_space<vmem>> -> memref<128xi32, #tpu.memory_space<vmem>>
    %dma_wait3A_60 = arith.constant 0 : i32
    %dma_wait3A_61 = arith.constant 0 : i32
    %dma_wait3A_62 = tpu.memref_slice %arg11[%dma_wait3A_60, %dma_wait3A_61] : memref<4096x128xf32, #tpu.memory_space<vmem_shared>> -> memref<4096x128xf32, #tpu.memory_space<vmem_shared>>
    tpu.wait_indirect_dma semaphore(%arg19 : memref<!tpu.dma_semaphore, #tpu.memory_space<semaphore_mem>>) src(%arg9 : memref<128x128xf32, #tpu.memory_space<vmem>>) dst(%dma_wait3A_62 : memref<4096x128xf32, #tpu.memory_space<vmem_shared>>)
    %barrier3A_63 = arith.constant 0 : index
    tpu.barrier barrier_id(%barrier3A_63)
    %mul3A_64 = arith.constant 256 : i32
    %mul3A_65 = arith.muli %arg1, %mul3A_64 : i32
    %mul3A_66 = arith.constant 256 : i32
    %mul3A_67 = arith.muli %arg1, %mul3A_66 : i32
    "tpu.region"() ({
      %run_scoped3A = tpu.sem_alloc : memref<!tpu.dma_semaphore, #tpu.memory_space<semaphore_mem>>
      %dma_start3A_68 = tpu.memref_slice %arg4[%mul3A_67, %mul3A_2] : memref<4096x256xf32, #tpu.memory_space<hbm>> -> memref<256x128xf32, #tpu.memory_space<hbm>>
      %dma_start3A_69 = arith.constant 0 : i32
      %dma_start3A_70 = tpu.memref_slice %arg11[%mul3A_65, %dma_start3A_69] : memref<4096x128xf32, #tpu.memory_space<vmem_shared>> -> memref<256x128xf32, #tpu.memory_space<vmem_shared>>
      tpu.enqueue_dma source(%dma_start3A_70 : memref<256x128xf32, #tpu.memory_space<vmem_shared>>) target(%dma_start3A_68 : memref<256x128xf32, #tpu.memory_space<hbm>>) target_semaphore(%run_scoped3A : memref<!tpu.dma_semaphore, #tpu.memory_space<semaphore_mem>>)
      %dma_wait3A_71 = tpu.memref_slice %arg4[%mul3A_67, %mul3A_2] : memref<4096x256xf32, #tpu.memory_space<hbm>> -> memref<256x128xf32, #tpu.memory_space<hbm>>
      %dma_wait3A_72 = arith.constant 0 : i32
      %dma_wait3A_73 = tpu.memref_slice %arg11[%mul3A_65, %dma_wait3A_72] : memref<4096x128xf32, #tpu.memory_space<vmem_shared>> -> memref<256x128xf32, #tpu.memory_space<vmem_shared>>
      tpu.wait_dma2 semaphore(%run_scoped3A : memref<!tpu.dma_semaphore, #tpu.memory_space<semaphore_mem>>) src(%dma_wait3A_73 : memref<256x128xf32, #tpu.memory_space<vmem_shared>>) dst(%dma_wait3A_71 : memref<256x128xf32, #tpu.memory_space<hbm>>)
      tpu.yield
    }) : () -> ()
    return
  }
}

#map = affine_map<(d0, d1) -> (0, 0)>
module attributes {stable_mosaic.version = 14 : i64} {
  func.func @k(%arg0: i32, %arg1: i32, %arg2: memref<4096x256xf32, #tpu.memory_space<hbm>>, %arg3: memref<4096x256xf32, #tpu.memory_space<hbm>>, %arg4: memref<512x128xi32, #tpu.memory_space<hbm>>, %arg5: memref<512x128xi32, #tpu.memory_space<hbm>>, %arg6: memref<65536x256xf32, #tpu.memory_space<hbm>>, %arg7: memref<16x128xi32, #tpu.memory_space<vmem>>, %arg8: memref<16x128xi32, #tpu.memory_space<vmem>>, %arg9: memref<64x256xf32, #tpu.memory_space<vmem>>, %arg10: memref<64x256xf32, #tpu.memory_space<vmem>>, %arg11: memref<64x256xf32, #tpu.memory_space<vmem>>, %arg12: memref<64x256xf32, #tpu.memory_space<vmem>>, %arg13: memref<64x256xf32, #tpu.memory_space<vmem>>, %arg14: memref<64x256xf32, #tpu.memory_space<vmem>>, %arg15: memref<!tpu.dma_semaphore, #tpu.memory_space<semaphore_mem>>, %arg16: memref<!tpu.dma_semaphore, #tpu.memory_space<semaphore_mem>>, %arg17: memref<!tpu.dma_semaphore, #tpu.memory_space<semaphore_mem>>, %arg18: memref<!tpu.dma_semaphore, #tpu.memory_space<semaphore_mem>>, %arg19: memref<!tpu.dma_semaphore, #tpu.memory_space<semaphore_mem>>, %arg20: memref<!tpu.dma_semaphore, #tpu.memory_space<semaphore_mem>>, %arg21: memref<!tpu.dma_semaphore, #tpu.memory_space<semaphore_mem>>) attributes {dimension_semantics = [#tpu.dimension_semantics<core_parallel>, #tpu.dimension_semantics<subcore_parallel>], iteration_bounds = array<i64: 2, 16>, scalar_prefetch = 0 : i64, scratch_operands = 15 : i64, tpu.core_type = #tpu.core_type<sc_vector_subcore>, window_params = [{transform_indices = #map}, {transform_indices = #map}, {transform_indices = #map}, {transform_indices = #map}, {transform_indices = #map}]} {
    %mul3A = arith.constant 2 : i32
    %mul3A_0 = arith.muli %arg1, %mul3A : i32
    %add3A = arith.addi %mul3A_0, %arg0 : i32
    %mul3A_1 = arith.constant 2048 : i32
    %mul3A_2 = arith.muli %add3A, %mul3A_1 : i32
    %mul3A_3 = arith.constant 16 : i32
    %mul3A_4 = arith.muli %add3A, %mul3A_3 : i32
    "tpu.region"() ({
      %run_scoped3A = tpu.sem_alloc : memref<!tpu.dma_semaphore, #tpu.memory_space<semaphore_mem>>
      %dma_start3A_50 = arith.constant 0 : i32
      %dma_start3A_51 = tpu.memref_slice %arg4[%mul3A_4, %dma_start3A_50] : memref<512x128xi32, #tpu.memory_space<hbm>> -> memref<16x128xi32, #tpu.memory_space<hbm>>
      %dma_start3A_52 = arith.constant 0 : i32
      %dma_start3A_53 = tpu.memref_slice %arg4[%mul3A_4, %dma_start3A_52] : memref<512x128xi32, #tpu.memory_space<hbm>> -> memref<16x128xi32, #tpu.memory_space<hbm>>
      tpu.enqueue_dma source(%dma_start3A_53 : memref<16x128xi32, #tpu.memory_space<hbm>>) target(%arg7 : memref<16x128xi32, #tpu.memory_space<vmem>>) target_semaphore(%run_scoped3A : memref<!tpu.dma_semaphore, #tpu.memory_space<semaphore_mem>>)
      %dma_wait3A_54 = arith.constant 0 : i32
      %dma_wait3A_55 = tpu.memref_slice %arg4[%mul3A_4, %dma_wait3A_54] : memref<512x128xi32, #tpu.memory_space<hbm>> -> memref<16x128xi32, #tpu.memory_space<hbm>>
      %dma_wait3A_56 = arith.constant 0 : i32
      %dma_wait3A_57 = tpu.memref_slice %arg4[%mul3A_4, %dma_wait3A_56] : memref<512x128xi32, #tpu.memory_space<hbm>> -> memref<16x128xi32, #tpu.memory_space<hbm>>
      tpu.wait_dma2 semaphore(%run_scoped3A : memref<!tpu.dma_semaphore, #tpu.memory_space<semaphore_mem>>) src(%dma_wait3A_57 : memref<16x128xi32, #tpu.memory_space<hbm>>) dst(%arg7 : memref<16x128xi32, #tpu.memory_space<vmem>>)
      tpu.yield
    }) : () -> ()
    %mul3A_5 = arith.constant 16 : i32
    %mul3A_6 = arith.muli %add3A, %mul3A_5 : i32
    "tpu.region"() ({
      %run_scoped3A = tpu.sem_alloc : memref<!tpu.dma_semaphore, #tpu.memory_space<semaphore_mem>>
      %dma_start3A_50 = arith.constant 0 : i32
      %dma_start3A_51 = tpu.memref_slice %arg5[%mul3A_6, %dma_start3A_50] : memref<512x128xi32, #tpu.memory_space<hbm>> -> memref<16x128xi32, #tpu.memory_space<hbm>>
      %dma_start3A_52 = arith.constant 0 : i32
      %dma_start3A_53 = tpu.memref_slice %arg5[%mul3A_6, %dma_start3A_52] : memref<512x128xi32, #tpu.memory_space<hbm>> -> memref<16x128xi32, #tpu.memory_space<hbm>>
      tpu.enqueue_dma source(%dma_start3A_53 : memref<16x128xi32, #tpu.memory_space<hbm>>) target(%arg8 : memref<16x128xi32, #tpu.memory_space<vmem>>) target_semaphore(%run_scoped3A : memref<!tpu.dma_semaphore, #tpu.memory_space<semaphore_mem>>)
      %dma_wait3A_54 = arith.constant 0 : i32
      %dma_wait3A_55 = tpu.memref_slice %arg5[%mul3A_6, %dma_wait3A_54] : memref<512x128xi32, #tpu.memory_space<hbm>> -> memref<16x128xi32, #tpu.memory_space<hbm>>
      %dma_wait3A_56 = arith.constant 0 : i32
      %dma_wait3A_57 = tpu.memref_slice %arg5[%mul3A_6, %dma_wait3A_56] : memref<512x128xi32, #tpu.memory_space<hbm>> -> memref<16x128xi32, #tpu.memory_space<hbm>>
      tpu.wait_dma2 semaphore(%run_scoped3A : memref<!tpu.dma_semaphore, #tpu.memory_space<semaphore_mem>>) src(%dma_wait3A_57 : memref<16x128xi32, #tpu.memory_space<hbm>>) dst(%arg8 : memref<16x128xi32, #tpu.memory_space<vmem>>)
      tpu.yield
    }) : () -> ()
    %dma_start3A = arith.constant 0 : i32
    %dma_start3A_7 = arith.constant 0 : i32
    %dma_start3A_8 = tpu.memref_slice %arg7[%dma_start3A, %dma_start3A_7] : memref<16x128xi32, #tpu.memory_space<vmem>> -> memref<1x64xi32, #tpu.memory_space<vmem>>
    %dma_start3A_9 = tpu.memref_squeeze %dma_start3A_8 : memref<1x64xi32, #tpu.memory_space<vmem>> -> memref<64xi32, #tpu.memory_space<vmem>>
    %dma_start3A_10 = arith.constant 0 : i32
    %dma_start3A_11 = arith.constant 0 : i32
    %dma_start3A_12 = tpu.memref_slice %arg2[%dma_start3A_10, %dma_start3A_11] : memref<4096x256xf32, #tpu.memory_space<hbm>> -> memref<4096x256xf32, #tpu.memory_space<hbm>>
    tpu.enqueue_indirect_dma source(%dma_start3A_12 : memref<4096x256xf32, #tpu.memory_space<hbm>>) target(%arg9 : memref<64x256xf32, #tpu.memory_space<vmem>>) offsets(%dma_start3A_9 : memref<64xi32, #tpu.memory_space<vmem>>) semaphore(%arg15 : memref<!tpu.dma_semaphore, #tpu.memory_space<semaphore_mem>>)
    %dma_start3A_13 = arith.constant 0 : i32
    %dma_start3A_14 = arith.constant 0 : i32
    %dma_start3A_15 = tpu.memref_slice %arg8[%dma_start3A_13, %dma_start3A_14] : memref<16x128xi32, #tpu.memory_space<vmem>> -> memref<1x64xi32, #tpu.memory_space<vmem>>
    %dma_start3A_16 = tpu.memref_squeeze %dma_start3A_15 : memref<1x64xi32, #tpu.memory_space<vmem>> -> memref<64xi32, #tpu.memory_space<vmem>>
    %dma_start3A_17 = arith.constant 0 : i32
    %dma_start3A_18 = arith.constant 0 : i32
    %dma_start3A_19 = tpu.memref_slice %arg3[%dma_start3A_17, %dma_start3A_18] : memref<4096x256xf32, #tpu.memory_space<hbm>> -> memref<4096x256xf32, #tpu.memory_space<hbm>>
    tpu.enqueue_indirect_dma source(%dma_start3A_19 : memref<4096x256xf32, #tpu.memory_space<hbm>>) target(%arg11 : memref<64x256xf32, #tpu.memory_space<vmem>>) offsets(%dma_start3A_16 : memref<64xi32, #tpu.memory_space<vmem>>) semaphore(%arg17 : memref<!tpu.dma_semaphore, #tpu.memory_space<semaphore_mem>>)
    %dma_start3A_20 = arith.constant 0 : i32
    %dma_start3A_21 = arith.constant 64 : i32
    %dma_start3A_22 = tpu.memref_slice %arg7[%dma_start3A_20, %dma_start3A_21] : memref<16x128xi32, #tpu.memory_space<vmem>> -> memref<1x64xi32, #tpu.memory_space<vmem>>
    %dma_start3A_23 = tpu.memref_squeeze %dma_start3A_22 : memref<1x64xi32, #tpu.memory_space<vmem>> -> memref<64xi32, #tpu.memory_space<vmem>>
    %dma_start3A_24 = arith.constant 0 : i32
    %dma_start3A_25 = arith.constant 0 : i32
    %dma_start3A_26 = tpu.memref_slice %arg2[%dma_start3A_24, %dma_start3A_25] : memref<4096x256xf32, #tpu.memory_space<hbm>> -> memref<4096x256xf32, #tpu.memory_space<hbm>>
    tpu.enqueue_indirect_dma source(%dma_start3A_26 : memref<4096x256xf32, #tpu.memory_space<hbm>>) target(%arg10 : memref<64x256xf32, #tpu.memory_space<vmem>>) offsets(%dma_start3A_23 : memref<64xi32, #tpu.memory_space<vmem>>) semaphore(%arg16 : memref<!tpu.dma_semaphore, #tpu.memory_space<semaphore_mem>>)
    %dma_start3A_27 = arith.constant 0 : i32
    %dma_start3A_28 = arith.constant 64 : i32
    %dma_start3A_29 = tpu.memref_slice %arg8[%dma_start3A_27, %dma_start3A_28] : memref<16x128xi32, #tpu.memory_space<vmem>> -> memref<1x64xi32, #tpu.memory_space<vmem>>
    %dma_start3A_30 = tpu.memref_squeeze %dma_start3A_29 : memref<1x64xi32, #tpu.memory_space<vmem>> -> memref<64xi32, #tpu.memory_space<vmem>>
    %dma_start3A_31 = arith.constant 0 : i32
    %dma_start3A_32 = arith.constant 0 : i32
    %dma_start3A_33 = tpu.memref_slice %arg3[%dma_start3A_31, %dma_start3A_32] : memref<4096x256xf32, #tpu.memory_space<hbm>> -> memref<4096x256xf32, #tpu.memory_space<hbm>>
    tpu.enqueue_indirect_dma source(%dma_start3A_33 : memref<4096x256xf32, #tpu.memory_space<hbm>>) target(%arg12 : memref<64x256xf32, #tpu.memory_space<vmem>>) offsets(%dma_start3A_30 : memref<64xi32, #tpu.memory_space<vmem>>) semaphore(%arg18 : memref<!tpu.dma_semaphore, #tpu.memory_space<semaphore_mem>>)
    %scan3A = arith.constant 0 : i32
    %scan3A_34 = arith.constant 0 : i32
    %scan3A_35 = arith.constant 16 : i32
    %scan3A_36 = arith.addi %scan3A_34, %scan3A_35 : i32
    %scan3A_37 = arith.constant 1 : i32
    scf.for %scan3A_50 = %scan3A_34 to %scan3A_36 step %scan3A_37  : i32 {
      %mul3A_51 = arith.constant 2 : i32
      %mul3A_52 = arith.muli %scan3A_50, %mul3A_51 : i32
      %add3A_53 = arith.constant 0 : i32
      %add3A_54 = arith.addi %mul3A_52, %add3A_53 : i32
      %jit3A = arith.constant 2 : i32
      %div3A = arith.divsi %add3A_54, %jit3A : i32
      %sign3A = arith.constant 0 : i32
      %sign3A_55 = arith.cmpi sgt, %add3A_54, %sign3A : i32
      %sign3A_56 = arith.extui %sign3A_55 : i1 to i32
      %sign3A_57 = arith.constant 0 : i32
      %sign3A_58 = arith.cmpi slt, %add3A_54, %sign3A_57 : i32
      %sign3A_59 = arith.extui %sign3A_58 : i1 to i32
      %sign3A_60 = arith.subi %sign3A_56, %sign3A_59 : i32
      %sign3A_61 = arith.constant 0 : i32
      %sign3A_62 = arith.cmpi sgt, %jit3A, %sign3A_61 : i32
      %sign3A_63 = arith.extui %sign3A_62 : i1 to i32
      %sign3A_64 = arith.constant 0 : i32
      %sign3A_65 = arith.cmpi slt, %jit3A, %sign3A_64 : i32
      %sign3A_66 = arith.extui %sign3A_65 : i1 to i32
      %sign3A_67 = arith.subi %sign3A_63, %sign3A_66 : i32
      %ne3A = arith.cmpi ne, %sign3A_60, %sign3A_67 : i32
      %rem3A = arith.remsi %add3A_54, %jit3A : i32
      %ne3A_68 = arith.constant 0 : i32
      %ne3A_69 = arith.cmpi ne, %rem3A, %ne3A_68 : i32
      %and3A = arith.andi %ne3A, %ne3A_69 : i1
      %sub3A = arith.constant 1 : i32
      %sub3A_70 = arith.subi %div3A, %sub3A : i32
      %select_n3A = arith.select %and3A, %sub3A_70, %div3A : i32
      %jit3A_71 = arith.constant 2 : i32
      %eq3A = arith.constant 0 : i32
      %eq3A_72 = arith.cmpi eq, %jit3A_71, %eq3A : i32
      %jit3A_73 = arith.constant 1 : i32
      %select_n3A_74 = arith.select %eq3A_72, %jit3A_73, %jit3A_71 : i32
      %rem3A_75 = arith.remsi %add3A_54, %select_n3A_74 : i32
      %ne3A_76 = arith.constant 0 : i32
      %ne3A_77 = arith.cmpi ne, %rem3A_75, %ne3A_76 : i32
      %lt3A = arith.constant 0 : i32
      %lt3A_78 = arith.cmpi slt, %rem3A_75, %lt3A : i32
      %lt3A_79 = arith.constant 0 : i32
      %lt3A_80 = arith.cmpi slt, %select_n3A_74, %lt3A_79 : i32
      %ne3A_81 = arith.xori %lt3A_78, %lt3A_80 : i1
      %and3A_82 = arith.andi %ne3A_81, %ne3A_77 : i1
      %add3A_83 = arith.addi %rem3A_75, %select_n3A_74 : i32
      %select_n3A_84 = arith.select %and3A_82, %add3A_83, %rem3A_75 : i32
      %mul3A_85 = arith.constant 64 : i32
      %mul3A_86 = arith.muli %select_n3A_84, %mul3A_85 : i32
      %dma_wait3A_87 = tpu.memref_slice %arg7[%select_n3A, %mul3A_86] : memref<16x128xi32, #tpu.memory_space<vmem>> -> memref<1x64xi32, #tpu.memory_space<vmem>>
      %dma_wait3A_88 = tpu.memref_squeeze %dma_wait3A_87 : memref<1x64xi32, #tpu.memory_space<vmem>> -> memref<64xi32, #tpu.memory_space<vmem>>
      %dma_wait3A_89 = arith.constant 0 : i32
      %dma_wait3A_90 = arith.constant 0 : i32
      %dma_wait3A_91 = tpu.memref_slice %arg2[%dma_wait3A_89, %dma_wait3A_90] : memref<4096x256xf32, #tpu.memory_space<hbm>> -> memref<4096x256xf32, #tpu.memory_space<hbm>>
      tpu.wait_indirect_dma semaphore(%arg15 : memref<!tpu.dma_semaphore, #tpu.memory_space<semaphore_mem>>) src(%dma_wait3A_91 : memref<4096x256xf32, #tpu.memory_space<hbm>>) dst(%arg9 : memref<64x256xf32, #tpu.memory_space<vmem>>)
      %jit3A_92 = arith.constant 2 : i32
      %div3A_93 = arith.divsi %add3A_54, %jit3A_92 : i32
      %sign3A_94 = arith.constant 0 : i32
      %sign3A_95 = arith.cmpi sgt, %add3A_54, %sign3A_94 : i32
      %sign3A_96 = arith.extui %sign3A_95 : i1 to i32
      %sign3A_97 = arith.constant 0 : i32
      %sign3A_98 = arith.cmpi slt, %add3A_54, %sign3A_97 : i32
      %sign3A_99 = arith.extui %sign3A_98 : i1 to i32
      %sign3A_100 = arith.subi %sign3A_96, %sign3A_99 : i32
      %sign3A_101 = arith.constant 0 : i32
      %sign3A_102 = arith.cmpi sgt, %jit3A_92, %sign3A_101 : i32
      %sign3A_103 = arith.extui %sign3A_102 : i1 to i32
      %sign3A_104 = arith.constant 0 : i32
      %sign3A_105 = arith.cmpi slt, %jit3A_92, %sign3A_104 : i32
      %sign3A_106 = arith.extui %sign3A_105 : i1 to i32
      %sign3A_107 = arith.subi %sign3A_103, %sign3A_106 : i32
      %ne3A_108 = arith.cmpi ne, %sign3A_100, %sign3A_107 : i32
      %rem3A_109 = arith.remsi %add3A_54, %jit3A_92 : i32
      %ne3A_110 = arith.constant 0 : i32
      %ne3A_111 = arith.cmpi ne, %rem3A_109, %ne3A_110 : i32
      %and3A_112 = arith.andi %ne3A_108, %ne3A_111 : i1
      %sub3A_113 = arith.constant 1 : i32
      %sub3A_114 = arith.subi %div3A_93, %sub3A_113 : i32
      %select_n3A_115 = arith.select %and3A_112, %sub3A_114, %div3A_93 : i32
      %jit3A_116 = arith.constant 2 : i32
      %eq3A_117 = arith.constant 0 : i32
      %eq3A_118 = arith.cmpi eq, %jit3A_116, %eq3A_117 : i32
      %jit3A_119 = arith.constant 1 : i32
      %select_n3A_120 = arith.select %eq3A_118, %jit3A_119, %jit3A_116 : i32
      %rem3A_121 = arith.remsi %add3A_54, %select_n3A_120 : i32
      %ne3A_122 = arith.constant 0 : i32
      %ne3A_123 = arith.cmpi ne, %rem3A_121, %ne3A_122 : i32
      %lt3A_124 = arith.constant 0 : i32
      %lt3A_125 = arith.cmpi slt, %rem3A_121, %lt3A_124 : i32
      %lt3A_126 = arith.constant 0 : i32
      %lt3A_127 = arith.cmpi slt, %select_n3A_120, %lt3A_126 : i32
      %ne3A_128 = arith.xori %lt3A_125, %lt3A_127 : i1
      %and3A_129 = arith.andi %ne3A_128, %ne3A_123 : i1
      %add3A_130 = arith.addi %rem3A_121, %select_n3A_120 : i32
      %select_n3A_131 = arith.select %and3A_129, %add3A_130, %rem3A_121 : i32
      %mul3A_132 = arith.constant 64 : i32
      %mul3A_133 = arith.muli %select_n3A_131, %mul3A_132 : i32
      %dma_wait3A_134 = tpu.memref_slice %arg8[%select_n3A_115, %mul3A_133] : memref<16x128xi32, #tpu.memory_space<vmem>> -> memref<1x64xi32, #tpu.memory_space<vmem>>
      %dma_wait3A_135 = tpu.memref_squeeze %dma_wait3A_134 : memref<1x64xi32, #tpu.memory_space<vmem>> -> memref<64xi32, #tpu.memory_space<vmem>>
      %dma_wait3A_136 = arith.constant 0 : i32
      %dma_wait3A_137 = arith.constant 0 : i32
      %dma_wait3A_138 = tpu.memref_slice %arg3[%dma_wait3A_136, %dma_wait3A_137] : memref<4096x256xf32, #tpu.memory_space<hbm>> -> memref<4096x256xf32, #tpu.memory_space<hbm>>
      tpu.wait_indirect_dma semaphore(%arg17 : memref<!tpu.dma_semaphore, #tpu.memory_space<semaphore_mem>>) src(%dma_wait3A_138 : memref<4096x256xf32, #tpu.memory_space<hbm>>) dst(%arg11 : memref<64x256xf32, #tpu.memory_space<vmem>>)
      %ge3A = arith.constant 2 : i32
      %ge3A_139 = arith.cmpi sge, %add3A_54, %ge3A : i32
      %convert_element_type3A = arith.extui %ge3A_139 : i1 to i32
      %cond3A = arith.constant 0 : i32
      %cond3A_140 = arith.cmpi ne, %convert_element_type3A, %cond3A : i32
      scf.if %cond3A_140 {
        %sub3A_284 = arith.constant 2 : i32
        %sub3A_285 = arith.subi %add3A_54, %sub3A_284 : i32
        %mul3A_286 = arith.constant 64 : i32
        %mul3A_287 = arith.muli %sub3A_285, %mul3A_286 : i32
        %add3A_288 = arith.addi %mul3A_2, %mul3A_287 : i32
        %dma_wait3A_289 = arith.constant 0 : i32
        %dma_wait3A_290 = tpu.memref_slice %arg6[%add3A_288, %dma_wait3A_289] : memref<65536x256xf32, #tpu.memory_space<hbm>> -> memref<64x256xf32, #tpu.memory_space<hbm>>
        %dma_wait3A_291 = arith.constant 0 : i32
        %dma_wait3A_292 = tpu.memref_slice %arg6[%add3A_288, %dma_wait3A_291] : memref<65536x256xf32, #tpu.memory_space<hbm>> -> memref<64x256xf32, #tpu.memory_space<hbm>>
        tpu.wait_dma2 semaphore(%arg19 : memref<!tpu.dma_semaphore, #tpu.memory_space<semaphore_mem>>) src(%arg13 : memref<64x256xf32, #tpu.memory_space<vmem>>) dst(%dma_wait3A_292 : memref<64x256xf32, #tpu.memory_space<hbm>>)
      } else {
      }
      %scan3A_141 = arith.constant 0 : i32
      %scan3A_142 = arith.constant 0 : i32
      %scan3A_143 = arith.constant 64 : i32
      %scan3A_144 = arith.addi %scan3A_142, %scan3A_143 : i32
      %scan3A_145 = arith.constant 1 : i32
      scf.for %scan3A_284 = %scan3A_142 to %scan3A_144 step %scan3A_145  : i32 {
        %get3A = arith.index_cast %scan3A_284 : i32 to index
        %get3A_285 = arith.constant 0 : index
        %get3A_286 = tpu.vector_load %arg9[%get3A, %get3A_285] {strides = array<i32>} : memref<64x256xf32, #tpu.memory_space<vmem>>, vector<1x16xf32>,
        %get3A_287 = vector.shape_cast %get3A_286 : vector<1x16xf32> to vector<16xf32>
        %get3A_288 = arith.index_cast %scan3A_284 : i32 to index
        %get3A_289 = arith.constant 0 : index
        %get3A_290 = tpu.vector_load %arg11[%get3A_288, %get3A_289] {strides = array<i32>} : memref<64x256xf32, #tpu.memory_space<vmem>>, vector<1x16xf32>,
        %get3A_291 = vector.shape_cast %get3A_290 : vector<1x16xf32> to vector<16xf32>
        %add3A_292 = arith.addf %get3A_287, %get3A_291 : vector<16xf32>
        %swap3A = arith.index_cast %scan3A_284 : i32 to index
        %swap3A_293 = arith.constant 0 : index
        %swap3A_294 = tpu.vector_load %arg13[%swap3A, %swap3A_293] {strides = array<i32>} : memref<64x256xf32, #tpu.memory_space<vmem>>, vector<1x16xf32>,
        %swap3A_295 = vector.shape_cast %swap3A_294 : vector<1x16xf32> to vector<16xf32>
        %swap3A_296 = vector.shape_cast %add3A_292 : vector<16xf32> to vector<1x16xf32>
        tpu.vector_store %arg13[%swap3A, %swap3A_293], %swap3A_296 {strides = array<i32>} : memref<64x256xf32, #tpu.memory_space<vmem>>, vector<1x16xf32>,
        %get3A_297 = arith.index_cast %scan3A_284 : i32 to index
        %get3A_298 = arith.constant 16 : index
        %get3A_299 = tpu.vector_load %arg9[%get3A_297, %get3A_298] {strides = array<i32>} : memref<64x256xf32, #tpu.memory_space<vmem>>, vector<1x16xf32>,
        %get3A_300 = vector.shape_cast %get3A_299 : vector<1x16xf32> to vector<16xf32>
        %get3A_301 = arith.index_cast %scan3A_284 : i32 to index
        %get3A_302 = arith.constant 16 : index
        %get3A_303 = tpu.vector_load %arg11[%get3A_301, %get3A_302] {strides = array<i32>} : memref<64x256xf32, #tpu.memory_space<vmem>>, vector<1x16xf32>,
        %get3A_304 = vector.shape_cast %get3A_303 : vector<1x16xf32> to vector<16xf32>
        %add3A_305 = arith.addf %get3A_300, %get3A_304 : vector<16xf32>
        %swap3A_306 = arith.index_cast %scan3A_284 : i32 to index
        %swap3A_307 = arith.constant 16 : index
        %swap3A_308 = tpu.vector_load %arg13[%swap3A_306, %swap3A_307] {strides = array<i32>} : memref<64x256xf32, #tpu.memory_space<vmem>>, vector<1x16xf32>,
        %swap3A_309 = vector.shape_cast %swap3A_308 : vector<1x16xf32> to vector<16xf32>
        %swap3A_310 = vector.shape_cast %add3A_305 : vector<16xf32> to vector<1x16xf32>
        tpu.vector_store %arg13[%swap3A_306, %swap3A_307], %swap3A_310 {strides = array<i32>} : memref<64x256xf32, #tpu.memory_space<vmem>>, vector<1x16xf32>,
        %get3A_311 = arith.index_cast %scan3A_284 : i32 to index
        %get3A_312 = arith.constant 32 : index
        %get3A_313 = tpu.vector_load %arg9[%get3A_311, %get3A_312] {strides = array<i32>} : memref<64x256xf32, #tpu.memory_space<vmem>>, vector<1x16xf32>,
        %get3A_314 = vector.shape_cast %get3A_313 : vector<1x16xf32> to vector<16xf32>
        %get3A_315 = arith.index_cast %scan3A_284 : i32 to index
        %get3A_316 = arith.constant 32 : index
        %get3A_317 = tpu.vector_load %arg11[%get3A_315, %get3A_316] {strides = array<i32>} : memref<64x256xf32, #tpu.memory_space<vmem>>, vector<1x16xf32>,
        %get3A_318 = vector.shape_cast %get3A_317 : vector<1x16xf32> to vector<16xf32>
        %add3A_319 = arith.addf %get3A_314, %get3A_318 : vector<16xf32>
        %swap3A_320 = arith.index_cast %scan3A_284 : i32 to index
        %swap3A_321 = arith.constant 32 : index
        %swap3A_322 = tpu.vector_load %arg13[%swap3A_320, %swap3A_321] {strides = array<i32>} : memref<64x256xf32, #tpu.memory_space<vmem>>, vector<1x16xf32>,
        %swap3A_323 = vector.shape_cast %swap3A_322 : vector<1x16xf32> to vector<16xf32>
        %swap3A_324 = vector.shape_cast %add3A_319 : vector<16xf32> to vector<1x16xf32>
        tpu.vector_store %arg13[%swap3A_320, %swap3A_321], %swap3A_324 {strides = array<i32>} : memref<64x256xf32, #tpu.memory_space<vmem>>, vector<1x16xf32>,
        %get3A_325 = arith.index_cast %scan3A_284 : i32 to index
        %get3A_326 = arith.constant 48 : index
        %get3A_327 = tpu.vector_load %arg9[%get3A_325, %get3A_326] {strides = array<i32>} : memref<64x256xf32, #tpu.memory_space<vmem>>, vector<1x16xf32>,
        %get3A_328 = vector.shape_cast %get3A_327 : vector<1x16xf32> to vector<16xf32>
        %get3A_329 = arith.index_cast %scan3A_284 : i32 to index
        %get3A_330 = arith.constant 48 : index
        %get3A_331 = tpu.vector_load %arg11[%get3A_329, %get3A_330] {strides = array<i32>} : memref<64x256xf32, #tpu.memory_space<vmem>>, vector<1x16xf32>,
        %get3A_332 = vector.shape_cast %get3A_331 : vector<1x16xf32> to vector<16xf32>
        %add3A_333 = arith.addf %get3A_328, %get3A_332 : vector<16xf32>
        %swap3A_334 = arith.index_cast %scan3A_284 : i32 to index
        %swap3A_335 = arith.constant 48 : index
        %swap3A_336 = tpu.vector_load %arg13[%swap3A_334, %swap3A_335] {strides = array<i32>} : memref<64x256xf32, #tpu.memory_space<vmem>>, vector<1x16xf32>,
        %swap3A_337 = vector.shape_cast %swap3A_336 : vector<1x16xf32> to vector<16xf32>
        %swap3A_338 = vector.shape_cast %add3A_333 : vector<16xf32> to vector<1x16xf32>
        tpu.vector_store %arg13[%swap3A_334, %swap3A_335], %swap3A_338 {strides = array<i32>} : memref<64x256xf32, #tpu.memory_space<vmem>>, vector<1x16xf32>,
        %get3A_339 = arith.index_cast %scan3A_284 : i32 to index
        %get3A_340 = arith.constant 64 : index
        %get3A_341 = tpu.vector_load %arg9[%get3A_339, %get3A_340] {strides = array<i32>} : memref<64x256xf32, #tpu.memory_space<vmem>>, vector<1x16xf32>,
        %get3A_342 = vector.shape_cast %get3A_341 : vector<1x16xf32> to vector<16xf32>
        %get3A_343 = arith.index_cast %scan3A_284 : i32 to index
        %get3A_344 = arith.constant 64 : index
        %get3A_345 = tpu.vector_load %arg11[%get3A_343, %get3A_344] {strides = array<i32>} : memref<64x256xf32, #tpu.memory_space<vmem>>, vector<1x16xf32>,
        %get3A_346 = vector.shape_cast %get3A_345 : vector<1x16xf32> to vector<16xf32>
        %add3A_347 = arith.addf %get3A_342, %get3A_346 : vector<16xf32>
        %swap3A_348 = arith.index_cast %scan3A_284 : i32 to index
        %swap3A_349 = arith.constant 64 : index
        %swap3A_350 = tpu.vector_load %arg13[%swap3A_348, %swap3A_349] {strides = array<i32>} : memref<64x256xf32, #tpu.memory_space<vmem>>, vector<1x16xf32>,
        %swap3A_351 = vector.shape_cast %swap3A_350 : vector<1x16xf32> to vector<16xf32>
        %swap3A_352 = vector.shape_cast %add3A_347 : vector<16xf32> to vector<1x16xf32>
        tpu.vector_store %arg13[%swap3A_348, %swap3A_349], %swap3A_352 {strides = array<i32>} : memref<64x256xf32, #tpu.memory_space<vmem>>, vector<1x16xf32>,
        %get3A_353 = arith.index_cast %scan3A_284 : i32 to index
        %get3A_354 = arith.constant 80 : index
        %get3A_355 = tpu.vector_load %arg9[%get3A_353, %get3A_354] {strides = array<i32>} : memref<64x256xf32, #tpu.memory_space<vmem>>, vector<1x16xf32>,
        %get3A_356 = vector.shape_cast %get3A_355 : vector<1x16xf32> to vector<16xf32>
        %get3A_357 = arith.index_cast %scan3A_284 : i32 to index
        %get3A_358 = arith.constant 80 : index
        %get3A_359 = tpu.vector_load %arg11[%get3A_357, %get3A_358] {strides = array<i32>} : memref<64x256xf32, #tpu.memory_space<vmem>>, vector<1x16xf32>,
        %get3A_360 = vector.shape_cast %get3A_359 : vector<1x16xf32> to vector<16xf32>
        %add3A_361 = arith.addf %get3A_356, %get3A_360 : vector<16xf32>
        %swap3A_362 = arith.index_cast %scan3A_284 : i32 to index
        %swap3A_363 = arith.constant 80 : index
        %swap3A_364 = tpu.vector_load %arg13[%swap3A_362, %swap3A_363] {strides = array<i32>} : memref<64x256xf32, #tpu.memory_space<vmem>>, vector<1x16xf32>,
        %swap3A_365 = vector.shape_cast %swap3A_364 : vector<1x16xf32> to vector<16xf32>
        %swap3A_366 = vector.shape_cast %add3A_361 : vector<16xf32> to vector<1x16xf32>
        tpu.vector_store %arg13[%swap3A_362, %swap3A_363], %swap3A_366 {strides = array<i32>} : memref<64x256xf32, #tpu.memory_space<vmem>>, vector<1x16xf32>,
        %get3A_367 = arith.index_cast %scan3A_284 : i32 to index
        %get3A_368 = arith.constant 96 : index
        %get3A_369 = tpu.vector_load %arg9[%get3A_367, %get3A_368] {strides = array<i32>} : memref<64x256xf32, #tpu.memory_space<vmem>>, vector<1x16xf32>,
        %get3A_370 = vector.shape_cast %get3A_369 : vector<1x16xf32> to vector<16xf32>
        %get3A_371 = arith.index_cast %scan3A_284 : i32 to index
        %get3A_372 = arith.constant 96 : index
        %get3A_373 = tpu.vector_load %arg11[%get3A_371, %get3A_372] {strides = array<i32>} : memref<64x256xf32, #tpu.memory_space<vmem>>, vector<1x16xf32>,
        %get3A_374 = vector.shape_cast %get3A_373 : vector<1x16xf32> to vector<16xf32>
        %add3A_375 = arith.addf %get3A_370, %get3A_374 : vector<16xf32>
        %swap3A_376 = arith.index_cast %scan3A_284 : i32 to index
        %swap3A_377 = arith.constant 96 : index
        %swap3A_378 = tpu.vector_load %arg13[%swap3A_376, %swap3A_377] {strides = array<i32>} : memref<64x256xf32, #tpu.memory_space<vmem>>, vector<1x16xf32>,
        %swap3A_379 = vector.shape_cast %swap3A_378 : vector<1x16xf32> to vector<16xf32>
        %swap3A_380 = vector.shape_cast %add3A_375 : vector<16xf32> to vector<1x16xf32>
        tpu.vector_store %arg13[%swap3A_376, %swap3A_377], %swap3A_380 {strides = array<i32>} : memref<64x256xf32, #tpu.memory_space<vmem>>, vector<1x16xf32>,
        %get3A_381 = arith.index_cast %scan3A_284 : i32 to index
        %get3A_382 = arith.constant 112 : index
        %get3A_383 = tpu.vector_load %arg9[%get3A_381, %get3A_382] {strides = array<i32>} : memref<64x256xf32, #tpu.memory_space<vmem>>, vector<1x16xf32>,
        %get3A_384 = vector.shape_cast %get3A_383 : vector<1x16xf32> to vector<16xf32>
        %get3A_385 = arith.index_cast %scan3A_284 : i32 to index
        %get3A_386 = arith.constant 112 : index
        %get3A_387 = tpu.vector_load %arg11[%get3A_385, %get3A_386] {strides = array<i32>} : memref<64x256xf32, #tpu.memory_space<vmem>>, vector<1x16xf32>,
        %get3A_388 = vector.shape_cast %get3A_387 : vector<1x16xf32> to vector<16xf32>
        %add3A_389 = arith.addf %get3A_384, %get3A_388 : vector<16xf32>
        %swap3A_390 = arith.index_cast %scan3A_284 : i32 to index
        %swap3A_391 = arith.constant 112 : index
        %swap3A_392 = tpu.vector_load %arg13[%swap3A_390, %swap3A_391] {strides = array<i32>} : memref<64x256xf32, #tpu.memory_space<vmem>>, vector<1x16xf32>,
        %swap3A_393 = vector.shape_cast %swap3A_392 : vector<1x16xf32> to vector<16xf32>
        %swap3A_394 = vector.shape_cast %add3A_389 : vector<16xf32> to vector<1x16xf32>
        tpu.vector_store %arg13[%swap3A_390, %swap3A_391], %swap3A_394 {strides = array<i32>} : memref<64x256xf32, #tpu.memory_space<vmem>>, vector<1x16xf32>,
        %get3A_395 = arith.index_cast %scan3A_284 : i32 to index
        %get3A_396 = arith.constant 128 : index
        %get3A_397 = tpu.vector_load %arg9[%get3A_395, %get3A_396] {strides = array<i32>} : memref<64x256xf32, #tpu.memory_space<vmem>>, vector<1x16xf32>,
        %get3A_398 = vector.shape_cast %get3A_397 : vector<1x16xf32> to vector<16xf32>
        %get3A_399 = arith.index_cast %scan3A_284 : i32 to index
        %get3A_400 = arith.constant 128 : index
        %get3A_401 = tpu.vector_load %arg11[%get3A_399, %get3A_400] {strides = array<i32>} : memref<64x256xf32, #tpu.memory_space<vmem>>, vector<1x16xf32>,
        %get3A_402 = vector.shape_cast %get3A_401 : vector<1x16xf32> to vector<16xf32>
        %add3A_403 = arith.addf %get3A_398, %get3A_402 : vector<16xf32>
        %swap3A_404 = arith.index_cast %scan3A_284 : i32 to index
        %swap3A_405 = arith.constant 128 : index
        %swap3A_406 = tpu.vector_load %arg13[%swap3A_404, %swap3A_405] {strides = array<i32>} : memref<64x256xf32, #tpu.memory_space<vmem>>, vector<1x16xf32>,
        %swap3A_407 = vector.shape_cast %swap3A_406 : vector<1x16xf32> to vector<16xf32>
        %swap3A_408 = vector.shape_cast %add3A_403 : vector<16xf32> to vector<1x16xf32>
        tpu.vector_store %arg13[%swap3A_404, %swap3A_405], %swap3A_408 {strides = array<i32>} : memref<64x256xf32, #tpu.memory_space<vmem>>, vector<1x16xf32>,
        %get3A_409 = arith.index_cast %scan3A_284 : i32 to index
        %get3A_410 = arith.constant 144 : index
        %get3A_411 = tpu.vector_load %arg9[%get3A_409, %get3A_410] {strides = array<i32>} : memref<64x256xf32, #tpu.memory_space<vmem>>, vector<1x16xf32>,
        %get3A_412 = vector.shape_cast %get3A_411 : vector<1x16xf32> to vector<16xf32>
        %get3A_413 = arith.index_cast %scan3A_284 : i32 to index
        %get3A_414 = arith.constant 144 : index
        %get3A_415 = tpu.vector_load %arg11[%get3A_413, %get3A_414] {strides = array<i32>} : memref<64x256xf32, #tpu.memory_space<vmem>>, vector<1x16xf32>,
        %get3A_416 = vector.shape_cast %get3A_415 : vector<1x16xf32> to vector<16xf32>
        %add3A_417 = arith.addf %get3A_412, %get3A_416 : vector<16xf32>
        %swap3A_418 = arith.index_cast %scan3A_284 : i32 to index
        %swap3A_419 = arith.constant 144 : index
        %swap3A_420 = tpu.vector_load %arg13[%swap3A_418, %swap3A_419] {strides = array<i32>} : memref<64x256xf32, #tpu.memory_space<vmem>>, vector<1x16xf32>,
        %swap3A_421 = vector.shape_cast %swap3A_420 : vector<1x16xf32> to vector<16xf32>
        %swap3A_422 = vector.shape_cast %add3A_417 : vector<16xf32> to vector<1x16xf32>
        tpu.vector_store %arg13[%swap3A_418, %swap3A_419], %swap3A_422 {strides = array<i32>} : memref<64x256xf32, #tpu.memory_space<vmem>>, vector<1x16xf32>,
        %get3A_423 = arith.index_cast %scan3A_284 : i32 to index
        %get3A_424 = arith.constant 160 : index
        %get3A_425 = tpu.vector_load %arg9[%get3A_423, %get3A_424] {strides = array<i32>} : memref<64x256xf32, #tpu.memory_space<vmem>>, vector<1x16xf32>,
        %get3A_426 = vector.shape_cast %get3A_425 : vector<1x16xf32> to vector<16xf32>
        %get3A_427 = arith.index_cast %scan3A_284 : i32 to index
        %get3A_428 = arith.constant 160 : index
        %get3A_429 = tpu.vector_load %arg11[%get3A_427, %get3A_428] {strides = array<i32>} : memref<64x256xf32, #tpu.memory_space<vmem>>, vector<1x16xf32>,
        %get3A_430 = vector.shape_cast %get3A_429 : vector<1x16xf32> to vector<16xf32>
        %add3A_431 = arith.addf %get3A_426, %get3A_430 : vector<16xf32>
        %swap3A_432 = arith.index_cast %scan3A_284 : i32 to index
        %swap3A_433 = arith.constant 160 : index
        %swap3A_434 = tpu.vector_load %arg13[%swap3A_432, %swap3A_433] {strides = array<i32>} : memref<64x256xf32, #tpu.memory_space<vmem>>, vector<1x16xf32>,
        %swap3A_435 = vector.shape_cast %swap3A_434 : vector<1x16xf32> to vector<16xf32>
        %swap3A_436 = vector.shape_cast %add3A_431 : vector<16xf32> to vector<1x16xf32>
        tpu.vector_store %arg13[%swap3A_432, %swap3A_433], %swap3A_436 {strides = array<i32>} : memref<64x256xf32, #tpu.memory_space<vmem>>, vector<1x16xf32>,
        %get3A_437 = arith.index_cast %scan3A_284 : i32 to index
        %get3A_438 = arith.constant 176 : index
        %get3A_439 = tpu.vector_load %arg9[%get3A_437, %get3A_438] {strides = array<i32>} : memref<64x256xf32, #tpu.memory_space<vmem>>, vector<1x16xf32>,
        %get3A_440 = vector.shape_cast %get3A_439 : vector<1x16xf32> to vector<16xf32>
        %get3A_441 = arith.index_cast %scan3A_284 : i32 to index
        %get3A_442 = arith.constant 176 : index
        %get3A_443 = tpu.vector_load %arg11[%get3A_441, %get3A_442] {strides = array<i32>} : memref<64x256xf32, #tpu.memory_space<vmem>>, vector<1x16xf32>,
        %get3A_444 = vector.shape_cast %get3A_443 : vector<1x16xf32> to vector<16xf32>
        %add3A_445 = arith.addf %get3A_440, %get3A_444 : vector<16xf32>
        %swap3A_446 = arith.index_cast %scan3A_284 : i32 to index
        %swap3A_447 = arith.constant 176 : index
        %swap3A_448 = tpu.vector_load %arg13[%swap3A_446, %swap3A_447] {strides = array<i32>} : memref<64x256xf32, #tpu.memory_space<vmem>>, vector<1x16xf32>,
        %swap3A_449 = vector.shape_cast %swap3A_448 : vector<1x16xf32> to vector<16xf32>
        %swap3A_450 = vector.shape_cast %add3A_445 : vector<16xf32> to vector<1x16xf32>
        tpu.vector_store %arg13[%swap3A_446, %swap3A_447], %swap3A_450 {strides = array<i32>} : memref<64x256xf32, #tpu.memory_space<vmem>>, vector<1x16xf32>,
        %get3A_451 = arith.index_cast %scan3A_284 : i32 to index
        %get3A_452 = arith.constant 192 : index
        %get3A_453 = tpu.vector_load %arg9[%get3A_451, %get3A_452] {strides = array<i32>} : memref<64x256xf32, #tpu.memory_space<vmem>>, vector<1x16xf32>,
        %get3A_454 = vector.shape_cast %get3A_453 : vector<1x16xf32> to vector<16xf32>
        %get3A_455 = arith.index_cast %scan3A_284 : i32 to index
        %get3A_456 = arith.constant 192 : index
        %get3A_457 = tpu.vector_load %arg11[%get3A_455, %get3A_456] {strides = array<i32>} : memref<64x256xf32, #tpu.memory_space<vmem>>, vector<1x16xf32>,
        %get3A_458 = vector.shape_cast %get3A_457 : vector<1x16xf32> to vector<16xf32>
        %add3A_459 = arith.addf %get3A_454, %get3A_458 : vector<16xf32>
        %swap3A_460 = arith.index_cast %scan3A_284 : i32 to index
        %swap3A_461 = arith.constant 192 : index
        %swap3A_462 = tpu.vector_load %arg13[%swap3A_460, %swap3A_461] {strides = array<i32>} : memref<64x256xf32, #tpu.memory_space<vmem>>, vector<1x16xf32>,
        %swap3A_463 = vector.shape_cast %swap3A_462 : vector<1x16xf32> to vector<16xf32>
        %swap3A_464 = vector.shape_cast %add3A_459 : vector<16xf32> to vector<1x16xf32>
        tpu.vector_store %arg13[%swap3A_460, %swap3A_461], %swap3A_464 {strides = array<i32>} : memref<64x256xf32, #tpu.memory_space<vmem>>, vector<1x16xf32>,
        %get3A_465 = arith.index_cast %scan3A_284 : i32 to index
        %get3A_466 = arith.constant 208 : index
        %get3A_467 = tpu.vector_load %arg9[%get3A_465, %get3A_466] {strides = array<i32>} : memref<64x256xf32, #tpu.memory_space<vmem>>, vector<1x16xf32>,
        %get3A_468 = vector.shape_cast %get3A_467 : vector<1x16xf32> to vector<16xf32>
        %get3A_469 = arith.index_cast %scan3A_284 : i32 to index
        %get3A_470 = arith.constant 208 : index
        %get3A_471 = tpu.vector_load %arg11[%get3A_469, %get3A_470] {strides = array<i32>} : memref<64x256xf32, #tpu.memory_space<vmem>>, vector<1x16xf32>,
        %get3A_472 = vector.shape_cast %get3A_471 : vector<1x16xf32> to vector<16xf32>
        %add3A_473 = arith.addf %get3A_468, %get3A_472 : vector<16xf32>
        %swap3A_474 = arith.index_cast %scan3A_284 : i32 to index
        %swap3A_475 = arith.constant 208 : index
        %swap3A_476 = tpu.vector_load %arg13[%swap3A_474, %swap3A_475] {strides = array<i32>} : memref<64x256xf32, #tpu.memory_space<vmem>>, vector<1x16xf32>,
        %swap3A_477 = vector.shape_cast %swap3A_476 : vector<1x16xf32> to vector<16xf32>
        %swap3A_478 = vector.shape_cast %add3A_473 : vector<16xf32> to vector<1x16xf32>
        tpu.vector_store %arg13[%swap3A_474, %swap3A_475], %swap3A_478 {strides = array<i32>} : memref<64x256xf32, #tpu.memory_space<vmem>>, vector<1x16xf32>,
        %get3A_479 = arith.index_cast %scan3A_284 : i32 to index
        %get3A_480 = arith.constant 224 : index
        %get3A_481 = tpu.vector_load %arg9[%get3A_479, %get3A_480] {strides = array<i32>} : memref<64x256xf32, #tpu.memory_space<vmem>>, vector<1x16xf32>,
        %get3A_482 = vector.shape_cast %get3A_481 : vector<1x16xf32> to vector<16xf32>
        %get3A_483 = arith.index_cast %scan3A_284 : i32 to index
        %get3A_484 = arith.constant 224 : index
        %get3A_485 = tpu.vector_load %arg11[%get3A_483, %get3A_484] {strides = array<i32>} : memref<64x256xf32, #tpu.memory_space<vmem>>, vector<1x16xf32>,
        %get3A_486 = vector.shape_cast %get3A_485 : vector<1x16xf32> to vector<16xf32>
        %add3A_487 = arith.addf %get3A_482, %get3A_486 : vector<16xf32>
        %swap3A_488 = arith.index_cast %scan3A_284 : i32 to index
        %swap3A_489 = arith.constant 224 : index
        %swap3A_490 = tpu.vector_load %arg13[%swap3A_488, %swap3A_489] {strides = array<i32>} : memref<64x256xf32, #tpu.memory_space<vmem>>, vector<1x16xf32>,
        %swap3A_491 = vector.shape_cast %swap3A_490 : vector<1x16xf32> to vector<16xf32>
        %swap3A_492 = vector.shape_cast %add3A_487 : vector<16xf32> to vector<1x16xf32>
        tpu.vector_store %arg13[%swap3A_488, %swap3A_489], %swap3A_492 {strides = array<i32>} : memref<64x256xf32, #tpu.memory_space<vmem>>, vector<1x16xf32>,
        %get3A_493 = arith.index_cast %scan3A_284 : i32 to index
        %get3A_494 = arith.constant 240 : index
        %get3A_495 = tpu.vector_load %arg9[%get3A_493, %get3A_494] {strides = array<i32>} : memref<64x256xf32, #tpu.memory_space<vmem>>, vector<1x16xf32>,
        %get3A_496 = vector.shape_cast %get3A_495 : vector<1x16xf32> to vector<16xf32>
        %get3A_497 = arith.index_cast %scan3A_284 : i32 to index
        %get3A_498 = arith.constant 240 : index
        %get3A_499 = tpu.vector_load %arg11[%get3A_497, %get3A_498] {strides = array<i32>} : memref<64x256xf32, #tpu.memory_space<vmem>>, vector<1x16xf32>,
        %get3A_500 = vector.shape_cast %get3A_499 : vector<1x16xf32> to vector<16xf32>
        %add3A_501 = arith.addf %get3A_496, %get3A_500 : vector<16xf32>
        %swap3A_502 = arith.index_cast %scan3A_284 : i32 to index
        %swap3A_503 = arith.constant 240 : index
        %swap3A_504 = tpu.vector_load %arg13[%swap3A_502, %swap3A_503] {strides = array<i32>} : memref<64x256xf32, #tpu.memory_space<vmem>>, vector<1x16xf32>,
        %swap3A_505 = vector.shape_cast %swap3A_504 : vector<1x16xf32> to vector<16xf32>
        %swap3A_506 = vector.shape_cast %add3A_501 : vector<16xf32> to vector<1x16xf32>
        tpu.vector_store %arg13[%swap3A_502, %swap3A_503], %swap3A_506 {strides = array<i32>} : memref<64x256xf32, #tpu.memory_space<vmem>>, vector<1x16xf32>,
      }
      %scan3A_146 = arith.constant 64 : i32
      %add3A_147 = arith.constant 2 : i32
      %add3A_148 = arith.addi %add3A_54, %add3A_147 : i32
      %lt3A_149 = arith.constant 32 : i32
      %lt3A_150 = arith.cmpi slt, %add3A_148, %lt3A_149 : i32
      %convert_element_type3A_151 = arith.extui %lt3A_150 : i1 to i32
      %cond3A_152 = arith.constant 0 : i32
      %cond3A_153 = arith.cmpi ne, %convert_element_type3A_151, %cond3A_152 : i32
      scf.if %cond3A_153 {
        %add3A_284 = arith.constant 2 : i32
        %add3A_285 = arith.addi %add3A_54, %add3A_284 : i32
        %jit3A_286 = arith.constant 2 : i32
        %div3A_287 = arith.divsi %add3A_285, %jit3A_286 : i32
        %sign3A_288 = arith.constant 0 : i32
        %sign3A_289 = arith.cmpi sgt, %add3A_285, %sign3A_288 : i32
        %sign3A_290 = arith.extui %sign3A_289 : i1 to i32
        %sign3A_291 = arith.constant 0 : i32
        %sign3A_292 = arith.cmpi slt, %add3A_285, %sign3A_291 : i32
        %sign3A_293 = arith.extui %sign3A_292 : i1 to i32
        %sign3A_294 = arith.subi %sign3A_290, %sign3A_293 : i32
        %sign3A_295 = arith.constant 0 : i32
        %sign3A_296 = arith.cmpi sgt, %jit3A_286, %sign3A_295 : i32
        %sign3A_297 = arith.extui %sign3A_296 : i1 to i32
        %sign3A_298 = arith.constant 0 : i32
        %sign3A_299 = arith.cmpi slt, %jit3A_286, %sign3A_298 : i32
        %sign3A_300 = arith.extui %sign3A_299 : i1 to i32
        %sign3A_301 = arith.subi %sign3A_297, %sign3A_300 : i32
        %ne3A_302 = arith.cmpi ne, %sign3A_294, %sign3A_301 : i32
        %rem3A_303 = arith.remsi %add3A_285, %jit3A_286 : i32
        %ne3A_304 = arith.constant 0 : i32
        %ne3A_305 = arith.cmpi ne, %rem3A_303, %ne3A_304 : i32
        %and3A_306 = arith.andi %ne3A_302, %ne3A_305 : i1
        %sub3A_307 = arith.constant 1 : i32
        %sub3A_308 = arith.subi %div3A_287, %sub3A_307 : i32
        %select_n3A_309 = arith.select %and3A_306, %sub3A_308, %div3A_287 : i32
        %jit3A_310 = arith.constant 2 : i32
        %eq3A_311 = arith.constant 0 : i32
        %eq3A_312 = arith.cmpi eq, %jit3A_310, %eq3A_311 : i32
        %jit3A_313 = arith.constant 1 : i32
        %select_n3A_314 = arith.select %eq3A_312, %jit3A_313, %jit3A_310 : i32
        %rem3A_315 = arith.remsi %add3A_285, %select_n3A_314 : i32
        %ne3A_316 = arith.constant 0 : i32
        %ne3A_317 = arith.cmpi ne, %rem3A_315, %ne3A_316 : i32
        %lt3A_318 = arith.constant 0 : i32
        %lt3A_319 = arith.cmpi slt, %rem3A_315, %lt3A_318 : i32
        %lt3A_320 = arith.constant 0 : i32
        %lt3A_321 = arith.cmpi slt, %select_n3A_314, %lt3A_320 : i32
        %ne3A_322 = arith.xori %lt3A_319, %lt3A_321 : i1
        %and3A_323 = arith.andi %ne3A_322, %ne3A_317 : i1
        %add3A_324 = arith.addi %rem3A_315, %select_n3A_314 : i32
        %select_n3A_325 = arith.select %and3A_323, %add3A_324, %rem3A_315 : i32
        %mul3A_326 = arith.constant 64 : i32
        %mul3A_327 = arith.muli %select_n3A_325, %mul3A_326 : i32
        %dma_start3A_328 = tpu.memref_slice %arg7[%select_n3A_309, %mul3A_327] : memref<16x128xi32, #tpu.memory_space<vmem>> -> memref<1x64xi32, #tpu.memory_space<vmem>>
        %dma_start3A_329 = tpu.memref_squeeze %dma_start3A_328 : memref<1x64xi32, #tpu.memory_space<vmem>> -> memref<64xi32, #tpu.memory_space<vmem>>
        %dma_start3A_330 = arith.constant 0 : i32
        %dma_start3A_331 = arith.constant 0 : i32
        %dma_start3A_332 = tpu.memref_slice %arg2[%dma_start3A_330, %dma_start3A_331] : memref<4096x256xf32, #tpu.memory_space<hbm>> -> memref<4096x256xf32, #tpu.memory_space<hbm>>
        tpu.enqueue_indirect_dma source(%dma_start3A_332 : memref<4096x256xf32, #tpu.memory_space<hbm>>) target(%arg9 : memref<64x256xf32, #tpu.memory_space<vmem>>) offsets(%dma_start3A_329 : memref<64xi32, #tpu.memory_space<vmem>>) semaphore(%arg15 : memref<!tpu.dma_semaphore, #tpu.memory_space<semaphore_mem>>)
        %add3A_333 = arith.constant 2 : i32
        %add3A_334 = arith.addi %add3A_54, %add3A_333 : i32
        %jit3A_335 = arith.constant 2 : i32
        %div3A_336 = arith.divsi %add3A_334, %jit3A_335 : i32
        %sign3A_337 = arith.constant 0 : i32
        %sign3A_338 = arith.cmpi sgt, %add3A_334, %sign3A_337 : i32
        %sign3A_339 = arith.extui %sign3A_338 : i1 to i32
        %sign3A_340 = arith.constant 0 : i32
        %sign3A_341 = arith.cmpi slt, %add3A_334, %sign3A_340 : i32
        %sign3A_342 = arith.extui %sign3A_341 : i1 to i32
        %sign3A_343 = arith.subi %sign3A_339, %sign3A_342 : i32
        %sign3A_344 = arith.constant 0 : i32
        %sign3A_345 = arith.cmpi sgt, %jit3A_335, %sign3A_344 : i32
        %sign3A_346 = arith.extui %sign3A_345 : i1 to i32
        %sign3A_347 = arith.constant 0 : i32
        %sign3A_348 = arith.cmpi slt, %jit3A_335, %sign3A_347 : i32
        %sign3A_349 = arith.extui %sign3A_348 : i1 to i32
        %sign3A_350 = arith.subi %sign3A_346, %sign3A_349 : i32
        %ne3A_351 = arith.cmpi ne, %sign3A_343, %sign3A_350 : i32
        %rem3A_352 = arith.remsi %add3A_334, %jit3A_335 : i32
        %ne3A_353 = arith.constant 0 : i32
        %ne3A_354 = arith.cmpi ne, %rem3A_352, %ne3A_353 : i32
        %and3A_355 = arith.andi %ne3A_351, %ne3A_354 : i1
        %sub3A_356 = arith.constant 1 : i32
        %sub3A_357 = arith.subi %div3A_336, %sub3A_356 : i32
        %select_n3A_358 = arith.select %and3A_355, %sub3A_357, %div3A_336 : i32
        %jit3A_359 = arith.constant 2 : i32
        %eq3A_360 = arith.constant 0 : i32
        %eq3A_361 = arith.cmpi eq, %jit3A_359, %eq3A_360 : i32
        %jit3A_362 = arith.constant 1 : i32
        %select_n3A_363 = arith.select %eq3A_361, %jit3A_362, %jit3A_359 : i32
        %rem3A_364 = arith.remsi %add3A_334, %select_n3A_363 : i32
        %ne3A_365 = arith.constant 0 : i32
        %ne3A_366 = arith.cmpi ne, %rem3A_364, %ne3A_365 : i32
        %lt3A_367 = arith.constant 0 : i32
        %lt3A_368 = arith.cmpi slt, %rem3A_364, %lt3A_367 : i32
        %lt3A_369 = arith.constant 0 : i32
        %lt3A_370 = arith.cmpi slt, %select_n3A_363, %lt3A_369 : i32
        %ne3A_371 = arith.xori %lt3A_368, %lt3A_370 : i1
        %and3A_372 = arith.andi %ne3A_371, %ne3A_366 : i1
        %add3A_373 = arith.addi %rem3A_364, %select_n3A_363 : i32
        %select_n3A_374 = arith.select %and3A_372, %add3A_373, %rem3A_364 : i32
        %mul3A_375 = arith.constant 64 : i32
        %mul3A_376 = arith.muli %select_n3A_374, %mul3A_375 : i32
        %dma_start3A_377 = tpu.memref_slice %arg8[%select_n3A_358, %mul3A_376] : memref<16x128xi32, #tpu.memory_space<vmem>> -> memref<1x64xi32, #tpu.memory_space<vmem>>
        %dma_start3A_378 = tpu.memref_squeeze %dma_start3A_377 : memref<1x64xi32, #tpu.memory_space<vmem>> -> memref<64xi32, #tpu.memory_space<vmem>>
        %dma_start3A_379 = arith.constant 0 : i32
        %dma_start3A_380 = arith.constant 0 : i32
        %dma_start3A_381 = tpu.memref_slice %arg3[%dma_start3A_379, %dma_start3A_380] : memref<4096x256xf32, #tpu.memory_space<hbm>> -> memref<4096x256xf32, #tpu.memory_space<hbm>>
        tpu.enqueue_indirect_dma source(%dma_start3A_381 : memref<4096x256xf32, #tpu.memory_space<hbm>>) target(%arg11 : memref<64x256xf32, #tpu.memory_space<vmem>>) offsets(%dma_start3A_378 : memref<64xi32, #tpu.memory_space<vmem>>) semaphore(%arg17 : memref<!tpu.dma_semaphore, #tpu.memory_space<semaphore_mem>>)
      } else {
      }
      %mul3A_154 = arith.constant 64 : i32
      %mul3A_155 = arith.muli %add3A_54, %mul3A_154 : i32
      %add3A_156 = arith.addi %mul3A_2, %mul3A_155 : i32
      %dma_start3A_157 = arith.constant 0 : i32
      %dma_start3A_158 = tpu.memref_slice %arg6[%add3A_156, %dma_start3A_157] : memref<65536x256xf32, #tpu.memory_space<hbm>> -> memref<64x256xf32, #tpu.memory_space<hbm>>
      %dma_start3A_159 = arith.constant 0 : i32
      %dma_start3A_160 = tpu.memref_slice %arg6[%add3A_156, %dma_start3A_159] : memref<65536x256xf32, #tpu.memory_space<hbm>> -> memref<64x256xf32, #tpu.memory_space<hbm>>
      tpu.enqueue_dma source(%arg13 : memref<64x256xf32, #tpu.memory_space<vmem>>) target(%dma_start3A_160 : memref<64x256xf32, #tpu.memory_space<hbm>>) target_semaphore(%arg19 : memref<!tpu.dma_semaphore, #tpu.memory_space<semaphore_mem>>)
      %mul3A_161 = arith.constant 2 : i32
      %mul3A_162 = arith.muli %scan3A_50, %mul3A_161 : i32
      %add3A_163 = arith.constant 1 : i32
      %add3A_164 = arith.addi %mul3A_162, %add3A_163 : i32
      %jit3A_165 = arith.constant 2 : i32
      %div3A_166 = arith.divsi %add3A_164, %jit3A_165 : i32
      %sign3A_167 = arith.constant 0 : i32
      %sign3A_168 = arith.cmpi sgt, %add3A_164, %sign3A_167 : i32
      %sign3A_169 = arith.extui %sign3A_168 : i1 to i32
      %sign3A_170 = arith.constant 0 : i32
      %sign3A_171 = arith.cmpi slt, %add3A_164, %sign3A_170 : i32
      %sign3A_172 = arith.extui %sign3A_171 : i1 to i32
      %sign3A_173 = arith.subi %sign3A_169, %sign3A_172 : i32
      %sign3A_174 = arith.constant 0 : i32
      %sign3A_175 = arith.cmpi sgt, %jit3A_165, %sign3A_174 : i32
      %sign3A_176 = arith.extui %sign3A_175 : i1 to i32
      %sign3A_177 = arith.constant 0 : i32
      %sign3A_178 = arith.cmpi slt, %jit3A_165, %sign3A_177 : i32
      %sign3A_179 = arith.extui %sign3A_178 : i1 to i32
      %sign3A_180 = arith.subi %sign3A_176, %sign3A_179 : i32
      %ne3A_181 = arith.cmpi ne, %sign3A_173, %sign3A_180 : i32
      %rem3A_182 = arith.remsi %add3A_164, %jit3A_165 : i32
      %ne3A_183 = arith.constant 0 : i32
      %ne3A_184 = arith.cmpi ne, %rem3A_182, %ne3A_183 : i32
      %and3A_185 = arith.andi %ne3A_181, %ne3A_184 : i1
      %sub3A_186 = arith.constant 1 : i32
      %sub3A_187 = arith.subi %div3A_166, %sub3A_186 : i32
      %select_n3A_188 = arith.select %and3A_185, %sub3A_187, %div3A_166 : i32
      %jit3A_189 = arith.constant 2 : i32
      %eq3A_190 = arith.constant 0 : i32
      %eq3A_191 = arith.cmpi eq, %jit3A_189, %eq3A_190 : i32
      %jit3A_192 = arith.constant 1 : i32
      %select_n3A_193 = arith.select %eq3A_191, %jit3A_192, %jit3A_189 : i32
      %rem3A_194 = arith.remsi %add3A_164, %select_n3A_193 : i32
      %ne3A_195 = arith.constant 0 : i32
      %ne3A_196 = arith.cmpi ne, %rem3A_194, %ne3A_195 : i32
      %lt3A_197 = arith.constant 0 : i32
      %lt3A_198 = arith.cmpi slt, %rem3A_194, %lt3A_197 : i32
      %lt3A_199 = arith.constant 0 : i32
      %lt3A_200 = arith.cmpi slt, %select_n3A_193, %lt3A_199 : i32
      %ne3A_201 = arith.xori %lt3A_198, %lt3A_200 : i1
      %and3A_202 = arith.andi %ne3A_201, %ne3A_196 : i1
      %add3A_203 = arith.addi %rem3A_194, %select_n3A_193 : i32
      %select_n3A_204 = arith.select %and3A_202, %add3A_203, %rem3A_194 : i32
      %mul3A_205 = arith.constant 64 : i32
      %mul3A_206 = arith.muli %select_n3A_204, %mul3A_205 : i32
      %dma_wait3A_207 = tpu.memref_slice %arg7[%select_n3A_188, %mul3A_206] : memref<16x128xi32, #tpu.memory_space<vmem>> -> memref<1x64xi32, #tpu.memory_space<vmem>>
      %dma_wait3A_208 = tpu.memref_squeeze %dma_wait3A_207 : memref<1x64xi32, #tpu.memory_space<vmem>> -> memref<64xi32, #tpu.memory_space<vmem>>
      %dma_wait3A_209 = arith.constant 0 : i32
      %dma_wait3A_210 = arith.constant 0 : i32
      %dma_wait3A_211 = tpu.memref_slice %arg2[%dma_wait3A_209, %dma_wait3A_210] : memref<4096x256xf32, #tpu.memory_space<hbm>> -> memref<4096x256xf32, #tpu.memory_space<hbm>>
      tpu.wait_indirect_dma semaphore(%arg16 : memref<!tpu.dma_semaphore, #tpu.memory_space<semaphore_mem>>) src(%dma_wait3A_211 : memref<4096x256xf32, #tpu.memory_space<hbm>>) dst(%arg10 : memref<64x256xf32, #tpu.memory_space<vmem>>)
      %jit3A_212 = arith.constant 2 : i32
      %div3A_213 = arith.divsi %add3A_164, %jit3A_212 : i32
      %sign3A_214 = arith.constant 0 : i32
      %sign3A_215 = arith.cmpi sgt, %add3A_164, %sign3A_214 : i32
      %sign3A_216 = arith.extui %sign3A_215 : i1 to i32
      %sign3A_217 = arith.constant 0 : i32
      %sign3A_218 = arith.cmpi slt, %add3A_164, %sign3A_217 : i32
      %sign3A_219 = arith.extui %sign3A_218 : i1 to i32
      %sign3A_220 = arith.subi %sign3A_216, %sign3A_219 : i32
      %sign3A_221 = arith.constant 0 : i32
      %sign3A_222 = arith.cmpi sgt, %jit3A_212, %sign3A_221 : i32
      %sign3A_223 = arith.extui %sign3A_222 : i1 to i32
      %sign3A_224 = arith.constant 0 : i32
      %sign3A_225 = arith.cmpi slt, %jit3A_212, %sign3A_224 : i32
      %sign3A_226 = arith.extui %sign3A_225 : i1 to i32
      %sign3A_227 = arith.subi %sign3A_223, %sign3A_226 : i32
      %ne3A_228 = arith.cmpi ne, %sign3A_220, %sign3A_227 : i32
      %rem3A_229 = arith.remsi %add3A_164, %jit3A_212 : i32
      %ne3A_230 = arith.constant 0 : i32
      %ne3A_231 = arith.cmpi ne, %rem3A_229, %ne3A_230 : i32
      %and3A_232 = arith.andi %ne3A_228, %ne3A_231 : i1
      %sub3A_233 = arith.constant 1 : i32
      %sub3A_234 = arith.subi %div3A_213, %sub3A_233 : i32
      %select_n3A_235 = arith.select %and3A_232, %sub3A_234, %div3A_213 : i32
      %jit3A_236 = arith.constant 2 : i32
      %eq3A_237 = arith.constant 0 : i32
      %eq3A_238 = arith.cmpi eq, %jit3A_236, %eq3A_237 : i32
      %jit3A_239 = arith.constant 1 : i32
      %select_n3A_240 = arith.select %eq3A_238, %jit3A_239, %jit3A_236 : i32
      %rem3A_241 = arith.remsi %add3A_164, %select_n3A_240 : i32
      %ne3A_242 = arith.constant 0 : i32
      %ne3A_243 = arith.cmpi ne, %rem3A_241, %ne3A_242 : i32
      %lt3A_244 = arith.constant 0 : i32
      %lt3A_245 = arith.cmpi slt, %rem3A_241, %lt3A_244 : i32
      %lt3A_246 = arith.constant 0 : i32
      %lt3A_247 = arith.cmpi slt, %select_n3A_240, %lt3A_246 : i32
      %ne3A_248 = arith.xori %lt3A_245, %lt3A_247 : i1
      %and3A_249 = arith.andi %ne3A_248, %ne3A_243 : i1
      %add3A_250 = arith.addi %rem3A_241, %select_n3A_240 : i32
      %select_n3A_251 = arith.select %and3A_249, %add3A_250, %rem3A_241 : i32
      %mul3A_252 = arith.constant 64 : i32
      %mul3A_253 = arith.muli %select_n3A_251, %mul3A_252 : i32
      %dma_wait3A_254 = tpu.memref_slice %arg8[%select_n3A_235, %mul3A_253] : memref<16x128xi32, #tpu.memory_space<vmem>> -> memref<1x64xi32, #tpu.memory_space<vmem>>
      %dma_wait3A_255 = tpu.memref_squeeze %dma_wait3A_254 : memref<1x64xi32, #tpu.memory_space<vmem>> -> memref<64xi32, #tpu.memory_space<vmem>>
      %dma_wait3A_256 = arith.constant 0 : i32
      %dma_wait3A_257 = arith.constant 0 : i32
      %dma_wait3A_258 = tpu.memref_slice %arg3[%dma_wait3A_256, %dma_wait3A_257] : memref<4096x256xf32, #tpu.memory_space<hbm>> -> memref<4096x256xf32, #tpu.memory_space<hbm>>
      tpu.wait_indirect_dma semaphore(%arg18 : memref<!tpu.dma_semaphore, #tpu.memory_space<semaphore_mem>>) src(%dma_wait3A_258 : memref<4096x256xf32, #tpu.memory_space<hbm>>) dst(%arg12 : memref<64x256xf32, #tpu.memory_space<vmem>>)
      %ge3A_259 = arith.constant 2 : i32
      %ge3A_260 = arith.cmpi sge, %add3A_164, %ge3A_259 : i32
      %convert_element_type3A_261 = arith.extui %ge3A_260 : i1 to i32
      %cond3A_262 = arith.constant 0 : i32
      %cond3A_263 = arith.cmpi ne, %convert_element_type3A_261, %cond3A_262 : i32
      scf.if %cond3A_263 {
        %sub3A_284 = arith.constant 2 : i32
        %sub3A_285 = arith.subi %add3A_164, %sub3A_284 : i32
        %mul3A_286 = arith.constant 64 : i32
        %mul3A_287 = arith.muli %sub3A_285, %mul3A_286 : i32
        %add3A_288 = arith.addi %mul3A_2, %mul3A_287 : i32
        %dma_wait3A_289 = arith.constant 0 : i32
        %dma_wait3A_290 = tpu.memref_slice %arg6[%add3A_288, %dma_wait3A_289] : memref<65536x256xf32, #tpu.memory_space<hbm>> -> memref<64x256xf32, #tpu.memory_space<hbm>>
        %dma_wait3A_291 = arith.constant 0 : i32
        %dma_wait3A_292 = tpu.memref_slice %arg6[%add3A_288, %dma_wait3A_291] : memref<65536x256xf32, #tpu.memory_space<hbm>> -> memref<64x256xf32, #tpu.memory_space<hbm>>
        tpu.wait_dma2 semaphore(%arg20 : memref<!tpu.dma_semaphore, #tpu.memory_space<semaphore_mem>>) src(%arg14 : memref<64x256xf32, #tpu.memory_space<vmem>>) dst(%dma_wait3A_292 : memref<64x256xf32, #tpu.memory_space<hbm>>)
      } else {
      }
      %scan3A_264 = arith.constant 0 : i32
      %scan3A_265 = arith.constant 0 : i32
      %scan3A_266 = arith.constant 64 : i32
      %scan3A_267 = arith.addi %scan3A_265, %scan3A_266 : i32
      %scan3A_268 = arith.constant 1 : i32
      scf.for %scan3A_284 = %scan3A_265 to %scan3A_267 step %scan3A_268  : i32 {
        %get3A = arith.index_cast %scan3A_284 : i32 to index
        %get3A_285 = arith.constant 0 : index
        %get3A_286 = tpu.vector_load %arg10[%get3A, %get3A_285] {strides = array<i32>} : memref<64x256xf32, #tpu.memory_space<vmem>>, vector<1x16xf32>,
        %get3A_287 = vector.shape_cast %get3A_286 : vector<1x16xf32> to vector<16xf32>
        %get3A_288 = arith.index_cast %scan3A_284 : i32 to index
        %get3A_289 = arith.constant 0 : index
        %get3A_290 = tpu.vector_load %arg12[%get3A_288, %get3A_289] {strides = array<i32>} : memref<64x256xf32, #tpu.memory_space<vmem>>, vector<1x16xf32>,
        %get3A_291 = vector.shape_cast %get3A_290 : vector<1x16xf32> to vector<16xf32>
        %add3A_292 = arith.addf %get3A_287, %get3A_291 : vector<16xf32>
        %swap3A = arith.index_cast %scan3A_284 : i32 to index
        %swap3A_293 = arith.constant 0 : index
        %swap3A_294 = tpu.vector_load %arg14[%swap3A, %swap3A_293] {strides = array<i32>} : memref<64x256xf32, #tpu.memory_space<vmem>>, vector<1x16xf32>,
        %swap3A_295 = vector.shape_cast %swap3A_294 : vector<1x16xf32> to vector<16xf32>
        %swap3A_296 = vector.shape_cast %add3A_292 : vector<16xf32> to vector<1x16xf32>
        tpu.vector_store %arg14[%swap3A, %swap3A_293], %swap3A_296 {strides = array<i32>} : memref<64x256xf32, #tpu.memory_space<vmem>>, vector<1x16xf32>,
        %get3A_297 = arith.index_cast %scan3A_284 : i32 to index
        %get3A_298 = arith.constant 16 : index
        %get3A_299 = tpu.vector_load %arg10[%get3A_297, %get3A_298] {strides = array<i32>} : memref<64x256xf32, #tpu.memory_space<vmem>>, vector<1x16xf32>,
        %get3A_300 = vector.shape_cast %get3A_299 : vector<1x16xf32> to vector<16xf32>
        %get3A_301 = arith.index_cast %scan3A_284 : i32 to index
        %get3A_302 = arith.constant 16 : index
        %get3A_303 = tpu.vector_load %arg12[%get3A_301, %get3A_302] {strides = array<i32>} : memref<64x256xf32, #tpu.memory_space<vmem>>, vector<1x16xf32>,
        %get3A_304 = vector.shape_cast %get3A_303 : vector<1x16xf32> to vector<16xf32>
        %add3A_305 = arith.addf %get3A_300, %get3A_304 : vector<16xf32>
        %swap3A_306 = arith.index_cast %scan3A_284 : i32 to index
        %swap3A_307 = arith.constant 16 : index
        %swap3A_308 = tpu.vector_load %arg14[%swap3A_306, %swap3A_307] {strides = array<i32>} : memref<64x256xf32, #tpu.memory_space<vmem>>, vector<1x16xf32>,
        %swap3A_309 = vector.shape_cast %swap3A_308 : vector<1x16xf32> to vector<16xf32>
        %swap3A_310 = vector.shape_cast %add3A_305 : vector<16xf32> to vector<1x16xf32>
        tpu.vector_store %arg14[%swap3A_306, %swap3A_307], %swap3A_310 {strides = array<i32>} : memref<64x256xf32, #tpu.memory_space<vmem>>, vector<1x16xf32>,
        %get3A_311 = arith.index_cast %scan3A_284 : i32 to index
        %get3A_312 = arith.constant 32 : index
        %get3A_313 = tpu.vector_load %arg10[%get3A_311, %get3A_312] {strides = array<i32>} : memref<64x256xf32, #tpu.memory_space<vmem>>, vector<1x16xf32>,
        %get3A_314 = vector.shape_cast %get3A_313 : vector<1x16xf32> to vector<16xf32>
        %get3A_315 = arith.index_cast %scan3A_284 : i32 to index
        %get3A_316 = arith.constant 32 : index
        %get3A_317 = tpu.vector_load %arg12[%get3A_315, %get3A_316] {strides = array<i32>} : memref<64x256xf32, #tpu.memory_space<vmem>>, vector<1x16xf32>,
        %get3A_318 = vector.shape_cast %get3A_317 : vector<1x16xf32> to vector<16xf32>
        %add3A_319 = arith.addf %get3A_314, %get3A_318 : vector<16xf32>
        %swap3A_320 = arith.index_cast %scan3A_284 : i32 to index
        %swap3A_321 = arith.constant 32 : index
        %swap3A_322 = tpu.vector_load %arg14[%swap3A_320, %swap3A_321] {strides = array<i32>} : memref<64x256xf32, #tpu.memory_space<vmem>>, vector<1x16xf32>,
        %swap3A_323 = vector.shape_cast %swap3A_322 : vector<1x16xf32> to vector<16xf32>
        %swap3A_324 = vector.shape_cast %add3A_319 : vector<16xf32> to vector<1x16xf32>
        tpu.vector_store %arg14[%swap3A_320, %swap3A_321], %swap3A_324 {strides = array<i32>} : memref<64x256xf32, #tpu.memory_space<vmem>>, vector<1x16xf32>,
        %get3A_325 = arith.index_cast %scan3A_284 : i32 to index
        %get3A_326 = arith.constant 48 : index
        %get3A_327 = tpu.vector_load %arg10[%get3A_325, %get3A_326] {strides = array<i32>} : memref<64x256xf32, #tpu.memory_space<vmem>>, vector<1x16xf32>,
        %get3A_328 = vector.shape_cast %get3A_327 : vector<1x16xf32> to vector<16xf32>
        %get3A_329 = arith.index_cast %scan3A_284 : i32 to index
        %get3A_330 = arith.constant 48 : index
        %get3A_331 = tpu.vector_load %arg12[%get3A_329, %get3A_330] {strides = array<i32>} : memref<64x256xf32, #tpu.memory_space<vmem>>, vector<1x16xf32>,
        %get3A_332 = vector.shape_cast %get3A_331 : vector<1x16xf32> to vector<16xf32>
        %add3A_333 = arith.addf %get3A_328, %get3A_332 : vector<16xf32>
        %swap3A_334 = arith.index_cast %scan3A_284 : i32 to index
        %swap3A_335 = arith.constant 48 : index
        %swap3A_336 = tpu.vector_load %arg14[%swap3A_334, %swap3A_335] {strides = array<i32>} : memref<64x256xf32, #tpu.memory_space<vmem>>, vector<1x16xf32>,
        %swap3A_337 = vector.shape_cast %swap3A_336 : vector<1x16xf32> to vector<16xf32>
        %swap3A_338 = vector.shape_cast %add3A_333 : vector<16xf32> to vector<1x16xf32>
        tpu.vector_store %arg14[%swap3A_334, %swap3A_335], %swap3A_338 {strides = array<i32>} : memref<64x256xf32, #tpu.memory_space<vmem>>, vector<1x16xf32>,
        %get3A_339 = arith.index_cast %scan3A_284 : i32 to index
        %get3A_340 = arith.constant 64 : index
        %get3A_341 = tpu.vector_load %arg10[%get3A_339, %get3A_340] {strides = array<i32>} : memref<64x256xf32, #tpu.memory_space<vmem>>, vector<1x16xf32>,
        %get3A_342 = vector.shape_cast %get3A_341 : vector<1x16xf32> to vector<16xf32>
        %get3A_343 = arith.index_cast %scan3A_284 : i32 to index
        %get3A_344 = arith.constant 64 : index
        %get3A_345 = tpu.vector_load %arg12[%get3A_343, %get3A_344] {strides = array<i32>} : memref<64x256xf32, #tpu.memory_space<vmem>>, vector<1x16xf32>,
        %get3A_346 = vector.shape_cast %get3A_345 : vector<1x16xf32> to vector<16xf32>
        %add3A_347 = arith.addf %get3A_342, %get3A_346 : vector<16xf32>
        %swap3A_348 = arith.index_cast %scan3A_284 : i32 to index
        %swap3A_349 = arith.constant 64 : index
        %swap3A_350 = tpu.vector_load %arg14[%swap3A_348, %swap3A_349] {strides = array<i32>} : memref<64x256xf32, #tpu.memory_space<vmem>>, vector<1x16xf32>,
        %swap3A_351 = vector.shape_cast %swap3A_350 : vector<1x16xf32> to vector<16xf32>
        %swap3A_352 = vector.shape_cast %add3A_347 : vector<16xf32> to vector<1x16xf32>
        tpu.vector_store %arg14[%swap3A_348, %swap3A_349], %swap3A_352 {strides = array<i32>} : memref<64x256xf32, #tpu.memory_space<vmem>>, vector<1x16xf32>,
        %get3A_353 = arith.index_cast %scan3A_284 : i32 to index
        %get3A_354 = arith.constant 80 : index
        %get3A_355 = tpu.vector_load %arg10[%get3A_353, %get3A_354] {strides = array<i32>} : memref<64x256xf32, #tpu.memory_space<vmem>>, vector<1x16xf32>,
        %get3A_356 = vector.shape_cast %get3A_355 : vector<1x16xf32> to vector<16xf32>
        %get3A_357 = arith.index_cast %scan3A_284 : i32 to index
        %get3A_358 = arith.constant 80 : index
        %get3A_359 = tpu.vector_load %arg12[%get3A_357, %get3A_358] {strides = array<i32>} : memref<64x256xf32, #tpu.memory_space<vmem>>, vector<1x16xf32>,
        %get3A_360 = vector.shape_cast %get3A_359 : vector<1x16xf32> to vector<16xf32>
        %add3A_361 = arith.addf %get3A_356, %get3A_360 : vector<16xf32>
        %swap3A_362 = arith.index_cast %scan3A_284 : i32 to index
        %swap3A_363 = arith.constant 80 : index
        %swap3A_364 = tpu.vector_load %arg14[%swap3A_362, %swap3A_363] {strides = array<i32>} : memref<64x256xf32, #tpu.memory_space<vmem>>, vector<1x16xf32>,
        %swap3A_365 = vector.shape_cast %swap3A_364 : vector<1x16xf32> to vector<16xf32>
        %swap3A_366 = vector.shape_cast %add3A_361 : vector<16xf32> to vector<1x16xf32>
        tpu.vector_store %arg14[%swap3A_362, %swap3A_363], %swap3A_366 {strides = array<i32>} : memref<64x256xf32, #tpu.memory_space<vmem>>, vector<1x16xf32>,
        %get3A_367 = arith.index_cast %scan3A_284 : i32 to index
        %get3A_368 = arith.constant 96 : index
        %get3A_369 = tpu.vector_load %arg10[%get3A_367, %get3A_368] {strides = array<i32>} : memref<64x256xf32, #tpu.memory_space<vmem>>, vector<1x16xf32>,
        %get3A_370 = vector.shape_cast %get3A_369 : vector<1x16xf32> to vector<16xf32>
        %get3A_371 = arith.index_cast %scan3A_284 : i32 to index
        %get3A_372 = arith.constant 96 : index
        %get3A_373 = tpu.vector_load %arg12[%get3A_371, %get3A_372] {strides = array<i32>} : memref<64x256xf32, #tpu.memory_space<vmem>>, vector<1x16xf32>,
        %get3A_374 = vector.shape_cast %get3A_373 : vector<1x16xf32> to vector<16xf32>
        %add3A_375 = arith.addf %get3A_370, %get3A_374 : vector<16xf32>
        %swap3A_376 = arith.index_cast %scan3A_284 : i32 to index
        %swap3A_377 = arith.constant 96 : index
        %swap3A_378 = tpu.vector_load %arg14[%swap3A_376, %swap3A_377] {strides = array<i32>} : memref<64x256xf32, #tpu.memory_space<vmem>>, vector<1x16xf32>,
        %swap3A_379 = vector.shape_cast %swap3A_378 : vector<1x16xf32> to vector<16xf32>
        %swap3A_380 = vector.shape_cast %add3A_375 : vector<16xf32> to vector<1x16xf32>
        tpu.vector_store %arg14[%swap3A_376, %swap3A_377], %swap3A_380 {strides = array<i32>} : memref<64x256xf32, #tpu.memory_space<vmem>>, vector<1x16xf32>,
        %get3A_381 = arith.index_cast %scan3A_284 : i32 to index
        %get3A_382 = arith.constant 112 : index
        %get3A_383 = tpu.vector_load %arg10[%get3A_381, %get3A_382] {strides = array<i32>} : memref<64x256xf32, #tpu.memory_space<vmem>>, vector<1x16xf32>,
        %get3A_384 = vector.shape_cast %get3A_383 : vector<1x16xf32> to vector<16xf32>
        %get3A_385 = arith.index_cast %scan3A_284 : i32 to index
        %get3A_386 = arith.constant 112 : index
        %get3A_387 = tpu.vector_load %arg12[%get3A_385, %get3A_386] {strides = array<i32>} : memref<64x256xf32, #tpu.memory_space<vmem>>, vector<1x16xf32>,
        %get3A_388 = vector.shape_cast %get3A_387 : vector<1x16xf32> to vector<16xf32>
        %add3A_389 = arith.addf %get3A_384, %get3A_388 : vector<16xf32>
        %swap3A_390 = arith.index_cast %scan3A_284 : i32 to index
        %swap3A_391 = arith.constant 112 : index
        %swap3A_392 = tpu.vector_load %arg14[%swap3A_390, %swap3A_391] {strides = array<i32>} : memref<64x256xf32, #tpu.memory_space<vmem>>, vector<1x16xf32>,
        %swap3A_393 = vector.shape_cast %swap3A_392 : vector<1x16xf32> to vector<16xf32>
        %swap3A_394 = vector.shape_cast %add3A_389 : vector<16xf32> to vector<1x16xf32>
        tpu.vector_store %arg14[%swap3A_390, %swap3A_391], %swap3A_394 {strides = array<i32>} : memref<64x256xf32, #tpu.memory_space<vmem>>, vector<1x16xf32>,
        %get3A_395 = arith.index_cast %scan3A_284 : i32 to index
        %get3A_396 = arith.constant 128 : index
        %get3A_397 = tpu.vector_load %arg10[%get3A_395, %get3A_396] {strides = array<i32>} : memref<64x256xf32, #tpu.memory_space<vmem>>, vector<1x16xf32>,
        %get3A_398 = vector.shape_cast %get3A_397 : vector<1x16xf32> to vector<16xf32>
        %get3A_399 = arith.index_cast %scan3A_284 : i32 to index
        %get3A_400 = arith.constant 128 : index
        %get3A_401 = tpu.vector_load %arg12[%get3A_399, %get3A_400] {strides = array<i32>} : memref<64x256xf32, #tpu.memory_space<vmem>>, vector<1x16xf32>,
        %get3A_402 = vector.shape_cast %get3A_401 : vector<1x16xf32> to vector<16xf32>
        %add3A_403 = arith.addf %get3A_398, %get3A_402 : vector<16xf32>
        %swap3A_404 = arith.index_cast %scan3A_284 : i32 to index
        %swap3A_405 = arith.constant 128 : index
        %swap3A_406 = tpu.vector_load %arg14[%swap3A_404, %swap3A_405] {strides = array<i32>} : memref<64x256xf32, #tpu.memory_space<vmem>>, vector<1x16xf32>,
        %swap3A_407 = vector.shape_cast %swap3A_406 : vector<1x16xf32> to vector<16xf32>
        %swap3A_408 = vector.shape_cast %add3A_403 : vector<16xf32> to vector<1x16xf32>
        tpu.vector_store %arg14[%swap3A_404, %swap3A_405], %swap3A_408 {strides = array<i32>} : memref<64x256xf32, #tpu.memory_space<vmem>>, vector<1x16xf32>,
        %get3A_409 = arith.index_cast %scan3A_284 : i32 to index
        %get3A_410 = arith.constant 144 : index
        %get3A_411 = tpu.vector_load %arg10[%get3A_409, %get3A_410] {strides = array<i32>} : memref<64x256xf32, #tpu.memory_space<vmem>>, vector<1x16xf32>,
        %get3A_412 = vector.shape_cast %get3A_411 : vector<1x16xf32> to vector<16xf32>
        %get3A_413 = arith.index_cast %scan3A_284 : i32 to index
        %get3A_414 = arith.constant 144 : index
        %get3A_415 = tpu.vector_load %arg12[%get3A_413, %get3A_414] {strides = array<i32>} : memref<64x256xf32, #tpu.memory_space<vmem>>, vector<1x16xf32>,
        %get3A_416 = vector.shape_cast %get3A_415 : vector<1x16xf32> to vector<16xf32>
        %add3A_417 = arith.addf %get3A_412, %get3A_416 : vector<16xf32>
        %swap3A_418 = arith.index_cast %scan3A_284 : i32 to index
        %swap3A_419 = arith.constant 144 : index
        %swap3A_420 = tpu.vector_load %arg14[%swap3A_418, %swap3A_419] {strides = array<i32>} : memref<64x256xf32, #tpu.memory_space<vmem>>, vector<1x16xf32>,
        %swap3A_421 = vector.shape_cast %swap3A_420 : vector<1x16xf32> to vector<16xf32>
        %swap3A_422 = vector.shape_cast %add3A_417 : vector<16xf32> to vector<1x16xf32>
        tpu.vector_store %arg14[%swap3A_418, %swap3A_419], %swap3A_422 {strides = array<i32>} : memref<64x256xf32, #tpu.memory_space<vmem>>, vector<1x16xf32>,
        %get3A_423 = arith.index_cast %scan3A_284 : i32 to index
        %get3A_424 = arith.constant 160 : index
        %get3A_425 = tpu.vector_load %arg10[%get3A_423, %get3A_424] {strides = array<i32>} : memref<64x256xf32, #tpu.memory_space<vmem>>, vector<1x16xf32>,
        %get3A_426 = vector.shape_cast %get3A_425 : vector<1x16xf32> to vector<16xf32>
        %get3A_427 = arith.index_cast %scan3A_284 : i32 to index
        %get3A_428 = arith.constant 160 : index
        %get3A_429 = tpu.vector_load %arg12[%get3A_427, %get3A_428] {strides = array<i32>} : memref<64x256xf32, #tpu.memory_space<vmem>>, vector<1x16xf32>,
        %get3A_430 = vector.shape_cast %get3A_429 : vector<1x16xf32> to vector<16xf32>
        %add3A_431 = arith.addf %get3A_426, %get3A_430 : vector<16xf32>
        %swap3A_432 = arith.index_cast %scan3A_284 : i32 to index
        %swap3A_433 = arith.constant 160 : index
        %swap3A_434 = tpu.vector_load %arg14[%swap3A_432, %swap3A_433] {strides = array<i32>} : memref<64x256xf32, #tpu.memory_space<vmem>>, vector<1x16xf32>,
        %swap3A_435 = vector.shape_cast %swap3A_434 : vector<1x16xf32> to vector<16xf32>
        %swap3A_436 = vector.shape_cast %add3A_431 : vector<16xf32> to vector<1x16xf32>
        tpu.vector_store %arg14[%swap3A_432, %swap3A_433], %swap3A_436 {strides = array<i32>} : memref<64x256xf32, #tpu.memory_space<vmem>>, vector<1x16xf32>,
        %get3A_437 = arith.index_cast %scan3A_284 : i32 to index
        %get3A_438 = arith.constant 176 : index
        %get3A_439 = tpu.vector_load %arg10[%get3A_437, %get3A_438] {strides = array<i32>} : memref<64x256xf32, #tpu.memory_space<vmem>>, vector<1x16xf32>,
        %get3A_440 = vector.shape_cast %get3A_439 : vector<1x16xf32> to vector<16xf32>
        %get3A_441 = arith.index_cast %scan3A_284 : i32 to index
        %get3A_442 = arith.constant 176 : index
        %get3A_443 = tpu.vector_load %arg12[%get3A_441, %get3A_442] {strides = array<i32>} : memref<64x256xf32, #tpu.memory_space<vmem>>, vector<1x16xf32>,
        %get3A_444 = vector.shape_cast %get3A_443 : vector<1x16xf32> to vector<16xf32>
        %add3A_445 = arith.addf %get3A_440, %get3A_444 : vector<16xf32>
        %swap3A_446 = arith.index_cast %scan3A_284 : i32 to index
        %swap3A_447 = arith.constant 176 : index
        %swap3A_448 = tpu.vector_load %arg14[%swap3A_446, %swap3A_447] {strides = array<i32>} : memref<64x256xf32, #tpu.memory_space<vmem>>, vector<1x16xf32>,
        %swap3A_449 = vector.shape_cast %swap3A_448 : vector<1x16xf32> to vector<16xf32>
        %swap3A_450 = vector.shape_cast %add3A_445 : vector<16xf32> to vector<1x16xf32>
        tpu.vector_store %arg14[%swap3A_446, %swap3A_447], %swap3A_450 {strides = array<i32>} : memref<64x256xf32, #tpu.memory_space<vmem>>, vector<1x16xf32>,
        %get3A_451 = arith.index_cast %scan3A_284 : i32 to index
        %get3A_452 = arith.constant 192 : index
        %get3A_453 = tpu.vector_load %arg10[%get3A_451, %get3A_452] {strides = array<i32>} : memref<64x256xf32, #tpu.memory_space<vmem>>, vector<1x16xf32>,
        %get3A_454 = vector.shape_cast %get3A_453 : vector<1x16xf32> to vector<16xf32>
        %get3A_455 = arith.index_cast %scan3A_284 : i32 to index
        %get3A_456 = arith.constant 192 : index
        %get3A_457 = tpu.vector_load %arg12[%get3A_455, %get3A_456] {strides = array<i32>} : memref<64x256xf32, #tpu.memory_space<vmem>>, vector<1x16xf32>,
        %get3A_458 = vector.shape_cast %get3A_457 : vector<1x16xf32> to vector<16xf32>
        %add3A_459 = arith.addf %get3A_454, %get3A_458 : vector<16xf32>
        %swap3A_460 = arith.index_cast %scan3A_284 : i32 to index
        %swap3A_461 = arith.constant 192 : index
        %swap3A_462 = tpu.vector_load %arg14[%swap3A_460, %swap3A_461] {strides = array<i32>} : memref<64x256xf32, #tpu.memory_space<vmem>>, vector<1x16xf32>,
        %swap3A_463 = vector.shape_cast %swap3A_462 : vector<1x16xf32> to vector<16xf32>
        %swap3A_464 = vector.shape_cast %add3A_459 : vector<16xf32> to vector<1x16xf32>
        tpu.vector_store %arg14[%swap3A_460, %swap3A_461], %swap3A_464 {strides = array<i32>} : memref<64x256xf32, #tpu.memory_space<vmem>>, vector<1x16xf32>,
        %get3A_465 = arith.index_cast %scan3A_284 : i32 to index
        %get3A_466 = arith.constant 208 : index
        %get3A_467 = tpu.vector_load %arg10[%get3A_465, %get3A_466] {strides = array<i32>} : memref<64x256xf32, #tpu.memory_space<vmem>>, vector<1x16xf32>,
        %get3A_468 = vector.shape_cast %get3A_467 : vector<1x16xf32> to vector<16xf32>
        %get3A_469 = arith.index_cast %scan3A_284 : i32 to index
        %get3A_470 = arith.constant 208 : index
        %get3A_471 = tpu.vector_load %arg12[%get3A_469, %get3A_470] {strides = array<i32>} : memref<64x256xf32, #tpu.memory_space<vmem>>, vector<1x16xf32>,
        %get3A_472 = vector.shape_cast %get3A_471 : vector<1x16xf32> to vector<16xf32>
        %add3A_473 = arith.addf %get3A_468, %get3A_472 : vector<16xf32>
        %swap3A_474 = arith.index_cast %scan3A_284 : i32 to index
        %swap3A_475 = arith.constant 208 : index
        %swap3A_476 = tpu.vector_load %arg14[%swap3A_474, %swap3A_475] {strides = array<i32>} : memref<64x256xf32, #tpu.memory_space<vmem>>, vector<1x16xf32>,
        %swap3A_477 = vector.shape_cast %swap3A_476 : vector<1x16xf32> to vector<16xf32>
        %swap3A_478 = vector.shape_cast %add3A_473 : vector<16xf32> to vector<1x16xf32>
        tpu.vector_store %arg14[%swap3A_474, %swap3A_475], %swap3A_478 {strides = array<i32>} : memref<64x256xf32, #tpu.memory_space<vmem>>, vector<1x16xf32>,
        %get3A_479 = arith.index_cast %scan3A_284 : i32 to index
        %get3A_480 = arith.constant 224 : index
        %get3A_481 = tpu.vector_load %arg10[%get3A_479, %get3A_480] {strides = array<i32>} : memref<64x256xf32, #tpu.memory_space<vmem>>, vector<1x16xf32>,
        %get3A_482 = vector.shape_cast %get3A_481 : vector<1x16xf32> to vector<16xf32>
        %get3A_483 = arith.index_cast %scan3A_284 : i32 to index
        %get3A_484 = arith.constant 224 : index
        %get3A_485 = tpu.vector_load %arg12[%get3A_483, %get3A_484] {strides = array<i32>} : memref<64x256xf32, #tpu.memory_space<vmem>>, vector<1x16xf32>,
        %get3A_486 = vector.shape_cast %get3A_485 : vector<1x16xf32> to vector<16xf32>
        %add3A_487 = arith.addf %get3A_482, %get3A_486 : vector<16xf32>
        %swap3A_488 = arith.index_cast %scan3A_284 : i32 to index
        %swap3A_489 = arith.constant 224 : index
        %swap3A_490 = tpu.vector_load %arg14[%swap3A_488, %swap3A_489] {strides = array<i32>} : memref<64x256xf32, #tpu.memory_space<vmem>>, vector<1x16xf32>,
        %swap3A_491 = vector.shape_cast %swap3A_490 : vector<1x16xf32> to vector<16xf32>
        %swap3A_492 = vector.shape_cast %add3A_487 : vector<16xf32> to vector<1x16xf32>
        tpu.vector_store %arg14[%swap3A_488, %swap3A_489], %swap3A_492 {strides = array<i32>} : memref<64x256xf32, #tpu.memory_space<vmem>>, vector<1x16xf32>,
        %get3A_493 = arith.index_cast %scan3A_284 : i32 to index
        %get3A_494 = arith.constant 240 : index
        %get3A_495 = tpu.vector_load %arg10[%get3A_493, %get3A_494] {strides = array<i32>} : memref<64x256xf32, #tpu.memory_space<vmem>>, vector<1x16xf32>,
        %get3A_496 = vector.shape_cast %get3A_495 : vector<1x16xf32> to vector<16xf32>
        %get3A_497 = arith.index_cast %scan3A_284 : i32 to index
        %get3A_498 = arith.constant 240 : index
        %get3A_499 = tpu.vector_load %arg12[%get3A_497, %get3A_498] {strides = array<i32>} : memref<64x256xf32, #tpu.memory_space<vmem>>, vector<1x16xf32>,
        %get3A_500 = vector.shape_cast %get3A_499 : vector<1x16xf32> to vector<16xf32>
        %add3A_501 = arith.addf %get3A_496, %get3A_500 : vector<16xf32>
        %swap3A_502 = arith.index_cast %scan3A_284 : i32 to index
        %swap3A_503 = arith.constant 240 : index
        %swap3A_504 = tpu.vector_load %arg14[%swap3A_502, %swap3A_503] {strides = array<i32>} : memref<64x256xf32, #tpu.memory_space<vmem>>, vector<1x16xf32>,
        %swap3A_505 = vector.shape_cast %swap3A_504 : vector<1x16xf32> to vector<16xf32>
        %swap3A_506 = vector.shape_cast %add3A_501 : vector<16xf32> to vector<1x16xf32>
        tpu.vector_store %arg14[%swap3A_502, %swap3A_503], %swap3A_506 {strides = array<i32>} : memref<64x256xf32, #tpu.memory_space<vmem>>, vector<1x16xf32>,
      }
      %scan3A_269 = arith.constant 64 : i32
      %add3A_270 = arith.constant 2 : i32
      %add3A_271 = arith.addi %add3A_164, %add3A_270 : i32
      %lt3A_272 = arith.constant 32 : i32
      %lt3A_273 = arith.cmpi slt, %add3A_271, %lt3A_272 : i32
      %convert_element_type3A_274 = arith.extui %lt3A_273 : i1 to i32
      %cond3A_275 = arith.constant 0 : i32
      %cond3A_276 = arith.cmpi ne, %convert_element_type3A_274, %cond3A_275 : i32
      scf.if %cond3A_276 {
        %add3A_284 = arith.constant 2 : i32
        %add3A_285 = arith.addi %add3A_164, %add3A_284 : i32
        %jit3A_286 = arith.constant 2 : i32
        %div3A_287 = arith.divsi %add3A_285, %jit3A_286 : i32
        %sign3A_288 = arith.constant 0 : i32
        %sign3A_289 = arith.cmpi sgt, %add3A_285, %sign3A_288 : i32
        %sign3A_290 = arith.extui %sign3A_289 : i1 to i32
        %sign3A_291 = arith.constant 0 : i32
        %sign3A_292 = arith.cmpi slt, %add3A_285, %sign3A_291 : i32
        %sign3A_293 = arith.extui %sign3A_292 : i1 to i32
        %sign3A_294 = arith.subi %sign3A_290, %sign3A_293 : i32
        %sign3A_295 = arith.constant 0 : i32
        %sign3A_296 = arith.cmpi sgt, %jit3A_286, %sign3A_295 : i32
        %sign3A_297 = arith.extui %sign3A_296 : i1 to i32
        %sign3A_298 = arith.constant 0 : i32
        %sign3A_299 = arith.cmpi slt, %jit3A_286, %sign3A_298 : i32
        %sign3A_300 = arith.extui %sign3A_299 : i1 to i32
        %sign3A_301 = arith.subi %sign3A_297, %sign3A_300 : i32
        %ne3A_302 = arith.cmpi ne, %sign3A_294, %sign3A_301 : i32
        %rem3A_303 = arith.remsi %add3A_285, %jit3A_286 : i32
        %ne3A_304 = arith.constant 0 : i32
        %ne3A_305 = arith.cmpi ne, %rem3A_303, %ne3A_304 : i32
        %and3A_306 = arith.andi %ne3A_302, %ne3A_305 : i1
        %sub3A_307 = arith.constant 1 : i32
        %sub3A_308 = arith.subi %div3A_287, %sub3A_307 : i32
        %select_n3A_309 = arith.select %and3A_306, %sub3A_308, %div3A_287 : i32
        %jit3A_310 = arith.constant 2 : i32
        %eq3A_311 = arith.constant 0 : i32
        %eq3A_312 = arith.cmpi eq, %jit3A_310, %eq3A_311 : i32
        %jit3A_313 = arith.constant 1 : i32
        %select_n3A_314 = arith.select %eq3A_312, %jit3A_313, %jit3A_310 : i32
        %rem3A_315 = arith.remsi %add3A_285, %select_n3A_314 : i32
        %ne3A_316 = arith.constant 0 : i32
        %ne3A_317 = arith.cmpi ne, %rem3A_315, %ne3A_316 : i32
        %lt3A_318 = arith.constant 0 : i32
        %lt3A_319 = arith.cmpi slt, %rem3A_315, %lt3A_318 : i32
        %lt3A_320 = arith.constant 0 : i32
        %lt3A_321 = arith.cmpi slt, %select_n3A_314, %lt3A_320 : i32
        %ne3A_322 = arith.xori %lt3A_319, %lt3A_321 : i1
        %and3A_323 = arith.andi %ne3A_322, %ne3A_317 : i1
        %add3A_324 = arith.addi %rem3A_315, %select_n3A_314 : i32
        %select_n3A_325 = arith.select %and3A_323, %add3A_324, %rem3A_315 : i32
        %mul3A_326 = arith.constant 64 : i32
        %mul3A_327 = arith.muli %select_n3A_325, %mul3A_326 : i32
        %dma_start3A_328 = tpu.memref_slice %arg7[%select_n3A_309, %mul3A_327] : memref<16x128xi32, #tpu.memory_space<vmem>> -> memref<1x64xi32, #tpu.memory_space<vmem>>
        %dma_start3A_329 = tpu.memref_squeeze %dma_start3A_328 : memref<1x64xi32, #tpu.memory_space<vmem>> -> memref<64xi32, #tpu.memory_space<vmem>>
        %dma_start3A_330 = arith.constant 0 : i32
        %dma_start3A_331 = arith.constant 0 : i32
        %dma_start3A_332 = tpu.memref_slice %arg2[%dma_start3A_330, %dma_start3A_331] : memref<4096x256xf32, #tpu.memory_space<hbm>> -> memref<4096x256xf32, #tpu.memory_space<hbm>>
        tpu.enqueue_indirect_dma source(%dma_start3A_332 : memref<4096x256xf32, #tpu.memory_space<hbm>>) target(%arg10 : memref<64x256xf32, #tpu.memory_space<vmem>>) offsets(%dma_start3A_329 : memref<64xi32, #tpu.memory_space<vmem>>) semaphore(%arg16 : memref<!tpu.dma_semaphore, #tpu.memory_space<semaphore_mem>>)
        %add3A_333 = arith.constant 2 : i32
        %add3A_334 = arith.addi %add3A_164, %add3A_333 : i32
        %jit3A_335 = arith.constant 2 : i32
        %div3A_336 = arith.divsi %add3A_334, %jit3A_335 : i32
        %sign3A_337 = arith.constant 0 : i32
        %sign3A_338 = arith.cmpi sgt, %add3A_334, %sign3A_337 : i32
        %sign3A_339 = arith.extui %sign3A_338 : i1 to i32
        %sign3A_340 = arith.constant 0 : i32
        %sign3A_341 = arith.cmpi slt, %add3A_334, %sign3A_340 : i32
        %sign3A_342 = arith.extui %sign3A_341 : i1 to i32
        %sign3A_343 = arith.subi %sign3A_339, %sign3A_342 : i32
        %sign3A_344 = arith.constant 0 : i32
        %sign3A_345 = arith.cmpi sgt, %jit3A_335, %sign3A_344 : i32
        %sign3A_346 = arith.extui %sign3A_345 : i1 to i32
        %sign3A_347 = arith.constant 0 : i32
        %sign3A_348 = arith.cmpi slt, %jit3A_335, %sign3A_347 : i32
        %sign3A_349 = arith.extui %sign3A_348 : i1 to i32
        %sign3A_350 = arith.subi %sign3A_346, %sign3A_349 : i32
        %ne3A_351 = arith.cmpi ne, %sign3A_343, %sign3A_350 : i32
        %rem3A_352 = arith.remsi %add3A_334, %jit3A_335 : i32
        %ne3A_353 = arith.constant 0 : i32
        %ne3A_354 = arith.cmpi ne, %rem3A_352, %ne3A_353 : i32
        %and3A_355 = arith.andi %ne3A_351, %ne3A_354 : i1
        %sub3A_356 = arith.constant 1 : i32
        %sub3A_357 = arith.subi %div3A_336, %sub3A_356 : i32
        %select_n3A_358 = arith.select %and3A_355, %sub3A_357, %div3A_336 : i32
        %jit3A_359 = arith.constant 2 : i32
        %eq3A_360 = arith.constant 0 : i32
        %eq3A_361 = arith.cmpi eq, %jit3A_359, %eq3A_360 : i32
        %jit3A_362 = arith.constant 1 : i32
        %select_n3A_363 = arith.select %eq3A_361, %jit3A_362, %jit3A_359 : i32
        %rem3A_364 = arith.remsi %add3A_334, %select_n3A_363 : i32
        %ne3A_365 = arith.constant 0 : i32
        %ne3A_366 = arith.cmpi ne, %rem3A_364, %ne3A_365 : i32
        %lt3A_367 = arith.constant 0 : i32
        %lt3A_368 = arith.cmpi slt, %rem3A_364, %lt3A_367 : i32
        %lt3A_369 = arith.constant 0 : i32
        %lt3A_370 = arith.cmpi slt, %select_n3A_363, %lt3A_369 : i32
        %ne3A_371 = arith.xori %lt3A_368, %lt3A_370 : i1
        %and3A_372 = arith.andi %ne3A_371, %ne3A_366 : i1
        %add3A_373 = arith.addi %rem3A_364, %select_n3A_363 : i32
        %select_n3A_374 = arith.select %and3A_372, %add3A_373, %rem3A_364 : i32
        %mul3A_375 = arith.constant 64 : i32
        %mul3A_376 = arith.muli %select_n3A_374, %mul3A_375 : i32
        %dma_start3A_377 = tpu.memref_slice %arg8[%select_n3A_358, %mul3A_376] : memref<16x128xi32, #tpu.memory_space<vmem>> -> memref<1x64xi32, #tpu.memory_space<vmem>>
        %dma_start3A_378 = tpu.memref_squeeze %dma_start3A_377 : memref<1x64xi32, #tpu.memory_space<vmem>> -> memref<64xi32, #tpu.memory_space<vmem>>
        %dma_start3A_379 = arith.constant 0 : i32
        %dma_start3A_380 = arith.constant 0 : i32
        %dma_start3A_381 = tpu.memref_slice %arg3[%dma_start3A_379, %dma_start3A_380] : memref<4096x256xf32, #tpu.memory_space<hbm>> -> memref<4096x256xf32, #tpu.memory_space<hbm>>
        tpu.enqueue_indirect_dma source(%dma_start3A_381 : memref<4096x256xf32, #tpu.memory_space<hbm>>) target(%arg12 : memref<64x256xf32, #tpu.memory_space<vmem>>) offsets(%dma_start3A_378 : memref<64xi32, #tpu.memory_space<vmem>>) semaphore(%arg18 : memref<!tpu.dma_semaphore, #tpu.memory_space<semaphore_mem>>)
      } else {
      }
      %mul3A_277 = arith.constant 64 : i32
      %mul3A_278 = arith.muli %add3A_164, %mul3A_277 : i32
      %add3A_279 = arith.addi %mul3A_2, %mul3A_278 : i32
      %dma_start3A_280 = arith.constant 0 : i32
      %dma_start3A_281 = tpu.memref_slice %arg6[%add3A_279, %dma_start3A_280] : memref<65536x256xf32, #tpu.memory_space<hbm>> -> memref<64x256xf32, #tpu.memory_space<hbm>>
      %dma_start3A_282 = arith.constant 0 : i32
      %dma_start3A_283 = tpu.memref_slice %arg6[%add3A_279, %dma_start3A_282] : memref<65536x256xf32, #tpu.memory_space<hbm>> -> memref<64x256xf32, #tpu.memory_space<hbm>>
      tpu.enqueue_dma source(%arg14 : memref<64x256xf32, #tpu.memory_space<vmem>>) target(%dma_start3A_283 : memref<64x256xf32, #tpu.memory_space<hbm>>) target_semaphore(%arg20 : memref<!tpu.dma_semaphore, #tpu.memory_space<semaphore_mem>>)
    }
    %scan3A_38 = arith.constant 16 : i32
    %add3A_39 = arith.constant 1920 : i32
    %add3A_40 = arith.addi %mul3A_2, %add3A_39 : i32
    %dma_wait3A = arith.constant 0 : i32
    %dma_wait3A_41 = tpu.memref_slice %arg6[%add3A_40, %dma_wait3A] : memref<65536x256xf32, #tpu.memory_space<hbm>> -> memref<64x256xf32, #tpu.memory_space<hbm>>
    %dma_wait3A_42 = arith.constant 0 : i32
    %dma_wait3A_43 = tpu.memref_slice %arg6[%add3A_40, %dma_wait3A_42] : memref<65536x256xf32, #tpu.memory_space<hbm>> -> memref<64x256xf32, #tpu.memory_space<hbm>>
    tpu.wait_dma2 semaphore(%arg19 : memref<!tpu.dma_semaphore, #tpu.memory_space<semaphore_mem>>) src(%arg13 : memref<64x256xf32, #tpu.memory_space<vmem>>) dst(%dma_wait3A_43 : memref<64x256xf32, #tpu.memory_space<hbm>>)
    %add3A_44 = arith.constant 1984 : i32
    %add3A_45 = arith.addi %mul3A_2, %add3A_44 : i32
    %dma_wait3A_46 = arith.constant 0 : i32
    %dma_wait3A_47 = tpu.memref_slice %arg6[%add3A_45, %dma_wait3A_46] : memref<65536x256xf32, #tpu.memory_space<hbm>> -> memref<64x256xf32, #tpu.memory_space<hbm>>
    %dma_wait3A_48 = arith.constant 0 : i32
    %dma_wait3A_49 = tpu.memref_slice %arg6[%add3A_45, %dma_wait3A_48] : memref<65536x256xf32, #tpu.memory_space<hbm>> -> memref<64x256xf32, #tpu.memory_space<hbm>>
    tpu.wait_dma2 semaphore(%arg20 : memref<!tpu.dma_semaphore, #tpu.memory_space<semaphore_mem>>) src(%arg14 : memref<64x256xf32, #tpu.memory_space<vmem>>) dst(%dma_wait3A_49 : memref<64x256xf32, #tpu.memory_space<hbm>>)
    return
  }
}

module attributes {stable_mosaic.version = 14 : i64} {
  func.func @body(%arg0: i32, %arg1: memref<2048xf32, #tpu.memory_space<vmem>>, %arg2: memref<2048xf32, #tpu.memory_space<vmem>>, %arg3: memref<2048x1xf32, #tpu.memory_space<vmem>>, %arg4: memref<1x256xf32, #tpu.memory_space<vmem>>, %arg5: memref<1x256xf32, #tpu.memory_space<vmem>>, %arg6: memref<1x256xf32, #tpu.memory_space<vmem>>, %arg7: memref<1x256xf32, #tpu.memory_space<vmem>>, %arg8: memref<256x256xf32, #tpu.memory_space<vmem>>, %arg9: memref<1x256xf32, #tpu.memory_space<vmem>>, %arg10: memref<2048x256xf32, #tpu.memory_space<vmem>>) attributes {dimension_semantics = [#tpu.dimension_semantics<arbitrary>], iteration_bounds = array<i64: 32>, scalar_prefetch = 0 : i64, scratch_operands = 0 : i64, tpu.core_type = #tpu.core_type<tc>, window_params = [{transform_indices = @transform_0, window_bounds = array<i64: 2048>}, {transform_indices = @transform_1, window_bounds = array<i64: 2048>}, {transform_indices = @transform_2, window_bounds = array<i64: 2048, 1>}, {pipeline_mode = #tpu.pipeline_mode<synchronous>, transform_indices = @transform_3, window_bounds = array<i64: 1, 256>}, {pipeline_mode = #tpu.pipeline_mode<synchronous>, transform_indices = @transform_4, window_bounds = array<i64: 1, 256>}, {pipeline_mode = #tpu.pipeline_mode<synchronous>, transform_indices = @transform_5, window_bounds = array<i64: 1, 256>}, {pipeline_mode = #tpu.pipeline_mode<synchronous>, transform_indices = @transform_6, window_bounds = array<i64: 1, 256>}, {pipeline_mode = #tpu.pipeline_mode<synchronous>, transform_indices = @transform_7, window_bounds = array<i64: 256, 256>}, {pipeline_mode = #tpu.pipeline_mode<synchronous>, transform_indices = @transform_8, window_bounds = array<i64: 1, 256>}, {transform_indices = @transform_9, window_bounds = array<i64: 2048, 256>}]} {
    %get3A = arith.constant 0 : index
    %get3A_0 = vector.load %arg1[%get3A] : memref<2048xf32, #tpu.memory_space<vmem>>, vector<2048xf32>
    %reshape3A = vector.shape_cast %get3A_0 : vector<2048xf32> to vector<2048x1xf32>
    %get3A_1 = arith.constant 0 : index
    %get3A_2 = vector.load %arg2[%get3A_1] : memref<2048xf32, #tpu.memory_space<vmem>>, vector<2048xf32>
    %reshape3A_3 = vector.shape_cast %get3A_2 : vector<2048xf32> to vector<2048x1xf32>
    %get3A_4 = arith.constant 0 : index
    %get3A_5 = arith.constant 0 : index
    %get3A_6 = vector.load %arg4[%get3A_4, %get3A_5] : memref<1x256xf32, #tpu.memory_space<vmem>>, vector<1x256xf32>
    %mul3A = vector.broadcast %reshape3A : vector<2048x1xf32> to vector<2048x256xf32>
    %mul3A_7 = vector.broadcast %get3A_6 : vector<1x256xf32> to vector<2048x256xf32>
    %mul3A_8 = arith.mulf %mul3A, %mul3A_7 : vector<2048x256xf32>
    %get3A_9 = arith.constant 0 : index
    %get3A_10 = arith.constant 0 : index
    %get3A_11 = vector.load %arg5[%get3A_9, %get3A_10] : memref<1x256xf32, #tpu.memory_space<vmem>>, vector<1x256xf32>
    %mul3A_12 = vector.broadcast %reshape3A_3 : vector<2048x1xf32> to vector<2048x256xf32>
    %mul3A_13 = vector.broadcast %get3A_11 : vector<1x256xf32> to vector<2048x256xf32>
    %mul3A_14 = arith.mulf %mul3A_12, %mul3A_13 : vector<2048x256xf32>
    %add3A = arith.addf %mul3A_8, %mul3A_14 : vector<2048x256xf32>
    %get3A_15 = arith.constant 0 : index
    %get3A_16 = arith.constant 0 : index
    %get3A_17 = vector.load %arg3[%get3A_15, %get3A_16] : memref<2048x1xf32, #tpu.memory_space<vmem>>, vector<2048x1xf32>
    %get3A_18 = arith.constant 0 : index
    %get3A_19 = arith.constant 0 : index
    %get3A_20 = vector.load %arg6[%get3A_18, %get3A_19] : memref<1x256xf32, #tpu.memory_space<vmem>>, vector<1x256xf32>
    %mul3A_21 = vector.broadcast %get3A_17 : vector<2048x1xf32> to vector<2048x256xf32>
    %mul3A_22 = vector.broadcast %get3A_20 : vector<1x256xf32> to vector<2048x256xf32>
    %mul3A_23 = arith.mulf %mul3A_21, %mul3A_22 : vector<2048x256xf32>
    %add3A_24 = arith.addf %add3A, %mul3A_23 : vector<2048x256xf32>
    %get3A_25 = arith.constant 0 : index
    %get3A_26 = arith.constant 0 : index
    %get3A_27 = vector.load %arg7[%get3A_25, %get3A_26] : memref<1x256xf32, #tpu.memory_space<vmem>>, vector<1x256xf32>
    %add3A_28 = vector.broadcast %get3A_27 : vector<1x256xf32> to vector<2048x256xf32>
    %add3A_29 = arith.addf %add3A_24, %add3A_28 : vector<2048x256xf32>
    %max3A = arith.constant 0.000000e+00 : f32
    %max3A_30 = vector.broadcast %max3A : f32 to vector<2048x256xf32>
    %max3A_31 = arith.maximumf %add3A_29, %max3A_30 : vector<2048x256xf32>
    %get3A_32 = arith.constant 0 : index
    %get3A_33 = arith.constant 0 : index
    %get3A_34 = vector.load %arg8[%get3A_32, %get3A_33] : memref<256x256xf32, #tpu.memory_space<vmem>>, vector<256x256xf32>
    %dot_general3A = arith.constant dense<0.000000e+00> : vector<2048x256xf32>
    %dot_general3A_35 = tpu.matmul %max3A_31, %get3A_34, %dot_general3A {dimension_numbers = #tpu.dot_dimension_numbers<[1], [0], [0], [1], [0, 0, 1, 1], [], []>, transpose_lhs_hint = false} : vector<2048x256xf32>, vector<256x256xf32>, vector<2048x256xf32> -> vector<2048x256xf32>
    %get3A_36 = arith.constant 0 : index
    %get3A_37 = arith.constant 0 : index
    %get3A_38 = vector.load %arg9[%get3A_36, %get3A_37] : memref<1x256xf32, #tpu.memory_space<vmem>>, vector<1x256xf32>
    %add3A_39 = vector.broadcast %get3A_38 : vector<1x256xf32> to vector<2048x256xf32>
    %add3A_40 = arith.addf %dot_general3A_35, %add3A_39 : vector<2048x256xf32>
    %max3A_41 = arith.constant 0.000000e+00 : f32
    %max3A_42 = vector.broadcast %max3A_41 : f32 to vector<2048x256xf32>
    %max3A_43 = arith.maximumf %add3A_40, %max3A_42 : vector<2048x256xf32>
    %swap3A = arith.constant 0 : index
    %swap3A_44 = arith.constant 0 : index
    %swap3A_45 = vector.load %arg10[%swap3A, %swap3A_44] : memref<2048x256xf32, #tpu.memory_space<vmem>>, vector<2048x256xf32>
    tpu.vector_store %arg10[%swap3A, %swap3A_44], %max3A_43 {strides = array<i32>} : memref<2048x256xf32, #tpu.memory_space<vmem>>, vector<2048x256xf32>,
    return
  }
  func.func @transform_0(%arg0: i32) -> i32 {
    %c0_i32 = arith.constant 0 : i32
    return %arg0 : i32
  }
  func.func @transform_1(%arg0: i32) -> i32 {
    %c0_i32 = arith.constant 0 : i32
    return %arg0 : i32
  }
  func.func @transform_2(%arg0: i32) -> (i32, i32) {
    %c0_i32 = arith.constant 0 : i32
    %c0_i32_0 = arith.constant 0 : i32
    return %arg0, %c0_i32 : i32, i32
  }
  func.func @transform_3(%arg0: i32) -> (i32, i32) {
    %c0_i32 = arith.constant 0 : i32
    %c0_i32_0 = arith.constant 0 : i32
    %c0_i32_1 = arith.constant 0 : i32
    return %c0_i32, %c0_i32_0 : i32, i32
  }
  func.func @transform_4(%arg0: i32) -> (i32, i32) {
    %c0_i32 = arith.constant 0 : i32
    %c0_i32_0 = arith.constant 0 : i32
    %c0_i32_1 = arith.constant 0 : i32
    return %c0_i32, %c0_i32_0 : i32, i32
  }
  func.func @transform_5(%arg0: i32) -> (i32, i32) {
    %c0_i32 = arith.constant 0 : i32
    %c0_i32_0 = arith.constant 0 : i32
    %c0_i32_1 = arith.constant 0 : i32
    return %c0_i32, %c0_i32_0 : i32, i32
  }
  func.func @transform_6(%arg0: i32) -> (i32, i32) {
    %c0_i32 = arith.constant 0 : i32
    %c0_i32_0 = arith.constant 0 : i32
    %c0_i32_1 = arith.constant 0 : i32
    return %c0_i32, %c0_i32_0 : i32, i32
  }
  func.func @transform_7(%arg0: i32) -> (i32, i32) {
    %c0_i32 = arith.constant 0 : i32
    %c0_i32_0 = arith.constant 0 : i32
    %c0_i32_1 = arith.constant 0 : i32
    return %c0_i32, %c0_i32_0 : i32, i32
  }
  func.func @transform_8(%arg0: i32) -> (i32, i32) {
    %c0_i32 = arith.constant 0 : i32
    %c0_i32_0 = arith.constant 0 : i32
    %c0_i32_1 = arith.constant 0 : i32
    return %c0_i32, %c0_i32_0 : i32, i32
  }
  func.func @transform_9(%arg0: i32) -> (i32, i32) {
    %c0_i32 = arith.constant 0 : i32
    %c0_i32_0 = arith.constant 0 : i32
    return %arg0, %c0_i32 : i32, i32
  }
}

module attributes {stable_mosaic.version = 14 : i64} {
  func.func @body(%arg0: i32, %arg1: memref<512x256xf32, #tpu.memory_space<vmem>>, %arg2: memref<512x1xf32, #tpu.memory_space<vmem>>, %arg3: memref<1x256xf32, #tpu.memory_space<vmem>>, %arg4: memref<256x256xf32, #tpu.memory_space<vmem>>, %arg5: memref<1x256xf32, #tpu.memory_space<vmem>>, %arg6: memref<256x256xf32, #tpu.memory_space<vmem>>, %arg7: memref<1x256xf32, #tpu.memory_space<vmem>>, %arg8: memref<256x256xf32, #tpu.memory_space<vmem>>, %arg9: memref<1x256xf32, #tpu.memory_space<vmem>>, %arg10: memref<256x256xf32, #tpu.memory_space<vmem>>, %arg11: memref<512x256xf32, #tpu.memory_space<vmem>>, %arg12: memref<512x256xf32, #tpu.memory_space<vmem>>, %arg13: memref<512x256xf32, #tpu.memory_space<vmem>>) attributes {dimension_semantics = [#tpu.dimension_semantics<arbitrary>], iteration_bounds = array<i64: 8>, scalar_prefetch = 0 : i64, scratch_operands = 0 : i64, tpu.core_type = #tpu.core_type<tc>, window_params = [{transform_indices = @transform_0, window_bounds = array<i64: 512, 256>}, {transform_indices = @transform_1, window_bounds = array<i64: 512, 1>}, {pipeline_mode = #tpu.pipeline_mode<synchronous>, transform_indices = @transform_2, window_bounds = array<i64: 1, 256>}, {pipeline_mode = #tpu.pipeline_mode<synchronous>, transform_indices = @transform_3, window_bounds = array<i64: 256, 256>}, {pipeline_mode = #tpu.pipeline_mode<synchronous>, transform_indices = @transform_4, window_bounds = array<i64: 1, 256>}, {pipeline_mode = #tpu.pipeline_mode<synchronous>, transform_indices = @transform_5, window_bounds = array<i64: 256, 256>}, {pipeline_mode = #tpu.pipeline_mode<synchronous>, transform_indices = @transform_6, window_bounds = array<i64: 1, 256>}, {pipeline_mode = #tpu.pipeline_mode<synchronous>, transform_indices = @transform_7, window_bounds = array<i64: 256, 256>}, {pipeline_mode = #tpu.pipeline_mode<synchronous>, transform_indices = @transform_8, window_bounds = array<i64: 1, 256>}, {pipeline_mode = #tpu.pipeline_mode<synchronous>, transform_indices = @transform_9, window_bounds = array<i64: 256, 256>}, {transform_indices = @transform_10, window_bounds = array<i64: 512, 256>}, {transform_indices = @transform_11, window_bounds = array<i64: 512, 256>}, {transform_indices = @transform_12, window_bounds = array<i64: 512, 256>}]} {
    %get3A = arith.constant 0 : index
    %get3A_0 = arith.constant 0 : index
    %get3A_1 = vector.load %arg2[%get3A, %get3A_0] : memref<512x1xf32, #tpu.memory_space<vmem>>, vector<512x1xf32>
    %get3A_2 = arith.constant 0 : index
    %get3A_3 = arith.constant 0 : index
    %get3A_4 = vector.load %arg3[%get3A_2, %get3A_3] : memref<1x256xf32, #tpu.memory_space<vmem>>, vector<1x256xf32>
    %mul3A = vector.broadcast %get3A_1 : vector<512x1xf32> to vector<512x256xf32>
    %mul3A_5 = vector.broadcast %get3A_4 : vector<1x256xf32> to vector<512x256xf32>
    %mul3A_6 = arith.mulf %mul3A, %mul3A_5 : vector<512x256xf32>
    %get3A_7 = arith.constant 0 : index
    %get3A_8 = arith.constant 0 : index
    %get3A_9 = vector.load %arg1[%get3A_7, %get3A_8] : memref<512x256xf32, #tpu.memory_space<vmem>>, vector<512x256xf32>
    %get3A_10 = arith.constant 0 : index
    %get3A_11 = arith.constant 0 : index
    %get3A_12 = vector.load %arg4[%get3A_10, %get3A_11] : memref<256x256xf32, #tpu.memory_space<vmem>>, vector<256x256xf32>
    %dot_general3A = arith.constant dense<0.000000e+00> : vector<512x256xf32>
    %dot_general3A_13 = tpu.matmul %get3A_9, %get3A_12, %dot_general3A {dimension_numbers = #tpu.dot_dimension_numbers<[1], [0], [0], [1], [0, 0, 1, 1], [], []>, transpose_lhs_hint = false} : vector<512x256xf32>, vector<256x256xf32>, vector<512x256xf32> -> vector<512x256xf32>
    %add3A = arith.addf %mul3A_6, %dot_general3A_13 : vector<512x256xf32>
    %get3A_14 = arith.constant 0 : index
    %get3A_15 = arith.constant 0 : index
    %get3A_16 = vector.load %arg5[%get3A_14, %get3A_15] : memref<1x256xf32, #tpu.memory_space<vmem>>, vector<1x256xf32>
    %add3A_17 = vector.broadcast %get3A_16 : vector<1x256xf32> to vector<512x256xf32>
    %add3A_18 = arith.addf %add3A, %add3A_17 : vector<512x256xf32>
    %max3A = arith.constant 0.000000e+00 : f32
    %max3A_19 = vector.broadcast %max3A : f32 to vector<512x256xf32>
    %max3A_20 = arith.maximumf %add3A_18, %max3A_19 : vector<512x256xf32>
    %get3A_21 = arith.constant 0 : index
    %get3A_22 = arith.constant 0 : index
    %get3A_23 = vector.load %arg6[%get3A_21, %get3A_22] : memref<256x256xf32, #tpu.memory_space<vmem>>, vector<256x256xf32>
    %dot_general3A_24 = arith.constant dense<0.000000e+00> : vector<512x256xf32>
    %dot_general3A_25 = tpu.matmul %max3A_20, %get3A_23, %dot_general3A_24 {dimension_numbers = #tpu.dot_dimension_numbers<[1], [0], [0], [1], [0, 0, 1, 1], [], []>, transpose_lhs_hint = false} : vector<512x256xf32>, vector<256x256xf32>, vector<512x256xf32> -> vector<512x256xf32>
    %get3A_26 = arith.constant 0 : index
    %get3A_27 = arith.constant 0 : index
    %get3A_28 = vector.load %arg7[%get3A_26, %get3A_27] : memref<1x256xf32, #tpu.memory_space<vmem>>, vector<1x256xf32>
    %add3A_29 = vector.broadcast %get3A_28 : vector<1x256xf32> to vector<512x256xf32>
    %add3A_30 = arith.addf %dot_general3A_25, %add3A_29 : vector<512x256xf32>
    %get3A_31 = arith.constant 0 : index
    %get3A_32 = arith.constant 0 : index
    %get3A_33 = vector.load %arg2[%get3A_31, %get3A_32] : memref<512x1xf32, #tpu.memory_space<vmem>>, vector<512x1xf32>
    %add3A_34 = vector.broadcast %get3A_33 : vector<512x1xf32> to vector<512x256xf32>
    %add3A_35 = arith.addf %add3A_30, %add3A_34 : vector<512x256xf32>
    %swap3A = arith.constant 0 : index
    %swap3A_36 = arith.constant 0 : index
    %swap3A_37 = vector.load %arg11[%swap3A, %swap3A_36] : memref<512x256xf32, #tpu.memory_space<vmem>>, vector<512x256xf32>
    tpu.vector_store %arg11[%swap3A, %swap3A_36], %add3A_35 {strides = array<i32>} : memref<512x256xf32, #tpu.memory_space<vmem>>, vector<512x256xf32>,
    %get3A_38 = arith.constant 0 : index
    %get3A_39 = arith.constant 0 : index
    %get3A_40 = vector.load %arg8[%get3A_38, %get3A_39] : memref<256x256xf32, #tpu.memory_space<vmem>>, vector<256x256xf32>
    %dot_general3A_41 = arith.constant dense<0.000000e+00> : vector<512x256xf32>
    %dot_general3A_42 = tpu.matmul %add3A_35, %get3A_40, %dot_general3A_41 {dimension_numbers = #tpu.dot_dimension_numbers<[1], [0], [0], [1], [0, 0, 1, 1], [], []>, transpose_lhs_hint = false} : vector<512x256xf32>, vector<256x256xf32>, vector<512x256xf32> -> vector<512x256xf32>
    %get3A_43 = arith.constant 0 : index
    %get3A_44 = arith.constant 0 : index
    %get3A_45 = vector.load %arg9[%get3A_43, %get3A_44] : memref<1x256xf32, #tpu.memory_space<vmem>>, vector<1x256xf32>
    %add3A_46 = vector.broadcast %get3A_45 : vector<1x256xf32> to vector<512x256xf32>
    %add3A_47 = arith.addf %dot_general3A_42, %add3A_46 : vector<512x256xf32>
    %swap3A_48 = arith.constant 0 : index
    %swap3A_49 = arith.constant 0 : index
    %swap3A_50 = vector.load %arg12[%swap3A_48, %swap3A_49] : memref<512x256xf32, #tpu.memory_space<vmem>>, vector<512x256xf32>
    tpu.vector_store %arg12[%swap3A_48, %swap3A_49], %add3A_47 {strides = array<i32>} : memref<512x256xf32, #tpu.memory_space<vmem>>, vector<512x256xf32>,
    %get3A_51 = arith.constant 0 : index
    %get3A_52 = arith.constant 0 : index
    %get3A_53 = vector.load %arg10[%get3A_51, %get3A_52] : memref<256x256xf32, #tpu.memory_space<vmem>>, vector<256x256xf32>
    %dot_general3A_54 = arith.constant dense<0.000000e+00> : vector<512x256xf32>
    %dot_general3A_55 = tpu.matmul %add3A_35, %get3A_53, %dot_general3A_54 {dimension_numbers = #tpu.dot_dimension_numbers<[1], [0], [0], [1], [0, 0, 1, 1], [], []>, transpose_lhs_hint = false} : vector<512x256xf32>, vector<256x256xf32>, vector<512x256xf32> -> vector<512x256xf32>
    %swap3A_56 = arith.constant 0 : index
    %swap3A_57 = arith.constant 0 : index
    %swap3A_58 = vector.load %arg13[%swap3A_56, %swap3A_57] : memref<512x256xf32, #tpu.memory_space<vmem>>, vector<512x256xf32>
    tpu.vector_store %arg13[%swap3A_56, %swap3A_57], %dot_general3A_55 {strides = array<i32>} : memref<512x256xf32, #tpu.memory_space<vmem>>, vector<512x256xf32>,
    return
  }
  func.func @transform_0(%arg0: i32) -> (i32, i32) {
    %c0_i32 = arith.constant 0 : i32
    %c0_i32_0 = arith.constant 0 : i32
    return %arg0, %c0_i32 : i32, i32
  }
  func.func @transform_1(%arg0: i32) -> (i32, i32) {
    %c0_i32 = arith.constant 0 : i32
    %c0_i32_0 = arith.constant 0 : i32
    return %arg0, %c0_i32 : i32, i32
  }
  func.func @transform_2(%arg0: i32) -> (i32, i32) {
    %c0_i32 = arith.constant 0 : i32
    %c0_i32_0 = arith.constant 0 : i32
    %c0_i32_1 = arith.constant 0 : i32
    return %c0_i32, %c0_i32_0 : i32, i32
  }
  func.func @transform_3(%arg0: i32) -> (i32, i32) {
    %c0_i32 = arith.constant 0 : i32
    %c0_i32_0 = arith.constant 0 : i32
    %c0_i32_1 = arith.constant 0 : i32
    return %c0_i32, %c0_i32_0 : i32, i32
  }
  func.func @transform_4(%arg0: i32) -> (i32, i32) {
    %c0_i32 = arith.constant 0 : i32
    %c0_i32_0 = arith.constant 0 : i32
    %c0_i32_1 = arith.constant 0 : i32
    return %c0_i32, %c0_i32_0 : i32, i32
  }
  func.func @transform_5(%arg0: i32) -> (i32, i32) {
    %c0_i32 = arith.constant 0 : i32
    %c0_i32_0 = arith.constant 0 : i32
    %c0_i32_1 = arith.constant 0 : i32
    return %c0_i32, %c0_i32_0 : i32, i32
  }
  func.func @transform_6(%arg0: i32) -> (i32, i32) {
    %c0_i32 = arith.constant 0 : i32
    %c0_i32_0 = arith.constant 0 : i32
    %c0_i32_1 = arith.constant 0 : i32
    return %c0_i32, %c0_i32_0 : i32, i32
  }
  func.func @transform_7(%arg0: i32) -> (i32, i32) {
    %c0_i32 = arith.constant 0 : i32
    %c0_i32_0 = arith.constant 0 : i32
    %c0_i32_1 = arith.constant 0 : i32
    return %c0_i32, %c0_i32_0 : i32, i32
  }
  func.func @transform_8(%arg0: i32) -> (i32, i32) {
    %c0_i32 = arith.constant 0 : i32
    %c0_i32_0 = arith.constant 0 : i32
    %c0_i32_1 = arith.constant 0 : i32
    return %c0_i32, %c0_i32_0 : i32, i32
  }
  func.func @transform_9(%arg0: i32) -> (i32, i32) {
    %c0_i32 = arith.constant 0 : i32
    %c0_i32_0 = arith.constant 0 : i32
    %c0_i32_1 = arith.constant 0 : i32
    return %c0_i32, %c0_i32_0 : i32, i32
  }
  func.func @transform_10(%arg0: i32) -> (i32, i32) {
    %c0_i32 = arith.constant 0 : i32
    %c0_i32_0 = arith.constant 0 : i32
    return %arg0, %c0_i32 : i32, i32
  }
  func.func @transform_11(%arg0: i32) -> (i32, i32) {
    %c0_i32 = arith.constant 0 : i32
    %c0_i32_0 = arith.constant 0 : i32
    return %arg0, %c0_i32 : i32, i32
  }
  func.func @transform_12(%arg0: i32) -> (i32, i32) {
    %c0_i32 = arith.constant 0 : i32
    %c0_i32_0 = arith.constant 0 : i32
    return %arg0, %c0_i32 : i32, i32
  }
}

module attributes {stable_mosaic.version = 14 : i64} {
  func.func @body(%arg0: i32, %arg1: memref<2048x256xf32, #tpu.memory_space<vmem>>, %arg2: memref<2048x1xf32, #tpu.memory_space<vmem>>, %arg3: memref<1x256xf32, #tpu.memory_space<vmem>>, %arg4: memref<256x256xf32, #tpu.memory_space<vmem>>, %arg5: memref<1x256xf32, #tpu.memory_space<vmem>>, %arg6: memref<2048x256xf32, #tpu.memory_space<vmem>>) attributes {dimension_semantics = [#tpu.dimension_semantics<arbitrary>], iteration_bounds = array<i64: 32>, scalar_prefetch = 0 : i64, scratch_operands = 0 : i64, tpu.core_type = #tpu.core_type<tc>, window_params = [{transform_indices = @transform_0, window_bounds = array<i64: 2048, 256>}, {transform_indices = @transform_1, window_bounds = array<i64: 2048, 1>}, {pipeline_mode = #tpu.pipeline_mode<synchronous>, transform_indices = @transform_2, window_bounds = array<i64: 1, 256>}, {pipeline_mode = #tpu.pipeline_mode<synchronous>, transform_indices = @transform_3, window_bounds = array<i64: 256, 256>}, {pipeline_mode = #tpu.pipeline_mode<synchronous>, transform_indices = @transform_4, window_bounds = array<i64: 1, 256>}, {transform_indices = @transform_5, window_bounds = array<i64: 2048, 256>}]} {
    %get3A = arith.constant 0 : index
    %get3A_0 = arith.constant 0 : index
    %get3A_1 = vector.load %arg1[%get3A, %get3A_0] : memref<2048x256xf32, #tpu.memory_space<vmem>>, vector<2048x256xf32>
    %get3A_2 = arith.constant 0 : index
    %get3A_3 = arith.constant 0 : index
    %get3A_4 = vector.load %arg2[%get3A_2, %get3A_3] : memref<2048x1xf32, #tpu.memory_space<vmem>>, vector<2048x1xf32>
    %get3A_5 = arith.constant 0 : index
    %get3A_6 = arith.constant 0 : index
    %get3A_7 = vector.load %arg3[%get3A_5, %get3A_6] : memref<1x256xf32, #tpu.memory_space<vmem>>, vector<1x256xf32>
    %mul3A = vector.broadcast %get3A_4 : vector<2048x1xf32> to vector<2048x256xf32>
    %mul3A_8 = vector.broadcast %get3A_7 : vector<1x256xf32> to vector<2048x256xf32>
    %mul3A_9 = arith.mulf %mul3A, %mul3A_8 : vector<2048x256xf32>
    %add3A = arith.addf %get3A_1, %mul3A_9 : vector<2048x256xf32>
    %max3A = arith.constant 0.000000e+00 : f32
    %max3A_10 = vector.broadcast %max3A : f32 to vector<2048x256xf32>
    %max3A_11 = arith.maximumf %add3A, %max3A_10 : vector<2048x256xf32>
    %get3A_12 = arith.constant 0 : index
    %get3A_13 = arith.constant 0 : index
    %get3A_14 = vector.load %arg4[%get3A_12, %get3A_13] : memref<256x256xf32, #tpu.memory_space<vmem>>, vector<256x256xf32>
    %dot_general3A = arith.constant dense<0.000000e+00> : vector<2048x256xf32>
    %dot_general3A_15 = tpu.matmul %max3A_11, %get3A_14, %dot_general3A {dimension_numbers = #tpu.dot_dimension_numbers<[1], [0], [0], [1], [0, 0, 1, 1], [], []>, transpose_lhs_hint = false} : vector<2048x256xf32>, vector<256x256xf32>, vector<2048x256xf32> -> vector<2048x256xf32>
    %get3A_16 = arith.constant 0 : index
    %get3A_17 = arith.constant 0 : index
    %get3A_18 = vector.load %arg5[%get3A_16, %get3A_17] : memref<1x256xf32, #tpu.memory_space<vmem>>, vector<1x256xf32>
    %add3A_19 = vector.broadcast %get3A_18 : vector<1x256xf32> to vector<2048x256xf32>
    %add3A_20 = arith.addf %dot_general3A_15, %add3A_19 : vector<2048x256xf32>
    %max3A_21 = arith.constant 0.000000e+00 : f32
    %max3A_22 = vector.broadcast %max3A_21 : f32 to vector<2048x256xf32>
    %max3A_23 = arith.maximumf %add3A_20, %max3A_22 : vector<2048x256xf32>
    %swap3A = arith.constant 0 : index
    %swap3A_24 = arith.constant 0 : index
    %swap3A_25 = vector.load %arg6[%swap3A, %swap3A_24] : memref<2048x256xf32, #tpu.memory_space<vmem>>, vector<2048x256xf32>
    tpu.vector_store %arg6[%swap3A, %swap3A_24], %max3A_23 {strides = array<i32>} : memref<2048x256xf32, #tpu.memory_space<vmem>>, vector<2048x256xf32>,
    return
  }
  func.func @transform_0(%arg0: i32) -> (i32, i32) {
    %c0_i32 = arith.constant 0 : i32
    %c0_i32_0 = arith.constant 0 : i32
    return %arg0, %c0_i32 : i32, i32
  }
  func.func @transform_1(%arg0: i32) -> (i32, i32) {
    %c0_i32 = arith.constant 0 : i32
    %c0_i32_0 = arith.constant 0 : i32
    return %arg0, %c0_i32 : i32, i32
  }
  func.func @transform_2(%arg0: i32) -> (i32, i32) {
    %c0_i32 = arith.constant 0 : i32
    %c0_i32_0 = arith.constant 0 : i32
    %c0_i32_1 = arith.constant 0 : i32
    return %c0_i32, %c0_i32_0 : i32, i32
  }
  func.func @transform_3(%arg0: i32) -> (i32, i32) {
    %c0_i32 = arith.constant 0 : i32
    %c0_i32_0 = arith.constant 0 : i32
    %c0_i32_1 = arith.constant 0 : i32
    return %c0_i32, %c0_i32_0 : i32, i32
  }
  func.func @transform_4(%arg0: i32) -> (i32, i32) {
    %c0_i32 = arith.constant 0 : i32
    %c0_i32_0 = arith.constant 0 : i32
    %c0_i32_1 = arith.constant 0 : i32
    return %c0_i32, %c0_i32_0 : i32, i32
  }
  func.func @transform_5(%arg0: i32) -> (i32, i32) {
    %c0_i32 = arith.constant 0 : i32
    %c0_i32_0 = arith.constant 0 : i32
    return %arg0, %c0_i32 : i32, i32
  }
}

module attributes {stable_mosaic.version = 14 : i64} {
  func.func @body(%arg0: i32, %arg1: memref<512x256xf32, #tpu.memory_space<vmem>>, %arg2: memref<512x256xf32, #tpu.memory_space<vmem>>, %arg3: memref<256x256xf32, #tpu.memory_space<vmem>>, %arg4: memref<256x256xf32, #tpu.memory_space<vmem>>, %arg5: memref<1x256xf32, #tpu.memory_space<vmem>>, %arg6: memref<256x256xf32, #tpu.memory_space<vmem>>, %arg7: memref<1x256xf32, #tpu.memory_space<vmem>>, %arg8: memref<256x8xf32, #tpu.memory_space<vmem>>, %arg9: memref<1x8xf32, #tpu.memory_space<vmem>>, %arg10: memref<512x8xf32, #tpu.memory_space<vmem>>) attributes {dimension_semantics = [#tpu.dimension_semantics<arbitrary>], iteration_bounds = array<i64: 8>, scalar_prefetch = 0 : i64, scratch_operands = 0 : i64, tpu.core_type = #tpu.core_type<tc>, window_params = [{transform_indices = @transform_0, window_bounds = array<i64: 512, 256>}, {transform_indices = @transform_1, window_bounds = array<i64: 512, 256>}, {pipeline_mode = #tpu.pipeline_mode<synchronous>, transform_indices = @transform_2, window_bounds = array<i64: 256, 256>}, {pipeline_mode = #tpu.pipeline_mode<synchronous>, transform_indices = @transform_3, window_bounds = array<i64: 256, 256>}, {pipeline_mode = #tpu.pipeline_mode<synchronous>, transform_indices = @transform_4, window_bounds = array<i64: 1, 256>}, {pipeline_mode = #tpu.pipeline_mode<synchronous>, transform_indices = @transform_5, window_bounds = array<i64: 256, 256>}, {pipeline_mode = #tpu.pipeline_mode<synchronous>, transform_indices = @transform_6, window_bounds = array<i64: 1, 256>}, {pipeline_mode = #tpu.pipeline_mode<synchronous>, transform_indices = @transform_7, window_bounds = array<i64: 256, 8>}, {pipeline_mode = #tpu.pipeline_mode<synchronous>, transform_indices = @transform_8, window_bounds = array<i64: 1, 8>}, {transform_indices = @transform_9, window_bounds = array<i64: 512, 8>}]} {
    %get3A = arith.constant 0 : index
    %get3A_0 = arith.constant 0 : index
    %get3A_1 = vector.load %arg2[%get3A, %get3A_0] : memref<512x256xf32, #tpu.memory_space<vmem>>, vector<512x256xf32>
    %get3A_2 = arith.constant 0 : index
    %get3A_3 = arith.constant 0 : index
    %get3A_4 = vector.load %arg3[%get3A_2, %get3A_3] : memref<256x256xf32, #tpu.memory_space<vmem>>, vector<256x256xf32>
    %dot_general3A = arith.constant dense<0.000000e+00> : vector<512x256xf32>
    %dot_general3A_5 = tpu.matmul %get3A_1, %get3A_4, %dot_general3A {dimension_numbers = #tpu.dot_dimension_numbers<[1], [0], [0], [1], [0, 0, 1, 1], [], []>, precision = #tpu.contract_precision<fp32>, transpose_lhs_hint = false} : vector<512x256xf32>, vector<256x256xf32>, vector<512x256xf32> -> vector<512x256xf32>
    %get3A_6 = arith.constant 0 : index
    %get3A_7 = arith.constant 0 : index
    %get3A_8 = vector.load %arg1[%get3A_6, %get3A_7] : memref<512x256xf32, #tpu.memory_space<vmem>>, vector<512x256xf32>
    %get3A_9 = arith.constant 0 : index
    %get3A_10 = arith.constant 0 : index
    %get3A_11 = vector.load %arg4[%get3A_9, %get3A_10] : memref<256x256xf32, #tpu.memory_space<vmem>>, vector<256x256xf32>
    %dot_general3A_12 = arith.constant dense<0.000000e+00> : vector<512x256xf32>
    %dot_general3A_13 = tpu.matmul %get3A_8, %get3A_11, %dot_general3A_12 {dimension_numbers = #tpu.dot_dimension_numbers<[1], [0], [0], [1], [0, 0, 1, 1], [], []>, precision = #tpu.contract_precision<fp32>, transpose_lhs_hint = false} : vector<512x256xf32>, vector<256x256xf32>, vector<512x256xf32> -> vector<512x256xf32>
    %add3A = arith.addf %dot_general3A_5, %dot_general3A_13 : vector<512x256xf32>
    %get3A_14 = arith.constant 0 : index
    %get3A_15 = arith.constant 0 : index
    %get3A_16 = vector.load %arg5[%get3A_14, %get3A_15] : memref<1x256xf32, #tpu.memory_space<vmem>>, vector<1x256xf32>
    %add3A_17 = vector.broadcast %get3A_16 : vector<1x256xf32> to vector<512x256xf32>
    %add3A_18 = arith.addf %add3A, %add3A_17 : vector<512x256xf32>
    %max3A = arith.constant 0.000000e+00 : f32
    %max3A_19 = vector.broadcast %max3A : f32 to vector<512x256xf32>
    %max3A_20 = arith.maximumf %add3A_18, %max3A_19 : vector<512x256xf32>
    %get3A_21 = arith.constant 0 : index
    %get3A_22 = arith.constant 0 : index
    %get3A_23 = vector.load %arg6[%get3A_21, %get3A_22] : memref<256x256xf32, #tpu.memory_space<vmem>>, vector<256x256xf32>
    %dot_general3A_24 = arith.constant dense<0.000000e+00> : vector<512x256xf32>
    %dot_general3A_25 = tpu.matmul %max3A_20, %get3A_23, %dot_general3A_24 {dimension_numbers = #tpu.dot_dimension_numbers<[1], [0], [0], [1], [0, 0, 1, 1], [], []>, precision = #tpu.contract_precision<fp32>, transpose_lhs_hint = false} : vector<512x256xf32>, vector<256x256xf32>, vector<512x256xf32> -> vector<512x256xf32>
    %get3A_26 = arith.constant 0 : index
    %get3A_27 = arith.constant 0 : index
    %get3A_28 = vector.load %arg7[%get3A_26, %get3A_27] : memref<1x256xf32, #tpu.memory_space<vmem>>, vector<1x256xf32>
    %add3A_29 = vector.broadcast %get3A_28 : vector<1x256xf32> to vector<512x256xf32>
    %add3A_30 = arith.addf %dot_general3A_25, %add3A_29 : vector<512x256xf32>
    %get3A_31 = arith.constant 0 : index
    %get3A_32 = arith.constant 0 : index
    %get3A_33 = vector.load %arg2[%get3A_31, %get3A_32] : memref<512x256xf32, #tpu.memory_space<vmem>>, vector<512x256xf32>
    %add3A_34 = arith.addf %add3A_30, %get3A_33 : vector<512x256xf32>
    %get3A_35 = arith.constant 0 : index
    %get3A_36 = arith.constant 0 : index
    %get3A_37 = vector.load %arg8[%get3A_35, %get3A_36] : memref<256x8xf32, #tpu.memory_space<vmem>>, vector<256x8xf32>
    %dot_general3A_38 = arith.constant dense<0.000000e+00> : vector<512x8xf32>
    %dot_general3A_39 = tpu.matmul %add3A_34, %get3A_37, %dot_general3A_38 {dimension_numbers = #tpu.dot_dimension_numbers<[1], [0], [0], [1], [0, 0, 1, 1], [], []>, precision = #tpu.contract_precision<fp32>, transpose_lhs_hint = false} : vector<512x256xf32>, vector<256x8xf32>, vector<512x8xf32> -> vector<512x8xf32>
    %get3A_40 = arith.constant 0 : index
    %get3A_41 = arith.constant 0 : index
    %get3A_42 = vector.load %arg9[%get3A_40, %get3A_41] : memref<1x8xf32, #tpu.memory_space<vmem>>, vector<1x8xf32>
    %add3A_43 = vector.broadcast %get3A_42 : vector<1x8xf32> to vector<512x8xf32>
    %add3A_44 = arith.addf %dot_general3A_39, %add3A_43 : vector<512x8xf32>
    %swap3A = arith.constant 0 : index
    %swap3A_45 = arith.constant 0 : index
    %swap3A_46 = vector.load %arg10[%swap3A, %swap3A_45] : memref<512x8xf32, #tpu.memory_space<vmem>>, vector<512x8xf32>
    tpu.vector_store %arg10[%swap3A, %swap3A_45], %add3A_44 {strides = array<i32>} : memref<512x8xf32, #tpu.memory_space<vmem>>, vector<512x8xf32>,
    return
  }
  func.func @transform_0(%arg0: i32) -> (i32, i32) {
    %c0_i32 = arith.constant 0 : i32
    %c0_i32_0 = arith.constant 0 : i32
    return %arg0, %c0_i32 : i32, i32
  }
  func.func @transform_1(%arg0: i32) -> (i32, i32) {
    %c0_i32 = arith.constant 0 : i32
    %c0_i32_0 = arith.constant 0 : i32
    return %arg0, %c0_i32 : i32, i32
  }
  func.func @transform_2(%arg0: i32) -> (i32, i32) {
    %c0_i32 = arith.constant 0 : i32
    %c0_i32_0 = arith.constant 0 : i32
    %c0_i32_1 = arith.constant 0 : i32
    return %c0_i32, %c0_i32_0 : i32, i32
  }
  func.func @transform_3(%arg0: i32) -> (i32, i32) {
    %c0_i32 = arith.constant 0 : i32
    %c0_i32_0 = arith.constant 0 : i32
    %c0_i32_1 = arith.constant 0 : i32
    return %c0_i32, %c0_i32_0 : i32, i32
  }
  func.func @transform_4(%arg0: i32) -> (i32, i32) {
    %c0_i32 = arith.constant 0 : i32
    %c0_i32_0 = arith.constant 0 : i32
    %c0_i32_1 = arith.constant 0 : i32
    return %c0_i32, %c0_i32_0 : i32, i32
  }
  func.func @transform_5(%arg0: i32) -> (i32, i32) {
    %c0_i32 = arith.constant 0 : i32
    %c0_i32_0 = arith.constant 0 : i32
    %c0_i32_1 = arith.constant 0 : i32
    return %c0_i32, %c0_i32_0 : i32, i32
  }
  func.func @transform_6(%arg0: i32) -> (i32, i32) {
    %c0_i32 = arith.constant 0 : i32
    %c0_i32_0 = arith.constant 0 : i32
    %c0_i32_1 = arith.constant 0 : i32
    return %c0_i32, %c0_i32_0 : i32, i32
  }
  func.func @transform_7(%arg0: i32) -> (i32, i32) {
    %c0_i32 = arith.constant 0 : i32
    %c0_i32_0 = arith.constant 0 : i32
    %c0_i32_1 = arith.constant 0 : i32
    return %c0_i32, %c0_i32_0 : i32, i32
  }
  func.func @transform_8(%arg0: i32) -> (i32, i32) {
    %c0_i32 = arith.constant 0 : i32
    %c0_i32_0 = arith.constant 0 : i32
    %c0_i32_1 = arith.constant 0 : i32
    return %c0_i32, %c0_i32_0 : i32, i32
  }
  func.func @transform_9(%arg0: i32) -> (i32, i32) {
    %c0_i32 = arith.constant 0 : i32
    %c0_i32_0 = arith.constant 0 : i32
    return %arg0, %c0_i32 : i32, i32
  }
}

module attributes {stable_mosaic.version = 14 : i64} {
  func.func @body(%arg0: i32, %arg1: memref<256x8xf32, #tpu.memory_space<vmem>>, %arg2: memref<8x4096xf32, #tpu.memory_space<vmem>>, %arg3: memref<256x4096xf32, #tpu.memory_space<vmem>>) attributes {dimension_semantics = [#tpu.dimension_semantics<arbitrary>], iteration_bounds = array<i64: 16>, scalar_prefetch = 0 : i64, scratch_operands = 0 : i64, tpu.core_type = #tpu.core_type<tc>, window_params = [{transform_indices = @transform_0, window_bounds = array<i64: 256, 8>}, {pipeline_mode = #tpu.pipeline_mode<synchronous>, transform_indices = @transform_1, window_bounds = array<i64: 8, 4096>}, {transform_indices = @transform_2, window_bounds = array<i64: 256, 4096>}]} {
    %get3A = arith.constant 0 : index
    %get3A_0 = arith.constant 0 : index
    %get3A_1 = vector.load %arg1[%get3A, %get3A_0] : memref<256x8xf32, #tpu.memory_space<vmem>>, vector<256x8xf32>
    %get3A_2 = arith.constant 0 : index
    %get3A_3 = arith.constant 0 : index
    %get3A_4 = vector.load %arg2[%get3A_2, %get3A_3] : memref<8x4096xf32, #tpu.memory_space<vmem>>, vector<8x4096xf32>
    %mul3A = arith.mulf %get3A_1, %get3A_1 : vector<256x8xf32>
    %reduce_sum3A = arith.constant dense<0.000000e+00> : vector<256xf32>
    %reduce_sum3A_5 = vector.multi_reduction <add>, %mul3A, %reduce_sum3A [1] : vector<256x8xf32> to vector<256xf32>
    %broadcast_in_dim3A = vector.shape_cast %reduce_sum3A_5 : vector<256xf32> to vector<256x1xf32>
    %mul3A_6 = arith.mulf %get3A_4, %get3A_4 : vector<8x4096xf32>
    %reduce_sum3A_7 = arith.constant dense<0.000000e+00> : vector<4096xf32>
    %reduce_sum3A_8 = vector.multi_reduction <add>, %mul3A_6, %reduce_sum3A_7 [0] : vector<8x4096xf32> to vector<4096xf32>
    %broadcast_in_dim3A_9 = vector.shape_cast %reduce_sum3A_8 : vector<4096xf32> to vector<1x4096xf32>
    %dot_general3A = arith.constant dense<0.000000e+00> : vector<256x4096xf32>
    %dot_general3A_10 = tpu.matmul %get3A_1, %get3A_4, %dot_general3A {dimension_numbers = #tpu.dot_dimension_numbers<[1], [0], [0], [1], [0, 0, 1, 1], [], []>, precision = #tpu.contract_precision<fp32>, transpose_lhs_hint = false} : vector<256x8xf32>, vector<8x4096xf32>, vector<256x4096xf32> -> vector<256x4096xf32>
    %add3A = vector.broadcast %broadcast_in_dim3A : vector<256x1xf32> to vector<256x4096xf32>
    %add3A_11 = vector.broadcast %broadcast_in_dim3A_9 : vector<1x4096xf32> to vector<256x4096xf32>
    %add3A_12 = arith.addf %add3A, %add3A_11 : vector<256x4096xf32>
    %mul3A_13 = arith.constant 2.000000e+00 : f32
    %mul3A_14 = vector.broadcast %mul3A_13 : f32 to vector<256x4096xf32>
    %mul3A_15 = arith.mulf %mul3A_14, %dot_general3A_10 : vector<256x4096xf32>
    %sub3A = arith.subf %add3A_12, %mul3A_15 : vector<256x4096xf32>
    %mul3A_16 = arith.constant 1.000000e+01 : f32
    %mul3A_17 = vector.broadcast %mul3A_16 : f32 to vector<256x4096xf32>
    %mul3A_18 = arith.mulf %mul3A_17, %sub3A : vector<256x4096xf32>
    %sub3A_19 = arith.constant 1.000000e+00 : f32
    %sub3A_20 = vector.broadcast %sub3A_19 : f32 to vector<256x4096xf32>
    %sub3A_21 = arith.subf %mul3A_18, %sub3A_20 : vector<256x4096xf32>
    %neg3A = arith.constant 0.000000e+00 : f32
    %neg3A_22 = vector.broadcast %neg3A : f32 to vector<256x4096xf32>
    %neg3A_23 = arith.subf %neg3A_22, %sub3A_21 : vector<256x4096xf32>
    %exp3A = math.exp %neg3A_23 : vector<256x4096xf32>
    %add3A_24 = arith.constant 1.000000e+00 : f32
    %add3A_25 = vector.broadcast %add3A_24 : f32 to vector<256x4096xf32>
    %add3A_26 = arith.addf %add3A_25, %exp3A : vector<256x4096xf32>
    %div3A = arith.constant 1.000000e+00 : f32
    %div3A_27 = vector.broadcast %div3A : f32 to vector<256x4096xf32>
    %div3A_28 = arith.divf %div3A_27, %add3A_26 : vector<256x4096xf32>
    %iota3A = tpu.iota {dimensions = array<i32: 0>} : vector<256x4096xi32>
    %mul3A_29 = arith.constant 256 : i32
    %mul3A_30 = arith.muli %arg0, %mul3A_29 : i32
    %add3A_31 = vector.broadcast %mul3A_30 : i32 to vector<256x4096xi32>
    %add3A_32 = arith.addi %iota3A, %add3A_31 : vector<256x4096xi32>
    %iota3A_33 = tpu.iota {dimensions = array<i32: 1>} : vector<256x4096xi32>
    %eq3A = arith.cmpi eq, %add3A_32, %iota3A_33 : vector<256x4096xi32>
    %jit3A = arith.constant 0.000000e+00 : f32
    %broadcast_in_dim3A_34 = vector.broadcast %jit3A : f32 to vector<256x4096xf32>
    %select_n3A = arith.select %eq3A, %broadcast_in_dim3A_34, %div3A_28 : vector<256x4096xi1>, vector<256x4096xf32>
    %swap3A = arith.constant 0 : index
    %swap3A_35 = arith.constant 0 : index
    %swap3A_36 = vector.load %arg3[%swap3A, %swap3A_35] : memref<256x4096xf32, #tpu.memory_space<vmem>>, vector<256x4096xf32>
    tpu.vector_store %arg3[%swap3A, %swap3A_35], %select_n3A {strides = array<i32>} : memref<256x4096xf32, #tpu.memory_space<vmem>>, vector<256x4096xf32>,
    return
  }
  func.func @transform_0(%arg0: i32) -> (i32, i32) {
    %c0_i32 = arith.constant 0 : i32
    %c0_i32_0 = arith.constant 0 : i32
    return %arg0, %c0_i32 : i32, i32
  }
  func.func @transform_1(%arg0: i32) -> (i32, i32) {
    %c0_i32 = arith.constant 0 : i32
    %c0_i32_0 = arith.constant 0 : i32
    %c0_i32_1 = arith.constant 0 : i32
    return %c0_i32, %c0_i32_0 : i32, i32
  }
  func.func @transform_2(%arg0: i32) -> (i32, i32) {
    %c0_i32 = arith.constant 0 : i32
    %c0_i32_0 = arith.constant 0 : i32
    return %arg0, %c0_i32 : i32, i32
  }
}

</mosaic_0001>

<sc_bundles>
// kernel: kernel.11.cloned.1.call-start
scs
__scs_entry_jumppad:
0x0: {  	(pc) =	sbr.rel $0x88, $3  }
0x1: {  	(tag) =	ssettag $0x0;
	lr =	simm.s32 $0x1  }
0x2: {  	[smem:$0x3F8C] =	sst lr;
	_ =	strace $0xD0000000  }
0x3: {  	_ = 	snop  }
0x4: {  	_ = 	snop  }
0x5: {  	_ = 	snop  }
0x6: {  	_ = 	snop  }
0x7: {  	_ = 	snop  }
__scs_overlays_trampoline_lowered:
0x8: {  	[smem:$0x3F9B] =	sst s0  }
0x9: {  	[smem:$0x3F9C] =	sst s1  }
0xa: {  	[smem:$0x3F9D] =	sst s2  }
0xb: {  	[smem:$0x3F9E] =	sst s3  }
0xc: {  	[smem:$0x3F9F] =	sst s4  }
0xd: {  	[smem:$0x3FA0] =	sst s5  }
0xe: {  	[smem:$0x3FA1] =	sst s6  }
0xf: {  	[smem:$0x3FA2] =	sst s7  }
0x10: {  	[smem:$0x3FA3] =	sst s8  }
0x11: {  	[smem:$0x3FA4] =	sst s9;
	s0 =	simm.s32 @!p0 $0x0  }
0x12: {  	s1 =	sld [smem:$0x3F8A];
	s0 =	simm.s32 @p0 $0x1  }
0x13: {  	[smem:$0x3FA5] =	sst s0;
	s0 =	simm.s32 @!p1 $0x0  }
0x14: {  	s2 =	sld [smem:$0x3F89];
	s0 =	simm.s32 @p1 $0x1  }
0x15: {  	[smem:$0x3FA6] =	sst s0;
	s0 =	simm.s32 @!p2 $0x0  }
0x16: {  	s3 =	sld [smem:$0x3FDB];
	s0 =	simm.s32 @p2 $0x1  }
0x17: {  	s4 =	simm.s32 $0x1BF5;
	[smem:$0x3FA8] =	sst s0  }
0x18: {  	s0 =	sld [smem:$0x3F8B];
	_ =	swait.ge [sflag:s4], $0x0  }
0x19: {  	s7 =	sld [smem:$0x3F8C]  }
0x1a: {  	s8 =	sadd.s32 $0xFFFFE003, lr  }
0x1b: {  	s9 =	sadd.s32 $0xFFFFFEF7, lr;
	s5 =	simm.s32 $0xFFFFFFFF;
	p2 =	slt.u32 s8, $0xFFFFF086  }
0x1c: {  	p1 =	slt.u32 s9, $0xF7A;
	s5 =	simm.s32 @!p2 $0x0  }
0x1d: {  	s5 =	simm.s32 @p1 $0x1;
	p0 =	seq.s32 s7, s2  }
0x1e: {  	s7 =	smul.u32 @!p0 $0xF7A, s2;
	p2 =	seq.s32 @!p0 s5, $0x0  }
0x1f: {  	s9 =	smul.u32 $0xF7A, s1;
	s8 =	simm.s32 @!p0 $0x1BF5;
	p2 =	por !p2, p0  }
0x20: {  	[sflag:s8] =	ssyncset.s32 @!p0 $0xFFFFF086;
	s6 =	sadd.s32 @!p0 s3, s7;
	s7 =	simm.s32 @!p0 $0x108  }
0x21: {  	s3 =	sadd.s32 s3, s9;
	s6 =	sadd.s32 @!p0 $0x88, s6;
	s7 =	simm.s32 @p2 $0x1082  }
0x22: {  	[simem:s7], [sflag:s8] =	dma.local @!p0 [hbm:s6], $0xF7A  }
0x23: {  	s9 =	sor.u32 $0xD0000000, s2;
	s6 =	simm.s32 $0x108;
	_ =	swait.ge @!p0 [sflag:s8], $0x0  }
0x24: {  	s3 =	sadd.s32 $0x88, s3;
	s6 =	simm.s32 @!p1 $0x1082;
	[sflag:s4] =	ssyncset.s32 $0xFFFFF086  }
0x25: {  	[simem:s6], [sflag:s4] =	dma.local [hbm:s3], $0xF7A  }
0x26: {  	[smem:$0x3F8C] =	sst s1;
	(tag) =	ssettag s2;
	_ =	strace s9  }
0x27: {  	s1 =	sld [smem:$0x3F9C]  }
0x28: {  	s2 =	sld [smem:$0x3F9D]  }
0x29: {  	s4 =	sld [smem:$0x3F9F]  }
0x2a: {  	p0 =	seq.s32 s5, $0x0;
	s5 =	sld [smem:$0x3FA0]  }
0x2b: {  	s6 =	sld [smem:$0x3FA1]  }
0x2c: {  	s7 =	sld [smem:$0x3FA2]  }
0x2d: {  	s3 =	simm.s32 $0x108;
	s8 =	sld [smem:$0x3FA3]  }
0x2e: {  	s3 =	simm.s32 @!p0 $0x1082;
	s9 =	sld [smem:$0x3FA4]  }
0x2f: {  	lr =	sadd.s32 s0, s3;
	s0 =	sld [smem:$0x3F9B]  }
0x30: {  	s3 =	sld [smem:$0x3F9E]  }
0x31: {  	[smem:$0x3FA7] =	sst s10  }
0x32: {  	s10 =	sld [smem:$0x3FA5];
	_ =	sdelay $0x3  }
0x33: {  	p0 =	seq.s32 s10, $0x1;
	s10 =	sld [smem:$0x3FA7];
	_ =	sdelay $0x3  }
0x34: {  	[smem:$0x3FA7] =	sst s10  }
0x35: {  	s10 =	sld [smem:$0x3FA6];
	_ =	sdelay $0x3  }
0x36: {  	p1 =	seq.s32 s10, $0x1;
	s10 =	sld [smem:$0x3FA7];
	_ =	sdelay $0x3  }
0x37: {  	[smem:$0x3FA7] =	sst s10  }
0x38: {  	s10 =	sld [smem:$0x3FA8]  }
0x39: {  	_ = 	snop;
	(pc) =	sbr.ind lr, $3  }
0x3a: {  	_ = 	snop  }
0x3b: {  	_ = 	snop  }
0x3c: {  	p2 =	seq.s32 s10, $0x1;
	s10 =	sld [smem:$0x3FA7]  }
0x3d: {  	_ =	shalt  }
0x3e: {  	_ =	shalt  }
0x3f: {  	_ =	shalt  }
0x40: {  	_ =	shalt  }
0x41: {  	_ =	shalt  }
0x42: {  	_ =	shalt  }
0x43: {  	_ =	shalt  }
0x44: {  	_ =	shalt  }
0x45: {  	_ =	shalt  }
0x46: {  	_ =	shalt  }
0x47: {  	_ =	shalt  }
0x48: {  	_ =	shalt  }
0x49: {  	_ =	shalt  }
0x4a: {  	_ =	shalt  }
0x4b: {  	_ =	shalt  }
0x4c: {  	_ =	shalt  }
0x4d: {  	_ =	shalt  }
0x4e: {  	_ =	shalt  }
0x4f: {  	_ =	shalt  }
0x50: {  	_ =	shalt  }
0x51: {  	_ =	shalt  }
0x52: {  	_ =	shalt  }
0x53: {  	_ =	shalt  }
0x54: {  	_ =	shalt  }
0x55: {  	_ =	shalt  }
0x56: {  	_ =	shalt  }
0x57: {  	_ =	shalt  }
0x58: {  	_ =	shalt  }
0x59: {  	_ =	shalt  }
0x5a: {  	_ =	shalt  }
0x5b: {  	_ =	shalt  }
0x5c: {  	_ =	shalt  }
0x5d: {  	_ =	shalt  }
0x5e: {  	_ =	shalt  }
0x5f: {  	_ =	shalt  }
0x60: {  	_ =	shalt  }
0x61: {  	_ =	shalt  }
0x62: {  	_ =	shalt  }
0x63: {  	_ =	shalt  }
0x64: {  	_ =	shalt  }
0x65: {  	_ =	shalt  }
0x66: {  	_ =	shalt  }
0x67: {  	_ =	shalt  }
0x68: {  	_ =	shalt  }
0x69: {  	_ =	shalt  }
0x6a: {  	_ =	shalt  }
0x6b: {  	_ =	shalt  }
0x6c: {  	_ =	shalt  }
0x6d: {  	_ =	shalt  }
0x6e: {  	_ =	shalt  }
0x6f: {  	_ =	shalt  }
0x70: {  	_ =	shalt  }
0x71: {  	_ =	shalt  }
0x72: {  	_ =	shalt  }
0x73: {  	_ =	shalt  }
0x74: {  	_ =	shalt  }
0x75: {  	_ =	shalt  }
0x76: {  	_ =	shalt  }
0x77: {  	_ =	shalt  }
0x78: {  	_ =	shalt  }
0x79: {  	_ =	shalt  }
0x7a: {  	_ =	shalt  }
0x7b: {  	_ =	shalt  }
0x7c: {  	_ =	shalt  }
0x7d: {  	_ =	shalt  }
0x7e: {  	_ =	shalt  }
0x7f: {  	_ =	shalt  }
0x80: {  	_ =	shalt  }
0x81: {  	_ =	shalt  }
0x82: {  	_ =	shalt  }
0x83: {  	_ =	shalt  }
0x84: {  	_ =	shalt  }
0x85: {  	_ =	shalt  }
0x86: {  	_ =	shalt  }
0x87: {  	_ =	shalt  }
.Lfunc_end0:
.L_simem_size_0:
called_computation_lowered:
.L_overlay_start_0:
0x88: {  	s2 =	sld [smem:$0x3FD9]  }
0x89: {  	s3 =	sld [smem:$0x3FFE];
	_ =	sdelay $0x1  }
0x8a: {  	s1 =	srdreg.scid  }
0x8b: {  	s0 =	sand.u32 $0x1, s1  }
0x8c: {  	s14 =	sshll.u32 s0, $0xA;
	s2 =	sadd.s32 s3, s2  }
0x8d: {  	s2 =	sadd.s32 s2, s14  }
0x8e: {  	[smem:$0x3FB3] =	sst s2  }
0x8f: {  	_ = 	snop  }
0x90: {  	s2 =	sld [smem:$0x3FD0];
	_ =	sdelay $0x1  }
0x91: {  	s15 =	sld [smem:$0x3FC9]  }
0x92: {  	s5 =	simm.s32 $0xA;
	s6 =	simm.s32 $0x10;
	s4 =	sld [smem:$0x3FC8]  }
0x93: {  	[smem:s6], [sflag:s5] =	dma.local [hbm:s2], $0x1  }
0x94: {  	_ =	swait.eq [sflag:s5], $0x1  }
0x95: {  	[sflag:s5] =	ssyncset.done $0x0  }
0x96: {  	[sflag:s5] =	ssyncadd.s32 $0xFFFFFFFF  }
0x97: {  	s16 =	sld [smem:$0x10];
	(tm) =	ssettm $0x1  }
0x98: {  	s17 =	sld [smem:$0x3FFB];
	_ =	sdelay $0x3  }
0x99: {  	_ =	strace s17  }
0x9a: {  	s5 =	sld [smem:$0x3FFC];
	_ =	sdelay $0x3  }
0x9b: {  	_ =	strace s5  }
0x9c: {  	s5 =	sld [smem:$0x3FFD];
	_ =	sdelay $0x3  }
0x9d: {  	_ =	strace s5  }
0x9e: {  	_ =	strace $0x8FFFFFFF  }
0x9f: {  	s18 =	sld [smem:$0x3FDB];
	_ =	sdelay $0x1  }
0xa0: {  	s19 =	simm.s32 $_scs_section_size  }
0xa1: {  	s7 =	simm.s32 $_size__tile_overlayer_lowered;
	s8 =	simm.s32 $_tile_overlayer_lowered  }
0xa2: {  	s22 =	simm.s32 $0x1BFF;
	s21 =	sshll.u32 s8, $0x1;
	s5 =	sadd.s32 s19, s18  }
0xa3: {  	s9 =	simm.s32 $0x0;
	s20 =	sshll.u32 s7, $0x1;
	s7 =	sadd.s32 s21, s5  }
0xa4: {  	[timem:s9], [sflag:s22] =	dma.local [hbm:s7], s20  }
0xa5: {  	_ =	swait.ge [sflag:s22], s20  }
0xa6: {  	s6 =	ssub.s32 $0x0, s20;
	[sflag:s22] =	ssyncset.done $0x0  }
0xa7: {  	[sflag:s22] =	ssyncadd.s32 s6;
	_ =	sdelay $0x1  }
0xa8: {  	s23 =	simm.s32 $0x1B8B  }
0xa9: {  	_ =	swait.ge [sflag:s23], $0x1  }
0xaa: {  	[sflag:s23] =	ssyncset.done $0x0  }
0xab: {  	s25 =	simm.s32 $0x1B8E;
	s24 =	sld [smem:$0x3FFE];
	[sflag:s23] =	ssyncadd.s32 $0xFFFFFFFF  }
0xac: {  	s26 =	simm.s32 $execute0_lowered;
	[smem:$0x3FD2] =	sst s25  }
0xad: {  	s7 =	sshll.u32 s26, $0x1;
	_ =	strace $0x80000046;
	[dreg:$0x1] =	wrdreg $0xFFFFFFFF  }
0xae: {  	s28 =	simm.s32 $_size_execute0_lowered;
	s5 =	sadd.s32 s5, s7;
	[dreg:$0x0] =	wrdreg $0x0  }
0xaf: {  	s7 =	sshll.u32 s28, $0x1;
	[dreg:$0x2] =	wrdreg s5  }
0xb0: {  	[dreg:$0x3] =	wrdreg s7  }
0xb1: {  	[dreg:$0x4] =	wrdreg $0xC0  }
0xb2: {  	_ =	task [dreg:s9], $0x5FFFF  }
0xb3: {  	[dreg:$0x1] =	wrdreg $0xFFFFFFFF  }
0xb4: {  	[dreg:$0x0] =	wrdreg $0x60  }
0xb5: {  	[dreg:$0x2] =	wrdreg s15  }
0xb6: {  	[dreg:$0x3] =	wrdreg s4  }
0xb7: {  	[dreg:$0x4] =	wrdreg s16  }
0xb8: {  	[dreg:$0x5] =	wrdreg s24  }
0xb9: {  	[dreg:$0x6] =	wrdreg $0x9  }
0xba: {  	_ =	task.clear_ibuf [dreg:s9], $0x7FFFF;
	_ =	strace $0x90000046  }
0xbb: {  	s29 =	simm.s32 $0x9;
	_ =	strace $0x80000048  }
0xbc: {  	_ =	swait.ge [sflag:s29], $0x1  }
0xbd: {  	[sflag:s29] =	ssyncadd.s32 $0xFFFFFFFF  }
0xbe: {  	_ =	strace $0x90000048  }
0xbf: {  	_ =	sfence  }
0xc0: {  	s30 =	sld [smem:$0x0];
	_ =	sdelay $0x2  }
0xc1: {  	s31 =	sshll.u32 s1, $0xD;
	s1 =	sshrl.u32 s1, $0x2  }
0xc2: {  	s3 =	sand.u32 $0x4000, s31;
	s1 =	sadd.s32 s1, s30  }
0xc3: {  	s0 =	sor.u32 s3, s0;
	s1 =	sshll.u32 s1, $0x11  }
0xc4: {  	s0 =	sor.u32 s1, s0  }
0xc5: {  	s0 =	sadd.s32 $0x8F2B, s0  }
0xc6: {  	[sflag:s0] =	ssyncadd.remote.s32 $0x1  }
0xc7: {  	_ =	sfence.sel $0xFFFF  }
0xc8: {  	[dreg:$0x0] =	wrdreg $0xFFFFFFFF;
	(pc) =	sbr.abs _section_cstart, $3  }
0xc9: {  	[dreg:$0x1] =	wrdreg $0xFFFFFFFF  }
0xca: {  	_ =	task.clear_ibuf [dreg:s9], $0x2FFFF;
	_ =	strace $0x9FFFFFFF  }
0xcb: {  	(tm) =	ssettm $0x7FFFFFFF  }
tec
execute0_lowered:
.L_overlay_start_1:
0x0: {  	(tag) =	ssettag $0x1  }
0x1: {  	s1 =	rddreg [dreg:$0x0]  }
0x2: {  	s0 =	rddreg [dreg:$0x1]  }
0x3: {  	s2 =	rddreg [dreg:$0x2]  }
0x4: {  	s4 =	rddreg [dreg:$0x3]  }
0x5: {  	s5 =	srdreg.scid;
	s3 =	simm.s32 $0x0;
	s10 =	stileid.u32  }
0x6: {  	s11 =	simm.s32 $0x4;
	s12 =	simm.s32 $0x800;
	s13 =	simm.s32 $0x80  }
0x7: {  	s14 =	simm.s32 $0x1000;
	s15 =	simm.s32 $0x1800;
	s16 =	simm.s32 $0x700  }
0x8: {  	s17 =	simm.s32 $0x1700;
	s18 =	simm.s32 $0xF00;
	s19 =	simm.s32 $0x1F00  }
0x9: {  	s20 =	simm.s32 $0x780;
	s21 =	simm.s32 $0x1780;
	s22 =	simm.s32 $0xF80  }
0xa: {  	s23 =	simm.s32 $0x1F80;
	s24 =	simm.s32 $0x1;
	s25 =	simm.s32 $0x2  }
0xb: {  	s26 =	simm.s32 $0x0;
	s7 =	sand.u32 $0x1, s5;
	s28 =	sshll.u32 s10, $0x9  }
0xc: {  	[smem:$0x7FF] =	sst s3;
	s10 =	sshll.u32 s10, $0xA;
	s6 =	sshll.u32 s7, $0x8  }
0xd: {  	s8 =	ssub.s32 $0x2, s7;
	_ =	strace $0x80000047;
	s0 =	sadd.s32 s10, s0  }
0xe: {  	s31 =	sshll.u32 s7, $0x9;
	s10 =	simm.s32 $0x3;
	s6 =	sor.u32 s6, s28  }
0xf: {  	s30 =	sshrl.u32 s8, $0x1;
	s0 =	sadd.s32 s31, s0;
	s9 =	sadd.s32 s6, s4  }
0x10: {  	s8 =	ssub.s32 s8, s30;
	s6 =	sadd.s32 s2, s6;
	s29 =	sadd.s32 $0x10, s0  }
0x11: {  	s0 =	simm.s32 $0xE80;
	s2 =	simm.s32 $0x1E80;
	s4 =	sadd.s32 $0x9400, s9  }
0x12: {  	s5 =	sadd.s32 $0x7400, s9;
	s7 =	sadd.s32 $0x5400, s9;
	s8 =	smax.u32 s8, $0x1  }
.LBB2_1:
0x13: {  	s9 =	simm.s32 $0x0;
	s28 =	sadd.s32 $0xFFFFFFF0, s29  }
0x14: {  	[tilespmem:s9], [sflag:$0x3] =	stream.linear.gather [hbm4b:s28+s3], $0x80, $0x38;
	[tilespmem:$0x2000] =	vst v63  }
0x15: {  	s31 =	simm.s32 $0x800;
	s28 =	simm.s32 $0x200;
	s9 =	smov.u32 s29  }
0x16: {  	[tilespmem:s31], [sflag:$0x3] =	stream.linear.gather [hbm4b:s29+s3], $0x80, $0x38;
	[tilespmem:$0x2000] =	vst v63  }
.LBB2_2:
0x17: {  	p0 =	sne.s32 s28, $0x1E00  }
.Ltmp0:
0x18: {  	s30 =	sshra.s32 s28, $0x2;
	s9 =	sadd.s32 $0x20, s9;
	(pc) =	sbr.rel @p0 .LBB2_2-.Ltmp0, $4  }
0x19: {  	s28 =	sadd.s32 $0x200, s28;
	s31 =	sadd.s32 $0xFFFFFFF0, s9  }
0x1a: {  	[tilespmem:s30], [sflag:$0x3] =	stream.linear.gather [hbm4b:s31+s3], $0x80, $0x38;
	[tilespmem:$0x2000] =	vst v63  }
0x1b: {  	s30 =	sadd.s32 $0x800, s30  }
0x1c: {  	[tilespmem:s30], [sflag:$0x3] =	stream.linear.gather [hbm4b:s9+s3], $0x80, $0x38;
	[tilespmem:$0x2000] =	vst v63  }
0x1d: {  	_ =	swait.ge [sflag:s10], $0x80  }
0x1e: {  	[sflag:s10] =	ssyncset.done $0x0  }
0x1f: {  	[sflag:s10] =	ssyncadd.s32 $0xFFFFFF80  }
0x20: {  	_ =	swait.ge [sflag:s10], $0x80  }
0x21: {  	[sflag:s10] =	ssyncset.done $0x0  }
0x22: {  	[sflag:s10] =	ssyncadd.s32 $0xFFFFFF80  }
0x23: {  	_ =	swait.ge [sflag:s10], $0x80  }
0x24: {  	[sflag:s10] =	ssyncset.done $0x0  }
0x25: {  	[sflag:s10] =	ssyncadd.s32 $0xFFFFFF80  }
0x26: {  	_ =	swait.ge [sflag:s10], $0x80  }
0x27: {  	[sflag:s10] =	ssyncset.done $0x0  }
0x28: {  	[sflag:s10] =	ssyncadd.s32 $0xFFFFFF80  }
0x29: {  	_ =	swait.ge [sflag:s10], $0x80  }
0x2a: {  	[sflag:s10] =	ssyncset.done $0x0  }
0x2b: {  	[sflag:s10] =	ssyncadd.s32 $0xFFFFFF80  }
0x2c: {  	_ =	swait.ge [sflag:s10], $0x80  }
0x2d: {  	[sflag:s10] =	ssyncset.done $0x0  }
0x2e: {  	[sflag:s10] =	ssyncadd.s32 $0xFFFFFF80  }
0x2f: {  	_ =	swait.ge [sflag:s10], $0x80  }
0x30: {  	[sflag:s10] =	ssyncset.done $0x0  }
0x31: {  	[sflag:s10] =	ssyncadd.s32 $0xFFFFFF80  }
0x32: {  	_ =	swait.ge [sflag:s10], $0x80  }
0x33: {  	[sflag:s10] =	ssyncset.done $0x0  }
0x34: {  	[sflag:s10] =	ssyncadd.s32 $0xFFFFFF80  }
0x35: {  	_ =	swait.ge [sflag:s10], $0x80  }
0x36: {  	[sflag:s10] =	ssyncset.done $0x0  }
0x37: {  	[sflag:s10] =	ssyncadd.s32 $0xFFFFFF80  }
0x38: {  	_ =	swait.ge [sflag:s10], $0x80  }
0x39: {  	[sflag:s10] =	ssyncset.done $0x0  }
0x3a: {  	[sflag:s10] =	ssyncadd.s32 $0xFFFFFF80  }
0x3b: {  	_ =	swait.ge [sflag:s10], $0x80  }
0x3c: {  	[sflag:s10] =	ssyncset.done $0x0  }
0x3d: {  	[sflag:s10] =	ssyncadd.s32 $0xFFFFFF80  }
0x3e: {  	_ =	swait.ge [sflag:s10], $0x80  }
0x3f: {  	[sflag:s10] =	ssyncset.done $0x0  }
0x40: {  	[sflag:s10] =	ssyncadd.s32 $0xFFFFFF80  }
0x41: {  	_ =	swait.ge [sflag:s10], $0x80  }
0x42: {  	[sflag:s10] =	ssyncset.done $0x0  }
0x43: {  	[sflag:s10] =	ssyncadd.s32 $0xFFFFFF80  }
0x44: {  	_ =	swait.ge [sflag:s10], $0x80  }
0x45: {  	[sflag:s10] =	ssyncset.done $0x0  }
0x46: {  	[sflag:s10] =	ssyncadd.s32 $0xFFFFFF80  }
0x47: {  	_ =	swait.ge [sflag:s10], $0x80  }
0x48: {  	[sflag:s10] =	ssyncset.done $0x0  }
0x49: {  	[sflag:s10] =	ssyncadd.s32 $0xFFFFFF80  }
0x4a: {  	_ =	swait.ge [sflag:s10], $0x80  }
0x4b: {  	[sflag:s10] =	ssyncset.done $0x0  }
0x4c: {  	[sflag:s10] =	ssyncadd.s32 $0xFFFFFF80  }
0x4d: {  	_ =	swait.ge [sflag:s10], $0x80  }
0x4e: {  	[sflag:s10] =	ssyncset.done $0x0  }
0x4f: {  	[sflag:s10] =	ssyncadd.s32 $0xFFFFFF80  }
0x50: {  	_ =	swait.ge [sflag:s10], $0x80  }
0x51: {  	[sflag:s10] =	ssyncset.done $0x0  }
0x52: {  	[sflag:s10] =	ssyncadd.s32 $0xFFFFFF80  }
0x53: {  	_ =	swait.ge [sflag:s10], $0x80  }
0x54: {  	[sflag:s10] =	ssyncset.done $0x0  }
0x55: {  	[sflag:s10] =	ssyncadd.s32 $0xFFFFFF80  }
0x56: {  	_ =	swait.ge [sflag:s10], $0x80  }
0x57: {  	[sflag:s10] =	ssyncset.done $0x0  }
0x58: {  	[sflag:s10] =	ssyncadd.s32 $0xFFFFFF80  }
0x59: {  	_ =	swait.ge [sflag:s10], $0x80  }
0x5a: {  	[sflag:s10] =	ssyncset.done $0x0  }
0x5b: {  	[sflag:s10] =	ssyncadd.s32 $0xFFFFFF80  }
0x5c: {  	_ =	swait.ge [sflag:s10], $0x80  }
0x5d: {  	[sflag:s10] =	ssyncset.done $0x0  }
0x5e: {  	[sflag:s10] =	ssyncadd.s32 $0xFFFFFF80  }
0x5f: {  	_ =	swait.ge [sflag:s10], $0x80  }
0x60: {  	[sflag:s10] =	ssyncset.done $0x0  }
0x61: {  	[sflag:s10] =	ssyncadd.s32 $0xFFFFFF80  }
0x62: {  	_ =	swait.ge [sflag:s10], $0x80  }
0x63: {  	[sflag:s10] =	ssyncset.done $0x0  }
0x64: {  	[sflag:s10] =	ssyncadd.s32 $0xFFFFFF80  }
0x65: {  	_ =	swait.ge [sflag:s10], $0x80  }
0x66: {  	[sflag:s10] =	ssyncset.done $0x0  }
0x67: {  	[sflag:s10] =	ssyncadd.s32 $0xFFFFFF80  }
0x68: {  	_ =	swait.ge [sflag:s10], $0x80  }
0x69: {  	[sflag:s10] =	ssyncset.done $0x0  }
0x6a: {  	[sflag:s10] =	ssyncadd.s32 $0xFFFFFF80  }
0x6b: {  	_ =	swait.ge [sflag:s10], $0x80  }
0x6c: {  	[sflag:s10] =	ssyncset.done $0x0  }
0x6d: {  	[sflag:s10] =	ssyncadd.s32 $0xFFFFFF80  }
0x6e: {  	_ =	swait.ge [sflag:s10], $0x80  }
0x6f: {  	[sflag:s10] =	ssyncset.done $0x0  }
0x70: {  	[sflag:s10] =	ssyncadd.s32 $0xFFFFFF80  }
0x71: {  	_ =	swait.ge [sflag:s10], $0x80  }
0x72: {  	[sflag:s10] =	ssyncset.done $0x0  }
0x73: {  	[sflag:s10] =	ssyncadd.s32 $0xFFFFFF80  }
0x74: {  	_ =	swait.ge [sflag:s10], $0x80  }
0x75: {  	[sflag:s10] =	ssyncset.done $0x0  }
0x76: {  	[sflag:s10] =	ssyncadd.s32 $0xFFFFFF80  }
0x77: {  	_ =	swait.ge [sflag:s10], $0x80  }
0x78: {  	[sflag:s10] =	ssyncset.done $0x0  }
0x79: {  	[sflag:s10] =	ssyncadd.s32 $0xFFFFFF80  }
0x7a: {  	_ =	swait.ge [sflag:s10], $0x80  }
0x7b: {  	[sflag:s10] =	ssyncset.done $0x0  }
0x7c: {  	[sflag:s10] =	ssyncadd.s32 $0xFFFFFF80  }
0x7d: {  	[hbm4b:s4+s3] =	stream.linear.scatter [tilespmem:s3], [sflag:$0x4], $0x800, $0x38;
	[tilespmem:$0x2000] =	vst v63  }
0x7e: {  	_ =	swait.ge [sflag:s11], $0x800  }
0x7f: {  	[sflag:s11] =	ssyncset.done $0x0  }
0x80: {  	[sflag:s11] =	ssyncadd.s32 $0xFFFFF800  }
0x81: {  	[hbm4b:s5+s3] =	stream.linear.scatter [tilespmem:s12], [sflag:$0x4], $0x800, $0x38;
	[tilespmem:$0x2000] =	vst v63  }
0x82: {  	_ =	swait.ge [sflag:s11], $0x800  }
0x83: {  	[sflag:s11] =	ssyncset.done $0x0  }
0x84: {  	[sflag:s11] =	ssyncadd.s32 $0xFFFFF800  }
0x85: {  	[tilespmem:s14], [sflag:$0x1] =	stream.indirect.gather [hbm4b:s1+s13], $0x1, s3, s13, $0xb8;
	[tilespmem:$0x2000] =	vst v63  }
0x86: {  	_ = 	snop  }
0x87: {  	[tilespmem:s15], [sflag:$0x2] =	stream.indirect.gather [hbm4b:s1+s13], $0x1, s12, s13, $0xb8;
	[tilespmem:$0x2000] =	vst v63  }
0x88: {  	s9 =	simm.s32 $0x1080  }
0x89: {  	[tilespmem:s9], [sflag:$0x1] =	stream.indirect.gather [hbm4b:s1+s13], $0x1, s13, s13, $0xb8;
	[tilespmem:$0x2000] =	vst v63  }
0x8a: {  	s31 =	simm.s32 $0x880;
	s28 =	simm.s32 $0x1880  }
0x8b: {  	[tilespmem:s28], [sflag:$0x2] =	stream.indirect.gather [hbm4b:s1+s13], $0x1, s31, s13, $0xb8;
	[tilespmem:$0x2000] =	vst v63  }
0x8c: {  	s30 =	simm.s32 $0x100;
	s31 =	simm.s32 $0x1100  }
0x8d: {  	[tilespmem:s31], [sflag:$0x1] =	stream.indirect.gather [hbm4b:s1+s13], $0x1, s30, s13, $0xb8;
	[tilespmem:$0x2000] =	vst v63  }
0x8e: {  	s30 =	simm.s32 $0x900;
	s31 =	simm.s32 $0x1900  }
0x8f: {  	[tilespmem:s31], [sflag:$0x2] =	stream.indirect.gather [hbm4b:s1+s13], $0x1, s30, s13, $0xb8;
	[tilespmem:$0x2000] =	vst v63  }
0x90: {  	s30 =	simm.s32 $0x180;
	s31 =	simm.s32 $0x1180  }
0x91: {  	[tilespmem:s31], [sflag:$0x1] =	stream.indirect.gather [hbm4b:s1+s13], $0x1, s30, s13, $0xb8;
	[tilespmem:$0x2000] =	vst v63  }
0x92: {  	s30 =	simm.s32 $0x980;
	s31 =	simm.s32 $0x1980  }
0x93: {  	[tilespmem:s31], [sflag:$0x2] =	stream.indirect.gather [hbm4b:s1+s13], $0x1, s30, s13, $0xb8;
	[tilespmem:$0x2000] =	vst v63  }
0x94: {  	s30 =	simm.s32 $0x200;
	s31 =	simm.s32 $0x1200  }
0x95: {  	[tilespmem:s31], [sflag:$0x1] =	stream.indirect.gather [hbm4b:s1+s13], $0x1, s30, s13, $0xb8;
	[tilespmem:$0x2000] =	vst v63  }
0x96: {  	s30 =	simm.s32 $0xA00;
	s31 =	simm.s32 $0x1A00  }
0x97: {  	[tilespmem:s31], [sflag:$0x2] =	stream.indirect.gather [hbm4b:s1+s13], $0x1, s30, s13, $0xb8;
	[tilespmem:$0x2000] =	vst v63  }
0x98: {  	s30 =	simm.s32 $0x280;
	s31 =	simm.s32 $0x1280  }
0x99: {  	[tilespmem:s31], [sflag:$0x1] =	stream.indirect.gather [hbm4b:s1+s13], $0x1, s30, s13, $0xb8;
	[tilespmem:$0x2000] =	vst v63  }
0x9a: {  	s30 =	simm.s32 $0xA80;
	s31 =	simm.s32 $0x1A80  }
0x9b: {  	[tilespmem:s31], [sflag:$0x2] =	stream.indirect.gather [hbm4b:s1+s13], $0x1, s30, s13, $0xb8;
	[tilespmem:$0x2000] =	vst v63  }
0x9c: {  	s30 =	simm.s32 $0x300;
	s31 =	simm.s32 $0x1300  }
0x9d: {  	[tilespmem:s31], [sflag:$0x1] =	stream.indirect.gather [hbm4b:s1+s13], $0x1, s30, s13, $0xb8;
	[tilespmem:$0x2000] =	vst v63  }
0x9e: {  	s30 =	simm.s32 $0xB00;
	s31 =	simm.s32 $0x1B00  }
0x9f: {  	[tilespmem:s31], [sflag:$0x2] =	stream.indirect.gather [hbm4b:s1+s13], $0x1, s30, s13, $0xb8;
	[tilespmem:$0x2000] =	vst v63  }
0xa0: {  	s30 =	simm.s32 $0x380;
	s31 =	simm.s32 $0x1380  }
0xa1: {  	[tilespmem:s31], [sflag:$0x1] =	stream.indirect.gather [hbm4b:s1+s13], $0x1, s30, s13, $0xb8;
	[tilespmem:$0x2000] =	vst v63  }
0xa2: {  	s30 =	simm.s32 $0xB80;
	s31 =	simm.s32 $0x1B80  }
0xa3: {  	[tilespmem:s31], [sflag:$0x2] =	stream.indirect.gather [hbm4b:s1+s13], $0x1, s30, s13, $0xb8;
	[tilespmem:$0x2000] =	vst v63  }
0xa4: {  	s30 =	simm.s32 $0x400;
	s31 =	simm.s32 $0x1400  }
0xa5: {  	[tilespmem:s31], [sflag:$0x1] =	stream.indirect.gather [hbm4b:s1+s13], $0x1, s30, s13, $0xb8;
	[tilespmem:$0x2000] =	vst v63  }
0xa6: {  	s30 =	simm.s32 $0xC00;
	s31 =	simm.s32 $0x1C00  }
0xa7: {  	[tilespmem:s31], [sflag:$0x2] =	stream.indirect.gather [hbm4b:s1+s13], $0x1, s30, s13, $0xb8;
	[tilespmem:$0x2000] =	vst v63  }
0xa8: {  	s30 =	simm.s32 $0x480;
	s31 =	simm.s32 $0x1480  }
0xa9: {  	[tilespmem:s31], [sflag:$0x1] =	stream.indirect.gather [hbm4b:s1+s13], $0x1, s30, s13, $0xb8;
	[tilespmem:$0x2000] =	vst v63  }
0xaa: {  	s30 =	simm.s32 $0xC80;
	s31 =	simm.s32 $0x1C80  }
0xab: {  	[tilespmem:s31], [sflag:$0x2] =	stream.indirect.gather [hbm4b:s1+s13], $0x1, s30, s13, $0xb8;
	[tilespmem:$0x2000] =	vst v63  }
0xac: {  	s30 =	simm.s32 $0x500;
	s31 =	simm.s32 $0x1500  }
0xad: {  	[tilespmem:s31], [sflag:$0x1] =	stream.indirect.gather [hbm4b:s1+s13], $0x1, s30, s13, $0xb8;
	[tilespmem:$0x2000] =	vst v63  }
0xae: {  	s30 =	simm.s32 $0xD00;
	s31 =	simm.s32 $0x1D00  }
0xaf: {  	[tilespmem:s31], [sflag:$0x2] =	stream.indirect.gather [hbm4b:s1+s13], $0x1, s30, s13, $0xb8;
	[tilespmem:$0x2000] =	vst v63  }
0xb0: {  	s30 =	simm.s32 $0x580;
	s31 =	simm.s32 $0x1580  }
0xb1: {  	[tilespmem:s31], [sflag:$0x1] =	stream.indirect.gather [hbm4b:s1+s13], $0x1, s30, s13, $0xb8;
	[tilespmem:$0x2000] =	vst v63  }
0xb2: {  	s30 =	simm.s32 $0xD80;
	s31 =	simm.s32 $0x1D80  }
0xb3: {  	[tilespmem:s31], [sflag:$0x2] =	stream.indirect.gather [hbm4b:s1+s13], $0x1, s30, s13, $0xb8;
	[tilespmem:$0x2000] =	vst v63  }
0xb4: {  	s30 =	simm.s32 $0x600;
	s31 =	simm.s32 $0x1600  }
0xb5: {  	[tilespmem:s31], [sflag:$0x1] =	stream.indirect.gather [hbm4b:s1+s13], $0x1, s30, s13, $0xb8;
	[tilespmem:$0x2000] =	vst v63  }
0xb6: {  	s30 =	simm.s32 $0xE00;
	s31 =	simm.s32 $0x1E00  }
0xb7: {  	[tilespmem:s31], [sflag:$0x2] =	stream.indirect.gather [hbm4b:s1+s13], $0x1, s30, s13, $0xb8;
	[tilespmem:$0x2000] =	vst v63  }
0xb8: {  	s30 =	simm.s32 $0x680;
	s31 =	simm.s32 $0x1680  }
0xb9: {  	[tilespmem:s31], [sflag:$0x1] =	stream.indirect.gather [hbm4b:s1+s13], $0x1, s30, s13, $0xb8;
	[tilespmem:$0x2000] =	vst v63  }
0xba: {  	_ = 	snop  }
0xbb: {  	[tilespmem:s2], [sflag:$0x2] =	stream.indirect.gather [hbm4b:s1+s13], $0x1, s0, s13, $0xb8;
	[tilespmem:$0x2000] =	vst v63  }
0xbc: {  	_ = 	snop  }
0xbd: {  	[tilespmem:s17], [sflag:$0x1] =	stream.indirect.gather [hbm4b:s1+s13], $0x1, s16, s13, $0xb8;
	[tilespmem:$0x2000] =	vst v63  }
0xbe: {  	_ = 	snop  }
0xbf: {  	[tilespmem:s19], [sflag:$0x2] =	stream.indirect.gather [hbm4b:s1+s13], $0x1, s18, s13, $0xb8;
	[tilespmem:$0x2000] =	vst v63  }
0xc0: {  	_ = 	snop  }
0xc1: {  	[tilespmem:s21], [sflag:$0x1] =	stream.indirect.gather [hbm4b:s1+s13], $0x1, s20, s13, $0xb8;
	[tilespmem:$0x2000] =	vst v63  }
0xc2: {  	_ = 	snop  }
0xc3: {  	[tilespmem:s23], [sflag:$0x2] =	stream.indirect.gather [hbm4b:s1+s13], $0x1, s22, s13, $0xb8;
	[tilespmem:$0x2000] =	vst v63  }
0xc4: {  	_ =	swait.ge [sflag:s24], $0x80  }
0xc5: {  	[sflag:s24] =	ssyncset.done $0x0  }
0xc6: {  	[sflag:s24] =	ssyncadd.s32 $0xFFFFFF80  }
0xc7: {  	_ =	swait.ge [sflag:s25], $0x80  }
0xc8: {  	[sflag:s25] =	ssyncset.done $0x0  }
0xc9: {  	[sflag:s25] =	ssyncadd.s32 $0xFFFFFF80  }
0xca: {  	_ =	swait.ge [sflag:s24], $0x80  }
0xcb: {  	[sflag:s24] =	ssyncset.done $0x0  }
0xcc: {  	[sflag:s24] =	ssyncadd.s32 $0xFFFFFF80  }
0xcd: {  	_ =	swait.ge [sflag:s25], $0x80  }
0xce: {  	[sflag:s25] =	ssyncset.done $0x0  }
0xcf: {  	[sflag:s25] =	ssyncadd.s32 $0xFFFFFF80  }
0xd0: {  	_ =	swait.ge [sflag:s24], $0x80  }
0xd1: {  	[sflag:s24] =	ssyncset.done $0x0  }
0xd2: {  	[sflag:s24] =	ssyncadd.s32 $0xFFFFFF80  }
0xd3: {  	_ =	swait.ge [sflag:s25], $0x80  }
0xd4: {  	[sflag:s25] =	ssyncset.done $0x0  }
0xd5: {  	[sflag:s25] =	ssyncadd.s32 $0xFFFFFF80  }
0xd6: {  	_ =	swait.ge [sflag:s24], $0x80  }
0xd7: {  	[sflag:s24] =	ssyncset.done $0x0  }
0xd8: {  	[sflag:s24] =	ssyncadd.s32 $0xFFFFFF80  }
0xd9: {  	_ =	swait.ge [sflag:s25], $0x80  }
0xda: {  	[sflag:s25] =	ssyncset.done $0x0  }
0xdb: {  	[sflag:s25] =	ssyncadd.s32 $0xFFFFFF80  }
0xdc: {  	_ =	swait.ge [sflag:s24], $0x80  }
0xdd: {  	[sflag:s24] =	ssyncset.done $0x0  }
0xde: {  	[sflag:s24] =	ssyncadd.s32 $0xFFFFFF80  }
0xdf: {  	_ =	swait.ge [sflag:s25], $0x80  }
0xe0: {  	[sflag:s25] =	ssyncset.done $0x0  }
0xe1: {  	[sflag:s25] =	ssyncadd.s32 $0xFFFFFF80  }
0xe2: {  	_ =	swait.ge [sflag:s24], $0x80  }
0xe3: {  	[sflag:s24] =	ssyncset.done $0x0  }
0xe4: {  	[sflag:s24] =	ssyncadd.s32 $0xFFFFFF80  }
0xe5: {  	_ =	swait.ge [sflag:s25], $0x80  }
0xe6: {  	[sflag:s25] =	ssyncset.done $0x0  }
0xe7: {  	[sflag:s25] =	ssyncadd.s32 $0xFFFFFF80  }
0xe8: {  	_ =	swait.ge [sflag:s24], $0x80  }
0xe9: {  	[sflag:s24] =	ssyncset.done $0x0  }
0xea: {  	[sflag:s24] =	ssyncadd.s32 $0xFFFFFF80  }
0xeb: {  	_ =	swait.ge [sflag:s25], $0x80  }
0xec: {  	[sflag:s25] =	ssyncset.done $0x0  }
0xed: {  	[sflag:s25] =	ssyncadd.s32 $0xFFFFFF80  }
0xee: {  	_ =	swait.ge [sflag:s24], $0x80  }
0xef: {  	[sflag:s24] =	ssyncset.done $0x0  }
0xf0: {  	[sflag:s24] =	ssyncadd.s32 $0xFFFFFF80  }
0xf1: {  	_ =	swait.ge [sflag:s25], $0x80  }
0xf2: {  	[sflag:s25] =	ssyncset.done $0x0  }
0xf3: {  	[sflag:s25] =	ssyncadd.s32 $0xFFFFFF80  }
0xf4: {  	_ =	swait.ge [sflag:s24], $0x80  }
0xf5: {  	[sflag:s24] =	ssyncset.done $0x0  }
0xf6: {  	[sflag:s24] =	ssyncadd.s32 $0xFFFFFF80  }
0xf7: {  	_ =	swait.ge [sflag:s25], $0x80  }
0xf8: {  	[sflag:s25] =	ssyncset.done $0x0  }
0xf9: {  	[sflag:s25] =	ssyncadd.s32 $0xFFFFFF80  }
0xfa: {  	_ =	swait.ge [sflag:s24], $0x80  }
0xfb: {  	[sflag:s24] =	ssyncset.done $0x0  }
0xfc: {  	[sflag:s24] =	ssyncadd.s32 $0xFFFFFF80  }
0xfd: {  	_ =	swait.ge [sflag:s25], $0x80  }
0xfe: {  	[sflag:s25] =	ssyncset.done $0x0  }
0xff: {  	[sflag:s25] =	ssyncadd.s32 $0xFFFFFF80  }
0x100: {  	_ =	swait.ge [sflag:s24], $0x80  }
0x101: {  	[sflag:s24] =	ssyncset.done $0x0  }
0x102: {  	[sflag:s24] =	ssyncadd.s32 $0xFFFFFF80  }
0x103: {  	_ =	swait.ge [sflag:s25], $0x80  }
0x104: {  	[sflag:s25] =	ssyncset.done $0x0  }
0x105: {  	[sflag:s25] =	ssyncadd.s32 $0xFFFFFF80  }
0x106: {  	_ =	swait.ge [sflag:s24], $0x80  }
0x107: {  	[sflag:s24] =	ssyncset.done $0x0  }
0x108: {  	[sflag:s24] =	ssyncadd.s32 $0xFFFFFF80  }
0x109: {  	_ =	swait.ge [sflag:s25], $0x80  }
0x10a: {  	[sflag:s25] =	ssyncset.done $0x0  }
0x10b: {  	[sflag:s25] =	ssyncadd.s32 $0xFFFFFF80  }
0x10c: {  	_ =	swait.ge [sflag:s24], $0x80  }
0x10d: {  	[sflag:s24] =	ssyncset.done $0x0  }
0x10e: {  	[sflag:s24] =	ssyncadd.s32 $0xFFFFFF80  }
0x10f: {  	_ =	swait.ge [sflag:s25], $0x80  }
0x110: {  	[sflag:s25] =	ssyncset.done $0x0  }
0x111: {  	[sflag:s25] =	ssyncadd.s32 $0xFFFFFF80  }
0x112: {  	_ =	swait.ge [sflag:s24], $0x80  }
0x113: {  	[sflag:s24] =	ssyncset.done $0x0  }
0x114: {  	[sflag:s24] =	ssyncadd.s32 $0xFFFFFF80  }
0x115: {  	_ =	swait.ge [sflag:s25], $0x80  }
0x116: {  	[sflag:s25] =	ssyncset.done $0x0  }
0x117: {  	[sflag:s25] =	ssyncadd.s32 $0xFFFFFF80  }
0x118: {  	_ =	swait.ge [sflag:s24], $0x80  }
0x119: {  	[sflag:s24] =	ssyncset.done $0x0  }
0x11a: {  	[sflag:s24] =	ssyncadd.s32 $0xFFFFFF80  }
0x11b: {  	_ =	swait.ge [sflag:s25], $0x80  }
0x11c: {  	[sflag:s25] =	ssyncset.done $0x0  }
0x11d: {  	[sflag:s25] =	ssyncadd.s32 $0xFFFFFF80  }
0x11e: {  	_ =	swait.ge [sflag:s24], $0x80  }
0x11f: {  	[sflag:s24] =	ssyncset.done $0x0  }
0x120: {  	[sflag:s24] =	ssyncadd.s32 $0xFFFFFF80  }
0x121: {  	_ =	swait.ge [sflag:s25], $0x80  }
0x122: {  	[sflag:s25] =	ssyncset.done $0x0  }
0x123: {  	[sflag:s25] =	ssyncadd.s32 $0xFFFFFF80  }
0x124: {  	[hbm4b:s6+s3] =	stream.linear.scatter [tilespmem:s14], [sflag:$0x4], $0x800, $0x38;
	[tilespmem:$0x2000] =	vst v63  }
0x125: {  	s26 =	sadd.s32 $0x1, s26;
	_ =	swait.ge [sflag:s11], $0x800  }
0x126: {  	p0 =	sne.s32 s26, s8;
	[sflag:s11] =	ssyncset.done $0x0  }
.Ltmp1:
0x127: {  	[sflag:s11] =	ssyncadd.s32 $0xFFFFF800;
	(pc) =	sbr.rel @p0 .LBB2_1-.Ltmp1, $4  }
0x128: {  	[hbm4b:s7+s3] =	stream.linear.scatter [tilespmem:s15], [sflag:$0x4], $0x800, $0x38;
	[tilespmem:$0x2000] =	vst v63  }
0x129: {  	_ =	swait.ge [sflag:s11], $0x800  }
0x12a: {  	[sflag:s11] =	ssyncset.done $0x0  }
0x12b: {  	[sflag:s11] =	ssyncadd.s32 $0xFFFFF800  }
0x12c: {  	_ =	sfence.sel $0x180000  }
0x12d: {  	[bflag:$0x0] =	sbarrier.arrive $0xFFFF  }
0x12e: {  	_ =	strace $0x90000047  }
0x12f: {  	s0 =	stileid.u32;
	[bflag:$0x2] =	sbarrier.arrive $0xFFFF  }
0x130: {  	p0 =	sne.s32 s0, $0x0;
	s0 =	rddreg [dreg:$0x4]  }
0x131: {  	s0 =	sadd.s32 @!p0 $0x100000, s0  }
0x132: {  	[sflag:s0] =	ssyncadd.tile.s32 @!p0 $0x1;
	_ =	shalt  }
.Lfunc_end2:
_tile_overlayer_lowered:
.L_overlay_start_2:
0x133: {  	(tag) =	ssettag $0x2  }
0x134: {  	s0 =	rddreg [dreg:$0x0];
	s2 =	stileid.u32  }
0x135: {  	s1 =	rddreg [dreg:$0x1];
	p0 =	sne.s32 s2, $0x0  }
0x136: {  	s3 =	rddreg [dreg:$0x2];
	[bflag:$0x3] =	sbarrier.arrive $0xFFFF;
	s2 =	simm.s32 @!p0 $0x1C04  }
0x137: {  	[timem:s3], [sflag:s2] =	dma.local @!p0 [hbm:s0], s1  }
0x138: {  	s0 =	simm.s32 @!p0 $0x4  }
0x139: {  	_ =	swait.ge @!p0 [sflag:s0], s1  }
0x13a: {  	s1 =	ssub.s32 @!p0 $0x0, s1;
	[sflag:s0] =	ssyncset.done @!p0 $0x0  }
0x13b: {  	[sflag:s0] =	ssyncadd.s32 @!p0 s1  }
0x13c: {  	[bflag:$0x3] =	sbarrier.arrive $0xFFFF  }
0x13d: {  	_ =	shalt  }

// kernel: kernel.14.cloned.1.call-start
scs
__scs_entry_jumppad:
0x0: {  	(pc) =	sbr.rel $0x88, $3  }
0x1: {  	(tag) =	ssettag $0x0;
	lr =	simm.s32 $0x1  }
0x2: {  	[smem:$0x3F8C] =	sst lr;
	_ =	strace $0xD0000000  }
0x3: {  	_ = 	snop  }
0x4: {  	_ = 	snop  }
0x5: {  	_ = 	snop  }
0x6: {  	_ = 	snop  }
0x7: {  	_ = 	snop  }
__scs_overlays_trampoline_lowered:
0x8: {  	[smem:$0x3F9B] =	sst s0  }
0x9: {  	[smem:$0x3F9C] =	sst s1  }
0xa: {  	[smem:$0x3F9D] =	sst s2  }
0xb: {  	[smem:$0x3F9E] =	sst s3  }
0xc: {  	[smem:$0x3F9F] =	sst s4  }
0xd: {  	[smem:$0x3FA0] =	sst s5  }
0xe: {  	[smem:$0x3FA1] =	sst s6  }
0xf: {  	[smem:$0x3FA2] =	sst s7  }
0x10: {  	[smem:$0x3FA3] =	sst s8  }
0x11: {  	[smem:$0x3FA4] =	sst s9;
	s0 =	simm.s32 @!p0 $0x0  }
0x12: {  	s1 =	sld [smem:$0x3F8A];
	s0 =	simm.s32 @p0 $0x1  }
0x13: {  	[smem:$0x3FA5] =	sst s0;
	s0 =	simm.s32 @!p1 $0x0  }
0x14: {  	s2 =	sld [smem:$0x3F89];
	s0 =	simm.s32 @p1 $0x1  }
0x15: {  	[smem:$0x3FA6] =	sst s0;
	s0 =	simm.s32 @!p2 $0x0  }
0x16: {  	s3 =	sld [smem:$0x3FDB];
	s0 =	simm.s32 @p2 $0x1  }
0x17: {  	s4 =	simm.s32 $0x1BF5;
	[smem:$0x3FA8] =	sst s0  }
0x18: {  	s0 =	sld [smem:$0x3F8B];
	_ =	swait.ge [sflag:s4], $0x0  }
0x19: {  	s7 =	sld [smem:$0x3F8C]  }
0x1a: {  	s8 =	sadd.s32 $0xFFFFE003, lr  }
0x1b: {  	s9 =	sadd.s32 $0xFFFFFEF7, lr;
	s5 =	simm.s32 $0xFFFFFFFF;
	p2 =	slt.u32 s8, $0xFFFFF086  }
0x1c: {  	p1 =	slt.u32 s9, $0xF7A;
	s5 =	simm.s32 @!p2 $0x0  }
0x1d: {  	s5 =	simm.s32 @p1 $0x1;
	p0 =	seq.s32 s7, s2  }
0x1e: {  	s7 =	smul.u32 @!p0 $0xF7A, s2;
	p2 =	seq.s32 @!p0 s5, $0x0  }
0x1f: {  	s9 =	smul.u32 $0xF7A, s1;
	s8 =	simm.s32 @!p0 $0x1BF5;
	p2 =	por !p2, p0  }
0x20: {  	[sflag:s8] =	ssyncset.s32 @!p0 $0xFFFFF086;
	s6 =	sadd.s32 @!p0 s3, s7;
	s7 =	simm.s32 @!p0 $0x108  }
0x21: {  	s3 =	sadd.s32 s3, s9;
	s6 =	sadd.s32 @!p0 $0x88, s6;
	s7 =	simm.s32 @p2 $0x1082  }
0x22: {  	[simem:s7], [sflag:s8] =	dma.local @!p0 [hbm:s6], $0xF7A  }
0x23: {  	s9 =	sor.u32 $0xD0000000, s2;
	s6 =	simm.s32 $0x108;
	_ =	swait.ge @!p0 [sflag:s8], $0x0  }
0x24: {  	s3 =	sadd.s32 $0x88, s3;
	s6 =	simm.s32 @!p1 $0x1082;
	[sflag:s4] =	ssyncset.s32 $0xFFFFF086  }
0x25: {  	[simem:s6], [sflag:s4] =	dma.local [hbm:s3], $0xF7A  }
0x26: {  	[smem:$0x3F8C] =	sst s1;
	(tag) =	ssettag s2;
	_ =	strace s9  }
0x27: {  	s1 =	sld [smem:$0x3F9C]  }
0x28: {  	s2 =	sld [smem:$0x3F9D]  }
0x29: {  	s4 =	sld [smem:$0x3F9F]  }
0x2a: {  	p0 =	seq.s32 s5, $0x0;
	s5 =	sld [smem:$0x3FA0]  }
0x2b: {  	s6 =	sld [smem:$0x3FA1]  }
0x2c: {  	s7 =	sld [smem:$0x3FA2]  }
0x2d: {  	s3 =	simm.s32 $0x108;
	s8 =	sld [smem:$0x3FA3]  }
0x2e: {  	s3 =	simm.s32 @!p0 $0x1082;
	s9 =	sld [smem:$0x3FA4]  }
0x2f: {  	lr =	sadd.s32 s0, s3;
	s0 =	sld [smem:$0x3F9B]  }
0x30: {  	s3 =	sld [smem:$0x3F9E]  }
0x31: {  	[smem:$0x3FA7] =	sst s10  }
0x32: {  	s10 =	sld [smem:$0x3FA5];
	_ =	sdelay $0x3  }
0x33: {  	p0 =	seq.s32 s10, $0x1;
	s10 =	sld [smem:$0x3FA7];
	_ =	sdelay $0x3  }
0x34: {  	[smem:$0x3FA7] =	sst s10  }
0x35: {  	s10 =	sld [smem:$0x3FA6];
	_ =	sdelay $0x3  }
0x36: {  	p1 =	seq.s32 s10, $0x1;
	s10 =	sld [smem:$0x3FA7];
	_ =	sdelay $0x3  }
0x37: {  	[smem:$0x3FA7] =	sst s10  }
0x38: {  	s10 =	sld [smem:$0x3FA8]  }
0x39: {  	_ = 	snop;
	(pc) =	sbr.ind lr, $3  }
0x3a: {  	_ = 	snop  }
0x3b: {  	_ = 	snop  }
0x3c: {  	p2 =	seq.s32 s10, $0x1;
	s10 =	sld [smem:$0x3FA7]  }
0x3d: {  	_ =	shalt  }
0x3e: {  	_ =	shalt  }
0x3f: {  	_ =	shalt  }
0x40: {  	_ =	shalt  }
0x41: {  	_ =	shalt  }
0x42: {  	_ =	shalt  }
0x43: {  	_ =	shalt  }
0x44: {  	_ =	shalt  }
0x45: {  	_ =	shalt  }
0x46: {  	_ =	shalt  }
0x47: {  	_ =	shalt  }
0x48: {  	_ =	shalt  }
0x49: {  	_ =	shalt  }
0x4a: {  	_ =	shalt  }
0x4b: {  	_ =	shalt  }
0x4c: {  	_ =	shalt  }
0x4d: {  	_ =	shalt  }
0x4e: {  	_ =	shalt  }
0x4f: {  	_ =	shalt  }
0x50: {  	_ =	shalt  }
0x51: {  	_ =	shalt  }
0x52: {  	_ =	shalt  }
0x53: {  	_ =	shalt  }
0x54: {  	_ =	shalt  }
0x55: {  	_ =	shalt  }
0x56: {  	_ =	shalt  }
0x57: {  	_ =	shalt  }
0x58: {  	_ =	shalt  }
0x59: {  	_ =	shalt  }
0x5a: {  	_ =	shalt  }
0x5b: {  	_ =	shalt  }
0x5c: {  	_ =	shalt  }
0x5d: {  	_ =	shalt  }
0x5e: {  	_ =	shalt  }
0x5f: {  	_ =	shalt  }
0x60: {  	_ =	shalt  }
0x61: {  	_ =	shalt  }
0x62: {  	_ =	shalt  }
0x63: {  	_ =	shalt  }
0x64: {  	_ =	shalt  }
0x65: {  	_ =	shalt  }
0x66: {  	_ =	shalt  }
0x67: {  	_ =	shalt  }
0x68: {  	_ =	shalt  }
0x69: {  	_ =	shalt  }
0x6a: {  	_ =	shalt  }
0x6b: {  	_ =	shalt  }
0x6c: {  	_ =	shalt  }
0x6d: {  	_ =	shalt  }
0x6e: {  	_ =	shalt  }
0x6f: {  	_ =	shalt  }
0x70: {  	_ =	shalt  }
0x71: {  	_ =	shalt  }
0x72: {  	_ =	shalt  }
0x73: {  	_ =	shalt  }
0x74: {  	_ =	shalt  }
0x75: {  	_ =	shalt  }
0x76: {  	_ =	shalt  }
0x77: {  	_ =	shalt  }
0x78: {  	_ =	shalt  }
0x79: {  	_ =	shalt  }
0x7a: {  	_ =	shalt  }
0x7b: {  	_ =	shalt  }
0x7c: {  	_ =	shalt  }
0x7d: {  	_ =	shalt  }
0x7e: {  	_ =	shalt  }
0x7f: {  	_ =	shalt  }
0x80: {  	_ =	shalt  }
0x81: {  	_ =	shalt  }
0x82: {  	_ =	shalt  }
0x83: {  	_ =	shalt  }
0x84: {  	_ =	shalt  }
0x85: {  	_ =	shalt  }
0x86: {  	_ =	shalt  }
0x87: {  	_ =	shalt  }
.Lfunc_end0:
.L_simem_size_0:
called_computation.1_lowered:
.L_overlay_start_0:
0x88: {  	s2 =	sld [smem:$0x3FD9]  }
0x89: {  	s3 =	sld [smem:$0x3FFE];
	_ =	sdelay $0x1  }
0x8a: {  	s1 =	srdreg.scid  }
0x8b: {  	s0 =	sand.u32 $0x1, s1  }
0x8c: {  	s14 =	sshll.u32 s0, $0xA;
	s2 =	sadd.s32 s3, s2  }
0x8d: {  	s2 =	sadd.s32 s2, s14  }
0x8e: {  	[smem:$0x3FB3] =	sst s2  }
0x8f: {  	_ = 	snop  }
0x90: {  	s2 =	sld [smem:$0x3FD0];
	_ =	sdelay $0x2  }
0x91: {  	s15 =	simm.s32 $0xA;
	s4 =	simm.s32 $0x10  }
0x92: {  	[smem:s4], [sflag:s15] =	dma.local [hbm:s2], $0x1  }
0x93: {  	_ =	swait.eq [sflag:s15], $0x1  }
0x94: {  	[sflag:s15] =	ssyncset.done $0x0  }
0x95: {  	[sflag:s15] =	ssyncadd.s32 $0xFFFFFFFF  }
0x96: {  	s16 =	sld [smem:$0x10];
	(tm) =	ssettm $0x1  }
0x97: {  	s17 =	sld [smem:$0x3FFB];
	_ =	sdelay $0x3  }
0x98: {  	_ =	strace s17  }
0x99: {  	s3 =	sld [smem:$0x3FFC];
	_ =	sdelay $0x3  }
0x9a: {  	_ =	strace s3  }
0x9b: {  	s3 =	sld [smem:$0x3FFD];
	_ =	sdelay $0x3  }
0x9c: {  	_ =	strace s3  }
0x9d: {  	_ =	strace $0x8FFFFFFF  }
0x9e: {  	s18 =	sld [smem:$0x3FDB];
	_ =	sdelay $0x1  }
0x9f: {  	s19 =	simm.s32 $_scs_section_size  }
0xa0: {  	s5 =	simm.s32 $_size__tile_overlayer_lowered;
	s6 =	simm.s32 $_tile_overlayer_lowered  }
0xa1: {  	s22 =	simm.s32 $0x1BFF;
	s21 =	sshll.u32 s6, $0x1;
	s3 =	sadd.s32 s19, s18  }
0xa2: {  	s7 =	simm.s32 $0x0;
	s20 =	sshll.u32 s5, $0x1;
	s5 =	sadd.s32 s21, s3  }
0xa3: {  	[timem:s7], [sflag:s22] =	dma.local [hbm:s5], s20  }
0xa4: {  	_ =	swait.ge [sflag:s22], s20  }
0xa5: {  	s4 =	ssub.s32 $0x0, s20;
	[sflag:s22] =	ssyncset.done $0x0  }
0xa6: {  	[sflag:s22] =	ssyncadd.s32 s4;
	_ =	sdelay $0x1  }
0xa7: {  	s23 =	simm.s32 $0x1B8B  }
0xa8: {  	_ =	swait.ge [sflag:s23], $0x1  }
0xa9: {  	[sflag:s23] =	ssyncset.done $0x0  }
0xaa: {  	s25 =	simm.s32 $0x1B8E;
	s24 =	sld [smem:$0x3FFE];
	[sflag:s23] =	ssyncadd.s32 $0xFFFFFFFF  }
0xab: {  	s26 =	simm.s32 $execute0_lowered;
	[smem:$0x3FD2] =	sst s25  }
0xac: {  	s5 =	sshll.u32 s26, $0x1;
	_ =	strace $0x80000049;
	[dreg:$0x1] =	wrdreg $0xFFFFFFFF  }
0xad: {  	s28 =	simm.s32 $_size_execute0_lowered;
	s3 =	sadd.s32 s3, s5;
	[dreg:$0x0] =	wrdreg $0x0  }
0xae: {  	s5 =	sshll.u32 s28, $0x1;
	[dreg:$0x2] =	wrdreg s3  }
0xaf: {  	[dreg:$0x3] =	wrdreg s5  }
0xb0: {  	[dreg:$0x4] =	wrdreg $0xC0  }
0xb1: {  	_ =	task [dreg:s7], $0x5FFFF  }
0xb2: {  	[dreg:$0x1] =	wrdreg $0xFFFFFFFF  }
0xb3: {  	[dreg:$0x0] =	wrdreg $0x60  }
0xb4: {  	[dreg:$0x2] =	wrdreg s16  }
0xb5: {  	[dreg:$0x3] =	wrdreg s24  }
0xb6: {  	[dreg:$0x4] =	wrdreg $0x150000  }
0xb7: {  	[dreg:$0x5] =	wrdreg $0x9  }
0xb8: {  	_ =	task.clear_ibuf [dreg:s7], $0x6FFFF;
	_ =	strace $0x90000049  }
0xb9: {  	s29 =	simm.s32 $0x9;
	_ =	strace $0x8000004B  }
0xba: {  	_ =	swait.ge [sflag:s29], $0x1  }
0xbb: {  	[sflag:s29] =	ssyncadd.s32 $0xFFFFFFFF  }
0xbc: {  	_ =	strace $0x9000004B  }
0xbd: {  	_ =	sfence  }
0xbe: {  	s30 =	sld [smem:$0x0];
	_ =	sdelay $0x2  }
0xbf: {  	s31 =	sshll.u32 s1, $0xD;
	s1 =	sshrl.u32 s1, $0x2  }
0xc0: {  	s3 =	sand.u32 $0x4000, s31;
	s1 =	sadd.s32 s1, s30  }
0xc1: {  	s0 =	sor.u32 s3, s0;
	s1 =	sshll.u32 s1, $0x11  }
0xc2: {  	s0 =	sor.u32 s1, s0  }
0xc3: {  	s0 =	sadd.s32 $0x8F2B, s0  }
0xc4: {  	[sflag:s0] =	ssyncadd.remote.s32 $0x1  }
0xc5: {  	_ =	sfence.sel $0xFFFF  }
0xc6: {  	[dreg:$0x0] =	wrdreg $0xFFFFFFFF;
	(pc) =	sbr.abs _section_cstart, $3  }
0xc7: {  	[dreg:$0x1] =	wrdreg $0xFFFFFFFF  }
0xc8: {  	_ =	task.clear_ibuf [dreg:s7], $0x2FFFF;
	_ =	strace $0x9FFFFFFF  }
0xc9: {  	(tm) =	ssettm $0x7FFFFFFF  }
tec
execute0_lowered:
.L_overlay_start_1:
0x0: {  	(tag) =	ssettag $0x1  }
0x1: {  	s1 =	rddreg [dreg:$0x0]  }
0x2: {  	s0 =	rddreg [dreg:$0x1]  }
0x3: {  	s3 =	rddreg [dreg:$0x2]  }
0x4: {  	s2 =	srdreg.scid;
	s8 =	stileid.u32  }
0x5: {  	s6 =	simm.s32 $0x0;
	s28 =	simm.s32 $0x80;
	s29 =	simm.s32 $0x3  }
0x6: {  	s30 =	simm.s32 $0x4;
	s31 =	simm.s32 $0x5;
	s2 =	sand.u32 $0x1, s2  }
0x7: {  	s5 =	sshll.u32 s8, $0x10;
	[smem:$0x7FF] =	sst s6;
	s13 =	sshll.u32 s8, $0x9  }
0x8: {  	s14 =	sshll.u32 s8, $0x14;
	s8 =	sshll.u32 s8, $0xF;
	s4 =	sshll.u32 s2, $0xA  }
0x9: {  	_ =	strace $0x8000004A;
	s6 =	sadd.s32 s13, s0;
	s2 =	ssub.s32 $0x2, s2  }
0xa: {  	s5 =	sor.u32 s4, s5;
	s7 =	sshrl.u32 s2, $0x1;
	s4 =	sor.u32 s4, s14  }
0xb: {  	s6 =	sadd.s32 $0x9400, s6;
	s5 =	sshrl.u32 s5, $0x3;
	s2 =	ssub.s32 s2, s7  }
0xc: {  	s15 =	sshrl.u32 s4, $0x3;
	[dreg:$0x4] =	wrdreg s6;
	s21 =	sor.u32 $0x38000, s4  }
0xd: {  	s22 =	sor.u32 $0x30000, s4;
	s23 =	sor.u32 $0x28000, s4;
	s7 =	sor.u32 $0x20000, s4  }
0xe: {  	s4 =	simm.s32 $0x7;
	s0 =	sadd.s32 s5, s0;
	s5 =	sadd.s32 s8, s3  }
0xf: {  	s8 =	sadd.s32 s1, s15;
	s20 =	smax.u32 s2, $0x1;
	s24 =	sshrl.u32 s22, $0x3  }
0x10: {  	s25 =	sshrl.u32 s23, $0x3;
	s16 =	sadd.s32 $0x4000, s5;
	[dreg:$0xa] =	wrdreg s20  }
0x11: {  	s22 =	simm.s32 $0x1000;
	s17 =	sadd.s32 $0x1000, s8;
	[dreg:$0x5] =	wrdreg s16  }
0x12: {  	s2 =	simm.s32 $0x8;
	s18 =	sadd.s32 $0x2000, s8;
	[dreg:$0x6] =	wrdreg s17  }
0x13: {  	s23 =	simm.s32 $0x0;
	s19 =	sadd.s32 $0x3000, s8;
	[dreg:$0x7] =	wrdreg s18  }
0x14: {  	s0 =	sadd.s32 $0x10B400, s0;
	s26 =	sadd.s32 s25, s1;
	[dreg:$0x8] =	wrdreg s19  }
.Ltmp0:
0x15: {  	s20 =	simm.s32 $0x400;
	[dreg:$0x9] =	wrdreg s0;
	(pc) =	sbr.rel .LBB2_1-.Ltmp0, $4  }
0x16: {  	s25 =	simm.s32 $0xD000;
	s0 =	sshrl.u32 s21, $0x3;
	[dreg:$0xd] =	wrdreg s26  }
0x17: {  	s18 =	simm.s32 $0x9;
	s21 =	simm.s32 $0x800;
	s0 =	sadd.s32 s0, s1  }
0x18: {  	s26 =	simm.s32 $0x1;
	[dreg:$0xb] =	wrdreg s0;
	s0 =	sadd.s32 s24, s1  }
0x19: {  	v0 =	vimm.f32 $0.0e+00;
	s24 =	simm.s32 $0x9000;
	[dreg:$0xc] =	wrdreg s0;
	s0 =	simm.s32 $0x6  }
.LBB2_6:
0x1a: {  	_ =	swait.ge [sflag:s30], $0x4000  }
0x1b: {  	[sflag:s30] =	ssyncset.done $0x0  }
0x1c: {  	[sflag:s30] =	ssyncadd.s32 $0xFFFFC000  }
0x1d: {  	[spmem:s3] =	stream.indirect.scatter.add.f32 [tilespmem:s25], [sflag:$0x8], $0x80, s12, s28, $0xb8;
	[tilespmem:$0x1D000] =	vst v63  }
0x1e: {  	_ =	swait.ge [sflag:s31], $0x4000  }
0x1f: {  	[sflag:s31] =	ssyncset.done $0x0  }
0x20: {  	[sflag:s31] =	ssyncadd.s32 $0xFFFFC000  }
0x21: {  	_ =	swait.ge [sflag:s0], $0x4000  }
0x22: {  	[sflag:s0] =	ssyncset.done $0x0  }
0x23: {  	[sflag:s0] =	ssyncadd.s32 $0xFFFFC000  }
0x24: {  	_ =	swait.ge [sflag:s4], $0x4000  }
0x25: {  	[sflag:s4] =	ssyncset.done $0x0  }
0x26: {  	[sflag:s4] =	ssyncadd.s32 $0xFFFFC000  }
0x27: {  	_ =	swait.ge [sflag:s2], $0x4000  }
0x28: {  	[sflag:s2] =	ssyncset.done $0x0  }
0x29: {  	s6 =	stileid.u32;
	[sflag:s2] =	ssyncadd.s32 $0xFFFFC000  }
0x2a: {  	s9 =	sshrl.u32 s5, $0x3;
	s6 =	sshll.u32 s6, $0x6;
	[bflag:$0x0] =	sbarrier.arrive $0xFFFF  }
0x2b: {  	s11 =	simm.s32 $0x100;
	s6 =	sor.u32 $0x1C09, s6;
	s10 =	rddreg [dreg:$0x9]  }
0x2c: {  	[hbm:s10@s11], [sflag:s6] =	dma.strided [spmem:s9@s28], $0x1000, s2, $0x10   }
0x2d: {  	_ =	swait.ge [sflag:s18], $0x1000  }
0x2e: {  	s23 =	sadd.s32 $0x1, s23;
	s19 =	rddreg [dreg:$0xa]  }
0x2f: {  	p0 =	sne.s32 s23, s19  }
.Ltmp1:
0x30: {  	_ = 	snop;
	(pc) =	sbr.rel @!p0 .LBB2_7-.Ltmp1, $3  }
0x31: {  	_ =	sdelay $0x1  }
0x32: {  	[sflag:s18] =	ssyncset.done $0x0  }
0x33: {  	[sflag:s18] =	ssyncadd.s32 $0xFFFFF000  }
.LBB2_1:
0x34: {  	s6 =	simm.s32 $0x0;
	s9 =	rddreg [dreg:$0x4]  }
0x35: {  	[tilespmem:s6], [sflag:$0x9] =	stream.linear.gather [hbm4b:s9+s6], $0x1000, $0x38;
	[tilespmem:$0x1D000] =	vst v63  }
0x36: {  	_ =	swait.ge [sflag:s18], $0x1000  }
0x37: {  	[sflag:s18] =	ssyncset.done $0x0  }
0x38: {  	s14 =	simm.s32 $0x200;
	s6 =	simm.s32 $0x0;
	[sflag:s18] =	ssyncadd.s32 $0xFFFFF000  }
.LBB2_2:
0x39: {  	p0 =	sne.s32 s14, $0xFE00;
	[tilespmem:s6+$0x11070] =	vst v0  }
0x3a: {  	[tilespmem:s6+$0x11000] =	vst v0  }
0x3b: {  	[tilespmem:s6+$0x11010] =	vst v0  }
.Ltmp2:
0x3c: {  	[tilespmem:s6+$0x11020] =	vst v0;
	(pc) =	sbr.rel @p0 .LBB2_2-.Ltmp2, $4  }
0x3d: {  	[tilespmem:s6+$0x11030] =	vst v0  }
0x3e: {  	[tilespmem:s6+$0x11040] =	vst v0  }
0x3f: {  	[tilespmem:s6+$0x11050] =	vst v0  }
0x40: {  	[tilespmem:s6+$0x11060] =	vst v0;
	s6 =	sshra.s32 s14, $0x2;
	s14 =	sadd.s32 $0x200, s14  }
0x41: {  	[tilespmem:s6+$0x11070] =	vst v0  }
0x42: {  	[tilespmem:s6+$0x11000] =	vst v0  }
0x43: {  	[tilespmem:s6+$0x11010] =	vst v0  }
0x44: {  	[tilespmem:s6+$0x11020] =	vst v0  }
0x45: {  	[tilespmem:s6+$0x11030] =	vst v0  }
0x46: {  	[tilespmem:s6+$0x11040] =	vst v0  }
0x47: {  	[tilespmem:s6+$0x11050] =	vst v0  }
0x48: {  	[tilespmem:s6+$0x11060] =	vst v0;
	s9 =	simm.s32 $0x11000  }
0x49: {  	[spmem:s5] =	stream.linear.scatter [tilespmem:s9], [sflag:$0x9], $0x4000, $0x38;
	[tilespmem:$0x1D000] =	vst v63  }
0x4a: {  	_ =	swait.ge [sflag:s18], $0x4000  }
0x4b: {  	[sflag:s18] =	ssyncset.done $0x0  }
0x4c: {  	s14 =	rddreg [dreg:$0x5];
	[sflag:s18] =	ssyncadd.s32 $0xFFFFC000  }
0x4d: {  	[spmem:s14] =	stream.linear.scatter [tilespmem:s9], [sflag:$0x9], $0x4000, $0x38;
	[tilespmem:$0x1D000] =	vst v63  }
0x4e: {  	_ =	swait.ge [sflag:s18], $0x4000  }
0x4f: {  	[sflag:s18] =	ssyncset.done $0x0  }
0x50: {  	[sflag:s18] =	ssyncadd.s32 $0xFFFFC000  }
0x51: {  	[bflag:$0x0] =	sbarrier.arrive $0xFFFF  }
0x52: {  	[tilespmem:s22], [sflag:$0x1] =	stream.strided.gather [hbm4b:s8+s20], $0x4000, s21, s20, $0x38;
	[tilespmem:$0x1D000] =	vst v63  }
0x53: {  	s15 =	rddreg [dreg:$0x6]  }
0x54: {  	s17 =	rddreg [dreg:$0x7]  }
0x55: {  	s19 =	rddreg [dreg:$0x8]  }
0x56: {  	s16 =	simm.s32 $0x5000;
	s14 =	rddreg [dreg:$0xb]  }
0x57: {  	[tilespmem:s16], [sflag:$0x2] =	stream.strided.gather [hbm4b:s15+s20], $0x4000, s21, s20, $0x38;
	[tilespmem:$0x1D000] =	vst v63  }
0x58: {  	s16 =	rddreg [dreg:$0xd]  }
0x59: {  	[tilespmem:s24], [sflag:$0x3] =	stream.strided.gather [hbm4b:s17+s20], $0x4000, s21, s20, $0x38;
	[tilespmem:$0x1D000] =	vst v63  }
0x5a: {  	s6 =	simm.s32 $0x0;
	s15 =	rddreg [dreg:$0xc];
	s17 =	smov.u32 s7  }
0x5b: {  	[tilespmem:s25], [sflag:$0x4] =	stream.strided.gather [hbm4b:s19+s20], $0x4000, s21, s20, $0x38;
	[tilespmem:$0x1D000] =	vst v63  }
.LBB2_4:
0x5c: {  	_ =	swait.ge [sflag:s26], $0x4000  }
0x5d: {  	p0 =	seq.s32 s6, $0x3800;
	[sflag:s26] =	ssyncset.done $0x0  }
0x5e: {  	s12 =	sshra.s32 s6, $0x2;
	s13 =	simm.s32 @p0 $0x2;
	[sflag:s26] =	ssyncadd.s32 $0xFFFFC000  }
0x5f: {  	[spmem:s3] =	stream.indirect.scatter.add.f32 [tilespmem:s22], [sflag:$0x5], $0x80, s12, s28, $0xb8;
	[tilespmem:$0x1D000] =	vst v63  }
0x60: {  	_ =	swait.ge @p0 [sflag:s13], $0x4000  }
0x61: {  	[sflag:s13] =	ssyncset.done @p0 $0x0  }
0x62: {  	[sflag:s13] =	ssyncadd.s32 @p0 $0xFFFFC000;
	s13 =	sshra.s32 @p0 s6, $0x2  }
0x63: {  	s11 =	simm.s32 @p0 $0x80;
	s19 =	simm.s32 @p0 $0x5000;
	s13 =	sadd.s32 @p0 $0x80, s13  }
0x64: {  	[spmem:s3] =	stream.indirect.scatter.add.f32 @p0 [tilespmem:s19], [sflag:$0x6], $0x80, s13, s11, $0xb8;
	[tilespmem:$0x1D000] =	vst v63  }
0x65: {  	s11 =	simm.s32 @!p0 $0x5  }
0x66: {  	s10 =	simm.s32 @!p0 $0x1000;
	_ =	swait.ge @!p0 [sflag:s11], $0x4000  }
0x67: {  	s13 =	sshrl.u32 @!p0 s17, $0x3;
	s19 =	simm.s32 @!p0 $0x800;
	[sflag:s11] =	ssyncset.done @!p0 $0x0  }
0x68: {  	[sflag:s11] =	ssyncadd.s32 @!p0 $0xFFFFC000;
	s11 =	sadd.s32 @!p0 s1, s13;
	s13 =	simm.s32 @!p0 $0x400  }
0x69: {  	[tilespmem:s10], [sflag:$0x1] =	stream.strided.gather @!p0 [hbm4b:s11+s13], $0x4000, s19, s13, $0x38;
	[tilespmem:$0x1D000] =	vst v63  }
0x6a: {  	s10 =	simm.s32 @!p0 $0x2  }
0x6b: {  	_ =	swait.ge @!p0 [sflag:s10], $0x4000  }
0x6c: {  	[sflag:s10] =	ssyncset.done @!p0 $0x0  }
0x6d: {  	[sflag:s10] =	ssyncadd.s32 @!p0 $0xFFFFC000;
	s10 =	sshra.s32 @!p0 s6, $0x2  }
0x6e: {  	s9 =	simm.s32 @!p0 $0x5000;
	s11 =	simm.s32 @!p0 $0x80;
	s10 =	sadd.s32 @!p0 $0x80, s10  }
0x6f: {  	[spmem:s3] =	stream.indirect.scatter.add.f32 @!p0 [tilespmem:s9], [sflag:$0x6], $0x80, s10, s11, $0xb8;
	[tilespmem:$0x1D000] =	vst v63  }
0x70: {  	s10 =	simm.s32 @!p0 $0x6  }
0x71: {  	_ =	swait.ge @!p0 [sflag:s10], $0x4000  }
0x72: {  	[sflag:s10] =	ssyncset.done @!p0 $0x0  }
0x73: {  	[sflag:s10] =	ssyncadd.s32 @!p0 $0xFFFFC000  }
0x74: {  	[tilespmem:s9], [sflag:$0x2] =	stream.strided.gather @!p0 [hbm4b:s16+s13], $0x4000, s19, s13, $0x38;
	[tilespmem:$0x1D000] =	vst v63  }
.Ltmp3:
0x75: {  	_ = 	snop;
	(pc) =	sbr.rel @p0 .LBB2_6-.Ltmp3, $4  }
0x76: {  	_ =	swait.ge [sflag:s29], $0x4000  }
0x77: {  	[sflag:s29] =	ssyncset.done $0x0  }
0x78: {  	s19 =	sadd.s32 $0x100, s12;
	s12 =	sadd.s32 $0x180, s12;
	[sflag:s29] =	ssyncadd.s32 $0xFFFFC000  }
0x79: {  	[spmem:s3] =	stream.indirect.scatter.add.f32 [tilespmem:s24], [sflag:$0x7], $0x80, s19, s28, $0xb8;
	[tilespmem:$0x1D000] =	vst v63  }
0x7a: {  	_ =	swait.ge [sflag:s4], $0x4000  }
0x7b: {  	[sflag:s4] =	ssyncset.done $0x0  }
0x7c: {  	[sflag:s4] =	ssyncadd.s32 $0xFFFFC000  }
0x7d: {  	[tilespmem:s24], [sflag:$0x3] =	stream.strided.gather [hbm4b:s15+s20], $0x4000, s21, s20, $0x38;
	[tilespmem:$0x1D000] =	vst v63  }
0x7e: {  	_ =	swait.ge [sflag:s30], $0x4000  }
0x7f: {  	[sflag:s30] =	ssyncset.done $0x0  }
0x80: {  	[sflag:s30] =	ssyncadd.s32 $0xFFFFC000  }
0x81: {  	[spmem:s3] =	stream.indirect.scatter.add.f32 [tilespmem:s25], [sflag:$0x8], $0x80, s12, s28, $0xb8;
	[tilespmem:$0x1D000] =	vst v63  }
.Ltmp4:
0x82: {  	_ =	swait.ge [sflag:s2], $0x4000;
	(pc) =	sbr.rel .LBB2_4-.Ltmp4, $4  }
0x83: {  	[sflag:s2] =	ssyncset.done $0x0  }
0x84: {  	s6 =	sadd.s32 $0x800, s6;
	s16 =	sadd.s32 $0x4000, s16;
	[sflag:s2] =	ssyncadd.s32 $0xFFFFC000  }
0x85: {  	[tilespmem:s25], [sflag:$0x4] =	stream.strided.gather [hbm4b:s14+s20], $0x4000, s21, s20, $0x38;
	[tilespmem:$0x1D000] =	vst v63  }
0x86: {  	s17 =	sadd.s32 $0x20000, s17;
	s15 =	sadd.s32 $0x4000, s15;
	s14 =	sadd.s32 $0x4000, s14  }
.LBB2_7:
0x87: {  	_ =	sfence.sel $0x180000  }
0x88: {  	[bflag:$0x0] =	sbarrier.arrive $0xFFFF  }
0x89: {  	_ =	strace $0x9000004A  }
0x8a: {  	s0 =	stileid.u32;
	[bflag:$0x2] =	sbarrier.arrive $0xFFFF  }
0x8b: {  	p0 =	sne.s32 s0, $0x0;
	s0 =	rddreg [dreg:$0x3]  }
0x8c: {  	s0 =	sadd.s32 @!p0 $0x100000, s0  }
0x8d: {  	[sflag:s0] =	ssyncadd.tile.s32 @!p0 $0x1;
	_ =	shalt  }
.Lfunc_end2:
_tile_overlayer_lowered:
.L_overlay_start_2:
0x8e: {  	(tag) =	ssettag $0x2  }
0x8f: {  	s0 =	rddreg [dreg:$0x0];
	s2 =	stileid.u32  }
0x90: {  	s1 =	rddreg [dreg:$0x1];
	p0 =	sne.s32 s2, $0x0  }
0x91: {  	s3 =	rddreg [dreg:$0x2];
	[bflag:$0x3] =	sbarrier.arrive $0xFFFF;
	s2 =	simm.s32 @!p0 $0x1C09  }
0x92: {  	[timem:s3], [sflag:s2] =	dma.local @!p0 [hbm:s0], s1  }
0x93: {  	s0 =	simm.s32 @!p0 $0x9  }
0x94: {  	_ =	swait.ge @!p0 [sflag:s0], s1  }
0x95: {  	s1 =	ssub.s32 @!p0 $0x0, s1;
	[sflag:s0] =	ssyncset.done @!p0 $0x0  }
0x96: {  	[sflag:s0] =	ssyncadd.s32 @!p0 s1  }
0x97: {  	[bflag:$0x3] =	sbarrier.arrive $0xFFFF  }
0x98: {  	_ =	shalt  }

// kernel: kernel.17.cloned.1.call-start
scs
__scs_entry_jumppad:
0x0: {  	(pc) =	sbr.rel $0x88, $3  }
0x1: {  	(tag) =	ssettag $0x0;
	lr =	simm.s32 $0x1  }
0x2: {  	[smem:$0x3F8C] =	sst lr;
	_ =	strace $0xD0000000  }
0x3: {  	_ = 	snop  }
0x4: {  	_ = 	snop  }
0x5: {  	_ = 	snop  }
0x6: {  	_ = 	snop  }
0x7: {  	_ = 	snop  }
__scs_overlays_trampoline_lowered:
0x8: {  	[smem:$0x3F9B] =	sst s0  }
0x9: {  	[smem:$0x3F9C] =	sst s1  }
0xa: {  	[smem:$0x3F9D] =	sst s2  }
0xb: {  	[smem:$0x3F9E] =	sst s3  }
0xc: {  	[smem:$0x3F9F] =	sst s4  }
0xd: {  	[smem:$0x3FA0] =	sst s5  }
0xe: {  	[smem:$0x3FA1] =	sst s6  }
0xf: {  	[smem:$0x3FA2] =	sst s7  }
0x10: {  	[smem:$0x3FA3] =	sst s8  }
0x11: {  	[smem:$0x3FA4] =	sst s9;
	s0 =	simm.s32 @!p0 $0x0  }
0x12: {  	s1 =	sld [smem:$0x3F8A];
	s0 =	simm.s32 @p0 $0x1  }
0x13: {  	[smem:$0x3FA5] =	sst s0;
	s0 =	simm.s32 @!p1 $0x0  }
0x14: {  	s2 =	sld [smem:$0x3F89];
	s0 =	simm.s32 @p1 $0x1  }
0x15: {  	[smem:$0x3FA6] =	sst s0;
	s0 =	simm.s32 @!p2 $0x0  }
0x16: {  	s3 =	sld [smem:$0x3FDB];
	s0 =	simm.s32 @p2 $0x1  }
0x17: {  	s4 =	simm.s32 $0x1BF5;
	[smem:$0x3FA8] =	sst s0  }
0x18: {  	s0 =	sld [smem:$0x3F8B];
	_ =	swait.ge [sflag:s4], $0x0  }
0x19: {  	s7 =	sld [smem:$0x3F8C]  }
0x1a: {  	s8 =	sadd.s32 $0xFFFFE003, lr  }
0x1b: {  	s9 =	sadd.s32 $0xFFFFFEF7, lr;
	s5 =	simm.s32 $0xFFFFFFFF;
	p2 =	slt.u32 s8, $0xFFFFF086  }
0x1c: {  	p1 =	slt.u32 s9, $0xF7A;
	s5 =	simm.s32 @!p2 $0x0  }
0x1d: {  	s5 =	simm.s32 @p1 $0x1;
	p0 =	seq.s32 s7, s2  }
0x1e: {  	s7 =	smul.u32 @!p0 $0xF7A, s2;
	p2 =	seq.s32 @!p0 s5, $0x0  }
0x1f: {  	s9 =	smul.u32 $0xF7A, s1;
	s8 =	simm.s32 @!p0 $0x1BF5;
	p2 =	por !p2, p0  }
0x20: {  	[sflag:s8] =	ssyncset.s32 @!p0 $0xFFFFF086;
	s6 =	sadd.s32 @!p0 s3, s7;
	s7 =	simm.s32 @!p0 $0x108  }
0x21: {  	s3 =	sadd.s32 s3, s9;
	s6 =	sadd.s32 @!p0 $0x88, s6;
	s7 =	simm.s32 @p2 $0x1082  }
0x22: {  	[simem:s7], [sflag:s8] =	dma.local @!p0 [hbm:s6], $0xF7A  }
0x23: {  	s9 =	sor.u32 $0xD0000000, s2;
	s6 =	simm.s32 $0x108;
	_ =	swait.ge @!p0 [sflag:s8], $0x0  }
0x24: {  	s3 =	sadd.s32 $0x88, s3;
	s6 =	simm.s32 @!p1 $0x1082;
	[sflag:s4] =	ssyncset.s32 $0xFFFFF086  }
0x25: {  	[simem:s6], [sflag:s4] =	dma.local [hbm:s3], $0xF7A  }
0x26: {  	[smem:$0x3F8C] =	sst s1;
	(tag) =	ssettag s2;
	_ =	strace s9  }
0x27: {  	s1 =	sld [smem:$0x3F9C]  }
0x28: {  	s2 =	sld [smem:$0x3F9D]  }
0x29: {  	s4 =	sld [smem:$0x3F9F]  }
0x2a: {  	p0 =	seq.s32 s5, $0x0;
	s5 =	sld [smem:$0x3FA0]  }
0x2b: {  	s6 =	sld [smem:$0x3FA1]  }
0x2c: {  	s7 =	sld [smem:$0x3FA2]  }
0x2d: {  	s3 =	simm.s32 $0x108;
	s8 =	sld [smem:$0x3FA3]  }
0x2e: {  	s3 =	simm.s32 @!p0 $0x1082;
	s9 =	sld [smem:$0x3FA4]  }
0x2f: {  	lr =	sadd.s32 s0, s3;
	s0 =	sld [smem:$0x3F9B]  }
0x30: {  	s3 =	sld [smem:$0x3F9E]  }
0x31: {  	[smem:$0x3FA7] =	sst s10  }
0x32: {  	s10 =	sld [smem:$0x3FA5];
	_ =	sdelay $0x3  }
0x33: {  	p0 =	seq.s32 s10, $0x1;
	s10 =	sld [smem:$0x3FA7];
	_ =	sdelay $0x3  }
0x34: {  	[smem:$0x3FA7] =	sst s10  }
0x35: {  	s10 =	sld [smem:$0x3FA6];
	_ =	sdelay $0x3  }
0x36: {  	p1 =	seq.s32 s10, $0x1;
	s10 =	sld [smem:$0x3FA7];
	_ =	sdelay $0x3  }
0x37: {  	[smem:$0x3FA7] =	sst s10  }
0x38: {  	s10 =	sld [smem:$0x3FA8]  }
0x39: {  	_ = 	snop;
	(pc) =	sbr.ind lr, $3  }
0x3a: {  	_ = 	snop  }
0x3b: {  	_ = 	snop  }
0x3c: {  	p2 =	seq.s32 s10, $0x1;
	s10 =	sld [smem:$0x3FA7]  }
0x3d: {  	_ =	shalt  }
0x3e: {  	_ =	shalt  }
0x3f: {  	_ =	shalt  }
0x40: {  	_ =	shalt  }
0x41: {  	_ =	shalt  }
0x42: {  	_ =	shalt  }
0x43: {  	_ =	shalt  }
0x44: {  	_ =	shalt  }
0x45: {  	_ =	shalt  }
0x46: {  	_ =	shalt  }
0x47: {  	_ =	shalt  }
0x48: {  	_ =	shalt  }
0x49: {  	_ =	shalt  }
0x4a: {  	_ =	shalt  }
0x4b: {  	_ =	shalt  }
0x4c: {  	_ =	shalt  }
0x4d: {  	_ =	shalt  }
0x4e: {  	_ =	shalt  }
0x4f: {  	_ =	shalt  }
0x50: {  	_ =	shalt  }
0x51: {  	_ =	shalt  }
0x52: {  	_ =	shalt  }
0x53: {  	_ =	shalt  }
0x54: {  	_ =	shalt  }
0x55: {  	_ =	shalt  }
0x56: {  	_ =	shalt  }
0x57: {  	_ =	shalt  }
0x58: {  	_ =	shalt  }
0x59: {  	_ =	shalt  }
0x5a: {  	_ =	shalt  }
0x5b: {  	_ =	shalt  }
0x5c: {  	_ =	shalt  }
0x5d: {  	_ =	shalt  }
0x5e: {  	_ =	shalt  }
0x5f: {  	_ =	shalt  }
0x60: {  	_ =	shalt  }
0x61: {  	_ =	shalt  }
0x62: {  	_ =	shalt  }
0x63: {  	_ =	shalt  }
0x64: {  	_ =	shalt  }
0x65: {  	_ =	shalt  }
0x66: {  	_ =	shalt  }
0x67: {  	_ =	shalt  }
0x68: {  	_ =	shalt  }
0x69: {  	_ =	shalt  }
0x6a: {  	_ =	shalt  }
0x6b: {  	_ =	shalt  }
0x6c: {  	_ =	shalt  }
0x6d: {  	_ =	shalt  }
0x6e: {  	_ =	shalt  }
0x6f: {  	_ =	shalt  }
0x70: {  	_ =	shalt  }
0x71: {  	_ =	shalt  }
0x72: {  	_ =	shalt  }
0x73: {  	_ =	shalt  }
0x74: {  	_ =	shalt  }
0x75: {  	_ =	shalt  }
0x76: {  	_ =	shalt  }
0x77: {  	_ =	shalt  }
0x78: {  	_ =	shalt  }
0x79: {  	_ =	shalt  }
0x7a: {  	_ =	shalt  }
0x7b: {  	_ =	shalt  }
0x7c: {  	_ =	shalt  }
0x7d: {  	_ =	shalt  }
0x7e: {  	_ =	shalt  }
0x7f: {  	_ =	shalt  }
0x80: {  	_ =	shalt  }
0x81: {  	_ =	shalt  }
0x82: {  	_ =	shalt  }
0x83: {  	_ =	shalt  }
0x84: {  	_ =	shalt  }
0x85: {  	_ =	shalt  }
0x86: {  	_ =	shalt  }
0x87: {  	_ =	shalt  }
.Lfunc_end0:
.L_simem_size_0:
called_computation.2_lowered:
.L_overlay_start_0:
0x88: {  	s2 =	sld [smem:$0x3FD9]  }
0x89: {  	s3 =	sld [smem:$0x3FFE];
	_ =	sdelay $0x1  }
0x8a: {  	s1 =	srdreg.scid  }
0x8b: {  	s0 =	sand.u32 $0x1, s1  }
0x8c: {  	s14 =	sshll.u32 s0, $0xA;
	s2 =	sadd.s32 s3, s2  }
0x8d: {  	s2 =	sadd.s32 s2, s14  }
0x8e: {  	[smem:$0x3FB3] =	sst s2  }
0x8f: {  	_ = 	snop  }
0x90: {  	s2 =	sld [smem:$0x3FD0];
	_ =	sdelay $0x2  }
0x91: {  	s15 =	simm.s32 $0xA;
	s4 =	simm.s32 $0x10  }
0x92: {  	[smem:s4], [sflag:s15] =	dma.local [hbm:s2], $0x1  }
0x93: {  	_ =	swait.eq [sflag:s15], $0x1  }
0x94: {  	[sflag:s15] =	ssyncset.done $0x0  }
0x95: {  	[sflag:s15] =	ssyncadd.s32 $0xFFFFFFFF  }
0x96: {  	s16 =	sld [smem:$0x10];
	(tm) =	ssettm $0x1  }
0x97: {  	s17 =	sld [smem:$0x3FFB];
	_ =	sdelay $0x3  }
0x98: {  	_ =	strace s17  }
0x99: {  	s3 =	sld [smem:$0x3FFC];
	_ =	sdelay $0x3  }
0x9a: {  	_ =	strace s3  }
0x9b: {  	s3 =	sld [smem:$0x3FFD];
	_ =	sdelay $0x3  }
0x9c: {  	_ =	strace s3  }
0x9d: {  	_ =	strace $0x8FFFFFFF  }
0x9e: {  	s18 =	sld [smem:$0x3FDB];
	_ =	sdelay $0x1  }
0x9f: {  	s19 =	simm.s32 $_scs_section_size  }
0xa0: {  	s5 =	simm.s32 $_size__tile_overlayer_lowered;
	s6 =	simm.s32 $_tile_overlayer_lowered  }
0xa1: {  	s22 =	simm.s32 $0x1BFF;
	s21 =	sshll.u32 s6, $0x1;
	s3 =	sadd.s32 s19, s18  }
0xa2: {  	s7 =	simm.s32 $0x0;
	s20 =	sshll.u32 s5, $0x1;
	s5 =	sadd.s32 s21, s3  }
0xa3: {  	[timem:s7], [sflag:s22] =	dma.local [hbm:s5], s20  }
0xa4: {  	_ =	swait.ge [sflag:s22], s20  }
0xa5: {  	s4 =	ssub.s32 $0x0, s20;
	[sflag:s22] =	ssyncset.done $0x0  }
0xa6: {  	[sflag:s22] =	ssyncadd.s32 s4;
	_ =	sdelay $0x1  }
0xa7: {  	s23 =	simm.s32 $0x1B8B  }
0xa8: {  	_ =	swait.ge [sflag:s23], $0x1  }
0xa9: {  	[sflag:s23] =	ssyncset.done $0x0  }
0xaa: {  	s25 =	simm.s32 $0x1B8E;
	s24 =	sld [smem:$0x3FFE];
	[sflag:s23] =	ssyncadd.s32 $0xFFFFFFFF  }
0xab: {  	s26 =	simm.s32 $execute0_lowered;
	[smem:$0x3FD2] =	sst s25  }
0xac: {  	s5 =	sshll.u32 s26, $0x1;
	_ =	strace $0x8000004C;
	[dreg:$0x1] =	wrdreg $0xFFFFFFFF  }
0xad: {  	s28 =	simm.s32 $_size_execute0_lowered;
	s3 =	sadd.s32 s3, s5;
	[dreg:$0x0] =	wrdreg $0x0  }
0xae: {  	s5 =	sshll.u32 s28, $0x1;
	[dreg:$0x2] =	wrdreg s3  }
0xaf: {  	[dreg:$0x3] =	wrdreg s5  }
0xb0: {  	[dreg:$0x4] =	wrdreg $0xC0  }
0xb1: {  	_ =	task [dreg:s7], $0x5FFFF  }
0xb2: {  	[dreg:$0x1] =	wrdreg $0xFFFFFFFF  }
0xb3: {  	[dreg:$0x0] =	wrdreg $0x60  }
0xb4: {  	[dreg:$0x2] =	wrdreg s16  }
0xb5: {  	[dreg:$0x3] =	wrdreg s24  }
0xb6: {  	[dreg:$0x4] =	wrdreg $0x9  }
0xb7: {  	_ =	task.clear_ibuf [dreg:s7], $0x5FFFF;
	_ =	strace $0x9000004C  }
0xb8: {  	s29 =	simm.s32 $0x9;
	_ =	strace $0x8000004E  }
0xb9: {  	_ =	swait.ge [sflag:s29], $0x1  }
0xba: {  	[sflag:s29] =	ssyncadd.s32 $0xFFFFFFFF  }
0xbb: {  	_ =	strace $0x9000004E  }
0xbc: {  	_ =	sfence  }
0xbd: {  	s30 =	sld [smem:$0x0];
	_ =	sdelay $0x2  }
0xbe: {  	s31 =	sshll.u32 s1, $0xD;
	s1 =	sshrl.u32 s1, $0x2  }
0xbf: {  	s3 =	sand.u32 $0x4000, s31;
	s1 =	sadd.s32 s1, s30  }
0xc0: {  	s0 =	sor.u32 s3, s0;
	s1 =	sshll.u32 s1, $0x11  }
0xc1: {  	s0 =	sor.u32 s1, s0  }
0xc2: {  	s0 =	sadd.s32 $0x8F2B, s0  }
0xc3: {  	[sflag:s0] =	ssyncadd.remote.s32 $0x1  }
0xc4: {  	_ =	sfence.sel $0xFFFF  }
0xc5: {  	[dreg:$0x0] =	wrdreg $0xFFFFFFFF;
	(pc) =	sbr.abs _section_cstart, $3  }
0xc6: {  	[dreg:$0x1] =	wrdreg $0xFFFFFFFF  }
0xc7: {  	_ =	task.clear_ibuf [dreg:s7], $0x2FFFF;
	_ =	strace $0x9FFFFFFF  }
0xc8: {  	(tm) =	ssettm $0x7FFFFFFF  }
0xc9: {  	_ =	shalt  }
tec
execute0_lowered:
.L_overlay_start_1:
0x0: {  	(tag) =	ssettag $0x1  }
0x1: {  	s1 =	rddreg [dreg:$0x0]  }
0x2: {  	s0 =	rddreg [dreg:$0x1]  }
0x3: {  	s3 =	simm.s32 $0x0;
	s2 =	srdreg.scid;
	s4 =	stileid.u32  }
0x4: {  	s30 =	simm.s32 $0x6000;
	s31 =	simm.s32 $0x6800;
	s10 =	simm.s32 $0x8000  }
0x5: {  	s8 =	simm.s32 $0xD800;
	s9 =	simm.s32 $0xE000;
	s11 =	simm.s32 $0xE800  }
0x6: {  	s12 =	simm.s32 $0xF000;
	s13 =	simm.s32 $0xF800;
	s14 =	simm.s32 $0x10000  }
0x7: {  	s15 =	simm.s32 $0x10800;
	s16 =	simm.s32 $0x1;
	s17 =	simm.s32 $0x3  }
0x8: {  	s18 =	simm.s32 $0x11000;
	s19 =	simm.s32 $0x2;
	s20 =	simm.s32 $0x4  }
0x9: {  	s21 =	simm.s32 $0x15000;
	s24 =	simm.s32 $0x0;
	[smem:$0x7FF] =	sst s3  }
0xa: {  	s2 =	sand.u32 $0x1, s2;
	s5 =	sshll.u32 s4, $0x1;
	s4 =	sadd.s32 $0x10B400, s0  }
0xb: {  	_ =	strace $0x8000004D;
	s5 =	sor.u32 s2, s5;
	s2 =	ssub.s32 $0x2, s2  }
0xc: {  	s6 =	sshll.u32 s5, $0x8;
	s5 =	sshll.u32 s5, $0x10;
	s25 =	sshrl.u32 s2, $0x1  }
.Ltmp0:
0xd: {  	s6 =	sadd.s32 s6, s0;
	s0 =	sadd.s32 s5, s0;
	(pc) =	sbr.rel .LBB2_1-.Ltmp0, $4  }
0xe: {  	s2 =	ssub.s32 s2, s25;
	s5 =	simm.s32 $0x8800;
	s26 =	sadd.s32 $0x9400, s6  }
0xf: {  	v2 =	vlaneseq.u32;
	s28 =	sadd.s32 $0x7400, s6;
	s7 =	sadd.s32 $0x14B400, s0;
	[dreg:$0x3] =	wrdreg s26  }
0x10: {  	vm0 =	vmmov $0xffff;
	v1 =	vshrl.u32 v2, $0x3;
	s29 =	smax.u32 s2, $0x1;
	s0 =	simm.s32 $0x7000;
	[dreg:$0x4] =	wrdreg s28  }
0x11: {  	v0 =	vand.u32 $0x7, v2;
	v2 =	vor.u32 $0x8, v2;
	v1 =	vmul.u32 $0x8, v1;
	s2 =	simm.s32 $0x7800;
	s6 =	simm.s32 $0xD000;
	[dreg:$0x5] =	wrdreg s29  }
.LBB2_11:
0x12: {  	s22 =	simm.s32 $0x5  }
0x13: {  	_ =	swait.ge [sflag:s22], $0x4000  }
0x14: {  	[sflag:s22] =	ssyncset.done $0x0  }
0x15: {  	s23 =	simm.s32 $0x6;
	[sflag:s22] =	ssyncadd.s32 $0xFFFFC000  }
0x16: {  	_ =	swait.ge [sflag:s23], $0x4000  }
0x17: {  	s24 =	rddreg [dreg:$0x6]  }
0x18: {  	s29 =	rddreg [dreg:$0x5];
	s24 =	sadd.s32 $0x1, s24  }
0x19: {  	p0 =	sne.s32 s24, s29  }
.Ltmp1:
0x1a: {  	_ = 	snop;
	(pc) =	sbr.rel @!p0 .LBB2_12-.Ltmp1, $3  }
0x1b: {  	_ =	sdelay $0x1  }
0x1c: {  	[sflag:s23] =	ssyncset.done $0x0  }
0x1d: {  	[sflag:s23] =	ssyncadd.s32 $0xFFFFC000  }
.LBB2_1:
0x1e: {  	[dreg:$0x6] =	wrdreg s24  }
0x1f: {  	s22 =	rddreg [dreg:$0x3];
	s23 =	simm.s32 $0x7  }
0x20: {  	[tilespmem:s3], [sflag:$0x7] =	stream.linear.gather [hbm4b:s22+s3], $0x800, $0x38;
	[tilespmem:$0x19000] =	vst v63  }
0x21: {  	_ =	swait.ge [sflag:s23], $0x800  }
0x22: {  	[sflag:s23] =	ssyncset.done $0x0  }
0x23: {  	s29 =	simm.s32 $0x800;
	s28 =	rddreg [dreg:$0x4];
	[sflag:s23] =	ssyncadd.s32 $0xFFFFF800  }
0x24: {  	[tilespmem:s29], [sflag:$0x7] =	stream.linear.gather [hbm4b:s28+s3], $0x800, $0x38;
	[tilespmem:$0x19000] =	vst v63  }
0x25: {  	_ =	swait.ge [sflag:s23], $0x800  }
0x26: {  	[sflag:s23] =	ssyncset.done $0x0  }
0x27: {  	[sflag:s23] =	ssyncadd.s32 $0xFFFFF800  }
0x28: {  	v3 =	vld [tilespmem:$0x0];
	_ =	sdelay $0x4  }
0x29: {  	v4 =	vshll.u32 v3, $0x1  }
0x2a: {  	v3 =	vand.u32 $0x7, v3;
	v4 =	vand.u32 $0xFFFFFFF0, v4  }
0x2b: {  	v3 =	vor.u32 v3, v4  }
0x2c: {  	v4 =	vperm.xlane v3, v0;
	_ =	sdelay $0x1  }
0x2d: {  	v3 =	vperm.xlane v3, v2;
	v4 =	vadd.s32 v1, v4;
	_ =	sdelay $0x1  }
0x2e: {  	v3 =	vadd.s32 v1, v3;
	_ =	sdelay $0x1  }
0x2f: {  	s23 =	simm.s32 $0x1000  }
0x30: {  	[tilespmem:s23], [sflag:$0x1] =	stream.indirect_vreg.gather [hbm4b:s1+s3], $0x80, v4, vm0, $0xb8;
	[tilespmem:$0x19000] =	vst v63  }
0x31: {  	s24 =	simm.s32 $0x1800  }
0x32: {  	[tilespmem:s24], [sflag:$0x1] =	stream.indirect_vreg.gather [hbm4b:s1+s3], $0x80, v3, vm0, $0xb8;
	[tilespmem:$0x19000] =	vst v63  }
0x33: {  	v3 =	vld [tilespmem:$0x10];
	_ =	sdelay $0x4  }
0x34: {  	v49 =	vshll.u32 v3, $0x1  }
0x35: {  	v3 =	vand.u32 $0x7, v3;
	v4 =	vand.u32 $0xFFFFFFF0, v49  }
0x36: {  	v3 =	vor.u32 v3, v4  }
0x37: {  	v4 =	vperm.xlane v3, v0;
	_ =	sdelay $0x1  }
0x38: {  	v3 =	vperm.xlane v3, v2;
	v4 =	vadd.s32 v1, v4;
	_ =	sdelay $0x1  }
0x39: {  	v3 =	vadd.s32 v1, v3;
	_ =	sdelay $0x1  }
0x3a: {  	s25 =	simm.s32 $0x2000  }
0x3b: {  	[tilespmem:s25], [sflag:$0x1] =	stream.indirect_vreg.gather [hbm4b:s1+s3], $0x80, v4, vm0, $0xb8;
	[tilespmem:$0x19000] =	vst v63  }
0x3c: {  	s26 =	simm.s32 $0x2800  }
0x3d: {  	[tilespmem:s26], [sflag:$0x1] =	stream.indirect_vreg.gather [hbm4b:s1+s3], $0x80, v3, vm0, $0xb8;
	[tilespmem:$0x19000] =	vst v63  }
0x3e: {  	v3 =	vld [tilespmem:$0x20];
	_ =	sdelay $0x4  }
0x3f: {  	v50 =	vshll.u32 v3, $0x1  }
0x40: {  	v3 =	vand.u32 $0x7, v3;
	v4 =	vand.u32 $0xFFFFFFF0, v50  }
0x41: {  	v3 =	vor.u32 v3, v4  }
0x42: {  	v4 =	vperm.xlane v3, v0;
	_ =	sdelay $0x1  }
0x43: {  	v3 =	vperm.xlane v3, v2;
	v4 =	vadd.s32 v1, v4;
	_ =	sdelay $0x1  }
0x44: {  	v3 =	vadd.s32 v1, v3;
	_ =	sdelay $0x1  }
0x45: {  	s28 =	simm.s32 $0x3000  }
0x46: {  	[tilespmem:s28], [sflag:$0x1] =	stream.indirect_vreg.gather [hbm4b:s1+s3], $0x80, v4, vm0, $0xb8;
	[tilespmem:$0x19000] =	vst v63  }
0x47: {  	s29 =	simm.s32 $0x3800  }
0x48: {  	[tilespmem:s29], [sflag:$0x1] =	stream.indirect_vreg.gather [hbm4b:s1+s3], $0x80, v3, vm0, $0xb8;
	[tilespmem:$0x19000] =	vst v63  }
0x49: {  	v3 =	vld [tilespmem:$0x30];
	_ =	sdelay $0x4  }
0x4a: {  	v51 =	vshll.u32 v3, $0x1  }
0x4b: {  	v3 =	vand.u32 $0x7, v3;
	v4 =	vand.u32 $0xFFFFFFF0, v51  }
0x4c: {  	v3 =	vor.u32 v3, v4  }
0x4d: {  	v4 =	vperm.xlane v3, v0;
	_ =	sdelay $0x1  }
0x4e: {  	v3 =	vperm.xlane v3, v2;
	v4 =	vadd.s32 v1, v4;
	_ =	sdelay $0x1  }
0x4f: {  	v3 =	vadd.s32 v1, v3;
	_ =	sdelay $0x1  }
0x50: {  	s23 =	simm.s32 $0x4000  }
0x51: {  	[tilespmem:s23], [sflag:$0x1] =	stream.indirect_vreg.gather [hbm4b:s1+s3], $0x80, v4, vm0, $0xb8;
	[tilespmem:$0x19000] =	vst v63  }
0x52: {  	s24 =	simm.s32 $0x4800  }
0x53: {  	[tilespmem:s24], [sflag:$0x1] =	stream.indirect_vreg.gather [hbm4b:s1+s3], $0x80, v3, vm0, $0xb8;
	[tilespmem:$0x19000] =	vst v63  }
0x54: {  	v3 =	vld [tilespmem:$0x800];
	_ =	sdelay $0x4  }
0x55: {  	v52 =	vshll.u32 v3, $0x1  }
0x56: {  	v3 =	vand.u32 $0x7, v3;
	v4 =	vand.u32 $0xFFFFFFF0, v52  }
0x57: {  	v3 =	vor.u32 v3, v4  }
0x58: {  	v4 =	vperm.xlane v3, v0;
	_ =	sdelay $0x1  }
0x59: {  	v3 =	vperm.xlane v3, v2;
	v4 =	vadd.s32 v1, v4;
	_ =	sdelay $0x1  }
0x5a: {  	v3 =	vadd.s32 v1, v3;
	_ =	sdelay $0x1  }
0x5b: {  	s25 =	simm.s32 $0x9000  }
0x5c: {  	[tilespmem:s25], [sflag:$0x3] =	stream.indirect_vreg.gather [hbm4b:s4+s3], $0x80, v4, vm0, $0xb8;
	[tilespmem:$0x19000] =	vst v63  }
0x5d: {  	s26 =	simm.s32 $0x9800  }
0x5e: {  	[tilespmem:s26], [sflag:$0x3] =	stream.indirect_vreg.gather [hbm4b:s4+s3], $0x80, v3, vm0, $0xb8;
	[tilespmem:$0x19000] =	vst v63  }
0x5f: {  	v3 =	vld [tilespmem:$0x810];
	_ =	sdelay $0x4  }
0x60: {  	v53 =	vshll.u32 v3, $0x1  }
0x61: {  	v3 =	vand.u32 $0x7, v3;
	v4 =	vand.u32 $0xFFFFFFF0, v53  }
0x62: {  	v3 =	vor.u32 v3, v4  }
0x63: {  	v4 =	vperm.xlane v3, v0;
	_ =	sdelay $0x1  }
0x64: {  	v3 =	vperm.xlane v3, v2;
	v4 =	vadd.s32 v1, v4;
	_ =	sdelay $0x1  }
0x65: {  	v3 =	vadd.s32 v1, v3;
	_ =	sdelay $0x1  }
0x66: {  	s28 =	simm.s32 $0xA000  }
0x67: {  	[tilespmem:s28], [sflag:$0x3] =	stream.indirect_vreg.gather [hbm4b:s4+s3], $0x80, v4, vm0, $0xb8;
	[tilespmem:$0x19000] =	vst v63  }
0x68: {  	s29 =	simm.s32 $0xA800  }
0x69: {  	[tilespmem:s29], [sflag:$0x3] =	stream.indirect_vreg.gather [hbm4b:s4+s3], $0x80, v3, vm0, $0xb8;
	[tilespmem:$0x19000] =	vst v63  }
0x6a: {  	v3 =	vld [tilespmem:$0x820];
	_ =	sdelay $0x4  }
0x6b: {  	v54 =	vshll.u32 v3, $0x1  }
0x6c: {  	v3 =	vand.u32 $0x7, v3;
	v4 =	vand.u32 $0xFFFFFFF0, v54  }
0x6d: {  	v3 =	vor.u32 v3, v4  }
0x6e: {  	v4 =	vperm.xlane v3, v0;
	_ =	sdelay $0x1  }
0x6f: {  	v3 =	vperm.xlane v3, v2;
	v4 =	vadd.s32 v1, v4;
	_ =	sdelay $0x1  }
0x70: {  	v3 =	vadd.s32 v1, v3;
	_ =	sdelay $0x1  }
0x71: {  	s23 =	simm.s32 $0xB000  }
0x72: {  	[tilespmem:s23], [sflag:$0x3] =	stream.indirect_vreg.gather [hbm4b:s4+s3], $0x80, v4, vm0, $0xb8;
	[tilespmem:$0x19000] =	vst v63  }
0x73: {  	s24 =	simm.s32 $0xB800  }
0x74: {  	[tilespmem:s24], [sflag:$0x3] =	stream.indirect_vreg.gather [hbm4b:s4+s3], $0x80, v3, vm0, $0xb8;
	[tilespmem:$0x19000] =	vst v63  }
0x75: {  	v3 =	vld [tilespmem:$0x830];
	_ =	sdelay $0x4  }
0x76: {  	v55 =	vshll.u32 v3, $0x1  }
0x77: {  	v3 =	vand.u32 $0x7, v3;
	v4 =	vand.u32 $0xFFFFFFF0, v55  }
0x78: {  	v3 =	vor.u32 v3, v4  }
0x79: {  	v4 =	vperm.xlane v3, v0;
	_ =	sdelay $0x1  }
0x7a: {  	v3 =	vperm.xlane v3, v2;
	v4 =	vadd.s32 v1, v4;
	_ =	sdelay $0x1  }
0x7b: {  	v3 =	vadd.s32 v1, v3;
	_ =	sdelay $0x1  }
0x7c: {  	s25 =	simm.s32 $0xC000  }
0x7d: {  	[tilespmem:s25], [sflag:$0x3] =	stream.indirect_vreg.gather [hbm4b:s4+s3], $0x80, v4, vm0, $0xb8;
	[tilespmem:$0x19000] =	vst v63  }
0x7e: {  	s26 =	simm.s32 $0xC800  }
0x7f: {  	[tilespmem:s26], [sflag:$0x3] =	stream.indirect_vreg.gather [hbm4b:s4+s3], $0x80, v3, vm0, $0xb8;
	[tilespmem:$0x19000] =	vst v63  }
0x80: {  	v3 =	vld [tilespmem:$0x40];
	_ =	sdelay $0x4  }
0x81: {  	v56 =	vshll.u32 v3, $0x1  }
0x82: {  	v3 =	vand.u32 $0x7, v3;
	v4 =	vand.u32 $0xFFFFFFF0, v56  }
0x83: {  	v3 =	vor.u32 v3, v4  }
0x84: {  	v4 =	vperm.xlane v3, v0;
	_ =	sdelay $0x1  }
0x85: {  	v3 =	vperm.xlane v3, v2;
	v4 =	vadd.s32 v1, v4;
	_ =	sdelay $0x1  }
0x86: {  	v3 =	vadd.s32 v1, v3;
	_ =	sdelay $0x1  }
0x87: {  	s28 =	simm.s32 $0x5000  }
0x88: {  	[tilespmem:s28], [sflag:$0x2] =	stream.indirect_vreg.gather [hbm4b:s1+s3], $0x80, v4, vm0, $0xb8;
	[tilespmem:$0x19000] =	vst v63  }
0x89: {  	s29 =	simm.s32 $0x5800  }
0x8a: {  	[tilespmem:s29], [sflag:$0x2] =	stream.indirect_vreg.gather [hbm4b:s1+s3], $0x80, v3, vm0, $0xb8;
	[tilespmem:$0x19000] =	vst v63  }
0x8b: {  	v3 =	vld [tilespmem:$0x50];
	_ =	sdelay $0x4  }
0x8c: {  	v57 =	vshll.u32 v3, $0x1  }
0x8d: {  	v3 =	vand.u32 $0x7, v3;
	v4 =	vand.u32 $0xFFFFFFF0, v57  }
0x8e: {  	v3 =	vor.u32 v3, v4  }
0x8f: {  	v4 =	vperm.xlane v3, v0;
	_ =	sdelay $0x1  }
0x90: {  	v3 =	vperm.xlane v3, v2;
	v4 =	vadd.s32 v1, v4;
	_ =	sdelay $0x1  }
0x91: {  	v3 =	vadd.s32 v1, v3;
	_ =	sdelay $0x2  }
0x92: {  	[tilespmem:s30], [sflag:$0x2] =	stream.indirect_vreg.gather [hbm4b:s1+s3], $0x80, v4, vm0, $0xb8;
	[tilespmem:$0x19000] =	vst v63  }
0x93: {  	_ = 	snop  }
0x94: {  	[tilespmem:s31], [sflag:$0x2] =	stream.indirect_vreg.gather [hbm4b:s1+s3], $0x80, v3, vm0, $0xb8;
	[tilespmem:$0x19000] =	vst v63  }
0x95: {  	v3 =	vld [tilespmem:$0x60];
	_ =	sdelay $0x4  }
0x96: {  	v58 =	vshll.u32 v3, $0x1  }
0x97: {  	v3 =	vand.u32 $0x7, v3;
	v4 =	vand.u32 $0xFFFFFFF0, v58  }
0x98: {  	v3 =	vor.u32 v3, v4  }
0x99: {  	v4 =	vperm.xlane v3, v0;
	_ =	sdelay $0x1  }
0x9a: {  	v3 =	vperm.xlane v3, v2;
	v4 =	vadd.s32 v1, v4;
	_ =	sdelay $0x1  }
0x9b: {  	v3 =	vadd.s32 v1, v3;
	_ =	sdelay $0x2  }
0x9c: {  	[tilespmem:s0], [sflag:$0x2] =	stream.indirect_vreg.gather [hbm4b:s1+s3], $0x80, v4, vm0, $0xb8;
	[tilespmem:$0x19000] =	vst v63  }
0x9d: {  	_ = 	snop  }
0x9e: {  	[tilespmem:s2], [sflag:$0x2] =	stream.indirect_vreg.gather [hbm4b:s1+s3], $0x80, v3, vm0, $0xb8;
	[tilespmem:$0x19000] =	vst v63  }
0x9f: {  	v3 =	vld [tilespmem:$0x70];
	_ =	sdelay $0x4  }
0xa0: {  	v59 =	vshll.u32 v3, $0x1  }
0xa1: {  	v3 =	vand.u32 $0x7, v3;
	v4 =	vand.u32 $0xFFFFFFF0, v59  }
0xa2: {  	v3 =	vor.u32 v3, v4  }
0xa3: {  	v4 =	vperm.xlane v3, v0;
	_ =	sdelay $0x1  }
0xa4: {  	v3 =	vperm.xlane v3, v2;
	v4 =	vadd.s32 v1, v4;
	_ =	sdelay $0x1  }
0xa5: {  	v3 =	vadd.s32 v1, v3;
	_ =	sdelay $0x2  }
0xa6: {  	[tilespmem:s10], [sflag:$0x2] =	stream.indirect_vreg.gather [hbm4b:s1+s3], $0x80, v4, vm0, $0xb8;
	[tilespmem:$0x19000] =	vst v63  }
0xa7: {  	_ = 	snop  }
0xa8: {  	[tilespmem:s5], [sflag:$0x2] =	stream.indirect_vreg.gather [hbm4b:s1+s3], $0x80, v3, vm0, $0xb8;
	[tilespmem:$0x19000] =	vst v63  }
0xa9: {  	v3 =	vld [tilespmem:$0x840];
	_ =	sdelay $0x4  }
0xaa: {  	v60 =	vshll.u32 v3, $0x1  }
0xab: {  	v3 =	vand.u32 $0x7, v3;
	v4 =	vand.u32 $0xFFFFFFF0, v60  }
0xac: {  	v3 =	vor.u32 v3, v4  }
0xad: {  	v4 =	vperm.xlane v3, v0;
	_ =	sdelay $0x1  }
0xae: {  	v3 =	vperm.xlane v3, v2;
	v4 =	vadd.s32 v1, v4;
	_ =	sdelay $0x1  }
0xaf: {  	v3 =	vadd.s32 v1, v3;
	_ =	sdelay $0x2  }
0xb0: {  	[tilespmem:s6], [sflag:$0x4] =	stream.indirect_vreg.gather [hbm4b:s4+s3], $0x80, v4, vm0, $0xb8;
	[tilespmem:$0x19000] =	vst v63  }
0xb1: {  	_ = 	snop  }
0xb2: {  	[tilespmem:s8], [sflag:$0x4] =	stream.indirect_vreg.gather [hbm4b:s4+s3], $0x80, v3, vm0, $0xb8;
	[tilespmem:$0x19000] =	vst v63  }
0xb3: {  	v3 =	vld [tilespmem:$0x850];
	_ =	sdelay $0x4  }
0xb4: {  	v61 =	vshll.u32 v3, $0x1  }
0xb5: {  	v3 =	vand.u32 $0x7, v3;
	v4 =	vand.u32 $0xFFFFFFF0, v61  }
0xb6: {  	v3 =	vor.u32 v3, v4  }
0xb7: {  	v4 =	vperm.xlane v3, v0;
	_ =	sdelay $0x1  }
0xb8: {  	v3 =	vperm.xlane v3, v2;
	v4 =	vadd.s32 v1, v4;
	_ =	sdelay $0x1  }
0xb9: {  	v3 =	vadd.s32 v1, v3;
	_ =	sdelay $0x2  }
0xba: {  	[tilespmem:s9], [sflag:$0x4] =	stream.indirect_vreg.gather [hbm4b:s4+s3], $0x80, v4, vm0, $0xb8;
	[tilespmem:$0x19000] =	vst v63  }
0xbb: {  	_ = 	snop  }
0xbc: {  	[tilespmem:s11], [sflag:$0x4] =	stream.indirect_vreg.gather [hbm4b:s4+s3], $0x80, v3, vm0, $0xb8;
	[tilespmem:$0x19000] =	vst v63  }
0xbd: {  	v3 =	vld [tilespmem:$0x860];
	_ =	sdelay $0x4  }
0xbe: {  	v62 =	vshll.u32 v3, $0x1  }
0xbf: {  	v3 =	vand.u32 $0x7, v3;
	v4 =	vand.u32 $0xFFFFFFF0, v62  }
0xc0: {  	v3 =	vor.u32 v3, v4  }
0xc1: {  	v4 =	vperm.xlane v3, v0;
	_ =	sdelay $0x1  }
0xc2: {  	v3 =	vperm.xlane v3, v2;
	v4 =	vadd.s32 v1, v4;
	_ =	sdelay $0x1  }
0xc3: {  	v3 =	vadd.s32 v1, v3;
	_ =	sdelay $0x2  }
0xc4: {  	[tilespmem:s12], [sflag:$0x4] =	stream.indirect_vreg.gather [hbm4b:s4+s3], $0x80, v4, vm0, $0xb8;
	[tilespmem:$0x19000] =	vst v63  }
0xc5: {  	_ = 	snop  }
0xc6: {  	[tilespmem:s13], [sflag:$0x4] =	stream.indirect_vreg.gather [hbm4b:s4+s3], $0x80, v3, vm0, $0xb8;
	[tilespmem:$0x19000] =	vst v63  }
0xc7: {  	v3 =	vld [tilespmem:$0x870];
	_ =	sdelay $0x4  }
0xc8: {  	v63 =	vshll.u32 v3, $0x1  }
0xc9: {  	v3 =	vand.u32 $0x7, v3;
	v4 =	vand.u32 $0xFFFFFFF0, v63  }
0xca: {  	v3 =	vor.u32 v3, v4  }
0xcb: {  	v4 =	vperm.xlane v3, v0;
	_ =	sdelay $0x1  }
0xcc: {  	v3 =	vperm.xlane v3, v2;
	v4 =	vadd.s32 v1, v4;
	_ =	sdelay $0x1  }
0xcd: {  	v3 =	vadd.s32 v1, v3  }
.Ltmp2:
0xce: {  	_ = 	snop;
	(pc) =	sbr.rel .LBB2_2-.Ltmp2, $4  }
0xcf: {  	_ = 	snop  }
0xd0: {  	[tilespmem:s14], [sflag:$0x4] =	stream.indirect_vreg.gather [hbm4b:s4+s3], $0x80, v4, vm0, $0xb8;
	[tilespmem:$0x19000] =	vst v63  }
0xd1: {  	s22 =	simm.s32 $0x0  }
0xd2: {  	[tilespmem:s15], [sflag:$0x4] =	stream.indirect_vreg.gather [hbm4b:s4+s3], $0x80, v3, vm0, $0xb8;
	[tilespmem:$0x19000] =	vst v63  }
.LBB2_10:
0xd3: {  	s22 =	sadd.s32 $0x1, s22  }
0xd4: {  	p0 =	sne.s32 s22, $0x10  }
.Ltmp3:
0xd5: {  	_ = 	snop;
	(pc) =	sbr.rel @!p0 .LBB2_11-.Ltmp3, $3  }
0xd6: {  	_ =	sdelay $0x1  }
0xd7: {  	s23 =	sadd.s32 $0x800, s23  }
0xd8: {  	[hbm4b:s23+s3] =	stream.linear.scatter [tilespmem:s21], [sflag:$0x6], $0x4000, $0x38;
	[tilespmem:$0x19000] =	vst v63  }
.LBB2_2:
0xd9: {  	_ =	swait.ge [sflag:s16], $0x4000  }
0xda: {  	[sflag:s16] =	ssyncset.done $0x0  }
0xdb: {  	[sflag:s16] =	ssyncadd.s32 $0xFFFFC000  }
0xdc: {  	_ =	swait.ge [sflag:s17], $0x4000  }
0xdd: {  	p0 =	seq.s32 s22, $0x0;
	[sflag:s17] =	ssyncset.done $0x0  }
0xde: {  	s23 =	simm.s32 @!p0 $0x5;
	[sflag:s17] =	ssyncadd.s32 $0xFFFFC000  }
0xdf: {  	s24 =	simm.s32 $0x0;
	_ =	swait.ge @!p0 [sflag:s23], $0x4000  }
0xe0: {  	s25 =	sand.u32 $0x3800, s24;
	s24 =	sand.u32 $0x380, s24;
	[sflag:s23] =	ssyncset.done @!p0 $0x0  }
0xe1: {  	[sflag:s23] =	ssyncadd.s32 @!p0 $0xFFFFC000;
	s23 =	sor.u32 s24, s25  }
0xe2: {  	v3 =	vld [tilespmem:s23+$0x1470]  }
0xe3: {  	v4 =	vld [tilespmem:s23+$0x9470]  }
0xe4: {  	v5 =	vld [tilespmem:s23+$0x1000]  }
0xe5: {  	v6 =	vld [tilespmem:s23+$0x9000]  }
0xe6: {  	v7 =	vld [tilespmem:s23+$0x1010]  }
0xe7: {  	v8 =	vld [tilespmem:s23+$0x9010]  }
0xe8: {  	v9 =	vld [tilespmem:s23+$0x1020]  }
0xe9: {  	v10 =	vld [tilespmem:s23+$0x1030];
	v3 =	vadd.f32 v4, v3  }
0xea: {  	v4 =	vld [tilespmem:s23+$0x9020]  }
0xeb: {  	v5 =	vadd.f32 v6, v5;
	[tilespmem:s23+$0x11470] =	vst v3;
	v3 =	vld [tilespmem:s23+$0x9030]  }
0xec: {  	v6 =	vld [tilespmem:s23+$0x1040]  }
0xed: {  	[tilespmem:s23+$0x11000] =	vst v5;
	v5 =	vadd.f32 v8, v7;
	v7 =	vld [tilespmem:s23+$0x9040]  }
0xee: {  	v8 =	vld [tilespmem:s23+$0x9050]  }
0xef: {  	[tilespmem:s23+$0x11010] =	vst v5;
	v5 =	vld [tilespmem:s23+$0x1050];
	v4 =	vadd.f32 v4, v9  }
0xf0: {  	v9 =	vld [tilespmem:s23+$0x9060];
	v3 =	vadd.f32 v3, v10  }
0xf1: {  	[tilespmem:s23+$0x11020] =	vst v4;
	v4 =	vld [tilespmem:s23+$0x1060]  }
0xf2: {  	[tilespmem:s23+$0x11030] =	vst v3;
	v3 =	vadd.f32 v7, v6;
	v6 =	vld [tilespmem:s23+$0x1070]  }
0xf3: {  	v7 =	vld [tilespmem:s23+$0x9070]  }
0xf4: {  	[tilespmem:s23+$0x11040] =	vst v3;
	v3 =	vadd.f32 v8, v5;
	v5 =	vld [tilespmem:s23+$0x1400]  }
0xf5: {  	v8 =	vld [tilespmem:s23+$0x9400]  }
0xf6: {  	[tilespmem:s23+$0x11050] =	vst v3;
	v3 =	vadd.f32 v9, v4;
	v4 =	vld [tilespmem:s23+$0x1410]  }
0xf7: {  	v9 =	vld [tilespmem:s23+$0x9410]  }
0xf8: {  	[tilespmem:s23+$0x11060] =	vst v3;
	v3 =	vadd.f32 v7, v6;
	v6 =	vld [tilespmem:s23+$0x1420]  }
0xf9: {  	v7 =	vld [tilespmem:s23+$0x9420]  }
0xfa: {  	v10 =	vld [tilespmem:s23+$0x9430]  }
0xfb: {  	[tilespmem:s23+$0x11070] =	vst v3;
	v3 =	vadd.f32 v8, v5;
	v8 =	vld [tilespmem:s23+$0x1430]  }
0xfc: {  	v5 =	vld [tilespmem:s23+$0x9440];
	v4 =	vadd.f32 v9, v4  }
0xfd: {  	[tilespmem:s23+$0x11400] =	vst v3;
	v3 =	vld [tilespmem:s23+$0x1440]  }
0xfe: {  	[tilespmem:s23+$0x11410] =	vst v4;
	v7 =	vadd.f32 v7, v6;
	v4 =	vld [tilespmem:s23+$0x1450]  }
0xff: {  	s29 =	simm.s32 $0x100;
	s24 =	simm.s32 $0x80;
	v6 =	vld [tilespmem:s23+$0x9450]  }
0x100: {  	s25 =	sand.u32 $0x3800, s29;
	s26 =	sand.u32 $0x380, s24;
	[tilespmem:s23+$0x11420] =	vst v7;
	v7 =	vld [tilespmem:s23+$0x1460];
	v9 =	vadd.f32 v10, v8  }
0x101: {  	s26 =	sor.u32 s26, s25;
	s25 =	simm.s32 $0x200;
	v8 =	vld [tilespmem:s23+$0x9460]  }
.LBB2_3:
0x102: {  	p1 =	sne.s32 s25, $0x3F00;
	v10 =	vld [tilespmem:s26+$0x1470];
	[tilespmem:s23+$0x11430] =	vst v9;
	v3 =	vadd.f32 v5, v3  }
0x103: {  	v5 =	vld [tilespmem:s26+$0x9470]  }
0x104: {  	v9 =	vld [tilespmem:s26+$0x1000];
	[tilespmem:s23+$0x11440] =	vst v3;
	v3 =	vadd.f32 v6, v4  }
0x105: {  	v4 =	vld [tilespmem:s26+$0x9000]  }
0x106: {  	v6 =	vld [tilespmem:s26+$0x1010];
	[tilespmem:s23+$0x11450] =	vst v3;
	v3 =	vadd.f32 v8, v7  }
0x107: {  	v7 =	vld [tilespmem:s26+$0x9010]  }
0x108: {  	v8 =	vld [tilespmem:s26+$0x1020];
	v5 =	vadd.f32 v5, v10;
	[tilespmem:s23+$0x11460] =	vst v3;
	s23 =	smov.u32 s26  }
0x109: {  	v3 =	vld [tilespmem:s23+$0x9020]  }
0x10a: {  	v4 =	vadd.f32 v4, v9;
	v9 =	vld [tilespmem:s23+$0x1030];
	[tilespmem:s23+$0x11470] =	vst v5  }
0x10b: {  	v5 =	vld [tilespmem:s23+$0x9030]  }
0x10c: {  	[tilespmem:s23+$0x11000] =	vst v4;
	v4 =	vadd.f32 v7, v6;
	v6 =	vld [tilespmem:s23+$0x1040]  }
0x10d: {  	v7 =	vld [tilespmem:s23+$0x9040]  }
0x10e: {  	[tilespmem:s23+$0x11010] =	vst v4;
	v3 =	vadd.f32 v3, v8;
	v4 =	vld [tilespmem:s23+$0x1050]  }
0x10f: {  	v8 =	vld [tilespmem:s23+$0x9050]  }
0x110: {  	[tilespmem:s23+$0x11020] =	vst v3;
	v3 =	vadd.f32 v5, v9;
	v5 =	vld [tilespmem:s23+$0x1060]  }
0x111: {  	v9 =	vld [tilespmem:s23+$0x9060]  }
0x112: {  	[tilespmem:s23+$0x11030] =	vst v3;
	v3 =	vadd.f32 v7, v6;
	v6 =	vld [tilespmem:s23+$0x1070]  }
0x113: {  	v7 =	vld [tilespmem:s23+$0x9070]  }
0x114: {  	[tilespmem:s23+$0x11040] =	vst v3;
	v3 =	vadd.f32 v8, v4;
	v4 =	vld [tilespmem:s23+$0x1400]  }
0x115: {  	v8 =	vld [tilespmem:s23+$0x9400]  }
0x116: {  	[tilespmem:s23+$0x11050] =	vst v3;
	v3 =	vadd.f32 v9, v5;
	v5 =	vld [tilespmem:s23+$0x1410]  }
0x117: {  	v9 =	vld [tilespmem:s23+$0x9410]  }
0x118: {  	[tilespmem:s23+$0x11060] =	vst v3;
	v3 =	vadd.f32 v7, v6;
	v6 =	vld [tilespmem:s23+$0x1420]  }
0x119: {  	v7 =	vld [tilespmem:s23+$0x9420]  }
0x11a: {  	[tilespmem:s23+$0x11070] =	vst v3;
	v3 =	vadd.f32 v8, v4;
	v8 =	vld [tilespmem:s23+$0x1430]  }
0x11b: {  	v10 =	vld [tilespmem:s23+$0x9430]  }
0x11c: {  	[tilespmem:s23+$0x11400] =	vst v3;
	v4 =	vadd.f32 v9, v5;
	v3 =	vld [tilespmem:s23+$0x1440]  }
.Ltmp4:
0x11d: {  	v5 =	vld [tilespmem:s23+$0x9440];
	(pc) =	sbr.rel @p1 .LBB2_3-.Ltmp4, $4  }
0x11e: {  	[tilespmem:s23+$0x11410] =	vst v4;
	v7 =	vadd.f32 v7, v6;
	v4 =	vld [tilespmem:s23+$0x1450]  }
0x11f: {  	s24 =	sadd.s32 $0x80, s24;
	v6 =	vld [tilespmem:s23+$0x9450]  }
0x120: {  	s28 =	sand.u32 $0x380, s24;
	s26 =	sand.u32 $0x3800, s25;
	[tilespmem:s23+$0x11420] =	vst v7;
	v9 =	vadd.f32 v10, v8;
	v7 =	vld [tilespmem:s23+$0x1460]  }
0x121: {  	s25 =	sadd.s32 $0x100, s25;
	s26 =	sor.u32 s28, s26;
	v8 =	vld [tilespmem:s23+$0x9460]  }
0x122: {  	v10 =	vld [tilespmem:s26+$0x1470];
	[tilespmem:s23+$0x11430] =	vst v9;
	v3 =	vadd.f32 v5, v3  }
0x123: {  	v33 =	vld [tilespmem:s26+$0x9470]  }
0x124: {  	v9 =	vld [tilespmem:s26+$0x1000];
	[tilespmem:s23+$0x11440] =	vst v3;
	v3 =	vadd.f32 v6, v4  }
0x125: {  	v34 =	vld [tilespmem:s26+$0x9000]  }
0x126: {  	v35 =	vld [tilespmem:s26+$0x1010];
	[tilespmem:s23+$0x11450] =	vst v3;
	v3 =	vadd.f32 v8, v7  }
0x127: {  	v36 =	vld [tilespmem:s26+$0x9010]  }
0x128: {  	v37 =	vld [tilespmem:s26+$0x1020];
	[tilespmem:s23+$0x11460] =	vst v3  }
0x129: {  	v38 =	vld [tilespmem:s26+$0x9020]  }
0x12a: {  	v3 =	vadd.f32 v33, v10;
	v39 =	vld [tilespmem:s26+$0x1030]  }
0x12b: {  	v41 =	vld [tilespmem:s26+$0x1040]  }
0x12c: {  	[tilespmem:s26+$0x11470] =	vst v3;
	v3 =	vld [tilespmem:s26+$0x9030]  }
0x12d: {  	v42 =	vld [tilespmem:s26+$0x9040]  }
0x12e: {  	v44 =	vld [tilespmem:s26+$0x1050]  }
0x12f: {  	v45 =	vld [tilespmem:s26+$0x9050]  }
0x130: {  	v46 =	vld [tilespmem:s26+$0x1060]  }
0x131: {  	v47 =	vld [tilespmem:s26+$0x9060];
	v3 =	vadd.f32 v3, v39  }
0x132: {  	v48 =	vld [tilespmem:s26+$0x1070]  }
0x133: {  	v49 =	vld [tilespmem:s26+$0x9070];
	[tilespmem:s26+$0x11030] =	vst v3;
	v3 =	vadd.f32 v42, v41  }
0x134: {  	v50 =	vld [tilespmem:s26+$0x1400]  }
0x135: {  	v51 =	vld [tilespmem:s26+$0x9400];
	[tilespmem:s26+$0x11040] =	vst v3;
	v3 =	vadd.f32 v45, v44  }
0x136: {  	v52 =	vld [tilespmem:s26+$0x1410]  }
0x137: {  	v53 =	vld [tilespmem:s26+$0x9410];
	[tilespmem:s26+$0x11050] =	vst v3;
	v3 =	vadd.f32 v47, v46  }
0x138: {  	v54 =	vld [tilespmem:s26+$0x1420]  }
0x139: {  	v55 =	vld [tilespmem:s26+$0x9420];
	[tilespmem:s26+$0x11060] =	vst v3;
	v3 =	vadd.f32 v49, v48  }
0x13a: {  	v56 =	vld [tilespmem:s26+$0x1430]  }
0x13b: {  	v57 =	vld [tilespmem:s26+$0x9430];
	[tilespmem:s26+$0x11070] =	vst v3;
	v3 =	vadd.f32 v51, v50  }
0x13c: {  	v58 =	vld [tilespmem:s26+$0x1440]  }
0x13d: {  	v59 =	vld [tilespmem:s26+$0x9440];
	[tilespmem:s26+$0x11400] =	vst v3;
	v3 =	vadd.f32 v53, v52  }
0x13e: {  	v60 =	vld [tilespmem:s26+$0x1450]  }
0x13f: {  	v61 =	vld [tilespmem:s26+$0x9450];
	[tilespmem:s26+$0x11410] =	vst v3;
	v3 =	vadd.f32 v55, v54  }
0x140: {  	v62 =	vld [tilespmem:s26+$0x9460];
	v4 =	vadd.f32 v34, v9  }
0x141: {  	v40 =	vadd.f32 v36, v35;
	[tilespmem:s26+$0x11420] =	vst v3;
	v3 =	vld [tilespmem:s26+$0x1460]  }
0x142: {  	[tilespmem:s26+$0x11000] =	vst v4;
	v43 =	vadd.f32 v38, v37  }
0x143: {  	p1 =	seq.s32 s22, $0xF;
	[tilespmem:s26+$0x11010] =	vst v40;
	v5 =	vadd.f32 v57, v56  }
.Ltmp5:
0x144: {  	v4 =	vadd.f32 v59, v58;
	[tilespmem:s26+$0x11020] =	vst v43;
	(pc) =	sbr.rel @p1 .LBB2_6-.Ltmp5, $4  }
0x145: {  	v63 =	vadd.f32 v61, v60;
	[tilespmem:s26+$0x11430] =	vst v5  }
0x146: {  	[tilespmem:s26+$0x11440] =	vst v4;
	v3 =	vadd.f32 v62, v3  }
0x147: {  	[tilespmem:s26+$0x11450] =	vst v63  }
0x148: {  	[tilespmem:s26+$0x11460] =	vst v3  }
0x149: {  	s23 =	sshll.u32 s22, $0x7  }
0x14a: {  	v3 =	vld [tilespmem:s23+$0x80];
	_ =	sdelay $0x4  }
0x14b: {  	v4 =	vshll.u32 v3, $0x1  }
0x14c: {  	v3 =	vand.u32 $0x7, v3;
	v4 =	vand.u32 $0xFFFFFFF0, v4  }
0x14d: {  	v3 =	vor.u32 v3, v4  }
0x14e: {  	v4 =	vperm.xlane v3, v0;
	_ =	sdelay $0x1  }
0x14f: {  	v3 =	vperm.xlane v3, v2;
	v4 =	vadd.s32 v1, v4;
	_ =	sdelay $0x1  }
0x150: {  	v3 =	vadd.s32 v1, v3;
	_ =	sdelay $0x1  }
0x151: {  	s24 =	simm.s32 $0x1000  }
0x152: {  	[tilespmem:s24], [sflag:$0x1] =	stream.indirect_vreg.gather [hbm4b:s1+s3], $0x80, v4, vm0, $0xb8;
	[tilespmem:$0x19000] =	vst v63  }
0x153: {  	s26 =	simm.s32 $0x1800  }
0x154: {  	[tilespmem:s26], [sflag:$0x1] =	stream.indirect_vreg.gather [hbm4b:s1+s3], $0x80, v3, vm0, $0xb8;
	[tilespmem:$0x19000] =	vst v63  }
0x155: {  	v3 =	vld [tilespmem:s23+$0x90];
	_ =	sdelay $0x4  }
0x156: {  	v57 =	vshll.u32 v3, $0x1  }
0x157: {  	v3 =	vand.u32 $0x7, v3;
	v4 =	vand.u32 $0xFFFFFFF0, v57  }
0x158: {  	v3 =	vor.u32 v3, v4  }
0x159: {  	v4 =	vperm.xlane v3, v0;
	_ =	sdelay $0x1  }
0x15a: {  	v3 =	vperm.xlane v3, v2;
	v4 =	vadd.s32 v1, v4;
	_ =	sdelay $0x1  }
0x15b: {  	v3 =	vadd.s32 v1, v3;
	_ =	sdelay $0x1  }
0x15c: {  	s28 =	simm.s32 $0x2000  }
0x15d: {  	[tilespmem:s28], [sflag:$0x1] =	stream.indirect_vreg.gather [hbm4b:s1+s3], $0x80, v4, vm0, $0xb8;
	[tilespmem:$0x19000] =	vst v63  }
0x15e: {  	s29 =	simm.s32 $0x2800  }
0x15f: {  	[tilespmem:s29], [sflag:$0x1] =	stream.indirect_vreg.gather [hbm4b:s1+s3], $0x80, v3, vm0, $0xb8;
	[tilespmem:$0x19000] =	vst v63  }
0x160: {  	v3 =	vld [tilespmem:s23+$0xA0];
	_ =	sdelay $0x4  }
0x161: {  	v58 =	vshll.u32 v3, $0x1  }
0x162: {  	v3 =	vand.u32 $0x7, v3;
	v4 =	vand.u32 $0xFFFFFFF0, v58  }
0x163: {  	v3 =	vor.u32 v3, v4  }
0x164: {  	v4 =	vperm.xlane v3, v0;
	_ =	sdelay $0x1  }
0x165: {  	v3 =	vperm.xlane v3, v2;
	v4 =	vadd.s32 v1, v4;
	_ =	sdelay $0x1  }
0x166: {  	v3 =	vadd.s32 v1, v3;
	_ =	sdelay $0x1  }
0x167: {  	s25 =	simm.s32 $0x3000  }
0x168: {  	[tilespmem:s25], [sflag:$0x1] =	stream.indirect_vreg.gather [hbm4b:s1+s3], $0x80, v4, vm0, $0xb8;
	[tilespmem:$0x19000] =	vst v63  }
0x169: {  	s26 =	simm.s32 $0x3800  }
0x16a: {  	[tilespmem:s26], [sflag:$0x1] =	stream.indirect_vreg.gather [hbm4b:s1+s3], $0x80, v3, vm0, $0xb8;
	[tilespmem:$0x19000] =	vst v63  }
0x16b: {  	v3 =	vld [tilespmem:s23+$0xB0];
	_ =	sdelay $0x4  }
0x16c: {  	v59 =	vshll.u32 v3, $0x1  }
0x16d: {  	v3 =	vand.u32 $0x7, v3;
	v4 =	vand.u32 $0xFFFFFFF0, v59  }
0x16e: {  	v3 =	vor.u32 v3, v4  }
0x16f: {  	v4 =	vperm.xlane v3, v0;
	_ =	sdelay $0x1  }
0x170: {  	v3 =	vperm.xlane v3, v2;
	v4 =	vadd.s32 v1, v4;
	_ =	sdelay $0x1  }
0x171: {  	v3 =	vadd.s32 v1, v3;
	_ =	sdelay $0x1  }
0x172: {  	s28 =	simm.s32 $0x4000  }
0x173: {  	[tilespmem:s28], [sflag:$0x1] =	stream.indirect_vreg.gather [hbm4b:s1+s3], $0x80, v4, vm0, $0xb8;
	[tilespmem:$0x19000] =	vst v63  }
0x174: {  	s29 =	simm.s32 $0x4800  }
0x175: {  	[tilespmem:s29], [sflag:$0x1] =	stream.indirect_vreg.gather [hbm4b:s1+s3], $0x80, v3, vm0, $0xb8;
	[tilespmem:$0x19000] =	vst v63  }
0x176: {  	v3 =	vld [tilespmem:s23+$0x880];
	_ =	sdelay $0x4  }
0x177: {  	v60 =	vshll.u32 v3, $0x1  }
0x178: {  	v3 =	vand.u32 $0x7, v3;
	v4 =	vand.u32 $0xFFFFFFF0, v60  }
0x179: {  	v3 =	vor.u32 v3, v4  }
0x17a: {  	v4 =	vperm.xlane v3, v0;
	_ =	sdelay $0x1  }
0x17b: {  	v3 =	vperm.xlane v3, v2;
	v4 =	vadd.s32 v1, v4;
	_ =	sdelay $0x1  }
0x17c: {  	v3 =	vadd.s32 v1, v3;
	_ =	sdelay $0x1  }
0x17d: {  	s25 =	simm.s32 $0x9000  }
0x17e: {  	[tilespmem:s25], [sflag:$0x3] =	stream.indirect_vreg.gather [hbm4b:s4+s3], $0x80, v4, vm0, $0xb8;
	[tilespmem:$0x19000] =	vst v63  }
0x17f: {  	s26 =	simm.s32 $0x9800  }
0x180: {  	[tilespmem:s26], [sflag:$0x3] =	stream.indirect_vreg.gather [hbm4b:s4+s3], $0x80, v3, vm0, $0xb8;
	[tilespmem:$0x19000] =	vst v63  }
0x181: {  	v3 =	vld [tilespmem:s23+$0x890];
	_ =	sdelay $0x4  }
0x182: {  	v61 =	vshll.u32 v3, $0x1  }
0x183: {  	v3 =	vand.u32 $0x7, v3;
	v4 =	vand.u32 $0xFFFFFFF0, v61  }
0x184: {  	v3 =	vor.u32 v3, v4  }
0x185: {  	v4 =	vperm.xlane v3, v0;
	_ =	sdelay $0x1  }
0x186: {  	v3 =	vperm.xlane v3, v2;
	v4 =	vadd.s32 v1, v4;
	_ =	sdelay $0x1  }
0x187: {  	v3 =	vadd.s32 v1, v3;
	_ =	sdelay $0x1  }
0x188: {  	s28 =	simm.s32 $0xA000  }
0x189: {  	[tilespmem:s28], [sflag:$0x3] =	stream.indirect_vreg.gather [hbm4b:s4+s3], $0x80, v4, vm0, $0xb8;
	[tilespmem:$0x19000] =	vst v63  }
0x18a: {  	s29 =	simm.s32 $0xA800  }
0x18b: {  	[tilespmem:s29], [sflag:$0x3] =	stream.indirect_vreg.gather [hbm4b:s4+s3], $0x80, v3, vm0, $0xb8;
	[tilespmem:$0x19000] =	vst v63  }
0x18c: {  	v3 =	vld [tilespmem:s23+$0x8A0];
	_ =	sdelay $0x4  }
0x18d: {  	v62 =	vshll.u32 v3, $0x1  }
0x18e: {  	v3 =	vand.u32 $0x7, v3;
	v4 =	vand.u32 $0xFFFFFFF0, v62  }
0x18f: {  	v3 =	vor.u32 v3, v4  }
0x190: {  	v4 =	vperm.xlane v3, v0;
	_ =	sdelay $0x1  }
0x191: {  	v3 =	vperm.xlane v3, v2;
	v4 =	vadd.s32 v1, v4;
	_ =	sdelay $0x1  }
0x192: {  	v3 =	vadd.s32 v1, v3;
	_ =	sdelay $0x1  }
0x193: {  	s25 =	simm.s32 $0xB000  }
0x194: {  	[tilespmem:s25], [sflag:$0x3] =	stream.indirect_vreg.gather [hbm4b:s4+s3], $0x80, v4, vm0, $0xb8;
	[tilespmem:$0x19000] =	vst v63  }
0x195: {  	s26 =	simm.s32 $0xB800  }
0x196: {  	[tilespmem:s26], [sflag:$0x3] =	stream.indirect_vreg.gather [hbm4b:s4+s3], $0x80, v3, vm0, $0xb8;
	[tilespmem:$0x19000] =	vst v63  }
0x197: {  	v3 =	vld [tilespmem:s23+$0x8B0];
	_ =	sdelay $0x4  }
0x198: {  	v63 =	vshll.u32 v3, $0x1  }
0x199: {  	v3 =	vand.u32 $0x7, v3;
	v4 =	vand.u32 $0xFFFFFFF0, v63  }
0x19a: {  	v3 =	vor.u32 v3, v4  }
0x19b: {  	v4 =	vperm.xlane v3, v0;
	_ =	sdelay $0x1  }
0x19c: {  	v3 =	vperm.xlane v3, v2;
	v4 =	vadd.s32 v1, v4;
	_ =	sdelay $0x1  }
0x19d: {  	v3 =	vadd.s32 v1, v3;
	_ =	sdelay $0x1  }
0x19e: {  	s28 =	simm.s32 $0xC000  }
0x19f: {  	[tilespmem:s28], [sflag:$0x3] =	stream.indirect_vreg.gather [hbm4b:s4+s3], $0x80, v4, vm0, $0xb8;
	[tilespmem:$0x19000] =	vst v63  }
0x1a0: {  	s29 =	simm.s32 $0xC800  }
0x1a1: {  	[tilespmem:s29], [sflag:$0x3] =	stream.indirect_vreg.gather [hbm4b:s4+s3], $0x80, v3, vm0, $0xb8;
	[tilespmem:$0x19000] =	vst v63  }
.LBB2_6:
0x1a2: {  	s23 =	sshll.u32 s22, $0xC  }
0x1a3: {  	s23 =	sadd.s32 s23, s7  }
0x1a4: {  	[hbm4b:s23+s3] =	stream.linear.scatter [tilespmem:s18], [sflag:$0x5], $0x4000, $0x38;
	[tilespmem:$0x19000] =	vst v63  }
0x1a5: {  	_ =	swait.ge [sflag:s19], $0x4000  }
0x1a6: {  	[sflag:s19] =	ssyncset.done $0x0  }
0x1a7: {  	[sflag:s19] =	ssyncadd.s32 $0xFFFFC000  }
0x1a8: {  	_ =	swait.ge [sflag:s20], $0x4000  }
0x1a9: {  	[sflag:s20] =	ssyncset.done $0x0  }
0x1aa: {  	s24 =	simm.s32 @!p0 $0x6;
	[sflag:s20] =	ssyncadd.s32 $0xFFFFC000  }
0x1ab: {  	s25 =	simm.s32 $0x0;
	_ =	swait.ge @!p0 [sflag:s24], $0x4000  }
0x1ac: {  	s26 =	sand.u32 $0x3800, s25;
	s25 =	sand.u32 $0x380, s25;
	[sflag:s24] =	ssyncset.done @!p0 $0x0  }
0x1ad: {  	[sflag:s24] =	ssyncadd.s32 @!p0 $0xFFFFC000;
	s24 =	sor.u32 s25, s26  }
0x1ae: {  	v3 =	vld [tilespmem:s24+$0x5470]  }
0x1af: {  	v4 =	vld [tilespmem:s24+$0xD470]  }
0x1b0: {  	v5 =	vld [tilespmem:s24+$0x5000]  }
0x1b1: {  	v6 =	vld [tilespmem:s24+$0xD000]  }
0x1b2: {  	v7 =	vld [tilespmem:s24+$0x5010]  }
0x1b3: {  	v8 =	vld [tilespmem:s24+$0xD010]  }
0x1b4: {  	v9 =	vld [tilespmem:s24+$0x5020]  }
0x1b5: {  	v10 =	vld [tilespmem:s24+$0x5030];
	v3 =	vadd.f32 v4, v3  }
0x1b6: {  	v4 =	vld [tilespmem:s24+$0xD020]  }
0x1b7: {  	v5 =	vadd.f32 v6, v5;
	[tilespmem:s24+$0x15470] =	vst v3;
	v3 =	vld [tilespmem:s24+$0xD030]  }
0x1b8: {  	v6 =	vld [tilespmem:s24+$0x5040]  }
0x1b9: {  	[tilespmem:s24+$0x15000] =	vst v5;
	v5 =	vadd.f32 v8, v7;
	v7 =	vld [tilespmem:s24+$0xD040]  }
0x1ba: {  	v8 =	vld [tilespmem:s24+$0xD050]  }
0x1bb: {  	[tilespmem:s24+$0x15010] =	vst v5;
	v5 =	vld [tilespmem:s24+$0x5050];
	v4 =	vadd.f32 v4, v9  }
0x1bc: {  	v9 =	vld [tilespmem:s24+$0xD060];
	v3 =	vadd.f32 v3, v10  }
0x1bd: {  	[tilespmem:s24+$0x15020] =	vst v4;
	v4 =	vld [tilespmem:s24+$0x5060]  }
0x1be: {  	[tilespmem:s24+$0x15030] =	vst v3;
	v3 =	vadd.f32 v7, v6;
	v6 =	vld [tilespmem:s24+$0x5070]  }
0x1bf: {  	v7 =	vld [tilespmem:s24+$0xD070]  }
0x1c0: {  	[tilespmem:s24+$0x15040] =	vst v3;
	v3 =	vadd.f32 v8, v5;
	v5 =	vld [tilespmem:s24+$0x5400]  }
0x1c1: {  	v8 =	vld [tilespmem:s24+$0xD400]  }
0x1c2: {  	[tilespmem:s24+$0x15050] =	vst v3;
	v3 =	vadd.f32 v9, v4;
	v4 =	vld [tilespmem:s24+$0x5410]  }
0x1c3: {  	v9 =	vld [tilespmem:s24+$0xD410]  }
0x1c4: {  	[tilespmem:s24+$0x15060] =	vst v3;
	v3 =	vadd.f32 v7, v6;
	v6 =	vld [tilespmem:s24+$0x5420]  }
0x1c5: {  	v7 =	vld [tilespmem:s24+$0xD420]  }
0x1c6: {  	v10 =	vld [tilespmem:s24+$0xD430]  }
0x1c7: {  	[tilespmem:s24+$0x15070] =	vst v3;
	v3 =	vadd.f32 v8, v5;
	v8 =	vld [tilespmem:s24+$0x5430]  }
0x1c8: {  	v5 =	vld [tilespmem:s24+$0xD440];
	v4 =	vadd.f32 v9, v4  }
0x1c9: {  	[tilespmem:s24+$0x15400] =	vst v3;
	v3 =	vld [tilespmem:s24+$0x5440]  }
0x1ca: {  	[tilespmem:s24+$0x15410] =	vst v4;
	v7 =	vadd.f32 v7, v6;
	v4 =	vld [tilespmem:s24+$0x5450]  }
0x1cb: {  	s29 =	simm.s32 $0x100;
	s25 =	simm.s32 $0x80;
	v6 =	vld [tilespmem:s24+$0xD450]  }
0x1cc: {  	s26 =	sand.u32 $0x3800, s29;
	s28 =	sand.u32 $0x380, s25;
	[tilespmem:s24+$0x15420] =	vst v7;
	v7 =	vld [tilespmem:s24+$0x5460];
	v9 =	vadd.f32 v10, v8  }
0x1cd: {  	s28 =	sor.u32 s28, s26;
	s26 =	simm.s32 $0x200;
	v8 =	vld [tilespmem:s24+$0xD460]  }
.LBB2_7:
0x1ce: {  	p0 =	sne.s32 s26, $0x3F00;
	v10 =	vld [tilespmem:s28+$0x5470];
	[tilespmem:s24+$0x15430] =	vst v9;
	v3 =	vadd.f32 v5, v3  }
0x1cf: {  	v5 =	vld [tilespmem:s28+$0xD470]  }
0x1d0: {  	v9 =	vld [tilespmem:s28+$0x5000];
	[tilespmem:s24+$0x15440] =	vst v3;
	v3 =	vadd.f32 v6, v4  }
0x1d1: {  	v4 =	vld [tilespmem:s28+$0xD000]  }
0x1d2: {  	v6 =	vld [tilespmem:s28+$0x5010];
	[tilespmem:s24+$0x15450] =	vst v3;
	v3 =	vadd.f32 v8, v7  }
0x1d3: {  	v7 =	vld [tilespmem:s28+$0xD010]  }
0x1d4: {  	v8 =	vld [tilespmem:s28+$0x5020];
	v5 =	vadd.f32 v5, v10;
	[tilespmem:s24+$0x15460] =	vst v3;
	s24 =	smov.u32 s28  }
0x1d5: {  	v3 =	vld [tilespmem:s24+$0xD020]  }
0x1d6: {  	v4 =	vadd.f32 v4, v9;
	v9 =	vld [tilespmem:s24+$0x5030];
	[tilespmem:s24+$0x15470] =	vst v5  }
0x1d7: {  	v5 =	vld [tilespmem:s24+$0xD030]  }
0x1d8: {  	[tilespmem:s24+$0x15000] =	vst v4;
	v4 =	vadd.f32 v7, v6;
	v6 =	vld [tilespmem:s24+$0x5040]  }
0x1d9: {  	v7 =	vld [tilespmem:s24+$0xD040]  }
0x1da: {  	[tilespmem:s24+$0x15010] =	vst v4;
	v3 =	vadd.f32 v3, v8;
	v4 =	vld [tilespmem:s24+$0x5050]  }
0x1db: {  	v8 =	vld [tilespmem:s24+$0xD050]  }
0x1dc: {  	[tilespmem:s24+$0x15020] =	vst v3;
	v3 =	vadd.f32 v5, v9;
	v5 =	vld [tilespmem:s24+$0x5060]  }
0x1dd: {  	v9 =	vld [tilespmem:s24+$0xD060]  }
0x1de: {  	[tilespmem:s24+$0x15030] =	vst v3;
	v3 =	vadd.f32 v7, v6;
	v6 =	vld [tilespmem:s24+$0x5070]  }
0x1df: {  	v7 =	vld [tilespmem:s24+$0xD070]  }
0x1e0: {  	[tilespmem:s24+$0x15040] =	vst v3;
	v3 =	vadd.f32 v8, v4;
	v4 =	vld [tilespmem:s24+$0x5400]  }
0x1e1: {  	v8 =	vld [tilespmem:s24+$0xD400]  }
0x1e2: {  	[tilespmem:s24+$0x15050] =	vst v3;
	v3 =	vadd.f32 v9, v5;
	v5 =	vld [tilespmem:s24+$0x5410]  }
0x1e3: {  	v9 =	vld [tilespmem:s24+$0xD410]  }
0x1e4: {  	[tilespmem:s24+$0x15060] =	vst v3;
	v3 =	vadd.f32 v7, v6;
	v6 =	vld [tilespmem:s24+$0x5420]  }
0x1e5: {  	v7 =	vld [tilespmem:s24+$0xD420]  }
0x1e6: {  	[tilespmem:s24+$0x15070] =	vst v3;
	v3 =	vadd.f32 v8, v4;
	v8 =	vld [tilespmem:s24+$0x5430]  }
0x1e7: {  	v10 =	vld [tilespmem:s24+$0xD430]  }
0x1e8: {  	[tilespmem:s24+$0x15400] =	vst v3;
	v4 =	vadd.f32 v9, v5;
	v3 =	vld [tilespmem:s24+$0x5440]  }
.Ltmp6:
0x1e9: {  	v5 =	vld [tilespmem:s24+$0xD440];
	(pc) =	sbr.rel @p0 .LBB2_7-.Ltmp6, $4  }
0x1ea: {  	[tilespmem:s24+$0x15410] =	vst v4;
	v7 =	vadd.f32 v7, v6;
	v4 =	vld [tilespmem:s24+$0x5450]  }
0x1eb: {  	s25 =	sadd.s32 $0x80, s25;
	v6 =	vld [tilespmem:s24+$0xD450]  }
0x1ec: {  	s29 =	sand.u32 $0x380, s25;
	s28 =	sand.u32 $0x3800, s26;
	[tilespmem:s24+$0x15420] =	vst v7;
	v9 =	vadd.f32 v10, v8;
	v7 =	vld [tilespmem:s24+$0x5460]  }
0x1ed: {  	s26 =	sadd.s32 $0x100, s26;
	s28 =	sor.u32 s29, s28;
	v8 =	vld [tilespmem:s24+$0xD460]  }
0x1ee: {  	v10 =	vld [tilespmem:s28+$0x5470];
	[tilespmem:s24+$0x15430] =	vst v9;
	v3 =	vadd.f32 v5, v3  }
0x1ef: {  	v33 =	vld [tilespmem:s28+$0xD470]  }
0x1f0: {  	v9 =	vld [tilespmem:s28+$0x5000];
	[tilespmem:s24+$0x15440] =	vst v3;
	v3 =	vadd.f32 v6, v4  }
0x1f1: {  	v34 =	vld [tilespmem:s28+$0xD000]  }
0x1f2: {  	v35 =	vld [tilespmem:s28+$0x5010];
	[tilespmem:s24+$0x15450] =	vst v3;
	v3 =	vadd.f32 v8, v7  }
0x1f3: {  	v36 =	vld [tilespmem:s28+$0xD010]  }
0x1f4: {  	v37 =	vld [tilespmem:s28+$0x5020];
	[tilespmem:s24+$0x15460] =	vst v3  }
0x1f5: {  	v38 =	vld [tilespmem:s28+$0xD020]  }
0x1f6: {  	v3 =	vadd.f32 v33, v10;
	v39 =	vld [tilespmem:s28+$0x5030]  }
0x1f7: {  	v41 =	vld [tilespmem:s28+$0x5040]  }
0x1f8: {  	[tilespmem:s28+$0x15470] =	vst v3;
	v3 =	vld [tilespmem:s28+$0xD030]  }
0x1f9: {  	v42 =	vld [tilespmem:s28+$0xD040]  }
0x1fa: {  	v44 =	vld [tilespmem:s28+$0x5050]  }
0x1fb: {  	v45 =	vld [tilespmem:s28+$0xD050]  }
0x1fc: {  	v46 =	vld [tilespmem:s28+$0x5060]  }
0x1fd: {  	v47 =	vld [tilespmem:s28+$0xD060];
	v3 =	vadd.f32 v3, v39  }
0x1fe: {  	v48 =	vld [tilespmem:s28+$0x5070]  }
0x1ff: {  	v49 =	vld [tilespmem:s28+$0xD070];
	[tilespmem:s28+$0x15030] =	vst v3;
	v3 =	vadd.f32 v42, v41  }
0x200: {  	v50 =	vld [tilespmem:s28+$0x5400]  }
0x201: {  	v51 =	vld [tilespmem:s28+$0xD400];
	[tilespmem:s28+$0x15040] =	vst v3;
	v3 =	vadd.f32 v45, v44  }
0x202: {  	v52 =	vld [tilespmem:s28+$0x5410]  }
0x203: {  	v53 =	vld [tilespmem:s28+$0xD410];
	[tilespmem:s28+$0x15050] =	vst v3;
	v3 =	vadd.f32 v47, v46  }
0x204: {  	v54 =	vld [tilespmem:s28+$0x5420]  }
0x205: {  	v55 =	vld [tilespmem:s28+$0xD420];
	[tilespmem:s28+$0x15060] =	vst v3;
	v3 =	vadd.f32 v49, v48  }
0x206: {  	v56 =	vld [tilespmem:s28+$0x5430]  }
0x207: {  	v57 =	vld [tilespmem:s28+$0xD430];
	[tilespmem:s28+$0x15070] =	vst v3;
	v3 =	vadd.f32 v51, v50  }
0x208: {  	v58 =	vld [tilespmem:s28+$0x5440]  }
0x209: {  	v59 =	vld [tilespmem:s28+$0xD440];
	[tilespmem:s28+$0x15400] =	vst v3;
	v3 =	vadd.f32 v53, v52  }
0x20a: {  	v60 =	vld [tilespmem:s28+$0x5450]  }
0x20b: {  	v61 =	vld [tilespmem:s28+$0xD450];
	[tilespmem:s28+$0x15410] =	vst v3;
	v3 =	vadd.f32 v55, v54  }
0x20c: {  	v62 =	vld [tilespmem:s28+$0xD460];
	v4 =	vadd.f32 v34, v9  }
0x20d: {  	v40 =	vadd.f32 v36, v35;
	[tilespmem:s28+$0x15420] =	vst v3;
	v3 =	vld [tilespmem:s28+$0x5460]  }
0x20e: {  	[tilespmem:s28+$0x15000] =	vst v4;
	v43 =	vadd.f32 v38, v37  }
0x20f: {  	[tilespmem:s28+$0x15010] =	vst v40;
	v5 =	vadd.f32 v57, v56  }
.Ltmp7:
0x210: {  	v4 =	vadd.f32 v59, v58;
	[tilespmem:s28+$0x15020] =	vst v43;
	(pc) =	sbr.rel @p1 .LBB2_10-.Ltmp7, $4  }
0x211: {  	v63 =	vadd.f32 v61, v60;
	[tilespmem:s28+$0x15430] =	vst v5  }
0x212: {  	[tilespmem:s28+$0x15440] =	vst v4;
	v3 =	vadd.f32 v62, v3  }
0x213: {  	[tilespmem:s28+$0x15450] =	vst v63  }
0x214: {  	[tilespmem:s28+$0x15460] =	vst v3  }
0x215: {  	s24 =	sshll.u32 s22, $0x7  }
0x216: {  	v3 =	vld [tilespmem:s24+$0xC0];
	_ =	sdelay $0x4  }
0x217: {  	v4 =	vshll.u32 v3, $0x1  }
0x218: {  	v3 =	vand.u32 $0x7, v3;
	v4 =	vand.u32 $0xFFFFFFF0, v4  }
0x219: {  	v3 =	vor.u32 v3, v4  }
0x21a: {  	v4 =	vperm.xlane v3, v0;
	_ =	sdelay $0x1  }
0x21b: {  	v3 =	vperm.xlane v3, v2;
	v4 =	vadd.s32 v1, v4;
	_ =	sdelay $0x1  }
0x21c: {  	v3 =	vadd.s32 v1, v3;
	_ =	sdelay $0x1  }
0x21d: {  	s25 =	simm.s32 $0x5000  }
0x21e: {  	[tilespmem:s25], [sflag:$0x2] =	stream.indirect_vreg.gather [hbm4b:s1+s3], $0x80, v4, vm0, $0xb8;
	[tilespmem:$0x19000] =	vst v63  }
0x21f: {  	s29 =	simm.s32 $0x5800  }
0x220: {  	[tilespmem:s29], [sflag:$0x2] =	stream.indirect_vreg.gather [hbm4b:s1+s3], $0x80, v3, vm0, $0xb8;
	[tilespmem:$0x19000] =	vst v63  }
0x221: {  	v3 =	vld [tilespmem:s24+$0xD0];
	_ =	sdelay $0x4  }
0x222: {  	v57 =	vshll.u32 v3, $0x1  }
0x223: {  	v3 =	vand.u32 $0x7, v3;
	v4 =	vand.u32 $0xFFFFFFF0, v57  }
0x224: {  	v3 =	vor.u32 v3, v4  }
0x225: {  	v4 =	vperm.xlane v3, v0;
	_ =	sdelay $0x1  }
0x226: {  	v3 =	vperm.xlane v3, v2;
	v4 =	vadd.s32 v1, v4;
	_ =	sdelay $0x1  }
0x227: {  	v3 =	vadd.s32 v1, v3;
	_ =	sdelay $0x2  }
0x228: {  	[tilespmem:s30], [sflag:$0x2] =	stream.indirect_vreg.gather [hbm4b:s1+s3], $0x80, v4, vm0, $0xb8;
	[tilespmem:$0x19000] =	vst v63  }
0x229: {  	_ = 	snop  }
0x22a: {  	[tilespmem:s31], [sflag:$0x2] =	stream.indirect_vreg.gather [hbm4b:s1+s3], $0x80, v3, vm0, $0xb8;
	[tilespmem:$0x19000] =	vst v63  }
0x22b: {  	v3 =	vld [tilespmem:s24+$0xE0];
	_ =	sdelay $0x4  }
0x22c: {  	v58 =	vshll.u32 v3, $0x1  }
0x22d: {  	v3 =	vand.u32 $0x7, v3;
	v4 =	vand.u32 $0xFFFFFFF0, v58  }
0x22e: {  	v3 =	vor.u32 v3, v4  }
0x22f: {  	v4 =	vperm.xlane v3, v0;
	_ =	sdelay $0x1  }
0x230: {  	v3 =	vperm.xlane v3, v2;
	v4 =	vadd.s32 v1, v4;
	_ =	sdelay $0x1  }
0x231: {  	v3 =	vadd.s32 v1, v3;
	_ =	sdelay $0x2  }
0x232: {  	[tilespmem:s0], [sflag:$0x2] =	stream.indirect_vreg.gather [hbm4b:s1+s3], $0x80, v4, vm0, $0xb8;
	[tilespmem:$0x19000] =	vst v63  }
0x233: {  	_ = 	snop  }
0x234: {  	[tilespmem:s2], [sflag:$0x2] =	stream.indirect_vreg.gather [hbm4b:s1+s3], $0x80, v3, vm0, $0xb8;
	[tilespmem:$0x19000] =	vst v63  }
0x235: {  	v3 =	vld [tilespmem:s24+$0xF0];
	_ =	sdelay $0x4  }
0x236: {  	v59 =	vshll.u32 v3, $0x1  }
0x237: {  	v3 =	vand.u32 $0x7, v3;
	v4 =	vand.u32 $0xFFFFFFF0, v59  }
0x238: {  	v3 =	vor.u32 v3, v4  }
0x239: {  	v4 =	vperm.xlane v3, v0;
	_ =	sdelay $0x1  }
0x23a: {  	v3 =	vperm.xlane v3, v2;
	v4 =	vadd.s32 v1, v4;
	_ =	sdelay $0x1  }
0x23b: {  	v3 =	vadd.s32 v1, v3;
	_ =	sdelay $0x2  }
0x23c: {  	[tilespmem:s10], [sflag:$0x2] =	stream.indirect_vreg.gather [hbm4b:s1+s3], $0x80, v4, vm0, $0xb8;
	[tilespmem:$0x19000] =	vst v63  }
0x23d: {  	_ = 	snop  }
0x23e: {  	[tilespmem:s5], [sflag:$0x2] =	stream.indirect_vreg.gather [hbm4b:s1+s3], $0x80, v3, vm0, $0xb8;
	[tilespmem:$0x19000] =	vst v63  }
0x23f: {  	v3 =	vld [tilespmem:s24+$0x8C0];
	_ =	sdelay $0x4  }
0x240: {  	v60 =	vshll.u32 v3, $0x1  }
0x241: {  	v3 =	vand.u32 $0x7, v3;
	v4 =	vand.u32 $0xFFFFFFF0, v60  }
0x242: {  	v3 =	vor.u32 v3, v4  }
0x243: {  	v4 =	vperm.xlane v3, v0;
	_ =	sdelay $0x1  }
0x244: {  	v3 =	vperm.xlane v3, v2;
	v4 =	vadd.s32 v1, v4;
	_ =	sdelay $0x1  }
0x245: {  	v3 =	vadd.s32 v1, v3;
	_ =	sdelay $0x2  }
0x246: {  	[tilespmem:s6], [sflag:$0x4] =	stream.indirect_vreg.gather [hbm4b:s4+s3], $0x80, v4, vm0, $0xb8;
	[tilespmem:$0x19000] =	vst v63  }
0x247: {  	_ = 	snop  }
0x248: {  	[tilespmem:s8], [sflag:$0x4] =	stream.indirect_vreg.gather [hbm4b:s4+s3], $0x80, v3, vm0, $0xb8;
	[tilespmem:$0x19000] =	vst v63  }
0x249: {  	v3 =	vld [tilespmem:s24+$0x8D0];
	_ =	sdelay $0x4  }
0x24a: {  	v61 =	vshll.u32 v3, $0x1  }
0x24b: {  	v3 =	vand.u32 $0x7, v3;
	v4 =	vand.u32 $0xFFFFFFF0, v61  }
0x24c: {  	v3 =	vor.u32 v3, v4  }
0x24d: {  	v4 =	vperm.xlane v3, v0;
	_ =	sdelay $0x1  }
0x24e: {  	v3 =	vperm.xlane v3, v2;
	v4 =	vadd.s32 v1, v4;
	_ =	sdelay $0x1  }
0x24f: {  	v3 =	vadd.s32 v1, v3;
	_ =	sdelay $0x2  }
0x250: {  	[tilespmem:s9], [sflag:$0x4] =	stream.indirect_vreg.gather [hbm4b:s4+s3], $0x80, v4, vm0, $0xb8;
	[tilespmem:$0x19000] =	vst v63  }
0x251: {  	_ = 	snop  }
0x252: {  	[tilespmem:s11], [sflag:$0x4] =	stream.indirect_vreg.gather [hbm4b:s4+s3], $0x80, v3, vm0, $0xb8;
	[tilespmem:$0x19000] =	vst v63  }
0x253: {  	v3 =	vld [tilespmem:s24+$0x8E0];
	_ =	sdelay $0x4  }
0x254: {  	v62 =	vshll.u32 v3, $0x1  }
0x255: {  	v3 =	vand.u32 $0x7, v3;
	v4 =	vand.u32 $0xFFFFFFF0, v62  }
0x256: {  	v3 =	vor.u32 v3, v4  }
0x257: {  	v4 =	vperm.xlane v3, v0;
	_ =	sdelay $0x1  }
0x258: {  	v3 =	vperm.xlane v3, v2;
	v4 =	vadd.s32 v1, v4;
	_ =	sdelay $0x1  }
0x259: {  	v3 =	vadd.s32 v1, v3;
	_ =	sdelay $0x2  }
0x25a: {  	[tilespmem:s12], [sflag:$0x4] =	stream.indirect_vreg.gather [hbm4b:s4+s3], $0x80, v4, vm0, $0xb8;
	[tilespmem:$0x19000] =	vst v63  }
0x25b: {  	_ = 	snop  }
0x25c: {  	[tilespmem:s13], [sflag:$0x4] =	stream.indirect_vreg.gather [hbm4b:s4+s3], $0x80, v3, vm0, $0xb8;
	[tilespmem:$0x19000] =	vst v63  }
0x25d: {  	v3 =	vld [tilespmem:s24+$0x8F0];
	_ =	sdelay $0x4  }
0x25e: {  	v63 =	vshll.u32 v3, $0x1  }
0x25f: {  	v3 =	vand.u32 $0x7, v3;
	v4 =	vand.u32 $0xFFFFFFF0, v63  }
0x260: {  	v3 =	vor.u32 v3, v4  }
0x261: {  	v4 =	vperm.xlane v3, v0;
	_ =	sdelay $0x1  }
0x262: {  	v3 =	vperm.xlane v3, v2;
	v4 =	vadd.s32 v1, v4;
	_ =	sdelay $0x1  }
0x263: {  	v3 =	vadd.s32 v1, v3  }
.Ltmp8:
0x264: {  	_ = 	snop;
	(pc) =	sbr.rel .LBB2_10-.Ltmp8, $4  }
0x265: {  	_ = 	snop  }
0x266: {  	[tilespmem:s14], [sflag:$0x4] =	stream.indirect_vreg.gather [hbm4b:s4+s3], $0x80, v4, vm0, $0xb8;
	[tilespmem:$0x19000] =	vst v63  }
0x267: {  	_ = 	snop  }
0x268: {  	[tilespmem:s15], [sflag:$0x4] =	stream.indirect_vreg.gather [hbm4b:s4+s3], $0x80, v3, vm0, $0xb8;
	[tilespmem:$0x19000] =	vst v63  }
.LBB2_12:
0x269: {  	_ =	sfence.sel $0x180000  }
0x26a: {  	[bflag:$0x0] =	sbarrier.arrive $0xFFFF  }
0x26b: {  	_ =	strace $0x9000004D  }
0x26c: {  	s0 =	stileid.u32;
	[bflag:$0x2] =	sbarrier.arrive $0xFFFF  }
0x26d: {  	p0 =	sne.s32 s0, $0x0;
	s0 =	rddreg [dreg:$0x2]  }
0x26e: {  	s0 =	sadd.s32 @!p0 $0x100000, s0  }
0x26f: {  	[sflag:s0] =	ssyncadd.tile.s32 @!p0 $0x1;
	_ =	shalt  }
.Lfunc_end2:
_tile_overlayer_lowered:
.L_overlay_start_2:
0x270: {  	(tag) =	ssettag $0x2  }
0x271: {  	s0 =	rddreg [dreg:$0x0];
	s2 =	stileid.u32  }
0x272: {  	s1 =	rddreg [dreg:$0x1];
	p0 =	sne.s32 s2, $0x0  }
0x273: {  	s3 =	rddreg [dreg:$0x2];
	[bflag:$0x3] =	sbarrier.arrive $0xFFFF;
	s2 =	simm.s32 @!p0 $0x1C07  }
0x274: {  	[timem:s3], [sflag:s2] =	dma.local @!p0 [hbm:s0], s1  }
0x275: {  	s0 =	simm.s32 @!p0 $0x7  }
0x276: {  	_ =	swait.ge @!p0 [sflag:s0], s1  }
0x277: {  	s1 =	ssub.s32 @!p0 $0x0, s1;
	[sflag:s0] =	ssyncset.done @!p0 $0x0  }
0x278: {  	[sflag:s0] =	ssyncadd.s32 @!p0 s1  }
0x279: {  	[bflag:$0x3] =	sbarrier.arrive $0xFFFF  }
0x27a: {  	_ =	shalt  }

// kernel: kernel.20.cloned.1.call-start
scs
__scs_entry_jumppad:
0x0: {  	(pc) =	sbr.rel $0x88, $3  }
0x1: {  	(tag) =	ssettag $0x0;
	lr =	simm.s32 $0x1  }
0x2: {  	[smem:$0x3F8C] =	sst lr;
	_ =	strace $0xD0000000  }
0x3: {  	_ = 	snop  }
0x4: {  	_ = 	snop  }
0x5: {  	_ = 	snop  }
0x6: {  	_ = 	snop  }
0x7: {  	_ = 	snop  }
__scs_overlays_trampoline_lowered:
0x8: {  	[smem:$0x3F9B] =	sst s0  }
0x9: {  	[smem:$0x3F9C] =	sst s1  }
0xa: {  	[smem:$0x3F9D] =	sst s2  }
0xb: {  	[smem:$0x3F9E] =	sst s3  }
0xc: {  	[smem:$0x3F9F] =	sst s4  }
0xd: {  	[smem:$0x3FA0] =	sst s5  }
0xe: {  	[smem:$0x3FA1] =	sst s6  }
0xf: {  	[smem:$0x3FA2] =	sst s7  }
0x10: {  	[smem:$0x3FA3] =	sst s8  }
0x11: {  	[smem:$0x3FA4] =	sst s9;
	s0 =	simm.s32 @!p0 $0x0  }
0x12: {  	s1 =	sld [smem:$0x3F8A];
	s0 =	simm.s32 @p0 $0x1  }
0x13: {  	[smem:$0x3FA5] =	sst s0;
	s0 =	simm.s32 @!p1 $0x0  }
0x14: {  	s2 =	sld [smem:$0x3F89];
	s0 =	simm.s32 @p1 $0x1  }
0x15: {  	[smem:$0x3FA6] =	sst s0;
	s0 =	simm.s32 @!p2 $0x0  }
0x16: {  	s3 =	sld [smem:$0x3FDB];
	s0 =	simm.s32 @p2 $0x1  }
0x17: {  	s4 =	simm.s32 $0x1BF5;
	[smem:$0x3FA8] =	sst s0  }
0x18: {  	s0 =	sld [smem:$0x3F8B];
	_ =	swait.ge [sflag:s4], $0x0  }
0x19: {  	s7 =	sld [smem:$0x3F8C]  }
0x1a: {  	s8 =	sadd.s32 $0xFFFFE003, lr  }
0x1b: {  	s9 =	sadd.s32 $0xFFFFFEF7, lr;
	s5 =	simm.s32 $0xFFFFFFFF;
	p2 =	slt.u32 s8, $0xFFFFF086  }
0x1c: {  	p1 =	slt.u32 s9, $0xF7A;
	s5 =	simm.s32 @!p2 $0x0  }
0x1d: {  	s5 =	simm.s32 @p1 $0x1;
	p0 =	seq.s32 s7, s2  }
0x1e: {  	s7 =	smul.u32 @!p0 $0xF7A, s2;
	p2 =	seq.s32 @!p0 s5, $0x0  }
0x1f: {  	s9 =	smul.u32 $0xF7A, s1;
	s8 =	simm.s32 @!p0 $0x1BF5;
	p2 =	por !p2, p0  }
0x20: {  	[sflag:s8] =	ssyncset.s32 @!p0 $0xFFFFF086;
	s6 =	sadd.s32 @!p0 s3, s7;
	s7 =	simm.s32 @!p0 $0x108  }
0x21: {  	s3 =	sadd.s32 s3, s9;
	s6 =	sadd.s32 @!p0 $0x88, s6;
	s7 =	simm.s32 @p2 $0x1082  }
0x22: {  	[simem:s7], [sflag:s8] =	dma.local @!p0 [hbm:s6], $0xF7A  }
0x23: {  	s9 =	sor.u32 $0xD0000000, s2;
	s6 =	simm.s32 $0x108;
	_ =	swait.ge @!p0 [sflag:s8], $0x0  }
0x24: {  	s3 =	sadd.s32 $0x88, s3;
	s6 =	simm.s32 @!p1 $0x1082;
	[sflag:s4] =	ssyncset.s32 $0xFFFFF086  }
0x25: {  	[simem:s6], [sflag:s4] =	dma.local [hbm:s3], $0xF7A  }
0x26: {  	[smem:$0x3F8C] =	sst s1;
	(tag) =	ssettag s2;
	_ =	strace s9  }
0x27: {  	s1 =	sld [smem:$0x3F9C]  }
0x28: {  	s2 =	sld [smem:$0x3F9D]  }
0x29: {  	s4 =	sld [smem:$0x3F9F]  }
0x2a: {  	p0 =	seq.s32 s5, $0x0;
	s5 =	sld [smem:$0x3FA0]  }
0x2b: {  	s6 =	sld [smem:$0x3FA1]  }
0x2c: {  	s7 =	sld [smem:$0x3FA2]  }
0x2d: {  	s3 =	simm.s32 $0x108;
	s8 =	sld [smem:$0x3FA3]  }
0x2e: {  	s3 =	simm.s32 @!p0 $0x1082;
	s9 =	sld [smem:$0x3FA4]  }
0x2f: {  	lr =	sadd.s32 s0, s3;
	s0 =	sld [smem:$0x3F9B]  }
0x30: {  	s3 =	sld [smem:$0x3F9E]  }
0x31: {  	[smem:$0x3FA7] =	sst s10  }
0x32: {  	s10 =	sld [smem:$0x3FA5];
	_ =	sdelay $0x3  }
0x33: {  	p0 =	seq.s32 s10, $0x1;
	s10 =	sld [smem:$0x3FA7];
	_ =	sdelay $0x3  }
0x34: {  	[smem:$0x3FA7] =	sst s10  }
0x35: {  	s10 =	sld [smem:$0x3FA6];
	_ =	sdelay $0x3  }
0x36: {  	p1 =	seq.s32 s10, $0x1;
	s10 =	sld [smem:$0x3FA7];
	_ =	sdelay $0x3  }
0x37: {  	[smem:$0x3FA7] =	sst s10  }
0x38: {  	s10 =	sld [smem:$0x3FA8]  }
0x39: {  	_ = 	snop;
	(pc) =	sbr.ind lr, $3  }
0x3a: {  	_ = 	snop  }
0x3b: {  	_ = 	snop  }
0x3c: {  	p2 =	seq.s32 s10, $0x1;
	s10 =	sld [smem:$0x3FA7]  }
0x3d: {  	_ =	shalt  }
0x3e: {  	_ =	shalt  }
0x3f: {  	_ =	shalt  }
0x40: {  	_ =	shalt  }
0x41: {  	_ =	shalt  }
0x42: {  	_ =	shalt  }
0x43: {  	_ =	shalt  }
0x44: {  	_ =	shalt  }
0x45: {  	_ =	shalt  }
0x46: {  	_ =	shalt  }
0x47: {  	_ =	shalt  }
0x48: {  	_ =	shalt  }
0x49: {  	_ =	shalt  }
0x4a: {  	_ =	shalt  }
0x4b: {  	_ =	shalt  }
0x4c: {  	_ =	shalt  }
0x4d: {  	_ =	shalt  }
0x4e: {  	_ =	shalt  }
0x4f: {  	_ =	shalt  }
0x50: {  	_ =	shalt  }
0x51: {  	_ =	shalt  }
0x52: {  	_ =	shalt  }
0x53: {  	_ =	shalt  }
0x54: {  	_ =	shalt  }
0x55: {  	_ =	shalt  }
0x56: {  	_ =	shalt  }
0x57: {  	_ =	shalt  }
0x58: {  	_ =	shalt  }
0x59: {  	_ =	shalt  }
0x5a: {  	_ =	shalt  }
0x5b: {  	_ =	shalt  }
0x5c: {  	_ =	shalt  }
0x5d: {  	_ =	shalt  }
0x5e: {  	_ =	shalt  }
0x5f: {  	_ =	shalt  }
0x60: {  	_ =	shalt  }
0x61: {  	_ =	shalt  }
0x62: {  	_ =	shalt  }
0x63: {  	_ =	shalt  }
0x64: {  	_ =	shalt  }
0x65: {  	_ =	shalt  }
0x66: {  	_ =	shalt  }
0x67: {  	_ =	shalt  }
0x68: {  	_ =	shalt  }
0x69: {  	_ =	shalt  }
0x6a: {  	_ =	shalt  }
0x6b: {  	_ =	shalt  }
0x6c: {  	_ =	shalt  }
0x6d: {  	_ =	shalt  }
0x6e: {  	_ =	shalt  }
0x6f: {  	_ =	shalt  }
0x70: {  	_ =	shalt  }
0x71: {  	_ =	shalt  }
0x72: {  	_ =	shalt  }
0x73: {  	_ =	shalt  }
0x74: {  	_ =	shalt  }
0x75: {  	_ =	shalt  }
0x76: {  	_ =	shalt  }
0x77: {  	_ =	shalt  }
0x78: {  	_ =	shalt  }
0x79: {  	_ =	shalt  }
0x7a: {  	_ =	shalt  }
0x7b: {  	_ =	shalt  }
0x7c: {  	_ =	shalt  }
0x7d: {  	_ =	shalt  }
0x7e: {  	_ =	shalt  }
0x7f: {  	_ =	shalt  }
0x80: {  	_ =	shalt  }
0x81: {  	_ =	shalt  }
0x82: {  	_ =	shalt  }
0x83: {  	_ =	shalt  }
0x84: {  	_ =	shalt  }
0x85: {  	_ =	shalt  }
0x86: {  	_ =	shalt  }
0x87: {  	_ =	shalt  }
.Lfunc_end0:
.L_simem_size_0:
called_computation.3_lowered:
.L_overlay_start_0:
0x88: {  	s2 =	sld [smem:$0x3FD9]  }
0x89: {  	s3 =	sld [smem:$0x3FFE];
	_ =	sdelay $0x1  }
0x8a: {  	s1 =	srdreg.scid  }
0x8b: {  	s0 =	sand.u32 $0x1, s1  }
0x8c: {  	s14 =	sshll.u32 s0, $0xA;
	s2 =	sadd.s32 s3, s2  }
0x8d: {  	s2 =	sadd.s32 s2, s14  }
0x8e: {  	[smem:$0x3FB3] =	sst s2  }
0x8f: {  	_ = 	snop  }
0x90: {  	s2 =	sld [smem:$0x3FD0];
	_ =	sdelay $0x2  }
0x91: {  	s15 =	simm.s32 $0xA;
	s4 =	simm.s32 $0x10  }
0x92: {  	[smem:s4], [sflag:s15] =	dma.local [hbm:s2], $0x1  }
0x93: {  	_ =	swait.eq [sflag:s15], $0x1  }
0x94: {  	[sflag:s15] =	ssyncset.done $0x0  }
0x95: {  	[sflag:s15] =	ssyncadd.s32 $0xFFFFFFFF  }
0x96: {  	s16 =	sld [smem:$0x10];
	(tm) =	ssettm $0x1  }
0x97: {  	s17 =	sld [smem:$0x3FFB];
	_ =	sdelay $0x3  }
0x98: {  	_ =	strace s17  }
0x99: {  	s3 =	sld [smem:$0x3FFC];
	_ =	sdelay $0x3  }
0x9a: {  	_ =	strace s3  }
0x9b: {  	s3 =	sld [smem:$0x3FFD];
	_ =	sdelay $0x3  }
0x9c: {  	_ =	strace s3  }
0x9d: {  	_ =	strace $0x8FFFFFFF  }
0x9e: {  	s18 =	sld [smem:$0x3FDB];
	_ =	sdelay $0x1  }
0x9f: {  	s19 =	simm.s32 $_scs_section_size  }
0xa0: {  	s5 =	simm.s32 $_size__tile_overlayer_lowered;
	s6 =	simm.s32 $_tile_overlayer_lowered  }
0xa1: {  	s22 =	simm.s32 $0x1BFF;
	s21 =	sshll.u32 s6, $0x1;
	s3 =	sadd.s32 s19, s18  }
0xa2: {  	s7 =	simm.s32 $0x0;
	s20 =	sshll.u32 s5, $0x1;
	s5 =	sadd.s32 s21, s3  }
0xa3: {  	[timem:s7], [sflag:s22] =	dma.local [hbm:s5], s20  }
0xa4: {  	_ =	swait.ge [sflag:s22], s20  }
0xa5: {  	s4 =	ssub.s32 $0x0, s20;
	[sflag:s22] =	ssyncset.done $0x0  }
0xa6: {  	[sflag:s22] =	ssyncadd.s32 s4;
	_ =	sdelay $0x1  }
0xa7: {  	s23 =	simm.s32 $0x1B8B  }
0xa8: {  	_ =	swait.ge [sflag:s23], $0x1  }
0xa9: {  	[sflag:s23] =	ssyncset.done $0x0  }
0xaa: {  	s25 =	simm.s32 $0x1B8E;
	s24 =	sld [smem:$0x3FFE];
	[sflag:s23] =	ssyncadd.s32 $0xFFFFFFFF  }
0xab: {  	s26 =	simm.s32 $execute0_lowered;
	[smem:$0x3FD2] =	sst s25  }
0xac: {  	s5 =	sshll.u32 s26, $0x1;
	_ =	strace $0x8000004F;
	[dreg:$0x1] =	wrdreg $0xFFFFFFFF  }
0xad: {  	s28 =	simm.s32 $_size_execute0_lowered;
	s3 =	sadd.s32 s3, s5;
	[dreg:$0x0] =	wrdreg $0x0  }
0xae: {  	s5 =	sshll.u32 s28, $0x1;
	[dreg:$0x2] =	wrdreg s3  }
0xaf: {  	[dreg:$0x3] =	wrdreg s5  }
0xb0: {  	[dreg:$0x4] =	wrdreg $0xC0  }
0xb1: {  	_ =	task [dreg:s7], $0x5FFFF  }
0xb2: {  	[dreg:$0x1] =	wrdreg $0xFFFFFFFF  }
0xb3: {  	[dreg:$0x0] =	wrdreg $0x60  }
0xb4: {  	[dreg:$0x2] =	wrdreg s16  }
0xb5: {  	[dreg:$0x3] =	wrdreg s24  }
0xb6: {  	[dreg:$0x4] =	wrdreg $0x150000  }
0xb7: {  	[dreg:$0x5] =	wrdreg $0x9  }
0xb8: {  	_ =	task.clear_ibuf [dreg:s7], $0x6FFFF;
	_ =	strace $0x9000004F  }
0xb9: {  	s29 =	simm.s32 $0x9;
	_ =	strace $0x80000051  }
0xba: {  	_ =	swait.ge [sflag:s29], $0x1  }
0xbb: {  	[sflag:s29] =	ssyncadd.s32 $0xFFFFFFFF  }
0xbc: {  	_ =	strace $0x90000051  }
0xbd: {  	_ =	sfence  }
0xbe: {  	s30 =	sld [smem:$0x0];
	_ =	sdelay $0x2  }
0xbf: {  	s31 =	sshll.u32 s1, $0xD;
	s1 =	sshrl.u32 s1, $0x2  }
0xc0: {  	s3 =	sand.u32 $0x4000, s31;
	s1 =	sadd.s32 s1, s30  }
0xc1: {  	s0 =	sor.u32 s3, s0;
	s1 =	sshll.u32 s1, $0x11  }
0xc2: {  	s0 =	sor.u32 s1, s0  }
0xc3: {  	s0 =	sadd.s32 $0x8F2B, s0  }
0xc4: {  	[sflag:s0] =	ssyncadd.remote.s32 $0x1  }
0xc5: {  	_ =	sfence.sel $0xFFFF  }
0xc6: {  	[dreg:$0x0] =	wrdreg $0xFFFFFFFF;
	(pc) =	sbr.abs _section_cstart, $3  }
0xc7: {  	[dreg:$0x1] =	wrdreg $0xFFFFFFFF  }
0xc8: {  	_ =	task.clear_ibuf [dreg:s7], $0x2FFFF;
	_ =	strace $0x9FFFFFFF  }
0xc9: {  	(tm) =	ssettm $0x7FFFFFFF  }
tec
execute0_lowered:
.L_overlay_start_1:
0x0: {  	(tag) =	ssettag $0x1  }
0x1: {  	s1 =	rddreg [dreg:$0x0]  }
0x2: {  	s0 =	rddreg [dreg:$0x1]  }
0x3: {  	s3 =	rddreg [dreg:$0x2]  }
0x4: {  	s2 =	srdreg.scid;
	s8 =	stileid.u32  }
0x5: {  	s6 =	simm.s32 $0x0;
	s28 =	simm.s32 $0x80;
	s29 =	simm.s32 $0x3  }
0x6: {  	s30 =	simm.s32 $0x4;
	s31 =	simm.s32 $0x5;
	s2 =	sand.u32 $0x1, s2  }
0x7: {  	s5 =	sshll.u32 s8, $0x10;
	[smem:$0x7FF] =	sst s6;
	s13 =	sshll.u32 s8, $0x9  }
0x8: {  	s14 =	sshll.u32 s8, $0x14;
	s8 =	sshll.u32 s8, $0xF;
	s4 =	sshll.u32 s2, $0xA  }
0x9: {  	_ =	strace $0x80000050;
	s6 =	sadd.s32 s13, s0;
	s2 =	ssub.s32 $0x2, s2  }
0xa: {  	s5 =	sor.u32 s4, s5;
	s7 =	sshrl.u32 s2, $0x1;
	s4 =	sor.u32 s4, s14  }
0xb: {  	s6 =	sadd.s32 $0x9400, s6;
	s5 =	sshrl.u32 s5, $0x3;
	s2 =	ssub.s32 s2, s7  }
0xc: {  	s15 =	sshrl.u32 s4, $0x3;
	[dreg:$0x4] =	wrdreg s6;
	s21 =	sor.u32 $0x38000, s4  }
0xd: {  	s22 =	sor.u32 $0x30000, s4;
	s23 =	sor.u32 $0x28000, s4;
	s7 =	sor.u32 $0x20000, s4  }
0xe: {  	s4 =	simm.s32 $0x7;
	s0 =	sadd.s32 s5, s0;
	s5 =	sadd.s32 s8, s3  }
0xf: {  	s8 =	sadd.s32 s1, s15;
	s20 =	smax.u32 s2, $0x1;
	s24 =	sshrl.u32 s22, $0x3  }
0x10: {  	s25 =	sshrl.u32 s23, $0x3;
	s16 =	sadd.s32 $0x4000, s5;
	[dreg:$0xa] =	wrdreg s20  }
0x11: {  	s22 =	simm.s32 $0x1000;
	s17 =	sadd.s32 $0x1000, s8;
	[dreg:$0x5] =	wrdreg s16  }
0x12: {  	s2 =	simm.s32 $0x8;
	s18 =	sadd.s32 $0x2000, s8;
	[dreg:$0x6] =	wrdreg s17  }
0x13: {  	s23 =	simm.s32 $0x0;
	s19 =	sadd.s32 $0x3000, s8;
	[dreg:$0x7] =	wrdreg s18  }
0x14: {  	s0 =	sadd.s32 $0xB400, s0;
	s26 =	sadd.s32 s25, s1;
	[dreg:$0x8] =	wrdreg s19  }
.Ltmp0:
0x15: {  	s20 =	simm.s32 $0x400;
	[dreg:$0x9] =	wrdreg s0;
	(pc) =	sbr.rel .LBB2_1-.Ltmp0, $4  }
0x16: {  	s25 =	simm.s32 $0xD000;
	s0 =	sshrl.u32 s21, $0x3;
	[dreg:$0xd] =	wrdreg s26  }
0x17: {  	s18 =	simm.s32 $0x9;
	s21 =	simm.s32 $0x800;
	s0 =	sadd.s32 s0, s1  }
0x18: {  	s26 =	simm.s32 $0x1;
	[dreg:$0xb] =	wrdreg s0;
	s0 =	sadd.s32 s24, s1  }
0x19: {  	v0 =	vimm.f32 $0.0e+00;
	s24 =	simm.s32 $0x9000;
	[dreg:$0xc] =	wrdreg s0;
	s0 =	simm.s32 $0x6  }
.LBB2_6:
0x1a: {  	_ =	swait.ge [sflag:s30], $0x4000  }
0x1b: {  	[sflag:s30] =	ssyncset.done $0x0  }
0x1c: {  	[sflag:s30] =	ssyncadd.s32 $0xFFFFC000  }
0x1d: {  	[spmem:s3] =	stream.indirect.scatter.add.f32 [tilespmem:s25], [sflag:$0x8], $0x80, s12, s28, $0xb8;
	[tilespmem:$0x1D000] =	vst v63  }
0x1e: {  	_ =	swait.ge [sflag:s31], $0x4000  }
0x1f: {  	[sflag:s31] =	ssyncset.done $0x0  }
0x20: {  	[sflag:s31] =	ssyncadd.s32 $0xFFFFC000  }
0x21: {  	_ =	swait.ge [sflag:s0], $0x4000  }
0x22: {  	[sflag:s0] =	ssyncset.done $0x0  }
0x23: {  	[sflag:s0] =	ssyncadd.s32 $0xFFFFC000  }
0x24: {  	_ =	swait.ge [sflag:s4], $0x4000  }
0x25: {  	[sflag:s4] =	ssyncset.done $0x0  }
0x26: {  	[sflag:s4] =	ssyncadd.s32 $0xFFFFC000  }
0x27: {  	_ =	swait.ge [sflag:s2], $0x4000  }
0x28: {  	[sflag:s2] =	ssyncset.done $0x0  }
0x29: {  	s6 =	stileid.u32;
	[sflag:s2] =	ssyncadd.s32 $0xFFFFC000  }
0x2a: {  	s9 =	sshrl.u32 s5, $0x3;
	s6 =	sshll.u32 s6, $0x6;
	[bflag:$0x0] =	sbarrier.arrive $0xFFFF  }
0x2b: {  	s11 =	simm.s32 $0x100;
	s6 =	sor.u32 $0x1C09, s6;
	s10 =	rddreg [dreg:$0x9]  }
0x2c: {  	[hbm:s10@s11], [sflag:s6] =	dma.strided [spmem:s9@s28], $0x1000, s2, $0x10   }
0x2d: {  	_ =	swait.ge [sflag:s18], $0x1000  }
0x2e: {  	s23 =	sadd.s32 $0x1, s23;
	s19 =	rddreg [dreg:$0xa]  }
0x2f: {  	p0 =	sne.s32 s23, s19  }
.Ltmp1:
0x30: {  	_ = 	snop;
	(pc) =	sbr.rel @!p0 .LBB2_7-.Ltmp1, $3  }
0x31: {  	_ =	sdelay $0x1  }
0x32: {  	[sflag:s18] =	ssyncset.done $0x0  }
0x33: {  	[sflag:s18] =	ssyncadd.s32 $0xFFFFF000  }
.LBB2_1:
0x34: {  	s6 =	simm.s32 $0x0;
	s9 =	rddreg [dreg:$0x4]  }
0x35: {  	[tilespmem:s6], [sflag:$0x9] =	stream.linear.gather [hbm4b:s9+s6], $0x1000, $0x38;
	[tilespmem:$0x1D000] =	vst v63  }
0x36: {  	_ =	swait.ge [sflag:s18], $0x1000  }
0x37: {  	[sflag:s18] =	ssyncset.done $0x0  }
0x38: {  	s14 =	simm.s32 $0x200;
	s6 =	simm.s32 $0x0;
	[sflag:s18] =	ssyncadd.s32 $0xFFFFF000  }
.LBB2_2:
0x39: {  	p0 =	sne.s32 s14, $0xFE00;
	[tilespmem:s6+$0x11070] =	vst v0  }
0x3a: {  	[tilespmem:s6+$0x11000] =	vst v0  }
0x3b: {  	[tilespmem:s6+$0x11010] =	vst v0  }
.Ltmp2:
0x3c: {  	[tilespmem:s6+$0x11020] =	vst v0;
	(pc) =	sbr.rel @p0 .LBB2_2-.Ltmp2, $4  }
0x3d: {  	[tilespmem:s6+$0x11030] =	vst v0  }
0x3e: {  	[tilespmem:s6+$0x11040] =	vst v0  }
0x3f: {  	[tilespmem:s6+$0x11050] =	vst v0  }
0x40: {  	[tilespmem:s6+$0x11060] =	vst v0;
	s6 =	sshra.s32 s14, $0x2;
	s14 =	sadd.s32 $0x200, s14  }
0x41: {  	[tilespmem:s6+$0x11070] =	vst v0  }
0x42: {  	[tilespmem:s6+$0x11000] =	vst v0  }
0x43: {  	[tilespmem:s6+$0x11010] =	vst v0  }
0x44: {  	[tilespmem:s6+$0x11020] =	vst v0  }
0x45: {  	[tilespmem:s6+$0x11030] =	vst v0  }
0x46: {  	[tilespmem:s6+$0x11040] =	vst v0  }
0x47: {  	[tilespmem:s6+$0x11050] =	vst v0  }
0x48: {  	[tilespmem:s6+$0x11060] =	vst v0;
	s9 =	simm.s32 $0x11000  }
0x49: {  	[spmem:s5] =	stream.linear.scatter [tilespmem:s9], [sflag:$0x9], $0x4000, $0x38;
	[tilespmem:$0x1D000] =	vst v63  }
0x4a: {  	_ =	swait.ge [sflag:s18], $0x4000  }
0x4b: {  	[sflag:s18] =	ssyncset.done $0x0  }
0x4c: {  	s14 =	rddreg [dreg:$0x5];
	[sflag:s18] =	ssyncadd.s32 $0xFFFFC000  }
0x4d: {  	[spmem:s14] =	stream.linear.scatter [tilespmem:s9], [sflag:$0x9], $0x4000, $0x38;
	[tilespmem:$0x1D000] =	vst v63  }
0x4e: {  	_ =	swait.ge [sflag:s18], $0x4000  }
0x4f: {  	[sflag:s18] =	ssyncset.done $0x0  }
0x50: {  	[sflag:s18] =	ssyncadd.s32 $0xFFFFC000  }
0x51: {  	[bflag:$0x0] =	sbarrier.arrive $0xFFFF  }
0x52: {  	[tilespmem:s22], [sflag:$0x1] =	stream.strided.gather [hbm4b:s8+s20], $0x4000, s21, s20, $0x38;
	[tilespmem:$0x1D000] =	vst v63  }
0x53: {  	s15 =	rddreg [dreg:$0x6]  }
0x54: {  	s17 =	rddreg [dreg:$0x7]  }
0x55: {  	s19 =	rddreg [dreg:$0x8]  }
0x56: {  	s16 =	simm.s32 $0x5000;
	s14 =	rddreg [dreg:$0xb]  }
0x57: {  	[tilespmem:s16], [sflag:$0x2] =	stream.strided.gather [hbm4b:s15+s20], $0x4000, s21, s20, $0x38;
	[tilespmem:$0x1D000] =	vst v63  }
0x58: {  	s16 =	rddreg [dreg:$0xd]  }
0x59: {  	[tilespmem:s24], [sflag:$0x3] =	stream.strided.gather [hbm4b:s17+s20], $0x4000, s21, s20, $0x38;
	[tilespmem:$0x1D000] =	vst v63  }
0x5a: {  	s6 =	simm.s32 $0x0;
	s15 =	rddreg [dreg:$0xc];
	s17 =	smov.u32 s7  }
0x5b: {  	[tilespmem:s25], [sflag:$0x4] =	stream.strided.gather [hbm4b:s19+s20], $0x4000, s21, s20, $0x38;
	[tilespmem:$0x1D000] =	vst v63  }
.LBB2_4:
0x5c: {  	_ =	swait.ge [sflag:s26], $0x4000  }
0x5d: {  	p0 =	seq.s32 s6, $0x3800;
	[sflag:s26] =	ssyncset.done $0x0  }
0x5e: {  	s12 =	sshra.s32 s6, $0x2;
	s13 =	simm.s32 @p0 $0x2;
	[sflag:s26] =	ssyncadd.s32 $0xFFFFC000  }
0x5f: {  	[spmem:s3] =	stream.indirect.scatter.add.f32 [tilespmem:s22], [sflag:$0x5], $0x80, s12, s28, $0xb8;
	[tilespmem:$0x1D000] =	vst v63  }
0x60: {  	_ =	swait.ge @p0 [sflag:s13], $0x4000  }
0x61: {  	[sflag:s13] =	ssyncset.done @p0 $0x0  }
0x62: {  	[sflag:s13] =	ssyncadd.s32 @p0 $0xFFFFC000;
	s13 =	sshra.s32 @p0 s6, $0x2  }
0x63: {  	s11 =	simm.s32 @p0 $0x80;
	s19 =	simm.s32 @p0 $0x5000;
	s13 =	sadd.s32 @p0 $0x80, s13  }
0x64: {  	[spmem:s3] =	stream.indirect.scatter.add.f32 @p0 [tilespmem:s19], [sflag:$0x6], $0x80, s13, s11, $0xb8;
	[tilespmem:$0x1D000] =	vst v63  }
0x65: {  	s11 =	simm.s32 @!p0 $0x5  }
0x66: {  	s10 =	simm.s32 @!p0 $0x1000;
	_ =	swait.ge @!p0 [sflag:s11], $0x4000  }
0x67: {  	s13 =	sshrl.u32 @!p0 s17, $0x3;
	s19 =	simm.s32 @!p0 $0x800;
	[sflag:s11] =	ssyncset.done @!p0 $0x0  }
0x68: {  	[sflag:s11] =	ssyncadd.s32 @!p0 $0xFFFFC000;
	s11 =	sadd.s32 @!p0 s1, s13;
	s13 =	simm.s32 @!p0 $0x400  }
0x69: {  	[tilespmem:s10], [sflag:$0x1] =	stream.strided.gather @!p0 [hbm4b:s11+s13], $0x4000, s19, s13, $0x38;
	[tilespmem:$0x1D000] =	vst v63  }
0x6a: {  	s10 =	simm.s32 @!p0 $0x2  }
0x6b: {  	_ =	swait.ge @!p0 [sflag:s10], $0x4000  }
0x6c: {  	[sflag:s10] =	ssyncset.done @!p0 $0x0  }
0x6d: {  	[sflag:s10] =	ssyncadd.s32 @!p0 $0xFFFFC000;
	s10 =	sshra.s32 @!p0 s6, $0x2  }
0x6e: {  	s9 =	simm.s32 @!p0 $0x5000;
	s11 =	simm.s32 @!p0 $0x80;
	s10 =	sadd.s32 @!p0 $0x80, s10  }
0x6f: {  	[spmem:s3] =	stream.indirect.scatter.add.f32 @!p0 [tilespmem:s9], [sflag:$0x6], $0x80, s10, s11, $0xb8;
	[tilespmem:$0x1D000] =	vst v63  }
0x70: {  	s10 =	simm.s32 @!p0 $0x6  }
0x71: {  	_ =	swait.ge @!p0 [sflag:s10], $0x4000  }
0x72: {  	[sflag:s10] =	ssyncset.done @!p0 $0x0  }
0x73: {  	[sflag:s10] =	ssyncadd.s32 @!p0 $0xFFFFC000  }
0x74: {  	[tilespmem:s9], [sflag:$0x2] =	stream.strided.gather @!p0 [hbm4b:s16+s13], $0x4000, s19, s13, $0x38;
	[tilespmem:$0x1D000] =	vst v63  }
.Ltmp3:
0x75: {  	_ = 	snop;
	(pc) =	sbr.rel @p0 .LBB2_6-.Ltmp3, $4  }
0x76: {  	_ =	swait.ge [sflag:s29], $0x4000  }
0x77: {  	[sflag:s29] =	ssyncset.done $0x0  }
0x78: {  	s19 =	sadd.s32 $0x100, s12;
	s12 =	sadd.s32 $0x180, s12;
	[sflag:s29] =	ssyncadd.s32 $0xFFFFC000  }
0x79: {  	[spmem:s3] =	stream.indirect.scatter.add.f32 [tilespmem:s24], [sflag:$0x7], $0x80, s19, s28, $0xb8;
	[tilespmem:$0x1D000] =	vst v63  }
0x7a: {  	_ =	swait.ge [sflag:s4], $0x4000  }
0x7b: {  	[sflag:s4] =	ssyncset.done $0x0  }
0x7c: {  	[sflag:s4] =	ssyncadd.s32 $0xFFFFC000  }
0x7d: {  	[tilespmem:s24], [sflag:$0x3] =	stream.strided.gather [hbm4b:s15+s20], $0x4000, s21, s20, $0x38;
	[tilespmem:$0x1D000] =	vst v63  }
0x7e: {  	_ =	swait.ge [sflag:s30], $0x4000  }
0x7f: {  	[sflag:s30] =	ssyncset.done $0x0  }
0x80: {  	[sflag:s30] =	ssyncadd.s32 $0xFFFFC000  }
0x81: {  	[spmem:s3] =	stream.indirect.scatter.add.f32 [tilespmem:s25], [sflag:$0x8], $0x80, s12, s28, $0xb8;
	[tilespmem:$0x1D000] =	vst v63  }
.Ltmp4:
0x82: {  	_ =	swait.ge [sflag:s2], $0x4000;
	(pc) =	sbr.rel .LBB2_4-.Ltmp4, $4  }
0x83: {  	[sflag:s2] =	ssyncset.done $0x0  }
0x84: {  	s6 =	sadd.s32 $0x800, s6;
	s16 =	sadd.s32 $0x4000, s16;
	[sflag:s2] =	ssyncadd.s32 $0xFFFFC000  }
0x85: {  	[tilespmem:s25], [sflag:$0x4] =	stream.strided.gather [hbm4b:s14+s20], $0x4000, s21, s20, $0x38;
	[tilespmem:$0x1D000] =	vst v63  }
0x86: {  	s17 =	sadd.s32 $0x20000, s17;
	s15 =	sadd.s32 $0x4000, s15;
	s14 =	sadd.s32 $0x4000, s14  }
.LBB2_7:
0x87: {  	_ =	sfence.sel $0x180000  }
0x88: {  	[bflag:$0x0] =	sbarrier.arrive $0xFFFF  }
0x89: {  	_ =	strace $0x90000050  }
0x8a: {  	s0 =	stileid.u32;
	[bflag:$0x2] =	sbarrier.arrive $0xFFFF  }
0x8b: {  	p0 =	sne.s32 s0, $0x0;
	s0 =	rddreg [dreg:$0x3]  }
0x8c: {  	s0 =	sadd.s32 @!p0 $0x100000, s0  }
0x8d: {  	[sflag:s0] =	ssyncadd.tile.s32 @!p0 $0x1;
	_ =	shalt  }
.Lfunc_end2:
_tile_overlayer_lowered:
.L_overlay_start_2:
0x8e: {  	(tag) =	ssettag $0x2  }
0x8f: {  	s0 =	rddreg [dreg:$0x0];
	s2 =	stileid.u32  }
0x90: {  	s1 =	rddreg [dreg:$0x1];
	p0 =	sne.s32 s2, $0x0  }
0x91: {  	s3 =	rddreg [dreg:$0x2];
	[bflag:$0x3] =	sbarrier.arrive $0xFFFF;
	s2 =	simm.s32 @!p0 $0x1C09  }
0x92: {  	[timem:s3], [sflag:s2] =	dma.local @!p0 [hbm:s0], s1  }
0x93: {  	s0 =	simm.s32 @!p0 $0x9  }
0x94: {  	_ =	swait.ge @!p0 [sflag:s0], s1  }
0x95: {  	s1 =	ssub.s32 @!p0 $0x0, s1;
	[sflag:s0] =	ssyncset.done @!p0 $0x0  }
0x96: {  	[sflag:s0] =	ssyncadd.s32 @!p0 s1  }
0x97: {  	[bflag:$0x3] =	sbarrier.arrive $0xFFFF  }
0x98: {  	_ =	shalt  }

</sc_bundles>
